<compile_context>
chip_gen: v7x
topology: tpu7x:2x2x1
jax: 0.10.2.dev20260603
libtpu: 0.0.44.dev20260713+nightly
codegen_flags: <defaults>
</compile_context>

<pallas_src>
import functools

import jax
import jax.numpy as jnp
from jax import lax
from jax.experimental import pallas as pl
from jax.experimental.pallas import tpu as pltpu
from jax.experimental.pallas import tpu_sc as plsc


def _make_gather(B, V, D):
    info = plsc.get_sparse_core_info()
    nc, ns, L = info.num_cores, info.num_subcores, info.num_lanes
    nw = nc * ns
    assert B % nw == 0 and D % 8 == 0
    b_per_w = B // nw
    A = D // 8
    NB = 8
    mesh = plsc.VectorSubcoreMesh(core_axis_name="c", subcore_axis_name="s")

    @functools.partial(
        pl.kernel,
        mesh=mesh,
        out_type=jax.ShapeDtypeStruct((A, 8, B), jnp.float32),
        scratch_types=[
            pltpu.VMEM((b_per_w + L,), jnp.int32),
            [pltpu.VMEM((A, 8, 128), jnp.float32) for _ in range(NB)],
            pltpu.VMEM_SHARED((ns, A, 8, b_per_w), jnp.float32),
            [pltpu.SemaphoreType.DMA for _ in range(NB)],
            pltpu.SemaphoreType.DMA,
        ],
    )
    def gather_k(
        idx_hbm, table3_hbm, out3_hbm, idx_v, wins, shared, sems, esem
    ):
        cid = lax.axis_index("c")
        sid = lax.axis_index("s")
        wid = sid * nc + cid
        base = wid * b_per_w
        idx_v[pl.ds(b_per_w, L)] = lax.iota(jnp.int32, L) * 0
        pltpu.sync_copy(idx_hbm.at[pl.ds(base, b_per_w)], idx_v.at[pl.ds(0, b_per_w)])

        def fire_fetch(r, k):
            rt = pl.multiple_of((r >> 7) * 128, 128)
            pltpu.async_copy(table3_hbm.at[:, :, pl.ds(rt, 128)], wins[k], sems[k])

        vec0 = idx_v[pl.ds(0, L)]
        for j in range(NB):
            fire_fetch(vec0[j], j)

        def group(g, carry):
            vec = idx_v[pl.ds(g * L, L)]
            vecn = idx_v[pl.ds(g * L + L, L)]
            lvec = vec & 127
            for j in range(L):
                p = g * L + j
                k = j % NB
                pltpu.make_async_copy(
                    table3_hbm.at[:, :, pl.ds(0, 128)], wins[k], sems[k]
                ).wait()
                pltpu.async_copy(
                    wins[k].at[:, :, pl.ds(lvec[j], 1)],
                    shared.at[sid, :, :, pl.ds(p, 1)],
                    esem,
                )

                pltpu.make_async_copy(
                    wins[k].at[:, :, pl.ds(0, 1)],
                    shared.at[sid, :, :, pl.ds(0, 1)],
                    esem,
                ).wait()
                r_next = vec[j + NB] if j + NB < L else vecn[j + NB - L]
                fire_fetch(r_next, k)
            return carry

        lax.fori_loop(0, b_per_w // L, group, 0)
        for k in range(NB):
            pltpu.make_async_copy(
                table3_hbm.at[:, :, pl.ds(0, 128)], wins[k], sems[k]
            ).wait()
        pltpu.sync_copy(shared.at[sid], out3_hbm.at[:, :, pl.ds(base, b_per_w)])

    return gather_k


def kernel(u_idx, user_table):
    (B,) = u_idx.shape
    V, D = user_table.shape
    table3 = user_table.T.reshape(D // 8, 8, V)
    out3 = _make_gather(B, V, D)(u_idx.astype(jnp.int32), table3)
    return out3.reshape(D, B).T

# --- scband reference (transcript-rebuilt; emitter-appended) ---
"""Pipeline reference for scband-light-gcl-inference-wrapper-11029476016190 (READ-ONLY COPY).

The authoritative reference and input builder live on the scoring server;
editing this copy changes nothing except your own understanding.
"""

import jax, jax.numpy as jnp
import numpy as np

NUM_USERS = 1000000
EMB_DIM = 64
BATCH = 16384

def setup_inputs(seed: int = 0) -> dict:
    key = jax.random.key(seed)
    k1, k2 = jax.random.split(key)
    user_table = jax.random.normal(k1, (NUM_USERS, EMB_DIM), dtype=jnp.float32)
    # padding_idx=0: row 0 is zeros
    user_table = user_table.at[0].set(0.0)
    u_idx = jax.random.randint(k2, (BATCH,), 0, NUM_USERS)
    return {"u_idx": u_idx, "user_table": user_table}

def reference(u_idx, user_table):
    # nn.Embedding forward == row gather from the table
    return jnp.take(user_table, u_idx, axis=0)

if __name__ == "__main__":
    import jax
    _d = setup_inputs()
    print(jax.jit(kernel)(*tuple(_d.values())))

</pallas_src>

<mosaic_0001>
#map = affine_map<(d0, d1) -> (0)>
#map1 = affine_map<(d0, d1) -> (0, 0, 0)>
module attributes {stable_mosaic.version = 14 : i64} {
  func.func @gather_k(%arg0: i32, %arg1: i32, %arg2: memref<16384xi32, #tpu.memory_space<hbm>>, %arg3: memref<8x8x1000000xf32, #tpu.memory_space<hbm>>, %arg4: memref<8x8x16384xf32, #tpu.memory_space<hbm>>, %arg5: memref<528xi32, #tpu.memory_space<vmem>>, %arg6: memref<8x8x128xf32, #tpu.memory_space<vmem>>, %arg7: memref<8x8x128xf32, #tpu.memory_space<vmem>>, %arg8: memref<8x8x128xf32, #tpu.memory_space<vmem>>, %arg9: memref<8x8x128xf32, #tpu.memory_space<vmem>>, %arg10: memref<8x8x128xf32, #tpu.memory_space<vmem>>, %arg11: memref<8x8x128xf32, #tpu.memory_space<vmem>>, %arg12: memref<8x8x128xf32, #tpu.memory_space<vmem>>, %arg13: memref<8x8x128xf32, #tpu.memory_space<vmem>>, %arg14: memref<16x8x8x512xf32, #tpu.memory_space<vmem_shared>>, %arg15: memref<!tpu.dma_semaphore, #tpu.memory_space<semaphore_mem>>, %arg16: memref<!tpu.dma_semaphore, #tpu.memory_space<semaphore_mem>>, %arg17: memref<!tpu.dma_semaphore, #tpu.memory_space<semaphore_mem>>, %arg18: memref<!tpu.dma_semaphore, #tpu.memory_space<semaphore_mem>>, %arg19: memref<!tpu.dma_semaphore, #tpu.memory_space<semaphore_mem>>, %arg20: memref<!tpu.dma_semaphore, #tpu.memory_space<semaphore_mem>>, %arg21: memref<!tpu.dma_semaphore, #tpu.memory_space<semaphore_mem>>, %arg22: memref<!tpu.dma_semaphore, #tpu.memory_space<semaphore_mem>>, %arg23: memref<!tpu.dma_semaphore, #tpu.memory_space<semaphore_mem>>) attributes {dimension_semantics = [#tpu.dimension_semantics<core_parallel>, #tpu.dimension_semantics<subcore_parallel>], iteration_bounds = array<i64: 2, 16>, scalar_prefetch = 0 : i64, scratch_operands = 19 : i64, tpu.core_type = #tpu.core_type<sc_vector_subcore>, window_params = [{transform_indices = #map}, {transform_indices = #map1}, {transform_indices = #map1}]} {
    %mul3A = arith.constant 2 : i32
    %mul3A_0 = arith.muli %arg1, %mul3A : i32
    %add3A = arith.addi %mul3A_0, %arg0 : i32
    %mul3A_1 = arith.constant 512 : i32
    %mul3A_2 = arith.muli %add3A, %mul3A_1 : i32
    %iota3A = tpu.iota {dimensions = array<i32: 0>} : vector<16xi32>
    %mul3A_3 = arith.constant 0 : i32
    %mul3A_4 = vector.broadcast %mul3A_3 : i32 to vector<16xi32>
    %mul3A_5 = arith.muli %iota3A, %mul3A_4 : vector<16xi32>
    %swap3A = arith.constant 512 : index
    %swap3A_6 = tpu.vector_load %arg5[%swap3A] {strides = array<i32>} : memref<528xi32, #tpu.memory_space<vmem>>, vector<16xi32>,
    %swap3A_7 = vector.shape_cast %swap3A_6 : vector<16xi32> to vector<16xi32>
    %swap3A_8 = vector.shape_cast %mul3A_5 : vector<16xi32> to vector<16xi32>
    tpu.vector_store %arg5[%swap3A], %swap3A_8 {strides = array<i32>} : memref<528xi32, #tpu.memory_space<vmem>>, vector<16xi32>,
    "tpu.region"() ({
      %run_scoped3A = tpu.sem_alloc : memref<!tpu.dma_semaphore, #tpu.memory_space<semaphore_mem>>
      %dma_start3A_178 = arith.constant 0 : i32
      %dma_start3A_179 = tpu.memref_slice %arg5[%dma_start3A_178] : memref<528xi32, #tpu.memory_space<vmem>> -> memref<512xi32, #tpu.memory_space<vmem>>
      %dma_start3A_180 = tpu.memref_slice %arg2[%mul3A_2] : memref<16384xi32, #tpu.memory_space<hbm>> -> memref<512xi32, #tpu.memory_space<hbm>>
      %dma_start3A_181 = arith.constant 0 : i32
      %dma_start3A_182 = tpu.memref_slice %arg5[%dma_start3A_181] : memref<528xi32, #tpu.memory_space<vmem>> -> memref<512xi32, #tpu.memory_space<vmem>>
      %dma_start3A_183 = tpu.memref_slice %arg2[%mul3A_2] : memref<16384xi32, #tpu.memory_space<hbm>> -> memref<512xi32, #tpu.memory_space<hbm>>
      tpu.enqueue_dma source(%dma_start3A_183 : memref<512xi32, #tpu.memory_space<hbm>>) target(%dma_start3A_182 : memref<512xi32, #tpu.memory_space<vmem>>) target_semaphore(%run_scoped3A : memref<!tpu.dma_semaphore, #tpu.memory_space<semaphore_mem>>)
      %dma_wait3A_184 = arith.constant 0 : i32
      %dma_wait3A_185 = tpu.memref_slice %arg5[%dma_wait3A_184] : memref<528xi32, #tpu.memory_space<vmem>> -> memref<512xi32, #tpu.memory_space<vmem>>
      %dma_wait3A_186 = tpu.memref_slice %arg2[%mul3A_2] : memref<16384xi32, #tpu.memory_space<hbm>> -> memref<512xi32, #tpu.memory_space<hbm>>
      %dma_wait3A_187 = arith.constant 0 : i32
      %dma_wait3A_188 = tpu.memref_slice %arg5[%dma_wait3A_187] : memref<528xi32, #tpu.memory_space<vmem>> -> memref<512xi32, #tpu.memory_space<vmem>>
      %dma_wait3A_189 = tpu.memref_slice %arg2[%mul3A_2] : memref<16384xi32, #tpu.memory_space<hbm>> -> memref<512xi32, #tpu.memory_space<hbm>>
      tpu.wait_dma2 semaphore(%run_scoped3A : memref<!tpu.dma_semaphore, #tpu.memory_space<semaphore_mem>>) src(%dma_wait3A_189 : memref<512xi32, #tpu.memory_space<hbm>>) dst(%dma_wait3A_188 : memref<512xi32, #tpu.memory_space<vmem>>)
      tpu.yield
    }) : () -> ()
    %get3A = arith.constant 0 : index
    %get3A_9 = tpu.vector_load %arg5[%get3A] {strides = array<i32>} : memref<528xi32, #tpu.memory_space<vmem>>, vector<16xi32>,
    %get3A_10 = vector.shape_cast %get3A_9 : vector<16xi32> to vector<16xi32>
    %slice3A = vector.extract_strided_slice %get3A_10 {offsets = [0], sizes = [1], strides = [1]} : vector<16xi32> to vector<1xi32>
    %squeeze3A = vector.extract %slice3A[0] : i32 from vector<1xi32>
    %shift_right_arithmetic3A = arith.constant 7 : i32
    %shift_right_arithmetic3A_11 = arith.shrsi %squeeze3A, %shift_right_arithmetic3A : i32
    %mul3A_12 = arith.constant 128 : i32
    %mul3A_13 = arith.muli %shift_right_arithmetic3A_11, %mul3A_12 : i32
    %multiple_of3A = tpu.assume_multiple %mul3A_13, 128 : i32
    %dma_start3A = arith.constant 0 : i32
    %dma_start3A_14 = arith.constant 0 : i32
    %dma_start3A_15 = tpu.memref_slice %arg3[%dma_start3A, %dma_start3A_14, %multiple_of3A] : memref<8x8x1000000xf32, #tpu.memory_space<hbm>> -> memref<8x8x128xf32, #tpu.memory_space<hbm>>
    %dma_start3A_16 = arith.constant 0 : i32
    %dma_start3A_17 = arith.constant 0 : i32
    %dma_start3A_18 = tpu.memref_slice %arg3[%dma_start3A_16, %dma_start3A_17, %multiple_of3A] : memref<8x8x1000000xf32, #tpu.memory_space<hbm>> -> memref<8x8x128xf32, #tpu.memory_space<hbm>>
    tpu.enqueue_dma source(%dma_start3A_18 : memref<8x8x128xf32, #tpu.memory_space<hbm>>) target(%arg6 : memref<8x8x128xf32, #tpu.memory_space<vmem>>) target_semaphore(%arg15 : memref<!tpu.dma_semaphore, #tpu.memory_space<semaphore_mem>>)
    %slice3A_19 = vector.extract_strided_slice %get3A_10 {offsets = [1], sizes = [1], strides = [1]} : vector<16xi32> to vector<1xi32>
    %squeeze3A_20 = vector.extract %slice3A_19[0] : i32 from vector<1xi32>
    %shift_right_arithmetic3A_21 = arith.constant 7 : i32
    %shift_right_arithmetic3A_22 = arith.shrsi %squeeze3A_20, %shift_right_arithmetic3A_21 : i32
    %mul3A_23 = arith.constant 128 : i32
    %mul3A_24 = arith.muli %shift_right_arithmetic3A_22, %mul3A_23 : i32
    %multiple_of3A_25 = tpu.assume_multiple %mul3A_24, 128 : i32
    %dma_start3A_26 = arith.constant 0 : i32
    %dma_start3A_27 = arith.constant 0 : i32
    %dma_start3A_28 = tpu.memref_slice %arg3[%dma_start3A_26, %dma_start3A_27, %multiple_of3A_25] : memref<8x8x1000000xf32, #tpu.memory_space<hbm>> -> memref<8x8x128xf32, #tpu.memory_space<hbm>>
    %dma_start3A_29 = arith.constant 0 : i32
    %dma_start3A_30 = arith.constant 0 : i32
    %dma_start3A_31 = tpu.memref_slice %arg3[%dma_start3A_29, %dma_start3A_30, %multiple_of3A_25] : memref<8x8x1000000xf32, #tpu.memory_space<hbm>> -> memref<8x8x128xf32, #tpu.memory_space<hbm>>
    tpu.enqueue_dma source(%dma_start3A_31 : memref<8x8x128xf32, #tpu.memory_space<hbm>>) target(%arg7 : memref<8x8x128xf32, #tpu.memory_space<vmem>>) target_semaphore(%arg16 : memref<!tpu.dma_semaphore, #tpu.memory_space<semaphore_mem>>)
    %slice3A_32 = vector.extract_strided_slice %get3A_10 {offsets = [2], sizes = [1], strides = [1]} : vector<16xi32> to vector<1xi32>
    %squeeze3A_33 = vector.extract %slice3A_32[0] : i32 from vector<1xi32>
    %shift_right_arithmetic3A_34 = arith.constant 7 : i32
    %shift_right_arithmetic3A_35 = arith.shrsi %squeeze3A_33, %shift_right_arithmetic3A_34 : i32
    %mul3A_36 = arith.constant 128 : i32
    %mul3A_37 = arith.muli %shift_right_arithmetic3A_35, %mul3A_36 : i32
    %multiple_of3A_38 = tpu.assume_multiple %mul3A_37, 128 : i32
    %dma_start3A_39 = arith.constant 0 : i32
    %dma_start3A_40 = arith.constant 0 : i32
    %dma_start3A_41 = tpu.memref_slice %arg3[%dma_start3A_39, %dma_start3A_40, %multiple_of3A_38] : memref<8x8x1000000xf32, #tpu.memory_space<hbm>> -> memref<8x8x128xf32, #tpu.memory_space<hbm>>
    %dma_start3A_42 = arith.constant 0 : i32
    %dma_start3A_43 = arith.constant 0 : i32
    %dma_start3A_44 = tpu.memref_slice %arg3[%dma_start3A_42, %dma_start3A_43, %multiple_of3A_38] : memref<8x8x1000000xf32, #tpu.memory_space<hbm>> -> memref<8x8x128xf32, #tpu.memory_space<hbm>>
    tpu.enqueue_dma source(%dma_start3A_44 : memref<8x8x128xf32, #tpu.memory_space<hbm>>) target(%arg8 : memref<8x8x128xf32, #tpu.memory_space<vmem>>) target_semaphore(%arg17 : memref<!tpu.dma_semaphore, #tpu.memory_space<semaphore_mem>>)
    %slice3A_45 = vector.extract_strided_slice %get3A_10 {offsets = [3], sizes = [1], strides = [1]} : vector<16xi32> to vector<1xi32>
    %squeeze3A_46 = vector.extract %slice3A_45[0] : i32 from vector<1xi32>
    %shift_right_arithmetic3A_47 = arith.constant 7 : i32
    %shift_right_arithmetic3A_48 = arith.shrsi %squeeze3A_46, %shift_right_arithmetic3A_47 : i32
    %mul3A_49 = arith.constant 128 : i32
    %mul3A_50 = arith.muli %shift_right_arithmetic3A_48, %mul3A_49 : i32
    %multiple_of3A_51 = tpu.assume_multiple %mul3A_50, 128 : i32
    %dma_start3A_52 = arith.constant 0 : i32
    %dma_start3A_53 = arith.constant 0 : i32
    %dma_start3A_54 = tpu.memref_slice %arg3[%dma_start3A_52, %dma_start3A_53, %multiple_of3A_51] : memref<8x8x1000000xf32, #tpu.memory_space<hbm>> -> memref<8x8x128xf32, #tpu.memory_space<hbm>>
    %dma_start3A_55 = arith.constant 0 : i32
    %dma_start3A_56 = arith.constant 0 : i32
    %dma_start3A_57 = tpu.memref_slice %arg3[%dma_start3A_55, %dma_start3A_56, %multiple_of3A_51] : memref<8x8x1000000xf32, #tpu.memory_space<hbm>> -> memref<8x8x128xf32, #tpu.memory_space<hbm>>
    tpu.enqueue_dma source(%dma_start3A_57 : memref<8x8x128xf32, #tpu.memory_space<hbm>>) target(%arg9 : memref<8x8x128xf32, #tpu.memory_space<vmem>>) target_semaphore(%arg18 : memref<!tpu.dma_semaphore, #tpu.memory_space<semaphore_mem>>)
    %slice3A_58 = vector.extract_strided_slice %get3A_10 {offsets = [4], sizes = [1], strides = [1]} : vector<16xi32> to vector<1xi32>
    %squeeze3A_59 = vector.extract %slice3A_58[0] : i32 from vector<1xi32>
    %shift_right_arithmetic3A_60 = arith.constant 7 : i32
    %shift_right_arithmetic3A_61 = arith.shrsi %squeeze3A_59, %shift_right_arithmetic3A_60 : i32
    %mul3A_62 = arith.constant 128 : i32
    %mul3A_63 = arith.muli %shift_right_arithmetic3A_61, %mul3A_62 : i32
    %multiple_of3A_64 = tpu.assume_multiple %mul3A_63, 128 : i32
    %dma_start3A_65 = arith.constant 0 : i32
    %dma_start3A_66 = arith.constant 0 : i32
    %dma_start3A_67 = tpu.memref_slice %arg3[%dma_start3A_65, %dma_start3A_66, %multiple_of3A_64] : memref<8x8x1000000xf32, #tpu.memory_space<hbm>> -> memref<8x8x128xf32, #tpu.memory_space<hbm>>
    %dma_start3A_68 = arith.constant 0 : i32
    %dma_start3A_69 = arith.constant 0 : i32
    %dma_start3A_70 = tpu.memref_slice %arg3[%dma_start3A_68, %dma_start3A_69, %multiple_of3A_64] : memref<8x8x1000000xf32, #tpu.memory_space<hbm>> -> memref<8x8x128xf32, #tpu.memory_space<hbm>>
    tpu.enqueue_dma source(%dma_start3A_70 : memref<8x8x128xf32, #tpu.memory_space<hbm>>) target(%arg10 : memref<8x8x128xf32, #tpu.memory_space<vmem>>) target_semaphore(%arg19 : memref<!tpu.dma_semaphore, #tpu.memory_space<semaphore_mem>>)
    %slice3A_71 = vector.extract_strided_slice %get3A_10 {offsets = [5], sizes = [1], strides = [1]} : vector<16xi32> to vector<1xi32>
    %squeeze3A_72 = vector.extract %slice3A_71[0] : i32 from vector<1xi32>
    %shift_right_arithmetic3A_73 = arith.constant 7 : i32
    %shift_right_arithmetic3A_74 = arith.shrsi %squeeze3A_72, %shift_right_arithmetic3A_73 : i32
    %mul3A_75 = arith.constant 128 : i32
    %mul3A_76 = arith.muli %shift_right_arithmetic3A_74, %mul3A_75 : i32
    %multiple_of3A_77 = tpu.assume_multiple %mul3A_76, 128 : i32
    %dma_start3A_78 = arith.constant 0 : i32
    %dma_start3A_79 = arith.constant 0 : i32
    %dma_start3A_80 = tpu.memref_slice %arg3[%dma_start3A_78, %dma_start3A_79, %multiple_of3A_77] : memref<8x8x1000000xf32, #tpu.memory_space<hbm>> -> memref<8x8x128xf32, #tpu.memory_space<hbm>>
    %dma_start3A_81 = arith.constant 0 : i32
    %dma_start3A_82 = arith.constant 0 : i32
    %dma_start3A_83 = tpu.memref_slice %arg3[%dma_start3A_81, %dma_start3A_82, %multiple_of3A_77] : memref<8x8x1000000xf32, #tpu.memory_space<hbm>> -> memref<8x8x128xf32, #tpu.memory_space<hbm>>
    tpu.enqueue_dma source(%dma_start3A_83 : memref<8x8x128xf32, #tpu.memory_space<hbm>>) target(%arg11 : memref<8x8x128xf32, #tpu.memory_space<vmem>>) target_semaphore(%arg20 : memref<!tpu.dma_semaphore, #tpu.memory_space<semaphore_mem>>)
    %slice3A_84 = vector.extract_strided_slice %get3A_10 {offsets = [6], sizes = [1], strides = [1]} : vector<16xi32> to vector<1xi32>
    %squeeze3A_85 = vector.extract %slice3A_84[0] : i32 from vector<1xi32>
    %shift_right_arithmetic3A_86 = arith.constant 7 : i32
    %shift_right_arithmetic3A_87 = arith.shrsi %squeeze3A_85, %shift_right_arithmetic3A_86 : i32
    %mul3A_88 = arith.constant 128 : i32
    %mul3A_89 = arith.muli %shift_right_arithmetic3A_87, %mul3A_88 : i32
    %multiple_of3A_90 = tpu.assume_multiple %mul3A_89, 128 : i32
    %dma_start3A_91 = arith.constant 0 : i32
    %dma_start3A_92 = arith.constant 0 : i32
    %dma_start3A_93 = tpu.memref_slice %arg3[%dma_start3A_91, %dma_start3A_92, %multiple_of3A_90] : memref<8x8x1000000xf32, #tpu.memory_space<hbm>> -> memref<8x8x128xf32, #tpu.memory_space<hbm>>
    %dma_start3A_94 = arith.constant 0 : i32
    %dma_start3A_95 = arith.constant 0 : i32
    %dma_start3A_96 = tpu.memref_slice %arg3[%dma_start3A_94, %dma_start3A_95, %multiple_of3A_90] : memref<8x8x1000000xf32, #tpu.memory_space<hbm>> -> memref<8x8x128xf32, #tpu.memory_space<hbm>>
    tpu.enqueue_dma source(%dma_start3A_96 : memref<8x8x128xf32, #tpu.memory_space<hbm>>) target(%arg12 : memref<8x8x128xf32, #tpu.memory_space<vmem>>) target_semaphore(%arg21 : memref<!tpu.dma_semaphore, #tpu.memory_space<semaphore_mem>>)
    %slice3A_97 = vector.extract_strided_slice %get3A_10 {offsets = [7], sizes = [1], strides = [1]} : vector<16xi32> to vector<1xi32>
    %squeeze3A_98 = vector.extract %slice3A_97[0] : i32 from vector<1xi32>
    %shift_right_arithmetic3A_99 = arith.constant 7 : i32
    %shift_right_arithmetic3A_100 = arith.shrsi %squeeze3A_98, %shift_right_arithmetic3A_99 : i32
    %mul3A_101 = arith.constant 128 : i32
    %mul3A_102 = arith.muli %shift_right_arithmetic3A_100, %mul3A_101 : i32
    %multiple_of3A_103 = tpu.assume_multiple %mul3A_102, 128 : i32
    %dma_start3A_104 = arith.constant 0 : i32
    %dma_start3A_105 = arith.constant 0 : i32
    %dma_start3A_106 = tpu.memref_slice %arg3[%dma_start3A_104, %dma_start3A_105, %multiple_of3A_103] : memref<8x8x1000000xf32, #tpu.memory_space<hbm>> -> memref<8x8x128xf32, #tpu.memory_space<hbm>>
    %dma_start3A_107 = arith.constant 0 : i32
    %dma_start3A_108 = arith.constant 0 : i32
    %dma_start3A_109 = tpu.memref_slice %arg3[%dma_start3A_107, %dma_start3A_108, %multiple_of3A_103] : memref<8x8x1000000xf32, #tpu.memory_space<hbm>> -> memref<8x8x128xf32, #tpu.memory_space<hbm>>
    tpu.enqueue_dma source(%dma_start3A_109 : memref<8x8x128xf32, #tpu.memory_space<hbm>>) target(%arg13 : memref<8x8x128xf32, #tpu.memory_space<vmem>>) target_semaphore(%arg22 : memref<!tpu.dma_semaphore, #tpu.memory_space<semaphore_mem>>)
    %scan3A = arith.constant 0 : i32
    %scan3A_110 = arith.constant 0 : i32
    %scan3A_111 = arith.constant 32 : i32
    %scan3A_112 = arith.addi %scan3A_110, %scan3A_111 : i32
    %scan3A_113 = arith.constant 1 : i32
    scf.for %scan3A_178 = %scan3A_110 to %scan3A_112 step %scan3A_113  : i32 {
      %mul3A_179 = arith.constant 16 : i32
      %mul3A_180 = arith.muli %scan3A_178, %mul3A_179 : i32
      %get3A_181 = arith.index_cast %mul3A_180 : i32 to index
      %get3A_182 = tpu.vector_load %arg5[%get3A_181] {strides = array<i32>} : memref<528xi32, #tpu.memory_space<vmem>>, vector<16xi32>,
      %get3A_183 = vector.shape_cast %get3A_182 : vector<16xi32> to vector<16xi32>
      %mul3A_184 = arith.constant 16 : i32
      %mul3A_185 = arith.muli %scan3A_178, %mul3A_184 : i32
      %add3A_186 = arith.constant 16 : i32
      %add3A_187 = arith.addi %mul3A_185, %add3A_186 : i32
      %get3A_188 = arith.index_cast %add3A_187 : i32 to index
      %get3A_189 = tpu.vector_load %arg5[%get3A_188] {strides = array<i32>} : memref<528xi32, #tpu.memory_space<vmem>>, vector<16xi32>,
      %get3A_190 = vector.shape_cast %get3A_189 : vector<16xi32> to vector<16xi32>
      %and3A = arith.constant 127 : i32
      %and3A_191 = vector.broadcast %and3A : i32 to vector<16xi32>
      %and3A_192 = arith.andi %get3A_183, %and3A_191 : vector<16xi32>
      %mul3A_193 = arith.constant 16 : i32
      %mul3A_194 = arith.muli %scan3A_178, %mul3A_193 : i32
      %add3A_195 = arith.constant 0 : i32
      %add3A_196 = arith.addi %mul3A_194, %add3A_195 : i32
      %dma_wait3A_197 = arith.constant 0 : i32
      %dma_wait3A_198 = arith.constant 0 : i32
      %dma_wait3A_199 = arith.constant 0 : i32
      %dma_wait3A_200 = tpu.memref_slice %arg3[%dma_wait3A_197, %dma_wait3A_198, %dma_wait3A_199] : memref<8x8x1000000xf32, #tpu.memory_space<hbm>> -> memref<8x8x128xf32, #tpu.memory_space<hbm>>
      %dma_wait3A_201 = arith.constant 0 : i32
      %dma_wait3A_202 = arith.constant 0 : i32
      %dma_wait3A_203 = arith.constant 0 : i32
      %dma_wait3A_204 = tpu.memref_slice %arg3[%dma_wait3A_201, %dma_wait3A_202, %dma_wait3A_203] : memref<8x8x1000000xf32, #tpu.memory_space<hbm>> -> memref<8x8x128xf32, #tpu.memory_space<hbm>>
      tpu.wait_dma2 semaphore(%arg15 : memref<!tpu.dma_semaphore, #tpu.memory_space<semaphore_mem>>) src(%dma_wait3A_204 : memref<8x8x128xf32, #tpu.memory_space<hbm>>) dst(%arg6 : memref<8x8x128xf32, #tpu.memory_space<vmem>>)
      %slice3A_205 = vector.extract_strided_slice %and3A_192 {offsets = [0], sizes = [1], strides = [1]} : vector<16xi32> to vector<1xi32>
      %squeeze3A_206 = vector.extract %slice3A_205[0] : i32 from vector<1xi32>
      %dma_start3A_207 = arith.constant 0 : i32
      %dma_start3A_208 = arith.constant 0 : i32
      %dma_start3A_209 = tpu.memref_slice %arg6[%dma_start3A_207, %dma_start3A_208, %squeeze3A_206] : memref<8x8x128xf32, #tpu.memory_space<vmem>> -> memref<8x8x1xf32, #tpu.memory_space<vmem>>
      %dma_start3A_210 = arith.constant 0 : i32
      %dma_start3A_211 = arith.constant 0 : i32
      %dma_start3A_212 = tpu.memref_slice %arg14[%arg1, %dma_start3A_210, %dma_start3A_211, %add3A_196] : memref<16x8x8x512xf32, #tpu.memory_space<vmem_shared>> -> memref<1x8x8x1xf32, #tpu.memory_space<vmem_shared>>
      %dma_start3A_213 = tpu.memref_squeeze %dma_start3A_212 : memref<1x8x8x1xf32, #tpu.memory_space<vmem_shared>> -> memref<8x8x1xf32, #tpu.memory_space<vmem_shared>>
      %dma_start3A_214 = arith.constant 0 : i32
      %dma_start3A_215 = arith.constant 0 : i32
      %dma_start3A_216 = tpu.memref_slice %arg14[%arg1, %dma_start3A_214, %dma_start3A_215, %add3A_196] : memref<16x8x8x512xf32, #tpu.memory_space<vmem_shared>> -> memref<1x8x8x1xf32, #tpu.memory_space<vmem_shared>>
      %dma_start3A_217 = tpu.memref_squeeze %dma_start3A_216 : memref<1x8x8x1xf32, #tpu.memory_space<vmem_shared>> -> memref<8x8x1xf32, #tpu.memory_space<vmem_shared>>
      %dma_start3A_218 = arith.constant 0 : i32
      %dma_start3A_219 = arith.constant 0 : i32
      %dma_start3A_220 = tpu.memref_slice %arg6[%dma_start3A_218, %dma_start3A_219, %squeeze3A_206] : memref<8x8x128xf32, #tpu.memory_space<vmem>> -> memref<8x8x1xf32, #tpu.memory_space<vmem>>
      tpu.enqueue_dma source(%dma_start3A_220 : memref<8x8x1xf32, #tpu.memory_space<vmem>>) target(%dma_start3A_217 : memref<8x8x1xf32, #tpu.memory_space<vmem_shared>>) target_semaphore(%arg23 : memref<!tpu.dma_semaphore, #tpu.memory_space<semaphore_mem>>)
      %dma_wait3A_221 = arith.constant 0 : i32
      %dma_wait3A_222 = arith.constant 0 : i32
      %dma_wait3A_223 = arith.constant 0 : i32
      %dma_wait3A_224 = tpu.memref_slice %arg6[%dma_wait3A_221, %dma_wait3A_222, %dma_wait3A_223] : memref<8x8x128xf32, #tpu.memory_space<vmem>> -> memref<8x8x1xf32, #tpu.memory_space<vmem>>
      %dma_wait3A_225 = arith.constant 0 : i32
      %dma_wait3A_226 = arith.constant 0 : i32
      %dma_wait3A_227 = arith.constant 0 : i32
      %dma_wait3A_228 = tpu.memref_slice %arg14[%arg1, %dma_wait3A_225, %dma_wait3A_226, %dma_wait3A_227] : memref<16x8x8x512xf32, #tpu.memory_space<vmem_shared>> -> memref<1x8x8x1xf32, #tpu.memory_space<vmem_shared>>
      %dma_wait3A_229 = tpu.memref_squeeze %dma_wait3A_228 : memref<1x8x8x1xf32, #tpu.memory_space<vmem_shared>> -> memref<8x8x1xf32, #tpu.memory_space<vmem_shared>>
      %dma_wait3A_230 = arith.constant 0 : i32
      %dma_wait3A_231 = arith.constant 0 : i32
      %dma_wait3A_232 = arith.constant 0 : i32
      %dma_wait3A_233 = tpu.memref_slice %arg14[%arg1, %dma_wait3A_230, %dma_wait3A_231, %dma_wait3A_232] : memref<16x8x8x512xf32, #tpu.memory_space<vmem_shared>> -> memref<1x8x8x1xf32, #tpu.memory_space<vmem_shared>>
      %dma_wait3A_234 = tpu.memref_squeeze %dma_wait3A_233 : memref<1x8x8x1xf32, #tpu.memory_space<vmem_shared>> -> memref<8x8x1xf32, #tpu.memory_space<vmem_shared>>
      %dma_wait3A_235 = arith.constant 0 : i32
      %dma_wait3A_236 = arith.constant 0 : i32
      %dma_wait3A_237 = arith.constant 0 : i32
      %dma_wait3A_238 = tpu.memref_slice %arg6[%dma_wait3A_235, %dma_wait3A_236, %dma_wait3A_237] : memref<8x8x128xf32, #tpu.memory_space<vmem>> -> memref<8x8x1xf32, #tpu.memory_space<vmem>>
      tpu.wait_dma2 semaphore(%arg23 : memref<!tpu.dma_semaphore, #tpu.memory_space<semaphore_mem>>) src(%dma_wait3A_238 : memref<8x8x1xf32, #tpu.memory_space<vmem>>) dst(%dma_wait3A_234 : memref<8x8x1xf32, #tpu.memory_space<vmem_shared>>)
      %slice3A_239 = vector.extract_strided_slice %get3A_183 {offsets = [8], sizes = [1], strides = [1]} : vector<16xi32> to vector<1xi32>
      %squeeze3A_240 = vector.extract %slice3A_239[0] : i32 from vector<1xi32>
      %shift_right_arithmetic3A_241 = arith.constant 7 : i32
      %shift_right_arithmetic3A_242 = arith.shrsi %squeeze3A_240, %shift_right_arithmetic3A_241 : i32
      %mul3A_243 = arith.constant 128 : i32
      %mul3A_244 = arith.muli %shift_right_arithmetic3A_242, %mul3A_243 : i32
      %multiple_of3A_245 = tpu.assume_multiple %mul3A_244, 128 : i32
      %dma_start3A_246 = arith.constant 0 : i32
      %dma_start3A_247 = arith.constant 0 : i32
      %dma_start3A_248 = tpu.memref_slice %arg3[%dma_start3A_246, %dma_start3A_247, %multiple_of3A_245] : memref<8x8x1000000xf32, #tpu.memory_space<hbm>> -> memref<8x8x128xf32, #tpu.memory_space<hbm>>
      %dma_start3A_249 = arith.constant 0 : i32
      %dma_start3A_250 = arith.constant 0 : i32
      %dma_start3A_251 = tpu.memref_slice %arg3[%dma_start3A_249, %dma_start3A_250, %multiple_of3A_245] : memref<8x8x1000000xf32, #tpu.memory_space<hbm>> -> memref<8x8x128xf32, #tpu.memory_space<hbm>>
      tpu.enqueue_dma source(%dma_start3A_251 : memref<8x8x128xf32, #tpu.memory_space<hbm>>) target(%arg6 : memref<8x8x128xf32, #tpu.memory_space<vmem>>) target_semaphore(%arg15 : memref<!tpu.dma_semaphore, #tpu.memory_space<semaphore_mem>>)
      %mul3A_252 = arith.constant 16 : i32
      %mul3A_253 = arith.muli %scan3A_178, %mul3A_252 : i32
      %add3A_254 = arith.constant 1 : i32
      %add3A_255 = arith.addi %mul3A_253, %add3A_254 : i32
      %dma_wait3A_256 = arith.constant 0 : i32
      %dma_wait3A_257 = arith.constant 0 : i32
      %dma_wait3A_258 = arith.constant 0 : i32
      %dma_wait3A_259 = tpu.memref_slice %arg3[%dma_wait3A_256, %dma_wait3A_257, %dma_wait3A_258] : memref<8x8x1000000xf32, #tpu.memory_space<hbm>> -> memref<8x8x128xf32, #tpu.memory_space<hbm>>
      %dma_wait3A_260 = arith.constant 0 : i32
      %dma_wait3A_261 = arith.constant 0 : i32
      %dma_wait3A_262 = arith.constant 0 : i32
      %dma_wait3A_263 = tpu.memref_slice %arg3[%dma_wait3A_260, %dma_wait3A_261, %dma_wait3A_262] : memref<8x8x1000000xf32, #tpu.memory_space<hbm>> -> memref<8x8x128xf32, #tpu.memory_space<hbm>>
      tpu.wait_dma2 semaphore(%arg16 : memref<!tpu.dma_semaphore, #tpu.memory_space<semaphore_mem>>) src(%dma_wait3A_263 : memref<8x8x128xf32, #tpu.memory_space<hbm>>) dst(%arg7 : memref<8x8x128xf32, #tpu.memory_space<vmem>>)
      %slice3A_264 = vector.extract_strided_slice %and3A_192 {offsets = [1], sizes = [1], strides = [1]} : vector<16xi32> to vector<1xi32>
      %squeeze3A_265 = vector.extract %slice3A_264[0] : i32 from vector<1xi32>
      %dma_start3A_266 = arith.constant 0 : i32
      %dma_start3A_267 = arith.constant 0 : i32
      %dma_start3A_268 = tpu.memref_slice %arg7[%dma_start3A_266, %dma_start3A_267, %squeeze3A_265] : memref<8x8x128xf32, #tpu.memory_space<vmem>> -> memref<8x8x1xf32, #tpu.memory_space<vmem>>
      %dma_start3A_269 = arith.constant 0 : i32
      %dma_start3A_270 = arith.constant 0 : i32
      %dma_start3A_271 = tpu.memref_slice %arg14[%arg1, %dma_start3A_269, %dma_start3A_270, %add3A_255] : memref<16x8x8x512xf32, #tpu.memory_space<vmem_shared>> -> memref<1x8x8x1xf32, #tpu.memory_space<vmem_shared>>
      %dma_start3A_272 = tpu.memref_squeeze %dma_start3A_271 : memref<1x8x8x1xf32, #tpu.memory_space<vmem_shared>> -> memref<8x8x1xf32, #tpu.memory_space<vmem_shared>>
      %dma_start3A_273 = arith.constant 0 : i32
      %dma_start3A_274 = arith.constant 0 : i32
      %dma_start3A_275 = tpu.memref_slice %arg14[%arg1, %dma_start3A_273, %dma_start3A_274, %add3A_255] : memref<16x8x8x512xf32, #tpu.memory_space<vmem_shared>> -> memref<1x8x8x1xf32, #tpu.memory_space<vmem_shared>>
      %dma_start3A_276 = tpu.memref_squeeze %dma_start3A_275 : memref<1x8x8x1xf32, #tpu.memory_space<vmem_shared>> -> memref<8x8x1xf32, #tpu.memory_space<vmem_shared>>
      %dma_start3A_277 = arith.constant 0 : i32
      %dma_start3A_278 = arith.constant 0 : i32
      %dma_start3A_279 = tpu.memref_slice %arg7[%dma_start3A_277, %dma_start3A_278, %squeeze3A_265] : memref<8x8x128xf32, #tpu.memory_space<vmem>> -> memref<8x8x1xf32, #tpu.memory_space<vmem>>
      tpu.enqueue_dma source(%dma_start3A_279 : memref<8x8x1xf32, #tpu.memory_space<vmem>>) target(%dma_start3A_276 : memref<8x8x1xf32, #tpu.memory_space<vmem_shared>>) target_semaphore(%arg23 : memref<!tpu.dma_semaphore, #tpu.memory_space<semaphore_mem>>)
      %dma_wait3A_280 = arith.constant 0 : i32
      %dma_wait3A_281 = arith.constant 0 : i32
      %dma_wait3A_282 = arith.constant 0 : i32
      %dma_wait3A_283 = tpu.memref_slice %arg7[%dma_wait3A_280, %dma_wait3A_281, %dma_wait3A_282] : memref<8x8x128xf32, #tpu.memory_space<vmem>> -> memref<8x8x1xf32, #tpu.memory_space<vmem>>
      %dma_wait3A_284 = arith.constant 0 : i32
      %dma_wait3A_285 = arith.constant 0 : i32
      %dma_wait3A_286 = arith.constant 0 : i32
      %dma_wait3A_287 = tpu.memref_slice %arg14[%arg1, %dma_wait3A_284, %dma_wait3A_285, %dma_wait3A_286] : memref<16x8x8x512xf32, #tpu.memory_space<vmem_shared>> -> memref<1x8x8x1xf32, #tpu.memory_space<vmem_shared>>
      %dma_wait3A_288 = tpu.memref_squeeze %dma_wait3A_287 : memref<1x8x8x1xf32, #tpu.memory_space<vmem_shared>> -> memref<8x8x1xf32, #tpu.memory_space<vmem_shared>>
      %dma_wait3A_289 = arith.constant 0 : i32
      %dma_wait3A_290 = arith.constant 0 : i32
      %dma_wait3A_291 = arith.constant 0 : i32
      %dma_wait3A_292 = tpu.memref_slice %arg14[%arg1, %dma_wait3A_289, %dma_wait3A_290, %dma_wait3A_291] : memref<16x8x8x512xf32, #tpu.memory_space<vmem_shared>> -> memref<1x8x8x1xf32, #tpu.memory_space<vmem_shared>>
      %dma_wait3A_293 = tpu.memref_squeeze %dma_wait3A_292 : memref<1x8x8x1xf32, #tpu.memory_space<vmem_shared>> -> memref<8x8x1xf32, #tpu.memory_space<vmem_shared>>
      %dma_wait3A_294 = arith.constant 0 : i32
      %dma_wait3A_295 = arith.constant 0 : i32
      %dma_wait3A_296 = arith.constant 0 : i32
      %dma_wait3A_297 = tpu.memref_slice %arg7[%dma_wait3A_294, %dma_wait3A_295, %dma_wait3A_296] : memref<8x8x128xf32, #tpu.memory_space<vmem>> -> memref<8x8x1xf32, #tpu.memory_space<vmem>>
      tpu.wait_dma2 semaphore(%arg23 : memref<!tpu.dma_semaphore, #tpu.memory_space<semaphore_mem>>) src(%dma_wait3A_297 : memref<8x8x1xf32, #tpu.memory_space<vmem>>) dst(%dma_wait3A_293 : memref<8x8x1xf32, #tpu.memory_space<vmem_shared>>)
      %slice3A_298 = vector.extract_strided_slice %get3A_183 {offsets = [9], sizes = [1], strides = [1]} : vector<16xi32> to vector<1xi32>
      %squeeze3A_299 = vector.extract %slice3A_298[0] : i32 from vector<1xi32>
      %shift_right_arithmetic3A_300 = arith.constant 7 : i32
      %shift_right_arithmetic3A_301 = arith.shrsi %squeeze3A_299, %shift_right_arithmetic3A_300 : i32
      %mul3A_302 = arith.constant 128 : i32
      %mul3A_303 = arith.muli %shift_right_arithmetic3A_301, %mul3A_302 : i32
      %multiple_of3A_304 = tpu.assume_multiple %mul3A_303, 128 : i32
      %dma_start3A_305 = arith.constant 0 : i32
      %dma_start3A_306 = arith.constant 0 : i32
      %dma_start3A_307 = tpu.memref_slice %arg3[%dma_start3A_305, %dma_start3A_306, %multiple_of3A_304] : memref<8x8x1000000xf32, #tpu.memory_space<hbm>> -> memref<8x8x128xf32, #tpu.memory_space<hbm>>
      %dma_start3A_308 = arith.constant 0 : i32
      %dma_start3A_309 = arith.constant 0 : i32
      %dma_start3A_310 = tpu.memref_slice %arg3[%dma_start3A_308, %dma_start3A_309, %multiple_of3A_304] : memref<8x8x1000000xf32, #tpu.memory_space<hbm>> -> memref<8x8x128xf32, #tpu.memory_space<hbm>>
      tpu.enqueue_dma source(%dma_start3A_310 : memref<8x8x128xf32, #tpu.memory_space<hbm>>) target(%arg7 : memref<8x8x128xf32, #tpu.memory_space<vmem>>) target_semaphore(%arg16 : memref<!tpu.dma_semaphore, #tpu.memory_space<semaphore_mem>>)
      %mul3A_311 = arith.constant 16 : i32
      %mul3A_312 = arith.muli %scan3A_178, %mul3A_311 : i32
      %add3A_313 = arith.constant 2 : i32
      %add3A_314 = arith.addi %mul3A_312, %add3A_313 : i32
      %dma_wait3A_315 = arith.constant 0 : i32
      %dma_wait3A_316 = arith.constant 0 : i32
      %dma_wait3A_317 = arith.constant 0 : i32
      %dma_wait3A_318 = tpu.memref_slice %arg3[%dma_wait3A_315, %dma_wait3A_316, %dma_wait3A_317] : memref<8x8x1000000xf32, #tpu.memory_space<hbm>> -> memref<8x8x128xf32, #tpu.memory_space<hbm>>
      %dma_wait3A_319 = arith.constant 0 : i32
      %dma_wait3A_320 = arith.constant 0 : i32
      %dma_wait3A_321 = arith.constant 0 : i32
      %dma_wait3A_322 = tpu.memref_slice %arg3[%dma_wait3A_319, %dma_wait3A_320, %dma_wait3A_321] : memref<8x8x1000000xf32, #tpu.memory_space<hbm>> -> memref<8x8x128xf32, #tpu.memory_space<hbm>>
      tpu.wait_dma2 semaphore(%arg17 : memref<!tpu.dma_semaphore, #tpu.memory_space<semaphore_mem>>) src(%dma_wait3A_322 : memref<8x8x128xf32, #tpu.memory_space<hbm>>) dst(%arg8 : memref<8x8x128xf32, #tpu.memory_space<vmem>>)
      %slice3A_323 = vector.extract_strided_slice %and3A_192 {offsets = [2], sizes = [1], strides = [1]} : vector<16xi32> to vector<1xi32>
      %squeeze3A_324 = vector.extract %slice3A_323[0] : i32 from vector<1xi32>
      %dma_start3A_325 = arith.constant 0 : i32
      %dma_start3A_326 = arith.constant 0 : i32
      %dma_start3A_327 = tpu.memref_slice %arg8[%dma_start3A_325, %dma_start3A_326, %squeeze3A_324] : memref<8x8x128xf32, #tpu.memory_space<vmem>> -> memref<8x8x1xf32, #tpu.memory_space<vmem>>
      %dma_start3A_328 = arith.constant 0 : i32
      %dma_start3A_329 = arith.constant 0 : i32
      %dma_start3A_330 = tpu.memref_slice %arg14[%arg1, %dma_start3A_328, %dma_start3A_329, %add3A_314] : memref<16x8x8x512xf32, #tpu.memory_space<vmem_shared>> -> memref<1x8x8x1xf32, #tpu.memory_space<vmem_shared>>
      %dma_start3A_331 = tpu.memref_squeeze %dma_start3A_330 : memref<1x8x8x1xf32, #tpu.memory_space<vmem_shared>> -> memref<8x8x1xf32, #tpu.memory_space<vmem_shared>>
      %dma_start3A_332 = arith.constant 0 : i32
      %dma_start3A_333 = arith.constant 0 : i32
      %dma_start3A_334 = tpu.memref_slice %arg14[%arg1, %dma_start3A_332, %dma_start3A_333, %add3A_314] : memref<16x8x8x512xf32, #tpu.memory_space<vmem_shared>> -> memref<1x8x8x1xf32, #tpu.memory_space<vmem_shared>>
      %dma_start3A_335 = tpu.memref_squeeze %dma_start3A_334 : memref<1x8x8x1xf32, #tpu.memory_space<vmem_shared>> -> memref<8x8x1xf32, #tpu.memory_space<vmem_shared>>
      %dma_start3A_336 = arith.constant 0 : i32
      %dma_start3A_337 = arith.constant 0 : i32
      %dma_start3A_338 = tpu.memref_slice %arg8[%dma_start3A_336, %dma_start3A_337, %squeeze3A_324] : memref<8x8x128xf32, #tpu.memory_space<vmem>> -> memref<8x8x1xf32, #tpu.memory_space<vmem>>
      tpu.enqueue_dma source(%dma_start3A_338 : memref<8x8x1xf32, #tpu.memory_space<vmem>>) target(%dma_start3A_335 : memref<8x8x1xf32, #tpu.memory_space<vmem_shared>>) target_semaphore(%arg23 : memref<!tpu.dma_semaphore, #tpu.memory_space<semaphore_mem>>)
      %dma_wait3A_339 = arith.constant 0 : i32
      %dma_wait3A_340 = arith.constant 0 : i32
      %dma_wait3A_341 = arith.constant 0 : i32
      %dma_wait3A_342 = tpu.memref_slice %arg8[%dma_wait3A_339, %dma_wait3A_340, %dma_wait3A_341] : memref<8x8x128xf32, #tpu.memory_space<vmem>> -> memref<8x8x1xf32, #tpu.memory_space<vmem>>
      %dma_wait3A_343 = arith.constant 0 : i32
      %dma_wait3A_344 = arith.constant 0 : i32
      %dma_wait3A_345 = arith.constant 0 : i32
      %dma_wait3A_346 = tpu.memref_slice %arg14[%arg1, %dma_wait3A_343, %dma_wait3A_344, %dma_wait3A_345] : memref<16x8x8x512xf32, #tpu.memory_space<vmem_shared>> -> memref<1x8x8x1xf32, #tpu.memory_space<vmem_shared>>
      %dma_wait3A_347 = tpu.memref_squeeze %dma_wait3A_346 : memref<1x8x8x1xf32, #tpu.memory_space<vmem_shared>> -> memref<8x8x1xf32, #tpu.memory_space<vmem_shared>>
      %dma_wait3A_348 = arith.constant 0 : i32
      %dma_wait3A_349 = arith.constant 0 : i32
      %dma_wait3A_350 = arith.constant 0 : i32
      %dma_wait3A_351 = tpu.memref_slice %arg14[%arg1, %dma_wait3A_348, %dma_wait3A_349, %dma_wait3A_350] : memref<16x8x8x512xf32, #tpu.memory_space<vmem_shared>> -> memref<1x8x8x1xf32, #tpu.memory_space<vmem_shared>>
      %dma_wait3A_352 = tpu.memref_squeeze %dma_wait3A_351 : memref<1x8x8x1xf32, #tpu.memory_space<vmem_shared>> -> memref<8x8x1xf32, #tpu.memory_space<vmem_shared>>
      %dma_wait3A_353 = arith.constant 0 : i32
      %dma_wait3A_354 = arith.constant 0 : i32
      %dma_wait3A_355 = arith.constant 0 : i32
      %dma_wait3A_356 = tpu.memref_slice %arg8[%dma_wait3A_353, %dma_wait3A_354, %dma_wait3A_355] : memref<8x8x128xf32, #tpu.memory_space<vmem>> -> memref<8x8x1xf32, #tpu.memory_space<vmem>>
      tpu.wait_dma2 semaphore(%arg23 : memref<!tpu.dma_semaphore, #tpu.memory_space<semaphore_mem>>) src(%dma_wait3A_356 : memref<8x8x1xf32, #tpu.memory_space<vmem>>) dst(%dma_wait3A_352 : memref<8x8x1xf32, #tpu.memory_space<vmem_shared>>)
      %slice3A_357 = vector.extract_strided_slice %get3A_183 {offsets = [10], sizes = [1], strides = [1]} : vector<16xi32> to vector<1xi32>
      %squeeze3A_358 = vector.extract %slice3A_357[0] : i32 from vector<1xi32>
      %shift_right_arithmetic3A_359 = arith.constant 7 : i32
      %shift_right_arithmetic3A_360 = arith.shrsi %squeeze3A_358, %shift_right_arithmetic3A_359 : i32
      %mul3A_361 = arith.constant 128 : i32
      %mul3A_362 = arith.muli %shift_right_arithmetic3A_360, %mul3A_361 : i32
      %multiple_of3A_363 = tpu.assume_multiple %mul3A_362, 128 : i32
      %dma_start3A_364 = arith.constant 0 : i32
      %dma_start3A_365 = arith.constant 0 : i32
      %dma_start3A_366 = tpu.memref_slice %arg3[%dma_start3A_364, %dma_start3A_365, %multiple_of3A_363] : memref<8x8x1000000xf32, #tpu.memory_space<hbm>> -> memref<8x8x128xf32, #tpu.memory_space<hbm>>
      %dma_start3A_367 = arith.constant 0 : i32
      %dma_start3A_368 = arith.constant 0 : i32
      %dma_start3A_369 = tpu.memref_slice %arg3[%dma_start3A_367, %dma_start3A_368, %multiple_of3A_363] : memref<8x8x1000000xf32, #tpu.memory_space<hbm>> -> memref<8x8x128xf32, #tpu.memory_space<hbm>>
      tpu.enqueue_dma source(%dma_start3A_369 : memref<8x8x128xf32, #tpu.memory_space<hbm>>) target(%arg8 : memref<8x8x128xf32, #tpu.memory_space<vmem>>) target_semaphore(%arg17 : memref<!tpu.dma_semaphore, #tpu.memory_space<semaphore_mem>>)
      %mul3A_370 = arith.constant 16 : i32
      %mul3A_371 = arith.muli %scan3A_178, %mul3A_370 : i32
      %add3A_372 = arith.constant 3 : i32
      %add3A_373 = arith.addi %mul3A_371, %add3A_372 : i32
      %dma_wait3A_374 = arith.constant 0 : i32
      %dma_wait3A_375 = arith.constant 0 : i32
      %dma_wait3A_376 = arith.constant 0 : i32
      %dma_wait3A_377 = tpu.memref_slice %arg3[%dma_wait3A_374, %dma_wait3A_375, %dma_wait3A_376] : memref<8x8x1000000xf32, #tpu.memory_space<hbm>> -> memref<8x8x128xf32, #tpu.memory_space<hbm>>
      %dma_wait3A_378 = arith.constant 0 : i32
      %dma_wait3A_379 = arith.constant 0 : i32
      %dma_wait3A_380 = arith.constant 0 : i32
      %dma_wait3A_381 = tpu.memref_slice %arg3[%dma_wait3A_378, %dma_wait3A_379, %dma_wait3A_380] : memref<8x8x1000000xf32, #tpu.memory_space<hbm>> -> memref<8x8x128xf32, #tpu.memory_space<hbm>>
      tpu.wait_dma2 semaphore(%arg18 : memref<!tpu.dma_semaphore, #tpu.memory_space<semaphore_mem>>) src(%dma_wait3A_381 : memref<8x8x128xf32, #tpu.memory_space<hbm>>) dst(%arg9 : memref<8x8x128xf32, #tpu.memory_space<vmem>>)
      %slice3A_382 = vector.extract_strided_slice %and3A_192 {offsets = [3], sizes = [1], strides = [1]} : vector<16xi32> to vector<1xi32>
      %squeeze3A_383 = vector.extract %slice3A_382[0] : i32 from vector<1xi32>
      %dma_start3A_384 = arith.constant 0 : i32
      %dma_start3A_385 = arith.constant 0 : i32
      %dma_start3A_386 = tpu.memref_slice %arg9[%dma_start3A_384, %dma_start3A_385, %squeeze3A_383] : memref<8x8x128xf32, #tpu.memory_space<vmem>> -> memref<8x8x1xf32, #tpu.memory_space<vmem>>
      %dma_start3A_387 = arith.constant 0 : i32
      %dma_start3A_388 = arith.constant 0 : i32
      %dma_start3A_389 = tpu.memref_slice %arg14[%arg1, %dma_start3A_387, %dma_start3A_388, %add3A_373] : memref<16x8x8x512xf32, #tpu.memory_space<vmem_shared>> -> memref<1x8x8x1xf32, #tpu.memory_space<vmem_shared>>
      %dma_start3A_390 = tpu.memref_squeeze %dma_start3A_389 : memref<1x8x8x1xf32, #tpu.memory_space<vmem_shared>> -> memref<8x8x1xf32, #tpu.memory_space<vmem_shared>>
      %dma_start3A_391 = arith.constant 0 : i32
      %dma_start3A_392 = arith.constant 0 : i32
      %dma_start3A_393 = tpu.memref_slice %arg14[%arg1, %dma_start3A_391, %dma_start3A_392, %add3A_373] : memref<16x8x8x512xf32, #tpu.memory_space<vmem_shared>> -> memref<1x8x8x1xf32, #tpu.memory_space<vmem_shared>>
      %dma_start3A_394 = tpu.memref_squeeze %dma_start3A_393 : memref<1x8x8x1xf32, #tpu.memory_space<vmem_shared>> -> memref<8x8x1xf32, #tpu.memory_space<vmem_shared>>
      %dma_start3A_395 = arith.constant 0 : i32
      %dma_start3A_396 = arith.constant 0 : i32
      %dma_start3A_397 = tpu.memref_slice %arg9[%dma_start3A_395, %dma_start3A_396, %squeeze3A_383] : memref<8x8x128xf32, #tpu.memory_space<vmem>> -> memref<8x8x1xf32, #tpu.memory_space<vmem>>
      tpu.enqueue_dma source(%dma_start3A_397 : memref<8x8x1xf32, #tpu.memory_space<vmem>>) target(%dma_start3A_394 : memref<8x8x1xf32, #tpu.memory_space<vmem_shared>>) target_semaphore(%arg23 : memref<!tpu.dma_semaphore, #tpu.memory_space<semaphore_mem>>)
      %dma_wait3A_398 = arith.constant 0 : i32
      %dma_wait3A_399 = arith.constant 0 : i32
      %dma_wait3A_400 = arith.constant 0 : i32
      %dma_wait3A_401 = tpu.memref_slice %arg9[%dma_wait3A_398, %dma_wait3A_399, %dma_wait3A_400] : memref<8x8x128xf32, #tpu.memory_space<vmem>> -> memref<8x8x1xf32, #tpu.memory_space<vmem>>
      %dma_wait3A_402 = arith.constant 0 : i32
      %dma_wait3A_403 = arith.constant 0 : i32
      %dma_wait3A_404 = arith.constant 0 : i32
      %dma_wait3A_405 = tpu.memref_slice %arg14[%arg1, %dma_wait3A_402, %dma_wait3A_403, %dma_wait3A_404] : memref<16x8x8x512xf32, #tpu.memory_space<vmem_shared>> -> memref<1x8x8x1xf32, #tpu.memory_space<vmem_shared>>
      %dma_wait3A_406 = tpu.memref_squeeze %dma_wait3A_405 : memref<1x8x8x1xf32, #tpu.memory_space<vmem_shared>> -> memref<8x8x1xf32, #tpu.memory_space<vmem_shared>>
      %dma_wait3A_407 = arith.constant 0 : i32
      %dma_wait3A_408 = arith.constant 0 : i32
      %dma_wait3A_409 = arith.constant 0 : i32
      %dma_wait3A_410 = tpu.memref_slice %arg14[%arg1, %dma_wait3A_407, %dma_wait3A_408, %dma_wait3A_409] : memref<16x8x8x512xf32, #tpu.memory_space<vmem_shared>> -> memref<1x8x8x1xf32, #tpu.memory_space<vmem_shared>>
      %dma_wait3A_411 = tpu.memref_squeeze %dma_wait3A_410 : memref<1x8x8x1xf32, #tpu.memory_space<vmem_shared>> -> memref<8x8x1xf32, #tpu.memory_space<vmem_shared>>
      %dma_wait3A_412 = arith.constant 0 : i32
      %dma_wait3A_413 = arith.constant 0 : i32
      %dma_wait3A_414 = arith.constant 0 : i32
      %dma_wait3A_415 = tpu.memref_slice %arg9[%dma_wait3A_412, %dma_wait3A_413, %dma_wait3A_414] : memref<8x8x128xf32, #tpu.memory_space<vmem>> -> memref<8x8x1xf32, #tpu.memory_space<vmem>>
      tpu.wait_dma2 semaphore(%arg23 : memref<!tpu.dma_semaphore, #tpu.memory_space<semaphore_mem>>) src(%dma_wait3A_415 : memref<8x8x1xf32, #tpu.memory_space<vmem>>) dst(%dma_wait3A_411 : memref<8x8x1xf32, #tpu.memory_space<vmem_shared>>)
      %slice3A_416 = vector.extract_strided_slice %get3A_183 {offsets = [11], sizes = [1], strides = [1]} : vector<16xi32> to vector<1xi32>
      %squeeze3A_417 = vector.extract %slice3A_416[0] : i32 from vector<1xi32>
      %shift_right_arithmetic3A_418 = arith.constant 7 : i32
      %shift_right_arithmetic3A_419 = arith.shrsi %squeeze3A_417, %shift_right_arithmetic3A_418 : i32
      %mul3A_420 = arith.constant 128 : i32
      %mul3A_421 = arith.muli %shift_right_arithmetic3A_419, %mul3A_420 : i32
      %multiple_of3A_422 = tpu.assume_multiple %mul3A_421, 128 : i32
      %dma_start3A_423 = arith.constant 0 : i32
      %dma_start3A_424 = arith.constant 0 : i32
      %dma_start3A_425 = tpu.memref_slice %arg3[%dma_start3A_423, %dma_start3A_424, %multiple_of3A_422] : memref<8x8x1000000xf32, #tpu.memory_space<hbm>> -> memref<8x8x128xf32, #tpu.memory_space<hbm>>
      %dma_start3A_426 = arith.constant 0 : i32
      %dma_start3A_427 = arith.constant 0 : i32
      %dma_start3A_428 = tpu.memref_slice %arg3[%dma_start3A_426, %dma_start3A_427, %multiple_of3A_422] : memref<8x8x1000000xf32, #tpu.memory_space<hbm>> -> memref<8x8x128xf32, #tpu.memory_space<hbm>>
      tpu.enqueue_dma source(%dma_start3A_428 : memref<8x8x128xf32, #tpu.memory_space<hbm>>) target(%arg9 : memref<8x8x128xf32, #tpu.memory_space<vmem>>) target_semaphore(%arg18 : memref<!tpu.dma_semaphore, #tpu.memory_space<semaphore_mem>>)
      %mul3A_429 = arith.constant 16 : i32
      %mul3A_430 = arith.muli %scan3A_178, %mul3A_429 : i32
      %add3A_431 = arith.constant 4 : i32
      %add3A_432 = arith.addi %mul3A_430, %add3A_431 : i32
      %dma_wait3A_433 = arith.constant 0 : i32
      %dma_wait3A_434 = arith.constant 0 : i32
      %dma_wait3A_435 = arith.constant 0 : i32
      %dma_wait3A_436 = tpu.memref_slice %arg3[%dma_wait3A_433, %dma_wait3A_434, %dma_wait3A_435] : memref<8x8x1000000xf32, #tpu.memory_space<hbm>> -> memref<8x8x128xf32, #tpu.memory_space<hbm>>
      %dma_wait3A_437 = arith.constant 0 : i32
      %dma_wait3A_438 = arith.constant 0 : i32
      %dma_wait3A_439 = arith.constant 0 : i32
      %dma_wait3A_440 = tpu.memref_slice %arg3[%dma_wait3A_437, %dma_wait3A_438, %dma_wait3A_439] : memref<8x8x1000000xf32, #tpu.memory_space<hbm>> -> memref<8x8x128xf32, #tpu.memory_space<hbm>>
      tpu.wait_dma2 semaphore(%arg19 : memref<!tpu.dma_semaphore, #tpu.memory_space<semaphore_mem>>) src(%dma_wait3A_440 : memref<8x8x128xf32, #tpu.memory_space<hbm>>) dst(%arg10 : memref<8x8x128xf32, #tpu.memory_space<vmem>>)
      %slice3A_441 = vector.extract_strided_slice %and3A_192 {offsets = [4], sizes = [1], strides = [1]} : vector<16xi32> to vector<1xi32>
      %squeeze3A_442 = vector.extract %slice3A_441[0] : i32 from vector<1xi32>
      %dma_start3A_443 = arith.constant 0 : i32
      %dma_start3A_444 = arith.constant 0 : i32
      %dma_start3A_445 = tpu.memref_slice %arg10[%dma_start3A_443, %dma_start3A_444, %squeeze3A_442] : memref<8x8x128xf32, #tpu.memory_space<vmem>> -> memref<8x8x1xf32, #tpu.memory_space<vmem>>
      %dma_start3A_446 = arith.constant 0 : i32
      %dma_start3A_447 = arith.constant 0 : i32
      %dma_start3A_448 = tpu.memref_slice %arg14[%arg1, %dma_start3A_446, %dma_start3A_447, %add3A_432] : memref<16x8x8x512xf32, #tpu.memory_space<vmem_shared>> -> memref<1x8x8x1xf32, #tpu.memory_space<vmem_shared>>
      %dma_start3A_449 = tpu.memref_squeeze %dma_start3A_448 : memref<1x8x8x1xf32, #tpu.memory_space<vmem_shared>> -> memref<8x8x1xf32, #tpu.memory_space<vmem_shared>>
      %dma_start3A_450 = arith.constant 0 : i32
      %dma_start3A_451 = arith.constant 0 : i32
      %dma_start3A_452 = tpu.memref_slice %arg14[%arg1, %dma_start3A_450, %dma_start3A_451, %add3A_432] : memref<16x8x8x512xf32, #tpu.memory_space<vmem_shared>> -> memref<1x8x8x1xf32, #tpu.memory_space<vmem_shared>>
      %dma_start3A_453 = tpu.memref_squeeze %dma_start3A_452 : memref<1x8x8x1xf32, #tpu.memory_space<vmem_shared>> -> memref<8x8x1xf32, #tpu.memory_space<vmem_shared>>
      %dma_start3A_454 = arith.constant 0 : i32
      %dma_start3A_455 = arith.constant 0 : i32
      %dma_start3A_456 = tpu.memref_slice %arg10[%dma_start3A_454, %dma_start3A_455, %squeeze3A_442] : memref<8x8x128xf32, #tpu.memory_space<vmem>> -> memref<8x8x1xf32, #tpu.memory_space<vmem>>
      tpu.enqueue_dma source(%dma_start3A_456 : memref<8x8x1xf32, #tpu.memory_space<vmem>>) target(%dma_start3A_453 : memref<8x8x1xf32, #tpu.memory_space<vmem_shared>>) target_semaphore(%arg23 : memref<!tpu.dma_semaphore, #tpu.memory_space<semaphore_mem>>)
      %dma_wait3A_457 = arith.constant 0 : i32
      %dma_wait3A_458 = arith.constant 0 : i32
      %dma_wait3A_459 = arith.constant 0 : i32
      %dma_wait3A_460 = tpu.memref_slice %arg10[%dma_wait3A_457, %dma_wait3A_458, %dma_wait3A_459] : memref<8x8x128xf32, #tpu.memory_space<vmem>> -> memref<8x8x1xf32, #tpu.memory_space<vmem>>
      %dma_wait3A_461 = arith.constant 0 : i32
      %dma_wait3A_462 = arith.constant 0 : i32
      %dma_wait3A_463 = arith.constant 0 : i32
      %dma_wait3A_464 = tpu.memref_slice %arg14[%arg1, %dma_wait3A_461, %dma_wait3A_462, %dma_wait3A_463] : memref<16x8x8x512xf32, #tpu.memory_space<vmem_shared>> -> memref<1x8x8x1xf32, #tpu.memory_space<vmem_shared>>
      %dma_wait3A_465 = tpu.memref_squeeze %dma_wait3A_464 : memref<1x8x8x1xf32, #tpu.memory_space<vmem_shared>> -> memref<8x8x1xf32, #tpu.memory_space<vmem_shared>>
      %dma_wait3A_466 = arith.constant 0 : i32
      %dma_wait3A_467 = arith.constant 0 : i32
      %dma_wait3A_468 = arith.constant 0 : i32
      %dma_wait3A_469 = tpu.memref_slice %arg14[%arg1, %dma_wait3A_466, %dma_wait3A_467, %dma_wait3A_468] : memref<16x8x8x512xf32, #tpu.memory_space<vmem_shared>> -> memref<1x8x8x1xf32, #tpu.memory_space<vmem_shared>>
      %dma_wait3A_470 = tpu.memref_squeeze %dma_wait3A_469 : memref<1x8x8x1xf32, #tpu.memory_space<vmem_shared>> -> memref<8x8x1xf32, #tpu.memory_space<vmem_shared>>
      %dma_wait3A_471 = arith.constant 0 : i32
      %dma_wait3A_472 = arith.constant 0 : i32
      %dma_wait3A_473 = arith.constant 0 : i32
      %dma_wait3A_474 = tpu.memref_slice %arg10[%dma_wait3A_471, %dma_wait3A_472, %dma_wait3A_473] : memref<8x8x128xf32, #tpu.memory_space<vmem>> -> memref<8x8x1xf32, #tpu.memory_space<vmem>>
      tpu.wait_dma2 semaphore(%arg23 : memref<!tpu.dma_semaphore, #tpu.memory_space<semaphore_mem>>) src(%dma_wait3A_474 : memref<8x8x1xf32, #tpu.memory_space<vmem>>) dst(%dma_wait3A_470 : memref<8x8x1xf32, #tpu.memory_space<vmem_shared>>)
      %slice3A_475 = vector.extract_strided_slice %get3A_183 {offsets = [12], sizes = [1], strides = [1]} : vector<16xi32> to vector<1xi32>
      %squeeze3A_476 = vector.extract %slice3A_475[0] : i32 from vector<1xi32>
      %shift_right_arithmetic3A_477 = arith.constant 7 : i32
      %shift_right_arithmetic3A_478 = arith.shrsi %squeeze3A_476, %shift_right_arithmetic3A_477 : i32
      %mul3A_479 = arith.constant 128 : i32
      %mul3A_480 = arith.muli %shift_right_arithmetic3A_478, %mul3A_479 : i32
      %multiple_of3A_481 = tpu.assume_multiple %mul3A_480, 128 : i32
      %dma_start3A_482 = arith.constant 0 : i32
      %dma_start3A_483 = arith.constant 0 : i32
      %dma_start3A_484 = tpu.memref_slice %arg3[%dma_start3A_482, %dma_start3A_483, %multiple_of3A_481] : memref<8x8x1000000xf32, #tpu.memory_space<hbm>> -> memref<8x8x128xf32, #tpu.memory_space<hbm>>
      %dma_start3A_485 = arith.constant 0 : i32
      %dma_start3A_486 = arith.constant 0 : i32
      %dma_start3A_487 = tpu.memref_slice %arg3[%dma_start3A_485, %dma_start3A_486, %multiple_of3A_481] : memref<8x8x1000000xf32, #tpu.memory_space<hbm>> -> memref<8x8x128xf32, #tpu.memory_space<hbm>>
      tpu.enqueue_dma source(%dma_start3A_487 : memref<8x8x128xf32, #tpu.memory_space<hbm>>) target(%arg10 : memref<8x8x128xf32, #tpu.memory_space<vmem>>) target_semaphore(%arg19 : memref<!tpu.dma_semaphore, #tpu.memory_space<semaphore_mem>>)
      %mul3A_488 = arith.constant 16 : i32
      %mul3A_489 = arith.muli %scan3A_178, %mul3A_488 : i32
      %add3A_490 = arith.constant 5 : i32
      %add3A_491 = arith.addi %mul3A_489, %add3A_490 : i32
      %dma_wait3A_492 = arith.constant 0 : i32
      %dma_wait3A_493 = arith.constant 0 : i32
      %dma_wait3A_494 = arith.constant 0 : i32
      %dma_wait3A_495 = tpu.memref_slice %arg3[%dma_wait3A_492, %dma_wait3A_493, %dma_wait3A_494] : memref<8x8x1000000xf32, #tpu.memory_space<hbm>> -> memref<8x8x128xf32, #tpu.memory_space<hbm>>
      %dma_wait3A_496 = arith.constant 0 : i32
      %dma_wait3A_497 = arith.constant 0 : i32
      %dma_wait3A_498 = arith.constant 0 : i32
      %dma_wait3A_499 = tpu.memref_slice %arg3[%dma_wait3A_496, %dma_wait3A_497, %dma_wait3A_498] : memref<8x8x1000000xf32, #tpu.memory_space<hbm>> -> memref<8x8x128xf32, #tpu.memory_space<hbm>>
      tpu.wait_dma2 semaphore(%arg20 : memref<!tpu.dma_semaphore, #tpu.memory_space<semaphore_mem>>) src(%dma_wait3A_499 : memref<8x8x128xf32, #tpu.memory_space<hbm>>) dst(%arg11 : memref<8x8x128xf32, #tpu.memory_space<vmem>>)
      %slice3A_500 = vector.extract_strided_slice %and3A_192 {offsets = [5], sizes = [1], strides = [1]} : vector<16xi32> to vector<1xi32>
      %squeeze3A_501 = vector.extract %slice3A_500[0] : i32 from vector<1xi32>
      %dma_start3A_502 = arith.constant 0 : i32
      %dma_start3A_503 = arith.constant 0 : i32
      %dma_start3A_504 = tpu.memref_slice %arg11[%dma_start3A_502, %dma_start3A_503, %squeeze3A_501] : memref<8x8x128xf32, #tpu.memory_space<vmem>> -> memref<8x8x1xf32, #tpu.memory_space<vmem>>
      %dma_start3A_505 = arith.constant 0 : i32
      %dma_start3A_506 = arith.constant 0 : i32
      %dma_start3A_507 = tpu.memref_slice %arg14[%arg1, %dma_start3A_505, %dma_start3A_506, %add3A_491] : memref<16x8x8x512xf32, #tpu.memory_space<vmem_shared>> -> memref<1x8x8x1xf32, #tpu.memory_space<vmem_shared>>
      %dma_start3A_508 = tpu.memref_squeeze %dma_start3A_507 : memref<1x8x8x1xf32, #tpu.memory_space<vmem_shared>> -> memref<8x8x1xf32, #tpu.memory_space<vmem_shared>>
      %dma_start3A_509 = arith.constant 0 : i32
      %dma_start3A_510 = arith.constant 0 : i32
      %dma_start3A_511 = tpu.memref_slice %arg14[%arg1, %dma_start3A_509, %dma_start3A_510, %add3A_491] : memref<16x8x8x512xf32, #tpu.memory_space<vmem_shared>> -> memref<1x8x8x1xf32, #tpu.memory_space<vmem_shared>>
      %dma_start3A_512 = tpu.memref_squeeze %dma_start3A_511 : memref<1x8x8x1xf32, #tpu.memory_space<vmem_shared>> -> memref<8x8x1xf32, #tpu.memory_space<vmem_shared>>
      %dma_start3A_513 = arith.constant 0 : i32
      %dma_start3A_514 = arith.constant 0 : i32
      %dma_start3A_515 = tpu.memref_slice %arg11[%dma_start3A_513, %dma_start3A_514, %squeeze3A_501] : memref<8x8x128xf32, #tpu.memory_space<vmem>> -> memref<8x8x1xf32, #tpu.memory_space<vmem>>
      tpu.enqueue_dma source(%dma_start3A_515 : memref<8x8x1xf32, #tpu.memory_space<vmem>>) target(%dma_start3A_512 : memref<8x8x1xf32, #tpu.memory_space<vmem_shared>>) target_semaphore(%arg23 : memref<!tpu.dma_semaphore, #tpu.memory_space<semaphore_mem>>)
      %dma_wait3A_516 = arith.constant 0 : i32
      %dma_wait3A_517 = arith.constant 0 : i32
      %dma_wait3A_518 = arith.constant 0 : i32
      %dma_wait3A_519 = tpu.memref_slice %arg11[%dma_wait3A_516, %dma_wait3A_517, %dma_wait3A_518] : memref<8x8x128xf32, #tpu.memory_space<vmem>> -> memref<8x8x1xf32, #tpu.memory_space<vmem>>
      %dma_wait3A_520 = arith.constant 0 : i32
      %dma_wait3A_521 = arith.constant 0 : i32
      %dma_wait3A_522 = arith.constant 0 : i32
      %dma_wait3A_523 = tpu.memref_slice %arg14[%arg1, %dma_wait3A_520, %dma_wait3A_521, %dma_wait3A_522] : memref<16x8x8x512xf32, #tpu.memory_space<vmem_shared>> -> memref<1x8x8x1xf32, #tpu.memory_space<vmem_shared>>
      %dma_wait3A_524 = tpu.memref_squeeze %dma_wait3A_523 : memref<1x8x8x1xf32, #tpu.memory_space<vmem_shared>> -> memref<8x8x1xf32, #tpu.memory_space<vmem_shared>>
      %dma_wait3A_525 = arith.constant 0 : i32
      %dma_wait3A_526 = arith.constant 0 : i32
      %dma_wait3A_527 = arith.constant 0 : i32
      %dma_wait3A_528 = tpu.memref_slice %arg14[%arg1, %dma_wait3A_525, %dma_wait3A_526, %dma_wait3A_527] : memref<16x8x8x512xf32, #tpu.memory_space<vmem_shared>> -> memref<1x8x8x1xf32, #tpu.memory_space<vmem_shared>>
      %dma_wait3A_529 = tpu.memref_squeeze %dma_wait3A_528 : memref<1x8x8x1xf32, #tpu.memory_space<vmem_shared>> -> memref<8x8x1xf32, #tpu.memory_space<vmem_shared>>
      %dma_wait3A_530 = arith.constant 0 : i32
      %dma_wait3A_531 = arith.constant 0 : i32
      %dma_wait3A_532 = arith.constant 0 : i32
      %dma_wait3A_533 = tpu.memref_slice %arg11[%dma_wait3A_530, %dma_wait3A_531, %dma_wait3A_532] : memref<8x8x128xf32, #tpu.memory_space<vmem>> -> memref<8x8x1xf32, #tpu.memory_space<vmem>>
      tpu.wait_dma2 semaphore(%arg23 : memref<!tpu.dma_semaphore, #tpu.memory_space<semaphore_mem>>) src(%dma_wait3A_533 : memref<8x8x1xf32, #tpu.memory_space<vmem>>) dst(%dma_wait3A_529 : memref<8x8x1xf32, #tpu.memory_space<vmem_shared>>)
      %slice3A_534 = vector.extract_strided_slice %get3A_183 {offsets = [13], sizes = [1], strides = [1]} : vector<16xi32> to vector<1xi32>
      %squeeze3A_535 = vector.extract %slice3A_534[0] : i32 from vector<1xi32>
      %shift_right_arithmetic3A_536 = arith.constant 7 : i32
      %shift_right_arithmetic3A_537 = arith.shrsi %squeeze3A_535, %shift_right_arithmetic3A_536 : i32
      %mul3A_538 = arith.constant 128 : i32
      %mul3A_539 = arith.muli %shift_right_arithmetic3A_537, %mul3A_538 : i32
      %multiple_of3A_540 = tpu.assume_multiple %mul3A_539, 128 : i32
      %dma_start3A_541 = arith.constant 0 : i32
      %dma_start3A_542 = arith.constant 0 : i32
      %dma_start3A_543 = tpu.memref_slice %arg3[%dma_start3A_541, %dma_start3A_542, %multiple_of3A_540] : memref<8x8x1000000xf32, #tpu.memory_space<hbm>> -> memref<8x8x128xf32, #tpu.memory_space<hbm>>
      %dma_start3A_544 = arith.constant 0 : i32
      %dma_start3A_545 = arith.constant 0 : i32
      %dma_start3A_546 = tpu.memref_slice %arg3[%dma_start3A_544, %dma_start3A_545, %multiple_of3A_540] : memref<8x8x1000000xf32, #tpu.memory_space<hbm>> -> memref<8x8x128xf32, #tpu.memory_space<hbm>>
      tpu.enqueue_dma source(%dma_start3A_546 : memref<8x8x128xf32, #tpu.memory_space<hbm>>) target(%arg11 : memref<8x8x128xf32, #tpu.memory_space<vmem>>) target_semaphore(%arg20 : memref<!tpu.dma_semaphore, #tpu.memory_space<semaphore_mem>>)
      %mul3A_547 = arith.constant 16 : i32
      %mul3A_548 = arith.muli %scan3A_178, %mul3A_547 : i32
      %add3A_549 = arith.constant 6 : i32
      %add3A_550 = arith.addi %mul3A_548, %add3A_549 : i32
      %dma_wait3A_551 = arith.constant 0 : i32
      %dma_wait3A_552 = arith.constant 0 : i32
      %dma_wait3A_553 = arith.constant 0 : i32
      %dma_wait3A_554 = tpu.memref_slice %arg3[%dma_wait3A_551, %dma_wait3A_552, %dma_wait3A_553] : memref<8x8x1000000xf32, #tpu.memory_space<hbm>> -> memref<8x8x128xf32, #tpu.memory_space<hbm>>
      %dma_wait3A_555 = arith.constant 0 : i32
      %dma_wait3A_556 = arith.constant 0 : i32
      %dma_wait3A_557 = arith.constant 0 : i32
      %dma_wait3A_558 = tpu.memref_slice %arg3[%dma_wait3A_555, %dma_wait3A_556, %dma_wait3A_557] : memref<8x8x1000000xf32, #tpu.memory_space<hbm>> -> memref<8x8x128xf32, #tpu.memory_space<hbm>>
      tpu.wait_dma2 semaphore(%arg21 : memref<!tpu.dma_semaphore, #tpu.memory_space<semaphore_mem>>) src(%dma_wait3A_558 : memref<8x8x128xf32, #tpu.memory_space<hbm>>) dst(%arg12 : memref<8x8x128xf32, #tpu.memory_space<vmem>>)
      %slice3A_559 = vector.extract_strided_slice %and3A_192 {offsets = [6], sizes = [1], strides = [1]} : vector<16xi32> to vector<1xi32>
      %squeeze3A_560 = vector.extract %slice3A_559[0] : i32 from vector<1xi32>
      %dma_start3A_561 = arith.constant 0 : i32
      %dma_start3A_562 = arith.constant 0 : i32
      %dma_start3A_563 = tpu.memref_slice %arg12[%dma_start3A_561, %dma_start3A_562, %squeeze3A_560] : memref<8x8x128xf32, #tpu.memory_space<vmem>> -> memref<8x8x1xf32, #tpu.memory_space<vmem>>
      %dma_start3A_564 = arith.constant 0 : i32
      %dma_start3A_565 = arith.constant 0 : i32
      %dma_start3A_566 = tpu.memref_slice %arg14[%arg1, %dma_start3A_564, %dma_start3A_565, %add3A_550] : memref<16x8x8x512xf32, #tpu.memory_space<vmem_shared>> -> memref<1x8x8x1xf32, #tpu.memory_space<vmem_shared>>
      %dma_start3A_567 = tpu.memref_squeeze %dma_start3A_566 : memref<1x8x8x1xf32, #tpu.memory_space<vmem_shared>> -> memref<8x8x1xf32, #tpu.memory_space<vmem_shared>>
      %dma_start3A_568 = arith.constant 0 : i32
      %dma_start3A_569 = arith.constant 0 : i32
      %dma_start3A_570 = tpu.memref_slice %arg14[%arg1, %dma_start3A_568, %dma_start3A_569, %add3A_550] : memref<16x8x8x512xf32, #tpu.memory_space<vmem_shared>> -> memref<1x8x8x1xf32, #tpu.memory_space<vmem_shared>>
      %dma_start3A_571 = tpu.memref_squeeze %dma_start3A_570 : memref<1x8x8x1xf32, #tpu.memory_space<vmem_shared>> -> memref<8x8x1xf32, #tpu.memory_space<vmem_shared>>
      %dma_start3A_572 = arith.constant 0 : i32
      %dma_start3A_573 = arith.constant 0 : i32
      %dma_start3A_574 = tpu.memref_slice %arg12[%dma_start3A_572, %dma_start3A_573, %squeeze3A_560] : memref<8x8x128xf32, #tpu.memory_space<vmem>> -> memref<8x8x1xf32, #tpu.memory_space<vmem>>
      tpu.enqueue_dma source(%dma_start3A_574 : memref<8x8x1xf32, #tpu.memory_space<vmem>>) target(%dma_start3A_571 : memref<8x8x1xf32, #tpu.memory_space<vmem_shared>>) target_semaphore(%arg23 : memref<!tpu.dma_semaphore, #tpu.memory_space<semaphore_mem>>)
      %dma_wait3A_575 = arith.constant 0 : i32
      %dma_wait3A_576 = arith.constant 0 : i32
      %dma_wait3A_577 = arith.constant 0 : i32
      %dma_wait3A_578 = tpu.memref_slice %arg12[%dma_wait3A_575, %dma_wait3A_576, %dma_wait3A_577] : memref<8x8x128xf32, #tpu.memory_space<vmem>> -> memref<8x8x1xf32, #tpu.memory_space<vmem>>
      %dma_wait3A_579 = arith.constant 0 : i32
      %dma_wait3A_580 = arith.constant 0 : i32
      %dma_wait3A_581 = arith.constant 0 : i32
      %dma_wait3A_582 = tpu.memref_slice %arg14[%arg1, %dma_wait3A_579, %dma_wait3A_580, %dma_wait3A_581] : memref<16x8x8x512xf32, #tpu.memory_space<vmem_shared>> -> memref<1x8x8x1xf32, #tpu.memory_space<vmem_shared>>
      %dma_wait3A_583 = tpu.memref_squeeze %dma_wait3A_582 : memref<1x8x8x1xf32, #tpu.memory_space<vmem_shared>> -> memref<8x8x1xf32, #tpu.memory_space<vmem_shared>>
      %dma_wait3A_584 = arith.constant 0 : i32
      %dma_wait3A_585 = arith.constant 0 : i32
      %dma_wait3A_586 = arith.constant 0 : i32
      %dma_wait3A_587 = tpu.memref_slice %arg14[%arg1, %dma_wait3A_584, %dma_wait3A_585, %dma_wait3A_586] : memref<16x8x8x512xf32, #tpu.memory_space<vmem_shared>> -> memref<1x8x8x1xf32, #tpu.memory_space<vmem_shared>>
      %dma_wait3A_588 = tpu.memref_squeeze %dma_wait3A_587 : memref<1x8x8x1xf32, #tpu.memory_space<vmem_shared>> -> memref<8x8x1xf32, #tpu.memory_space<vmem_shared>>
      %dma_wait3A_589 = arith.constant 0 : i32
      %dma_wait3A_590 = arith.constant 0 : i32
      %dma_wait3A_591 = arith.constant 0 : i32
      %dma_wait3A_592 = tpu.memref_slice %arg12[%dma_wait3A_589, %dma_wait3A_590, %dma_wait3A_591] : memref<8x8x128xf32, #tpu.memory_space<vmem>> -> memref<8x8x1xf32, #tpu.memory_space<vmem>>
      tpu.wait_dma2 semaphore(%arg23 : memref<!tpu.dma_semaphore, #tpu.memory_space<semaphore_mem>>) src(%dma_wait3A_592 : memref<8x8x1xf32, #tpu.memory_space<vmem>>) dst(%dma_wait3A_588 : memref<8x8x1xf32, #tpu.memory_space<vmem_shared>>)
      %slice3A_593 = vector.extract_strided_slice %get3A_183 {offsets = [14], sizes = [1], strides = [1]} : vector<16xi32> to vector<1xi32>
      %squeeze3A_594 = vector.extract %slice3A_593[0] : i32 from vector<1xi32>
      %shift_right_arithmetic3A_595 = arith.constant 7 : i32
      %shift_right_arithmetic3A_596 = arith.shrsi %squeeze3A_594, %shift_right_arithmetic3A_595 : i32
      %mul3A_597 = arith.constant 128 : i32
      %mul3A_598 = arith.muli %shift_right_arithmetic3A_596, %mul3A_597 : i32
      %multiple_of3A_599 = tpu.assume_multiple %mul3A_598, 128 : i32
      %dma_start3A_600 = arith.constant 0 : i32
      %dma_start3A_601 = arith.constant 0 : i32
      %dma_start3A_602 = tpu.memref_slice %arg3[%dma_start3A_600, %dma_start3A_601, %multiple_of3A_599] : memref<8x8x1000000xf32, #tpu.memory_space<hbm>> -> memref<8x8x128xf32, #tpu.memory_space<hbm>>
      %dma_start3A_603 = arith.constant 0 : i32
      %dma_start3A_604 = arith.constant 0 : i32
      %dma_start3A_605 = tpu.memref_slice %arg3[%dma_start3A_603, %dma_start3A_604, %multiple_of3A_599] : memref<8x8x1000000xf32, #tpu.memory_space<hbm>> -> memref<8x8x128xf32, #tpu.memory_space<hbm>>
      tpu.enqueue_dma source(%dma_start3A_605 : memref<8x8x128xf32, #tpu.memory_space<hbm>>) target(%arg12 : memref<8x8x128xf32, #tpu.memory_space<vmem>>) target_semaphore(%arg21 : memref<!tpu.dma_semaphore, #tpu.memory_space<semaphore_mem>>)
      %mul3A_606 = arith.constant 16 : i32
      %mul3A_607 = arith.muli %scan3A_178, %mul3A_606 : i32
      %add3A_608 = arith.constant 7 : i32
      %add3A_609 = arith.addi %mul3A_607, %add3A_608 : i32
      %dma_wait3A_610 = arith.constant 0 : i32
      %dma_wait3A_611 = arith.constant 0 : i32
      %dma_wait3A_612 = arith.constant 0 : i32
      %dma_wait3A_613 = tpu.memref_slice %arg3[%dma_wait3A_610, %dma_wait3A_611, %dma_wait3A_612] : memref<8x8x1000000xf32, #tpu.memory_space<hbm>> -> memref<8x8x128xf32, #tpu.memory_space<hbm>>
      %dma_wait3A_614 = arith.constant 0 : i32
      %dma_wait3A_615 = arith.constant 0 : i32
      %dma_wait3A_616 = arith.constant 0 : i32
      %dma_wait3A_617 = tpu.memref_slice %arg3[%dma_wait3A_614, %dma_wait3A_615, %dma_wait3A_616] : memref<8x8x1000000xf32, #tpu.memory_space<hbm>> -> memref<8x8x128xf32, #tpu.memory_space<hbm>>
      tpu.wait_dma2 semaphore(%arg22 : memref<!tpu.dma_semaphore, #tpu.memory_space<semaphore_mem>>) src(%dma_wait3A_617 : memref<8x8x128xf32, #tpu.memory_space<hbm>>) dst(%arg13 : memref<8x8x128xf32, #tpu.memory_space<vmem>>)
      %slice3A_618 = vector.extract_strided_slice %and3A_192 {offsets = [7], sizes = [1], strides = [1]} : vector<16xi32> to vector<1xi32>
      %squeeze3A_619 = vector.extract %slice3A_618[0] : i32 from vector<1xi32>
      %dma_start3A_620 = arith.constant 0 : i32
      %dma_start3A_621 = arith.constant 0 : i32
      %dma_start3A_622 = tpu.memref_slice %arg13[%dma_start3A_620, %dma_start3A_621, %squeeze3A_619] : memref<8x8x128xf32, #tpu.memory_space<vmem>> -> memref<8x8x1xf32, #tpu.memory_space<vmem>>
      %dma_start3A_623 = arith.constant 0 : i32
      %dma_start3A_624 = arith.constant 0 : i32
      %dma_start3A_625 = tpu.memref_slice %arg14[%arg1, %dma_start3A_623, %dma_start3A_624, %add3A_609] : memref<16x8x8x512xf32, #tpu.memory_space<vmem_shared>> -> memref<1x8x8x1xf32, #tpu.memory_space<vmem_shared>>
      %dma_start3A_626 = tpu.memref_squeeze %dma_start3A_625 : memref<1x8x8x1xf32, #tpu.memory_space<vmem_shared>> -> memref<8x8x1xf32, #tpu.memory_space<vmem_shared>>
      %dma_start3A_627 = arith.constant 0 : i32
      %dma_start3A_628 = arith.constant 0 : i32
      %dma_start3A_629 = tpu.memref_slice %arg14[%arg1, %dma_start3A_627, %dma_start3A_628, %add3A_609] : memref<16x8x8x512xf32, #tpu.memory_space<vmem_shared>> -> memref<1x8x8x1xf32, #tpu.memory_space<vmem_shared>>
      %dma_start3A_630 = tpu.memref_squeeze %dma_start3A_629 : memref<1x8x8x1xf32, #tpu.memory_space<vmem_shared>> -> memref<8x8x1xf32, #tpu.memory_space<vmem_shared>>
      %dma_start3A_631 = arith.constant 0 : i32
      %dma_start3A_632 = arith.constant 0 : i32
      %dma_start3A_633 = tpu.memref_slice %arg13[%dma_start3A_631, %dma_start3A_632, %squeeze3A_619] : memref<8x8x128xf32, #tpu.memory_space<vmem>> -> memref<8x8x1xf32, #tpu.memory_space<vmem>>
      tpu.enqueue_dma source(%dma_start3A_633 : memref<8x8x1xf32, #tpu.memory_space<vmem>>) target(%dma_start3A_630 : memref<8x8x1xf32, #tpu.memory_space<vmem_shared>>) target_semaphore(%arg23 : memref<!tpu.dma_semaphore, #tpu.memory_space<semaphore_mem>>)
      %dma_wait3A_634 = arith.constant 0 : i32
      %dma_wait3A_635 = arith.constant 0 : i32
      %dma_wait3A_636 = arith.constant 0 : i32
      %dma_wait3A_637 = tpu.memref_slice %arg13[%dma_wait3A_634, %dma_wait3A_635, %dma_wait3A_636] : memref<8x8x128xf32, #tpu.memory_space<vmem>> -> memref<8x8x1xf32, #tpu.memory_space<vmem>>
      %dma_wait3A_638 = arith.constant 0 : i32
      %dma_wait3A_639 = arith.constant 0 : i32
      %dma_wait3A_640 = arith.constant 0 : i32
      %dma_wait3A_641 = tpu.memref_slice %arg14[%arg1, %dma_wait3A_638, %dma_wait3A_639, %dma_wait3A_640] : memref<16x8x8x512xf32, #tpu.memory_space<vmem_shared>> -> memref<1x8x8x1xf32, #tpu.memory_space<vmem_shared>>
      %dma_wait3A_642 = tpu.memref_squeeze %dma_wait3A_641 : memref<1x8x8x1xf32, #tpu.memory_space<vmem_shared>> -> memref<8x8x1xf32, #tpu.memory_space<vmem_shared>>
      %dma_wait3A_643 = arith.constant 0 : i32
      %dma_wait3A_644 = arith.constant 0 : i32
      %dma_wait3A_645 = arith.constant 0 : i32
      %dma_wait3A_646 = tpu.memref_slice %arg14[%arg1, %dma_wait3A_643, %dma_wait3A_644, %dma_wait3A_645] : memref<16x8x8x512xf32, #tpu.memory_space<vmem_shared>> -> memref<1x8x8x1xf32, #tpu.memory_space<vmem_shared>>
      %dma_wait3A_647 = tpu.memref_squeeze %dma_wait3A_646 : memref<1x8x8x1xf32, #tpu.memory_space<vmem_shared>> -> memref<8x8x1xf32, #tpu.memory_space<vmem_shared>>
      %dma_wait3A_648 = arith.constant 0 : i32
      %dma_wait3A_649 = arith.constant 0 : i32
      %dma_wait3A_650 = arith.constant 0 : i32
      %dma_wait3A_651 = tpu.memref_slice %arg13[%dma_wait3A_648, %dma_wait3A_649, %dma_wait3A_650] : memref<8x8x128xf32, #tpu.memory_space<vmem>> -> memref<8x8x1xf32, #tpu.memory_space<vmem>>
      tpu.wait_dma2 semaphore(%arg23 : memref<!tpu.dma_semaphore, #tpu.memory_space<semaphore_mem>>) src(%dma_wait3A_651 : memref<8x8x1xf32, #tpu.memory_space<vmem>>) dst(%dma_wait3A_647 : memref<8x8x1xf32, #tpu.memory_space<vmem_shared>>)
      %slice3A_652 = vector.extract_strided_slice %get3A_183 {offsets = [15], sizes = [1], strides = [1]} : vector<16xi32> to vector<1xi32>
      %squeeze3A_653 = vector.extract %slice3A_652[0] : i32 from vector<1xi32>
      %shift_right_arithmetic3A_654 = arith.constant 7 : i32
      %shift_right_arithmetic3A_655 = arith.shrsi %squeeze3A_653, %shift_right_arithmetic3A_654 : i32
      %mul3A_656 = arith.constant 128 : i32
      %mul3A_657 = arith.muli %shift_right_arithmetic3A_655, %mul3A_656 : i32
      %multiple_of3A_658 = tpu.assume_multiple %mul3A_657, 128 : i32
      %dma_start3A_659 = arith.constant 0 : i32
      %dma_start3A_660 = arith.constant 0 : i32
      %dma_start3A_661 = tpu.memref_slice %arg3[%dma_start3A_659, %dma_start3A_660, %multiple_of3A_658] : memref<8x8x1000000xf32, #tpu.memory_space<hbm>> -> memref<8x8x128xf32, #tpu.memory_space<hbm>>
      %dma_start3A_662 = arith.constant 0 : i32
      %dma_start3A_663 = arith.constant 0 : i32
      %dma_start3A_664 = tpu.memref_slice %arg3[%dma_start3A_662, %dma_start3A_663, %multiple_of3A_658] : memref<8x8x1000000xf32, #tpu.memory_space<hbm>> -> memref<8x8x128xf32, #tpu.memory_space<hbm>>
      tpu.enqueue_dma source(%dma_start3A_664 : memref<8x8x128xf32, #tpu.memory_space<hbm>>) target(%arg13 : memref<8x8x128xf32, #tpu.memory_space<vmem>>) target_semaphore(%arg22 : memref<!tpu.dma_semaphore, #tpu.memory_space<semaphore_mem>>)
      %mul3A_665 = arith.constant 16 : i32
      %mul3A_666 = arith.muli %scan3A_178, %mul3A_665 : i32
      %add3A_667 = arith.constant 8 : i32
      %add3A_668 = arith.addi %mul3A_666, %add3A_667 : i32
      %dma_wait3A_669 = arith.constant 0 : i32
      %dma_wait3A_670 = arith.constant 0 : i32
      %dma_wait3A_671 = arith.constant 0 : i32
      %dma_wait3A_672 = tpu.memref_slice %arg3[%dma_wait3A_669, %dma_wait3A_670, %dma_wait3A_671] : memref<8x8x1000000xf32, #tpu.memory_space<hbm>> -> memref<8x8x128xf32, #tpu.memory_space<hbm>>
      %dma_wait3A_673 = arith.constant 0 : i32
      %dma_wait3A_674 = arith.constant 0 : i32
      %dma_wait3A_675 = arith.constant 0 : i32
      %dma_wait3A_676 = tpu.memref_slice %arg3[%dma_wait3A_673, %dma_wait3A_674, %dma_wait3A_675] : memref<8x8x1000000xf32, #tpu.memory_space<hbm>> -> memref<8x8x128xf32, #tpu.memory_space<hbm>>
      tpu.wait_dma2 semaphore(%arg15 : memref<!tpu.dma_semaphore, #tpu.memory_space<semaphore_mem>>) src(%dma_wait3A_676 : memref<8x8x128xf32, #tpu.memory_space<hbm>>) dst(%arg6 : memref<8x8x128xf32, #tpu.memory_space<vmem>>)
      %slice3A_677 = vector.extract_strided_slice %and3A_192 {offsets = [8], sizes = [1], strides = [1]} : vector<16xi32> to vector<1xi32>
      %squeeze3A_678 = vector.extract %slice3A_677[0] : i32 from vector<1xi32>
      %dma_start3A_679 = arith.constant 0 : i32
      %dma_start3A_680 = arith.constant 0 : i32
      %dma_start3A_681 = tpu.memref_slice %arg6[%dma_start3A_679, %dma_start3A_680, %squeeze3A_678] : memref<8x8x128xf32, #tpu.memory_space<vmem>> -> memref<8x8x1xf32, #tpu.memory_space<vmem>>
      %dma_start3A_682 = arith.constant 0 : i32
      %dma_start3A_683 = arith.constant 0 : i32
      %dma_start3A_684 = tpu.memref_slice %arg14[%arg1, %dma_start3A_682, %dma_start3A_683, %add3A_668] : memref<16x8x8x512xf32, #tpu.memory_space<vmem_shared>> -> memref<1x8x8x1xf32, #tpu.memory_space<vmem_shared>>
      %dma_start3A_685 = tpu.memref_squeeze %dma_start3A_684 : memref<1x8x8x1xf32, #tpu.memory_space<vmem_shared>> -> memref<8x8x1xf32, #tpu.memory_space<vmem_shared>>
      %dma_start3A_686 = arith.constant 0 : i32
      %dma_start3A_687 = arith.constant 0 : i32
      %dma_start3A_688 = tpu.memref_slice %arg14[%arg1, %dma_start3A_686, %dma_start3A_687, %add3A_668] : memref<16x8x8x512xf32, #tpu.memory_space<vmem_shared>> -> memref<1x8x8x1xf32, #tpu.memory_space<vmem_shared>>
      %dma_start3A_689 = tpu.memref_squeeze %dma_start3A_688 : memref<1x8x8x1xf32, #tpu.memory_space<vmem_shared>> -> memref<8x8x1xf32, #tpu.memory_space<vmem_shared>>
      %dma_start3A_690 = arith.constant 0 : i32
      %dma_start3A_691 = arith.constant 0 : i32
      %dma_start3A_692 = tpu.memref_slice %arg6[%dma_start3A_690, %dma_start3A_691, %squeeze3A_678] : memref<8x8x128xf32, #tpu.memory_space<vmem>> -> memref<8x8x1xf32, #tpu.memory_space<vmem>>
      tpu.enqueue_dma source(%dma_start3A_692 : memref<8x8x1xf32, #tpu.memory_space<vmem>>) target(%dma_start3A_689 : memref<8x8x1xf32, #tpu.memory_space<vmem_shared>>) target_semaphore(%arg23 : memref<!tpu.dma_semaphore, #tpu.memory_space<semaphore_mem>>)
      %dma_wait3A_693 = arith.constant 0 : i32
      %dma_wait3A_694 = arith.constant 0 : i32
      %dma_wait3A_695 = arith.constant 0 : i32
      %dma_wait3A_696 = tpu.memref_slice %arg6[%dma_wait3A_693, %dma_wait3A_694, %dma_wait3A_695] : memref<8x8x128xf32, #tpu.memory_space<vmem>> -> memref<8x8x1xf32, #tpu.memory_space<vmem>>
      %dma_wait3A_697 = arith.constant 0 : i32
      %dma_wait3A_698 = arith.constant 0 : i32
      %dma_wait3A_699 = arith.constant 0 : i32
      %dma_wait3A_700 = tpu.memref_slice %arg14[%arg1, %dma_wait3A_697, %dma_wait3A_698, %dma_wait3A_699] : memref<16x8x8x512xf32, #tpu.memory_space<vmem_shared>> -> memref<1x8x8x1xf32, #tpu.memory_space<vmem_shared>>
      %dma_wait3A_701 = tpu.memref_squeeze %dma_wait3A_700 : memref<1x8x8x1xf32, #tpu.memory_space<vmem_shared>> -> memref<8x8x1xf32, #tpu.memory_space<vmem_shared>>
      %dma_wait3A_702 = arith.constant 0 : i32
      %dma_wait3A_703 = arith.constant 0 : i32
      %dma_wait3A_704 = arith.constant 0 : i32
      %dma_wait3A_705 = tpu.memref_slice %arg14[%arg1, %dma_wait3A_702, %dma_wait3A_703, %dma_wait3A_704] : memref<16x8x8x512xf32, #tpu.memory_space<vmem_shared>> -> memref<1x8x8x1xf32, #tpu.memory_space<vmem_shared>>
      %dma_wait3A_706 = tpu.memref_squeeze %dma_wait3A_705 : memref<1x8x8x1xf32, #tpu.memory_space<vmem_shared>> -> memref<8x8x1xf32, #tpu.memory_space<vmem_shared>>
      %dma_wait3A_707 = arith.constant 0 : i32
      %dma_wait3A_708 = arith.constant 0 : i32
      %dma_wait3A_709 = arith.constant 0 : i32
      %dma_wait3A_710 = tpu.memref_slice %arg6[%dma_wait3A_707, %dma_wait3A_708, %dma_wait3A_709] : memref<8x8x128xf32, #tpu.memory_space<vmem>> -> memref<8x8x1xf32, #tpu.memory_space<vmem>>
      tpu.wait_dma2 semaphore(%arg23 : memref<!tpu.dma_semaphore, #tpu.memory_space<semaphore_mem>>) src(%dma_wait3A_710 : memref<8x8x1xf32, #tpu.memory_space<vmem>>) dst(%dma_wait3A_706 : memref<8x8x1xf32, #tpu.memory_space<vmem_shared>>)
      %slice3A_711 = vector.extract_strided_slice %get3A_190 {offsets = [0], sizes = [1], strides = [1]} : vector<16xi32> to vector<1xi32>
      %squeeze3A_712 = vector.extract %slice3A_711[0] : i32 from vector<1xi32>
      %shift_right_arithmetic3A_713 = arith.constant 7 : i32
      %shift_right_arithmetic3A_714 = arith.shrsi %squeeze3A_712, %shift_right_arithmetic3A_713 : i32
      %mul3A_715 = arith.constant 128 : i32
      %mul3A_716 = arith.muli %shift_right_arithmetic3A_714, %mul3A_715 : i32
      %multiple_of3A_717 = tpu.assume_multiple %mul3A_716, 128 : i32
      %dma_start3A_718 = arith.constant 0 : i32
      %dma_start3A_719 = arith.constant 0 : i32
      %dma_start3A_720 = tpu.memref_slice %arg3[%dma_start3A_718, %dma_start3A_719, %multiple_of3A_717] : memref<8x8x1000000xf32, #tpu.memory_space<hbm>> -> memref<8x8x128xf32, #tpu.memory_space<hbm>>
      %dma_start3A_721 = arith.constant 0 : i32
      %dma_start3A_722 = arith.constant 0 : i32
      %dma_start3A_723 = tpu.memref_slice %arg3[%dma_start3A_721, %dma_start3A_722, %multiple_of3A_717] : memref<8x8x1000000xf32, #tpu.memory_space<hbm>> -> memref<8x8x128xf32, #tpu.memory_space<hbm>>
      tpu.enqueue_dma source(%dma_start3A_723 : memref<8x8x128xf32, #tpu.memory_space<hbm>>) target(%arg6 : memref<8x8x128xf32, #tpu.memory_space<vmem>>) target_semaphore(%arg15 : memref<!tpu.dma_semaphore, #tpu.memory_space<semaphore_mem>>)
      %mul3A_724 = arith.constant 16 : i32
      %mul3A_725 = arith.muli %scan3A_178, %mul3A_724 : i32
      %add3A_726 = arith.constant 9 : i32
      %add3A_727 = arith.addi %mul3A_725, %add3A_726 : i32
      %dma_wait3A_728 = arith.constant 0 : i32
      %dma_wait3A_729 = arith.constant 0 : i32
      %dma_wait3A_730 = arith.constant 0 : i32
      %dma_wait3A_731 = tpu.memref_slice %arg3[%dma_wait3A_728, %dma_wait3A_729, %dma_wait3A_730] : memref<8x8x1000000xf32, #tpu.memory_space<hbm>> -> memref<8x8x128xf32, #tpu.memory_space<hbm>>
      %dma_wait3A_732 = arith.constant 0 : i32
      %dma_wait3A_733 = arith.constant 0 : i32
      %dma_wait3A_734 = arith.constant 0 : i32
      %dma_wait3A_735 = tpu.memref_slice %arg3[%dma_wait3A_732, %dma_wait3A_733, %dma_wait3A_734] : memref<8x8x1000000xf32, #tpu.memory_space<hbm>> -> memref<8x8x128xf32, #tpu.memory_space<hbm>>
      tpu.wait_dma2 semaphore(%arg16 : memref<!tpu.dma_semaphore, #tpu.memory_space<semaphore_mem>>) src(%dma_wait3A_735 : memref<8x8x128xf32, #tpu.memory_space<hbm>>) dst(%arg7 : memref<8x8x128xf32, #tpu.memory_space<vmem>>)
      %slice3A_736 = vector.extract_strided_slice %and3A_192 {offsets = [9], sizes = [1], strides = [1]} : vector<16xi32> to vector<1xi32>
      %squeeze3A_737 = vector.extract %slice3A_736[0] : i32 from vector<1xi32>
      %dma_start3A_738 = arith.constant 0 : i32
      %dma_start3A_739 = arith.constant 0 : i32
      %dma_start3A_740 = tpu.memref_slice %arg7[%dma_start3A_738, %dma_start3A_739, %squeeze3A_737] : memref<8x8x128xf32, #tpu.memory_space<vmem>> -> memref<8x8x1xf32, #tpu.memory_space<vmem>>
      %dma_start3A_741 = arith.constant 0 : i32
      %dma_start3A_742 = arith.constant 0 : i32
      %dma_start3A_743 = tpu.memref_slice %arg14[%arg1, %dma_start3A_741, %dma_start3A_742, %add3A_727] : memref<16x8x8x512xf32, #tpu.memory_space<vmem_shared>> -> memref<1x8x8x1xf32, #tpu.memory_space<vmem_shared>>
      %dma_start3A_744 = tpu.memref_squeeze %dma_start3A_743 : memref<1x8x8x1xf32, #tpu.memory_space<vmem_shared>> -> memref<8x8x1xf32, #tpu.memory_space<vmem_shared>>
      %dma_start3A_745 = arith.constant 0 : i32
      %dma_start3A_746 = arith.constant 0 : i32
      %dma_start3A_747 = tpu.memref_slice %arg14[%arg1, %dma_start3A_745, %dma_start3A_746, %add3A_727] : memref<16x8x8x512xf32, #tpu.memory_space<vmem_shared>> -> memref<1x8x8x1xf32, #tpu.memory_space<vmem_shared>>
      %dma_start3A_748 = tpu.memref_squeeze %dma_start3A_747 : memref<1x8x8x1xf32, #tpu.memory_space<vmem_shared>> -> memref<8x8x1xf32, #tpu.memory_space<vmem_shared>>
      %dma_start3A_749 = arith.constant 0 : i32
      %dma_start3A_750 = arith.constant 0 : i32
      %dma_start3A_751 = tpu.memref_slice %arg7[%dma_start3A_749, %dma_start3A_750, %squeeze3A_737] : memref<8x8x128xf32, #tpu.memory_space<vmem>> -> memref<8x8x1xf32, #tpu.memory_space<vmem>>
      tpu.enqueue_dma source(%dma_start3A_751 : memref<8x8x1xf32, #tpu.memory_space<vmem>>) target(%dma_start3A_748 : memref<8x8x1xf32, #tpu.memory_space<vmem_shared>>) target_semaphore(%arg23 : memref<!tpu.dma_semaphore, #tpu.memory_space<semaphore_mem>>)
      %dma_wait3A_752 = arith.constant 0 : i32
      %dma_wait3A_753 = arith.constant 0 : i32
      %dma_wait3A_754 = arith.constant 0 : i32
      %dma_wait3A_755 = tpu.memref_slice %arg7[%dma_wait3A_752, %dma_wait3A_753, %dma_wait3A_754] : memref<8x8x128xf32, #tpu.memory_space<vmem>> -> memref<8x8x1xf32, #tpu.memory_space<vmem>>
      %dma_wait3A_756 = arith.constant 0 : i32
      %dma_wait3A_757 = arith.constant 0 : i32
      %dma_wait3A_758 = arith.constant 0 : i32
      %dma_wait3A_759 = tpu.memref_slice %arg14[%arg1, %dma_wait3A_756, %dma_wait3A_757, %dma_wait3A_758] : memref<16x8x8x512xf32, #tpu.memory_space<vmem_shared>> -> memref<1x8x8x1xf32, #tpu.memory_space<vmem_shared>>
      %dma_wait3A_760 = tpu.memref_squeeze %dma_wait3A_759 : memref<1x8x8x1xf32, #tpu.memory_space<vmem_shared>> -> memref<8x8x1xf32, #tpu.memory_space<vmem_shared>>
      %dma_wait3A_761 = arith.constant 0 : i32
      %dma_wait3A_762 = arith.constant 0 : i32
      %dma_wait3A_763 = arith.constant 0 : i32
      %dma_wait3A_764 = tpu.memref_slice %arg14[%arg1, %dma_wait3A_761, %dma_wait3A_762, %dma_wait3A_763] : memref<16x8x8x512xf32, #tpu.memory_space<vmem_shared>> -> memref<1x8x8x1xf32, #tpu.memory_space<vmem_shared>>
      %dma_wait3A_765 = tpu.memref_squeeze %dma_wait3A_764 : memref<1x8x8x1xf32, #tpu.memory_space<vmem_shared>> -> memref<8x8x1xf32, #tpu.memory_space<vmem_shared>>
      %dma_wait3A_766 = arith.constant 0 : i32
      %dma_wait3A_767 = arith.constant 0 : i32
      %dma_wait3A_768 = arith.constant 0 : i32
      %dma_wait3A_769 = tpu.memref_slice %arg7[%dma_wait3A_766, %dma_wait3A_767, %dma_wait3A_768] : memref<8x8x128xf32, #tpu.memory_space<vmem>> -> memref<8x8x1xf32, #tpu.memory_space<vmem>>
      tpu.wait_dma2 semaphore(%arg23 : memref<!tpu.dma_semaphore, #tpu.memory_space<semaphore_mem>>) src(%dma_wait3A_769 : memref<8x8x1xf32, #tpu.memory_space<vmem>>) dst(%dma_wait3A_765 : memref<8x8x1xf32, #tpu.memory_space<vmem_shared>>)
      %slice3A_770 = vector.extract_strided_slice %get3A_190 {offsets = [1], sizes = [1], strides = [1]} : vector<16xi32> to vector<1xi32>
      %squeeze3A_771 = vector.extract %slice3A_770[0] : i32 from vector<1xi32>
      %shift_right_arithmetic3A_772 = arith.constant 7 : i32
      %shift_right_arithmetic3A_773 = arith.shrsi %squeeze3A_771, %shift_right_arithmetic3A_772 : i32
      %mul3A_774 = arith.constant 128 : i32
      %mul3A_775 = arith.muli %shift_right_arithmetic3A_773, %mul3A_774 : i32
      %multiple_of3A_776 = tpu.assume_multiple %mul3A_775, 128 : i32
      %dma_start3A_777 = arith.constant 0 : i32
      %dma_start3A_778 = arith.constant 0 : i32
      %dma_start3A_779 = tpu.memref_slice %arg3[%dma_start3A_777, %dma_start3A_778, %multiple_of3A_776] : memref<8x8x1000000xf32, #tpu.memory_space<hbm>> -> memref<8x8x128xf32, #tpu.memory_space<hbm>>
      %dma_start3A_780 = arith.constant 0 : i32
      %dma_start3A_781 = arith.constant 0 : i32
      %dma_start3A_782 = tpu.memref_slice %arg3[%dma_start3A_780, %dma_start3A_781, %multiple_of3A_776] : memref<8x8x1000000xf32, #tpu.memory_space<hbm>> -> memref<8x8x128xf32, #tpu.memory_space<hbm>>
      tpu.enqueue_dma source(%dma_start3A_782 : memref<8x8x128xf32, #tpu.memory_space<hbm>>) target(%arg7 : memref<8x8x128xf32, #tpu.memory_space<vmem>>) target_semaphore(%arg16 : memref<!tpu.dma_semaphore, #tpu.memory_space<semaphore_mem>>)
      %mul3A_783 = arith.constant 16 : i32
      %mul3A_784 = arith.muli %scan3A_178, %mul3A_783 : i32
      %add3A_785 = arith.constant 10 : i32
      %add3A_786 = arith.addi %mul3A_784, %add3A_785 : i32
      %dma_wait3A_787 = arith.constant 0 : i32
      %dma_wait3A_788 = arith.constant 0 : i32
      %dma_wait3A_789 = arith.constant 0 : i32
      %dma_wait3A_790 = tpu.memref_slice %arg3[%dma_wait3A_787, %dma_wait3A_788, %dma_wait3A_789] : memref<8x8x1000000xf32, #tpu.memory_space<hbm>> -> memref<8x8x128xf32, #tpu.memory_space<hbm>>
      %dma_wait3A_791 = arith.constant 0 : i32
      %dma_wait3A_792 = arith.constant 0 : i32
      %dma_wait3A_793 = arith.constant 0 : i32
      %dma_wait3A_794 = tpu.memref_slice %arg3[%dma_wait3A_791, %dma_wait3A_792, %dma_wait3A_793] : memref<8x8x1000000xf32, #tpu.memory_space<hbm>> -> memref<8x8x128xf32, #tpu.memory_space<hbm>>
      tpu.wait_dma2 semaphore(%arg17 : memref<!tpu.dma_semaphore, #tpu.memory_space<semaphore_mem>>) src(%dma_wait3A_794 : memref<8x8x128xf32, #tpu.memory_space<hbm>>) dst(%arg8 : memref<8x8x128xf32, #tpu.memory_space<vmem>>)
      %slice3A_795 = vector.extract_strided_slice %and3A_192 {offsets = [10], sizes = [1], strides = [1]} : vector<16xi32> to vector<1xi32>
      %squeeze3A_796 = vector.extract %slice3A_795[0] : i32 from vector<1xi32>
      %dma_start3A_797 = arith.constant 0 : i32
      %dma_start3A_798 = arith.constant 0 : i32
      %dma_start3A_799 = tpu.memref_slice %arg8[%dma_start3A_797, %dma_start3A_798, %squeeze3A_796] : memref<8x8x128xf32, #tpu.memory_space<vmem>> -> memref<8x8x1xf32, #tpu.memory_space<vmem>>
      %dma_start3A_800 = arith.constant 0 : i32
      %dma_start3A_801 = arith.constant 0 : i32
      %dma_start3A_802 = tpu.memref_slice %arg14[%arg1, %dma_start3A_800, %dma_start3A_801, %add3A_786] : memref<16x8x8x512xf32, #tpu.memory_space<vmem_shared>> -> memref<1x8x8x1xf32, #tpu.memory_space<vmem_shared>>
      %dma_start3A_803 = tpu.memref_squeeze %dma_start3A_802 : memref<1x8x8x1xf32, #tpu.memory_space<vmem_shared>> -> memref<8x8x1xf32, #tpu.memory_space<vmem_shared>>
      %dma_start3A_804 = arith.constant 0 : i32
      %dma_start3A_805 = arith.constant 0 : i32
      %dma_start3A_806 = tpu.memref_slice %arg14[%arg1, %dma_start3A_804, %dma_start3A_805, %add3A_786] : memref<16x8x8x512xf32, #tpu.memory_space<vmem_shared>> -> memref<1x8x8x1xf32, #tpu.memory_space<vmem_shared>>
      %dma_start3A_807 = tpu.memref_squeeze %dma_start3A_806 : memref<1x8x8x1xf32, #tpu.memory_space<vmem_shared>> -> memref<8x8x1xf32, #tpu.memory_space<vmem_shared>>
      %dma_start3A_808 = arith.constant 0 : i32
      %dma_start3A_809 = arith.constant 0 : i32
      %dma_start3A_810 = tpu.memref_slice %arg8[%dma_start3A_808, %dma_start3A_809, %squeeze3A_796] : memref<8x8x128xf32, #tpu.memory_space<vmem>> -> memref<8x8x1xf32, #tpu.memory_space<vmem>>
      tpu.enqueue_dma source(%dma_start3A_810 : memref<8x8x1xf32, #tpu.memory_space<vmem>>) target(%dma_start3A_807 : memref<8x8x1xf32, #tpu.memory_space<vmem_shared>>) target_semaphore(%arg23 : memref<!tpu.dma_semaphore, #tpu.memory_space<semaphore_mem>>)
      %dma_wait3A_811 = arith.constant 0 : i32
      %dma_wait3A_812 = arith.constant 0 : i32
      %dma_wait3A_813 = arith.constant 0 : i32
      %dma_wait3A_814 = tpu.memref_slice %arg8[%dma_wait3A_811, %dma_wait3A_812, %dma_wait3A_813] : memref<8x8x128xf32, #tpu.memory_space<vmem>> -> memref<8x8x1xf32, #tpu.memory_space<vmem>>
      %dma_wait3A_815 = arith.constant 0 : i32
      %dma_wait3A_816 = arith.constant 0 : i32
      %dma_wait3A_817 = arith.constant 0 : i32
      %dma_wait3A_818 = tpu.memref_slice %arg14[%arg1, %dma_wait3A_815, %dma_wait3A_816, %dma_wait3A_817] : memref<16x8x8x512xf32, #tpu.memory_space<vmem_shared>> -> memref<1x8x8x1xf32, #tpu.memory_space<vmem_shared>>
      %dma_wait3A_819 = tpu.memref_squeeze %dma_wait3A_818 : memref<1x8x8x1xf32, #tpu.memory_space<vmem_shared>> -> memref<8x8x1xf32, #tpu.memory_space<vmem_shared>>
      %dma_wait3A_820 = arith.constant 0 : i32
      %dma_wait3A_821 = arith.constant 0 : i32
      %dma_wait3A_822 = arith.constant 0 : i32
      %dma_wait3A_823 = tpu.memref_slice %arg14[%arg1, %dma_wait3A_820, %dma_wait3A_821, %dma_wait3A_822] : memref<16x8x8x512xf32, #tpu.memory_space<vmem_shared>> -> memref<1x8x8x1xf32, #tpu.memory_space<vmem_shared>>
      %dma_wait3A_824 = tpu.memref_squeeze %dma_wait3A_823 : memref<1x8x8x1xf32, #tpu.memory_space<vmem_shared>> -> memref<8x8x1xf32, #tpu.memory_space<vmem_shared>>
      %dma_wait3A_825 = arith.constant 0 : i32
      %dma_wait3A_826 = arith.constant 0 : i32
      %dma_wait3A_827 = arith.constant 0 : i32
      %dma_wait3A_828 = tpu.memref_slice %arg8[%dma_wait3A_825, %dma_wait3A_826, %dma_wait3A_827] : memref<8x8x128xf32, #tpu.memory_space<vmem>> -> memref<8x8x1xf32, #tpu.memory_space<vmem>>
      tpu.wait_dma2 semaphore(%arg23 : memref<!tpu.dma_semaphore, #tpu.memory_space<semaphore_mem>>) src(%dma_wait3A_828 : memref<8x8x1xf32, #tpu.memory_space<vmem>>) dst(%dma_wait3A_824 : memref<8x8x1xf32, #tpu.memory_space<vmem_shared>>)
      %slice3A_829 = vector.extract_strided_slice %get3A_190 {offsets = [2], sizes = [1], strides = [1]} : vector<16xi32> to vector<1xi32>
      %squeeze3A_830 = vector.extract %slice3A_829[0] : i32 from vector<1xi32>
      %shift_right_arithmetic3A_831 = arith.constant 7 : i32
      %shift_right_arithmetic3A_832 = arith.shrsi %squeeze3A_830, %shift_right_arithmetic3A_831 : i32
      %mul3A_833 = arith.constant 128 : i32
      %mul3A_834 = arith.muli %shift_right_arithmetic3A_832, %mul3A_833 : i32
      %multiple_of3A_835 = tpu.assume_multiple %mul3A_834, 128 : i32
      %dma_start3A_836 = arith.constant 0 : i32
      %dma_start3A_837 = arith.constant 0 : i32
      %dma_start3A_838 = tpu.memref_slice %arg3[%dma_start3A_836, %dma_start3A_837, %multiple_of3A_835] : memref<8x8x1000000xf32, #tpu.memory_space<hbm>> -> memref<8x8x128xf32, #tpu.memory_space<hbm>>
      %dma_start3A_839 = arith.constant 0 : i32
      %dma_start3A_840 = arith.constant 0 : i32
      %dma_start3A_841 = tpu.memref_slice %arg3[%dma_start3A_839, %dma_start3A_840, %multiple_of3A_835] : memref<8x8x1000000xf32, #tpu.memory_space<hbm>> -> memref<8x8x128xf32, #tpu.memory_space<hbm>>
      tpu.enqueue_dma source(%dma_start3A_841 : memref<8x8x128xf32, #tpu.memory_space<hbm>>) target(%arg8 : memref<8x8x128xf32, #tpu.memory_space<vmem>>) target_semaphore(%arg17 : memref<!tpu.dma_semaphore, #tpu.memory_space<semaphore_mem>>)
      %mul3A_842 = arith.constant 16 : i32
      %mul3A_843 = arith.muli %scan3A_178, %mul3A_842 : i32
      %add3A_844 = arith.constant 11 : i32
      %add3A_845 = arith.addi %mul3A_843, %add3A_844 : i32
      %dma_wait3A_846 = arith.constant 0 : i32
      %dma_wait3A_847 = arith.constant 0 : i32
      %dma_wait3A_848 = arith.constant 0 : i32
      %dma_wait3A_849 = tpu.memref_slice %arg3[%dma_wait3A_846, %dma_wait3A_847, %dma_wait3A_848] : memref<8x8x1000000xf32, #tpu.memory_space<hbm>> -> memref<8x8x128xf32, #tpu.memory_space<hbm>>
      %dma_wait3A_850 = arith.constant 0 : i32
      %dma_wait3A_851 = arith.constant 0 : i32
      %dma_wait3A_852 = arith.constant 0 : i32
      %dma_wait3A_853 = tpu.memref_slice %arg3[%dma_wait3A_850, %dma_wait3A_851, %dma_wait3A_852] : memref<8x8x1000000xf32, #tpu.memory_space<hbm>> -> memref<8x8x128xf32, #tpu.memory_space<hbm>>
      tpu.wait_dma2 semaphore(%arg18 : memref<!tpu.dma_semaphore, #tpu.memory_space<semaphore_mem>>) src(%dma_wait3A_853 : memref<8x8x128xf32, #tpu.memory_space<hbm>>) dst(%arg9 : memref<8x8x128xf32, #tpu.memory_space<vmem>>)
      %slice3A_854 = vector.extract_strided_slice %and3A_192 {offsets = [11], sizes = [1], strides = [1]} : vector<16xi32> to vector<1xi32>
      %squeeze3A_855 = vector.extract %slice3A_854[0] : i32 from vector<1xi32>
      %dma_start3A_856 = arith.constant 0 : i32
      %dma_start3A_857 = arith.constant 0 : i32
      %dma_start3A_858 = tpu.memref_slice %arg9[%dma_start3A_856, %dma_start3A_857, %squeeze3A_855] : memref<8x8x128xf32, #tpu.memory_space<vmem>> -> memref<8x8x1xf32, #tpu.memory_space<vmem>>
      %dma_start3A_859 = arith.constant 0 : i32
      %dma_start3A_860 = arith.constant 0 : i32
      %dma_start3A_861 = tpu.memref_slice %arg14[%arg1, %dma_start3A_859, %dma_start3A_860, %add3A_845] : memref<16x8x8x512xf32, #tpu.memory_space<vmem_shared>> -> memref<1x8x8x1xf32, #tpu.memory_space<vmem_shared>>
      %dma_start3A_862 = tpu.memref_squeeze %dma_start3A_861 : memref<1x8x8x1xf32, #tpu.memory_space<vmem_shared>> -> memref<8x8x1xf32, #tpu.memory_space<vmem_shared>>
      %dma_start3A_863 = arith.constant 0 : i32
      %dma_start3A_864 = arith.constant 0 : i32
      %dma_start3A_865 = tpu.memref_slice %arg14[%arg1, %dma_start3A_863, %dma_start3A_864, %add3A_845] : memref<16x8x8x512xf32, #tpu.memory_space<vmem_shared>> -> memref<1x8x8x1xf32, #tpu.memory_space<vmem_shared>>
      %dma_start3A_866 = tpu.memref_squeeze %dma_start3A_865 : memref<1x8x8x1xf32, #tpu.memory_space<vmem_shared>> -> memref<8x8x1xf32, #tpu.memory_space<vmem_shared>>
      %dma_start3A_867 = arith.constant 0 : i32
      %dma_start3A_868 = arith.constant 0 : i32
      %dma_start3A_869 = tpu.memref_slice %arg9[%dma_start3A_867, %dma_start3A_868, %squeeze3A_855] : memref<8x8x128xf32, #tpu.memory_space<vmem>> -> memref<8x8x1xf32, #tpu.memory_space<vmem>>
      tpu.enqueue_dma source(%dma_start3A_869 : memref<8x8x1xf32, #tpu.memory_space<vmem>>) target(%dma_start3A_866 : memref<8x8x1xf32, #tpu.memory_space<vmem_shared>>) target_semaphore(%arg23 : memref<!tpu.dma_semaphore, #tpu.memory_space<semaphore_mem>>)
      %dma_wait3A_870 = arith.constant 0 : i32
      %dma_wait3A_871 = arith.constant 0 : i32
      %dma_wait3A_872 = arith.constant 0 : i32
      %dma_wait3A_873 = tpu.memref_slice %arg9[%dma_wait3A_870, %dma_wait3A_871, %dma_wait3A_872] : memref<8x8x128xf32, #tpu.memory_space<vmem>> -> memref<8x8x1xf32, #tpu.memory_space<vmem>>
      %dma_wait3A_874 = arith.constant 0 : i32
      %dma_wait3A_875 = arith.constant 0 : i32
      %dma_wait3A_876 = arith.constant 0 : i32
      %dma_wait3A_877 = tpu.memref_slice %arg14[%arg1, %dma_wait3A_874, %dma_wait3A_875, %dma_wait3A_876] : memref<16x8x8x512xf32, #tpu.memory_space<vmem_shared>> -> memref<1x8x8x1xf32, #tpu.memory_space<vmem_shared>>
      %dma_wait3A_878 = tpu.memref_squeeze %dma_wait3A_877 : memref<1x8x8x1xf32, #tpu.memory_space<vmem_shared>> -> memref<8x8x1xf32, #tpu.memory_space<vmem_shared>>
      %dma_wait3A_879 = arith.constant 0 : i32
      %dma_wait3A_880 = arith.constant 0 : i32
      %dma_wait3A_881 = arith.constant 0 : i32
      %dma_wait3A_882 = tpu.memref_slice %arg14[%arg1, %dma_wait3A_879, %dma_wait3A_880, %dma_wait3A_881] : memref<16x8x8x512xf32, #tpu.memory_space<vmem_shared>> -> memref<1x8x8x1xf32, #tpu.memory_space<vmem_shared>>
      %dma_wait3A_883 = tpu.memref_squeeze %dma_wait3A_882 : memref<1x8x8x1xf32, #tpu.memory_space<vmem_shared>> -> memref<8x8x1xf32, #tpu.memory_space<vmem_shared>>
      %dma_wait3A_884 = arith.constant 0 : i32
      %dma_wait3A_885 = arith.constant 0 : i32
      %dma_wait3A_886 = arith.constant 0 : i32
      %dma_wait3A_887 = tpu.memref_slice %arg9[%dma_wait3A_884, %dma_wait3A_885, %dma_wait3A_886] : memref<8x8x128xf32, #tpu.memory_space<vmem>> -> memref<8x8x1xf32, #tpu.memory_space<vmem>>
      tpu.wait_dma2 semaphore(%arg23 : memref<!tpu.dma_semaphore, #tpu.memory_space<semaphore_mem>>) src(%dma_wait3A_887 : memref<8x8x1xf32, #tpu.memory_space<vmem>>) dst(%dma_wait3A_883 : memref<8x8x1xf32, #tpu.memory_space<vmem_shared>>)
      %slice3A_888 = vector.extract_strided_slice %get3A_190 {offsets = [3], sizes = [1], strides = [1]} : vector<16xi32> to vector<1xi32>
      %squeeze3A_889 = vector.extract %slice3A_888[0] : i32 from vector<1xi32>
      %shift_right_arithmetic3A_890 = arith.constant 7 : i32
      %shift_right_arithmetic3A_891 = arith.shrsi %squeeze3A_889, %shift_right_arithmetic3A_890 : i32
      %mul3A_892 = arith.constant 128 : i32
      %mul3A_893 = arith.muli %shift_right_arithmetic3A_891, %mul3A_892 : i32
      %multiple_of3A_894 = tpu.assume_multiple %mul3A_893, 128 : i32
      %dma_start3A_895 = arith.constant 0 : i32
      %dma_start3A_896 = arith.constant 0 : i32
      %dma_start3A_897 = tpu.memref_slice %arg3[%dma_start3A_895, %dma_start3A_896, %multiple_of3A_894] : memref<8x8x1000000xf32, #tpu.memory_space<hbm>> -> memref<8x8x128xf32, #tpu.memory_space<hbm>>
      %dma_start3A_898 = arith.constant 0 : i32
      %dma_start3A_899 = arith.constant 0 : i32
      %dma_start3A_900 = tpu.memref_slice %arg3[%dma_start3A_898, %dma_start3A_899, %multiple_of3A_894] : memref<8x8x1000000xf32, #tpu.memory_space<hbm>> -> memref<8x8x128xf32, #tpu.memory_space<hbm>>
      tpu.enqueue_dma source(%dma_start3A_900 : memref<8x8x128xf32, #tpu.memory_space<hbm>>) target(%arg9 : memref<8x8x128xf32, #tpu.memory_space<vmem>>) target_semaphore(%arg18 : memref<!tpu.dma_semaphore, #tpu.memory_space<semaphore_mem>>)
      %mul3A_901 = arith.constant 16 : i32
      %mul3A_902 = arith.muli %scan3A_178, %mul3A_901 : i32
      %add3A_903 = arith.constant 12 : i32
      %add3A_904 = arith.addi %mul3A_902, %add3A_903 : i32
      %dma_wait3A_905 = arith.constant 0 : i32
      %dma_wait3A_906 = arith.constant 0 : i32
      %dma_wait3A_907 = arith.constant 0 : i32
      %dma_wait3A_908 = tpu.memref_slice %arg3[%dma_wait3A_905, %dma_wait3A_906, %dma_wait3A_907] : memref<8x8x1000000xf32, #tpu.memory_space<hbm>> -> memref<8x8x128xf32, #tpu.memory_space<hbm>>
      %dma_wait3A_909 = arith.constant 0 : i32
      %dma_wait3A_910 = arith.constant 0 : i32
      %dma_wait3A_911 = arith.constant 0 : i32
      %dma_wait3A_912 = tpu.memref_slice %arg3[%dma_wait3A_909, %dma_wait3A_910, %dma_wait3A_911] : memref<8x8x1000000xf32, #tpu.memory_space<hbm>> -> memref<8x8x128xf32, #tpu.memory_space<hbm>>
      tpu.wait_dma2 semaphore(%arg19 : memref<!tpu.dma_semaphore, #tpu.memory_space<semaphore_mem>>) src(%dma_wait3A_912 : memref<8x8x128xf32, #tpu.memory_space<hbm>>) dst(%arg10 : memref<8x8x128xf32, #tpu.memory_space<vmem>>)
      %slice3A_913 = vector.extract_strided_slice %and3A_192 {offsets = [12], sizes = [1], strides = [1]} : vector<16xi32> to vector<1xi32>
      %squeeze3A_914 = vector.extract %slice3A_913[0] : i32 from vector<1xi32>
      %dma_start3A_915 = arith.constant 0 : i32
      %dma_start3A_916 = arith.constant 0 : i32
      %dma_start3A_917 = tpu.memref_slice %arg10[%dma_start3A_915, %dma_start3A_916, %squeeze3A_914] : memref<8x8x128xf32, #tpu.memory_space<vmem>> -> memref<8x8x1xf32, #tpu.memory_space<vmem>>
      %dma_start3A_918 = arith.constant 0 : i32
      %dma_start3A_919 = arith.constant 0 : i32
      %dma_start3A_920 = tpu.memref_slice %arg14[%arg1, %dma_start3A_918, %dma_start3A_919, %add3A_904] : memref<16x8x8x512xf32, #tpu.memory_space<vmem_shared>> -> memref<1x8x8x1xf32, #tpu.memory_space<vmem_shared>>
      %dma_start3A_921 = tpu.memref_squeeze %dma_start3A_920 : memref<1x8x8x1xf32, #tpu.memory_space<vmem_shared>> -> memref<8x8x1xf32, #tpu.memory_space<vmem_shared>>
      %dma_start3A_922 = arith.constant 0 : i32
      %dma_start3A_923 = arith.constant 0 : i32
      %dma_start3A_924 = tpu.memref_slice %arg14[%arg1, %dma_start3A_922, %dma_start3A_923, %add3A_904] : memref<16x8x8x512xf32, #tpu.memory_space<vmem_shared>> -> memref<1x8x8x1xf32, #tpu.memory_space<vmem_shared>>
      %dma_start3A_925 = tpu.memref_squeeze %dma_start3A_924 : memref<1x8x8x1xf32, #tpu.memory_space<vmem_shared>> -> memref<8x8x1xf32, #tpu.memory_space<vmem_shared>>
      %dma_start3A_926 = arith.constant 0 : i32
      %dma_start3A_927 = arith.constant 0 : i32
      %dma_start3A_928 = tpu.memref_slice %arg10[%dma_start3A_926, %dma_start3A_927, %squeeze3A_914] : memref<8x8x128xf32, #tpu.memory_space<vmem>> -> memref<8x8x1xf32, #tpu.memory_space<vmem>>
      tpu.enqueue_dma source(%dma_start3A_928 : memref<8x8x1xf32, #tpu.memory_space<vmem>>) target(%dma_start3A_925 : memref<8x8x1xf32, #tpu.memory_space<vmem_shared>>) target_semaphore(%arg23 : memref<!tpu.dma_semaphore, #tpu.memory_space<semaphore_mem>>)
      %dma_wait3A_929 = arith.constant 0 : i32
      %dma_wait3A_930 = arith.constant 0 : i32
      %dma_wait3A_931 = arith.constant 0 : i32
      %dma_wait3A_932 = tpu.memref_slice %arg10[%dma_wait3A_929, %dma_wait3A_930, %dma_wait3A_931] : memref<8x8x128xf32, #tpu.memory_space<vmem>> -> memref<8x8x1xf32, #tpu.memory_space<vmem>>
      %dma_wait3A_933 = arith.constant 0 : i32
      %dma_wait3A_934 = arith.constant 0 : i32
      %dma_wait3A_935 = arith.constant 0 : i32
      %dma_wait3A_936 = tpu.memref_slice %arg14[%arg1, %dma_wait3A_933, %dma_wait3A_934, %dma_wait3A_935] : memref<16x8x8x512xf32, #tpu.memory_space<vmem_shared>> -> memref<1x8x8x1xf32, #tpu.memory_space<vmem_shared>>
      %dma_wait3A_937 = tpu.memref_squeeze %dma_wait3A_936 : memref<1x8x8x1xf32, #tpu.memory_space<vmem_shared>> -> memref<8x8x1xf32, #tpu.memory_space<vmem_shared>>
      %dma_wait3A_938 = arith.constant 0 : i32
      %dma_wait3A_939 = arith.constant 0 : i32
      %dma_wait3A_940 = arith.constant 0 : i32
      %dma_wait3A_941 = tpu.memref_slice %arg14[%arg1, %dma_wait3A_938, %dma_wait3A_939, %dma_wait3A_940] : memref<16x8x8x512xf32, #tpu.memory_space<vmem_shared>> -> memref<1x8x8x1xf32, #tpu.memory_space<vmem_shared>>
      %dma_wait3A_942 = tpu.memref_squeeze %dma_wait3A_941 : memref<1x8x8x1xf32, #tpu.memory_space<vmem_shared>> -> memref<8x8x1xf32, #tpu.memory_space<vmem_shared>>
      %dma_wait3A_943 = arith.constant 0 : i32
      %dma_wait3A_944 = arith.constant 0 : i32
      %dma_wait3A_945 = arith.constant 0 : i32
      %dma_wait3A_946 = tpu.memref_slice %arg10[%dma_wait3A_943, %dma_wait3A_944, %dma_wait3A_945] : memref<8x8x128xf32, #tpu.memory_space<vmem>> -> memref<8x8x1xf32, #tpu.memory_space<vmem>>
      tpu.wait_dma2 semaphore(%arg23 : memref<!tpu.dma_semaphore, #tpu.memory_space<semaphore_mem>>) src(%dma_wait3A_946 : memref<8x8x1xf32, #tpu.memory_space<vmem>>) dst(%dma_wait3A_942 : memref<8x8x1xf32, #tpu.memory_space<vmem_shared>>)
      %slice3A_947 = vector.extract_strided_slice %get3A_190 {offsets = [4], sizes = [1], strides = [1]} : vector<16xi32> to vector<1xi32>
      %squeeze3A_948 = vector.extract %slice3A_947[0] : i32 from vector<1xi32>
      %shift_right_arithmetic3A_949 = arith.constant 7 : i32
      %shift_right_arithmetic3A_950 = arith.shrsi %squeeze3A_948, %shift_right_arithmetic3A_949 : i32
      %mul3A_951 = arith.constant 128 : i32
      %mul3A_952 = arith.muli %shift_right_arithmetic3A_950, %mul3A_951 : i32
      %multiple_of3A_953 = tpu.assume_multiple %mul3A_952, 128 : i32
      %dma_start3A_954 = arith.constant 0 : i32
      %dma_start3A_955 = arith.constant 0 : i32
      %dma_start3A_956 = tpu.memref_slice %arg3[%dma_start3A_954, %dma_start3A_955, %multiple_of3A_953] : memref<8x8x1000000xf32, #tpu.memory_space<hbm>> -> memref<8x8x128xf32, #tpu.memory_space<hbm>>
      %dma_start3A_957 = arith.constant 0 : i32
      %dma_start3A_958 = arith.constant 0 : i32
      %dma_start3A_959 = tpu.memref_slice %arg3[%dma_start3A_957, %dma_start3A_958, %multiple_of3A_953] : memref<8x8x1000000xf32, #tpu.memory_space<hbm>> -> memref<8x8x128xf32, #tpu.memory_space<hbm>>
      tpu.enqueue_dma source(%dma_start3A_959 : memref<8x8x128xf32, #tpu.memory_space<hbm>>) target(%arg10 : memref<8x8x128xf32, #tpu.memory_space<vmem>>) target_semaphore(%arg19 : memref<!tpu.dma_semaphore, #tpu.memory_space<semaphore_mem>>)
      %mul3A_960 = arith.constant 16 : i32
      %mul3A_961 = arith.muli %scan3A_178, %mul3A_960 : i32
      %add3A_962 = arith.constant 13 : i32
      %add3A_963 = arith.addi %mul3A_961, %add3A_962 : i32
      %dma_wait3A_964 = arith.constant 0 : i32
      %dma_wait3A_965 = arith.constant 0 : i32
      %dma_wait3A_966 = arith.constant 0 : i32
      %dma_wait3A_967 = tpu.memref_slice %arg3[%dma_wait3A_964, %dma_wait3A_965, %dma_wait3A_966] : memref<8x8x1000000xf32, #tpu.memory_space<hbm>> -> memref<8x8x128xf32, #tpu.memory_space<hbm>>
      %dma_wait3A_968 = arith.constant 0 : i32
      %dma_wait3A_969 = arith.constant 0 : i32
      %dma_wait3A_970 = arith.constant 0 : i32
      %dma_wait3A_971 = tpu.memref_slice %arg3[%dma_wait3A_968, %dma_wait3A_969, %dma_wait3A_970] : memref<8x8x1000000xf32, #tpu.memory_space<hbm>> -> memref<8x8x128xf32, #tpu.memory_space<hbm>>
      tpu.wait_dma2 semaphore(%arg20 : memref<!tpu.dma_semaphore, #tpu.memory_space<semaphore_mem>>) src(%dma_wait3A_971 : memref<8x8x128xf32, #tpu.memory_space<hbm>>) dst(%arg11 : memref<8x8x128xf32, #tpu.memory_space<vmem>>)
      %slice3A_972 = vector.extract_strided_slice %and3A_192 {offsets = [13], sizes = [1], strides = [1]} : vector<16xi32> to vector<1xi32>
      %squeeze3A_973 = vector.extract %slice3A_972[0] : i32 from vector<1xi32>
      %dma_start3A_974 = arith.constant 0 : i32
      %dma_start3A_975 = arith.constant 0 : i32
      %dma_start3A_976 = tpu.memref_slice %arg11[%dma_start3A_974, %dma_start3A_975, %squeeze3A_973] : memref<8x8x128xf32, #tpu.memory_space<vmem>> -> memref<8x8x1xf32, #tpu.memory_space<vmem>>
      %dma_start3A_977 = arith.constant 0 : i32
      %dma_start3A_978 = arith.constant 0 : i32
      %dma_start3A_979 = tpu.memref_slice %arg14[%arg1, %dma_start3A_977, %dma_start3A_978, %add3A_963] : memref<16x8x8x512xf32, #tpu.memory_space<vmem_shared>> -> memref<1x8x8x1xf32, #tpu.memory_space<vmem_shared>>
      %dma_start3A_980 = tpu.memref_squeeze %dma_start3A_979 : memref<1x8x8x1xf32, #tpu.memory_space<vmem_shared>> -> memref<8x8x1xf32, #tpu.memory_space<vmem_shared>>
      %dma_start3A_981 = arith.constant 0 : i32
      %dma_start3A_982 = arith.constant 0 : i32
      %dma_start3A_983 = tpu.memref_slice %arg14[%arg1, %dma_start3A_981, %dma_start3A_982, %add3A_963] : memref<16x8x8x512xf32, #tpu.memory_space<vmem_shared>> -> memref<1x8x8x1xf32, #tpu.memory_space<vmem_shared>>
      %dma_start3A_984 = tpu.memref_squeeze %dma_start3A_983 : memref<1x8x8x1xf32, #tpu.memory_space<vmem_shared>> -> memref<8x8x1xf32, #tpu.memory_space<vmem_shared>>
      %dma_start3A_985 = arith.constant 0 : i32
      %dma_start3A_986 = arith.constant 0 : i32
      %dma_start3A_987 = tpu.memref_slice %arg11[%dma_start3A_985, %dma_start3A_986, %squeeze3A_973] : memref<8x8x128xf32, #tpu.memory_space<vmem>> -> memref<8x8x1xf32, #tpu.memory_space<vmem>>
      tpu.enqueue_dma source(%dma_start3A_987 : memref<8x8x1xf32, #tpu.memory_space<vmem>>) target(%dma_start3A_984 : memref<8x8x1xf32, #tpu.memory_space<vmem_shared>>) target_semaphore(%arg23 : memref<!tpu.dma_semaphore, #tpu.memory_space<semaphore_mem>>)
      %dma_wait3A_988 = arith.constant 0 : i32
      %dma_wait3A_989 = arith.constant 0 : i32
      %dma_wait3A_990 = arith.constant 0 : i32
      %dma_wait3A_991 = tpu.memref_slice %arg11[%dma_wait3A_988, %dma_wait3A_989, %dma_wait3A_990] : memref<8x8x128xf32, #tpu.memory_space<vmem>> -> memref<8x8x1xf32, #tpu.memory_space<vmem>>
      %dma_wait3A_992 = arith.constant 0 : i32
      %dma_wait3A_993 = arith.constant 0 : i32
      %dma_wait3A_994 = arith.constant 0 : i32
      %dma_wait3A_995 = tpu.memref_slice %arg14[%arg1, %dma_wait3A_992, %dma_wait3A_993, %dma_wait3A_994] : memref<16x8x8x512xf32, #tpu.memory_space<vmem_shared>> -> memref<1x8x8x1xf32, #tpu.memory_space<vmem_shared>>
      %dma_wait3A_996 = tpu.memref_squeeze %dma_wait3A_995 : memref<1x8x8x1xf32, #tpu.memory_space<vmem_shared>> -> memref<8x8x1xf32, #tpu.memory_space<vmem_shared>>
      %dma_wait3A_997 = arith.constant 0 : i32
      %dma_wait3A_998 = arith.constant 0 : i32
      %dma_wait3A_999 = arith.constant 0 : i32
      %dma_wait3A_1000 = tpu.memref_slice %arg14[%arg1, %dma_wait3A_997, %dma_wait3A_998, %dma_wait3A_999] : memref<16x8x8x512xf32, #tpu.memory_space<vmem_shared>> -> memref<1x8x8x1xf32, #tpu.memory_space<vmem_shared>>
      %dma_wait3A_1001 = tpu.memref_squeeze %dma_wait3A_1000 : memref<1x8x8x1xf32, #tpu.memory_space<vmem_shared>> -> memref<8x8x1xf32, #tpu.memory_space<vmem_shared>>
      %dma_wait3A_1002 = arith.constant 0 : i32
      %dma_wait3A_1003 = arith.constant 0 : i32
      %dma_wait3A_1004 = arith.constant 0 : i32
      %dma_wait3A_1005 = tpu.memref_slice %arg11[%dma_wait3A_1002, %dma_wait3A_1003, %dma_wait3A_1004] : memref<8x8x128xf32, #tpu.memory_space<vmem>> -> memref<8x8x1xf32, #tpu.memory_space<vmem>>
      tpu.wait_dma2 semaphore(%arg23 : memref<!tpu.dma_semaphore, #tpu.memory_space<semaphore_mem>>) src(%dma_wait3A_1005 : memref<8x8x1xf32, #tpu.memory_space<vmem>>) dst(%dma_wait3A_1001 : memref<8x8x1xf32, #tpu.memory_space<vmem_shared>>)
      %slice3A_1006 = vector.extract_strided_slice %get3A_190 {offsets = [5], sizes = [1], strides = [1]} : vector<16xi32> to vector<1xi32>
      %squeeze3A_1007 = vector.extract %slice3A_1006[0] : i32 from vector<1xi32>
      %shift_right_arithmetic3A_1008 = arith.constant 7 : i32
      %shift_right_arithmetic3A_1009 = arith.shrsi %squeeze3A_1007, %shift_right_arithmetic3A_1008 : i32
      %mul3A_1010 = arith.constant 128 : i32
      %mul3A_1011 = arith.muli %shift_right_arithmetic3A_1009, %mul3A_1010 : i32
      %multiple_of3A_1012 = tpu.assume_multiple %mul3A_1011, 128 : i32
      %dma_start3A_1013 = arith.constant 0 : i32
      %dma_start3A_1014 = arith.constant 0 : i32
      %dma_start3A_1015 = tpu.memref_slice %arg3[%dma_start3A_1013, %dma_start3A_1014, %multiple_of3A_1012] : memref<8x8x1000000xf32, #tpu.memory_space<hbm>> -> memref<8x8x128xf32, #tpu.memory_space<hbm>>
      %dma_start3A_1016 = arith.constant 0 : i32
      %dma_start3A_1017 = arith.constant 0 : i32
      %dma_start3A_1018 = tpu.memref_slice %arg3[%dma_start3A_1016, %dma_start3A_1017, %multiple_of3A_1012] : memref<8x8x1000000xf32, #tpu.memory_space<hbm>> -> memref<8x8x128xf32, #tpu.memory_space<hbm>>
      tpu.enqueue_dma source(%dma_start3A_1018 : memref<8x8x128xf32, #tpu.memory_space<hbm>>) target(%arg11 : memref<8x8x128xf32, #tpu.memory_space<vmem>>) target_semaphore(%arg20 : memref<!tpu.dma_semaphore, #tpu.memory_space<semaphore_mem>>)
      %mul3A_1019 = arith.constant 16 : i32
      %mul3A_1020 = arith.muli %scan3A_178, %mul3A_1019 : i32
      %add3A_1021 = arith.constant 14 : i32
      %add3A_1022 = arith.addi %mul3A_1020, %add3A_1021 : i32
      %dma_wait3A_1023 = arith.constant 0 : i32
      %dma_wait3A_1024 = arith.constant 0 : i32
      %dma_wait3A_1025 = arith.constant 0 : i32
      %dma_wait3A_1026 = tpu.memref_slice %arg3[%dma_wait3A_1023, %dma_wait3A_1024, %dma_wait3A_1025] : memref<8x8x1000000xf32, #tpu.memory_space<hbm>> -> memref<8x8x128xf32, #tpu.memory_space<hbm>>
      %dma_wait3A_1027 = arith.constant 0 : i32
      %dma_wait3A_1028 = arith.constant 0 : i32
      %dma_wait3A_1029 = arith.constant 0 : i32
      %dma_wait3A_1030 = tpu.memref_slice %arg3[%dma_wait3A_1027, %dma_wait3A_1028, %dma_wait3A_1029] : memref<8x8x1000000xf32, #tpu.memory_space<hbm>> -> memref<8x8x128xf32, #tpu.memory_space<hbm>>
      tpu.wait_dma2 semaphore(%arg21 : memref<!tpu.dma_semaphore, #tpu.memory_space<semaphore_mem>>) src(%dma_wait3A_1030 : memref<8x8x128xf32, #tpu.memory_space<hbm>>) dst(%arg12 : memref<8x8x128xf32, #tpu.memory_space<vmem>>)
      %slice3A_1031 = vector.extract_strided_slice %and3A_192 {offsets = [14], sizes = [1], strides = [1]} : vector<16xi32> to vector<1xi32>
      %squeeze3A_1032 = vector.extract %slice3A_1031[0] : i32 from vector<1xi32>
      %dma_start3A_1033 = arith.constant 0 : i32
      %dma_start3A_1034 = arith.constant 0 : i32
      %dma_start3A_1035 = tpu.memref_slice %arg12[%dma_start3A_1033, %dma_start3A_1034, %squeeze3A_1032] : memref<8x8x128xf32, #tpu.memory_space<vmem>> -> memref<8x8x1xf32, #tpu.memory_space<vmem>>
      %dma_start3A_1036 = arith.constant 0 : i32
      %dma_start3A_1037 = arith.constant 0 : i32
      %dma_start3A_1038 = tpu.memref_slice %arg14[%arg1, %dma_start3A_1036, %dma_start3A_1037, %add3A_1022] : memref<16x8x8x512xf32, #tpu.memory_space<vmem_shared>> -> memref<1x8x8x1xf32, #tpu.memory_space<vmem_shared>>
      %dma_start3A_1039 = tpu.memref_squeeze %dma_start3A_1038 : memref<1x8x8x1xf32, #tpu.memory_space<vmem_shared>> -> memref<8x8x1xf32, #tpu.memory_space<vmem_shared>>
      %dma_start3A_1040 = arith.constant 0 : i32
      %dma_start3A_1041 = arith.constant 0 : i32
      %dma_start3A_1042 = tpu.memref_slice %arg14[%arg1, %dma_start3A_1040, %dma_start3A_1041, %add3A_1022] : memref<16x8x8x512xf32, #tpu.memory_space<vmem_shared>> -> memref<1x8x8x1xf32, #tpu.memory_space<vmem_shared>>
      %dma_start3A_1043 = tpu.memref_squeeze %dma_start3A_1042 : memref<1x8x8x1xf32, #tpu.memory_space<vmem_shared>> -> memref<8x8x1xf32, #tpu.memory_space<vmem_shared>>
      %dma_start3A_1044 = arith.constant 0 : i32
      %dma_start3A_1045 = arith.constant 0 : i32
      %dma_start3A_1046 = tpu.memref_slice %arg12[%dma_start3A_1044, %dma_start3A_1045, %squeeze3A_1032] : memref<8x8x128xf32, #tpu.memory_space<vmem>> -> memref<8x8x1xf32, #tpu.memory_space<vmem>>
      tpu.enqueue_dma source(%dma_start3A_1046 : memref<8x8x1xf32, #tpu.memory_space<vmem>>) target(%dma_start3A_1043 : memref<8x8x1xf32, #tpu.memory_space<vmem_shared>>) target_semaphore(%arg23 : memref<!tpu.dma_semaphore, #tpu.memory_space<semaphore_mem>>)
      %dma_wait3A_1047 = arith.constant 0 : i32
      %dma_wait3A_1048 = arith.constant 0 : i32
      %dma_wait3A_1049 = arith.constant 0 : i32
      %dma_wait3A_1050 = tpu.memref_slice %arg12[%dma_wait3A_1047, %dma_wait3A_1048, %dma_wait3A_1049] : memref<8x8x128xf32, #tpu.memory_space<vmem>> -> memref<8x8x1xf32, #tpu.memory_space<vmem>>
      %dma_wait3A_1051 = arith.constant 0 : i32
      %dma_wait3A_1052 = arith.constant 0 : i32
      %dma_wait3A_1053 = arith.constant 0 : i32
      %dma_wait3A_1054 = tpu.memref_slice %arg14[%arg1, %dma_wait3A_1051, %dma_wait3A_1052, %dma_wait3A_1053] : memref<16x8x8x512xf32, #tpu.memory_space<vmem_shared>> -> memref<1x8x8x1xf32, #tpu.memory_space<vmem_shared>>
      %dma_wait3A_1055 = tpu.memref_squeeze %dma_wait3A_1054 : memref<1x8x8x1xf32, #tpu.memory_space<vmem_shared>> -> memref<8x8x1xf32, #tpu.memory_space<vmem_shared>>
      %dma_wait3A_1056 = arith.constant 0 : i32
      %dma_wait3A_1057 = arith.constant 0 : i32
      %dma_wait3A_1058 = arith.constant 0 : i32
      %dma_wait3A_1059 = tpu.memref_slice %arg14[%arg1, %dma_wait3A_1056, %dma_wait3A_1057, %dma_wait3A_1058] : memref<16x8x8x512xf32, #tpu.memory_space<vmem_shared>> -> memref<1x8x8x1xf32, #tpu.memory_space<vmem_shared>>
      %dma_wait3A_1060 = tpu.memref_squeeze %dma_wait3A_1059 : memref<1x8x8x1xf32, #tpu.memory_space<vmem_shared>> -> memref<8x8x1xf32, #tpu.memory_space<vmem_shared>>
      %dma_wait3A_1061 = arith.constant 0 : i32
      %dma_wait3A_1062 = arith.constant 0 : i32
      %dma_wait3A_1063 = arith.constant 0 : i32
      %dma_wait3A_1064 = tpu.memref_slice %arg12[%dma_wait3A_1061, %dma_wait3A_1062, %dma_wait3A_1063] : memref<8x8x128xf32, #tpu.memory_space<vmem>> -> memref<8x8x1xf32, #tpu.memory_space<vmem>>
      tpu.wait_dma2 semaphore(%arg23 : memref<!tpu.dma_semaphore, #tpu.memory_space<semaphore_mem>>) src(%dma_wait3A_1064 : memref<8x8x1xf32, #tpu.memory_space<vmem>>) dst(%dma_wait3A_1060 : memref<8x8x1xf32, #tpu.memory_space<vmem_shared>>)
      %slice3A_1065 = vector.extract_strided_slice %get3A_190 {offsets = [6], sizes = [1], strides = [1]} : vector<16xi32> to vector<1xi32>
      %squeeze3A_1066 = vector.extract %slice3A_1065[0] : i32 from vector<1xi32>
      %shift_right_arithmetic3A_1067 = arith.constant 7 : i32
      %shift_right_arithmetic3A_1068 = arith.shrsi %squeeze3A_1066, %shift_right_arithmetic3A_1067 : i32
      %mul3A_1069 = arith.constant 128 : i32
      %mul3A_1070 = arith.muli %shift_right_arithmetic3A_1068, %mul3A_1069 : i32
      %multiple_of3A_1071 = tpu.assume_multiple %mul3A_1070, 128 : i32
      %dma_start3A_1072 = arith.constant 0 : i32
      %dma_start3A_1073 = arith.constant 0 : i32
      %dma_start3A_1074 = tpu.memref_slice %arg3[%dma_start3A_1072, %dma_start3A_1073, %multiple_of3A_1071] : memref<8x8x1000000xf32, #tpu.memory_space<hbm>> -> memref<8x8x128xf32, #tpu.memory_space<hbm>>
      %dma_start3A_1075 = arith.constant 0 : i32
      %dma_start3A_1076 = arith.constant 0 : i32
      %dma_start3A_1077 = tpu.memref_slice %arg3[%dma_start3A_1075, %dma_start3A_1076, %multiple_of3A_1071] : memref<8x8x1000000xf32, #tpu.memory_space<hbm>> -> memref<8x8x128xf32, #tpu.memory_space<hbm>>
      tpu.enqueue_dma source(%dma_start3A_1077 : memref<8x8x128xf32, #tpu.memory_space<hbm>>) target(%arg12 : memref<8x8x128xf32, #tpu.memory_space<vmem>>) target_semaphore(%arg21 : memref<!tpu.dma_semaphore, #tpu.memory_space<semaphore_mem>>)
      %mul3A_1078 = arith.constant 16 : i32
      %mul3A_1079 = arith.muli %scan3A_178, %mul3A_1078 : i32
      %add3A_1080 = arith.constant 15 : i32
      %add3A_1081 = arith.addi %mul3A_1079, %add3A_1080 : i32
      %dma_wait3A_1082 = arith.constant 0 : i32
      %dma_wait3A_1083 = arith.constant 0 : i32
      %dma_wait3A_1084 = arith.constant 0 : i32
      %dma_wait3A_1085 = tpu.memref_slice %arg3[%dma_wait3A_1082, %dma_wait3A_1083, %dma_wait3A_1084] : memref<8x8x1000000xf32, #tpu.memory_space<hbm>> -> memref<8x8x128xf32, #tpu.memory_space<hbm>>
      %dma_wait3A_1086 = arith.constant 0 : i32
      %dma_wait3A_1087 = arith.constant 0 : i32
      %dma_wait3A_1088 = arith.constant 0 : i32
      %dma_wait3A_1089 = tpu.memref_slice %arg3[%dma_wait3A_1086, %dma_wait3A_1087, %dma_wait3A_1088] : memref<8x8x1000000xf32, #tpu.memory_space<hbm>> -> memref<8x8x128xf32, #tpu.memory_space<hbm>>
      tpu.wait_dma2 semaphore(%arg22 : memref<!tpu.dma_semaphore, #tpu.memory_space<semaphore_mem>>) src(%dma_wait3A_1089 : memref<8x8x128xf32, #tpu.memory_space<hbm>>) dst(%arg13 : memref<8x8x128xf32, #tpu.memory_space<vmem>>)
      %slice3A_1090 = vector.extract_strided_slice %and3A_192 {offsets = [15], sizes = [1], strides = [1]} : vector<16xi32> to vector<1xi32>
      %squeeze3A_1091 = vector.extract %slice3A_1090[0] : i32 from vector<1xi32>
      %dma_start3A_1092 = arith.constant 0 : i32
      %dma_start3A_1093 = arith.constant 0 : i32
      %dma_start3A_1094 = tpu.memref_slice %arg13[%dma_start3A_1092, %dma_start3A_1093, %squeeze3A_1091] : memref<8x8x128xf32, #tpu.memory_space<vmem>> -> memref<8x8x1xf32, #tpu.memory_space<vmem>>
      %dma_start3A_1095 = arith.constant 0 : i32
      %dma_start3A_1096 = arith.constant 0 : i32
      %dma_start3A_1097 = tpu.memref_slice %arg14[%arg1, %dma_start3A_1095, %dma_start3A_1096, %add3A_1081] : memref<16x8x8x512xf32, #tpu.memory_space<vmem_shared>> -> memref<1x8x8x1xf32, #tpu.memory_space<vmem_shared>>
      %dma_start3A_1098 = tpu.memref_squeeze %dma_start3A_1097 : memref<1x8x8x1xf32, #tpu.memory_space<vmem_shared>> -> memref<8x8x1xf32, #tpu.memory_space<vmem_shared>>
      %dma_start3A_1099 = arith.constant 0 : i32
      %dma_start3A_1100 = arith.constant 0 : i32
      %dma_start3A_1101 = tpu.memref_slice %arg14[%arg1, %dma_start3A_1099, %dma_start3A_1100, %add3A_1081] : memref<16x8x8x512xf32, #tpu.memory_space<vmem_shared>> -> memref<1x8x8x1xf32, #tpu.memory_space<vmem_shared>>
      %dma_start3A_1102 = tpu.memref_squeeze %dma_start3A_1101 : memref<1x8x8x1xf32, #tpu.memory_space<vmem_shared>> -> memref<8x8x1xf32, #tpu.memory_space<vmem_shared>>
      %dma_start3A_1103 = arith.constant 0 : i32
      %dma_start3A_1104 = arith.constant 0 : i32
      %dma_start3A_1105 = tpu.memref_slice %arg13[%dma_start3A_1103, %dma_start3A_1104, %squeeze3A_1091] : memref<8x8x128xf32, #tpu.memory_space<vmem>> -> memref<8x8x1xf32, #tpu.memory_space<vmem>>
      tpu.enqueue_dma source(%dma_start3A_1105 : memref<8x8x1xf32, #tpu.memory_space<vmem>>) target(%dma_start3A_1102 : memref<8x8x1xf32, #tpu.memory_space<vmem_shared>>) target_semaphore(%arg23 : memref<!tpu.dma_semaphore, #tpu.memory_space<semaphore_mem>>)
      %dma_wait3A_1106 = arith.constant 0 : i32
      %dma_wait3A_1107 = arith.constant 0 : i32
      %dma_wait3A_1108 = arith.constant 0 : i32
      %dma_wait3A_1109 = tpu.memref_slice %arg13[%dma_wait3A_1106, %dma_wait3A_1107, %dma_wait3A_1108] : memref<8x8x128xf32, #tpu.memory_space<vmem>> -> memref<8x8x1xf32, #tpu.memory_space<vmem>>
      %dma_wait3A_1110 = arith.constant 0 : i32
      %dma_wait3A_1111 = arith.constant 0 : i32
      %dma_wait3A_1112 = arith.constant 0 : i32
      %dma_wait3A_1113 = tpu.memref_slice %arg14[%arg1, %dma_wait3A_1110, %dma_wait3A_1111, %dma_wait3A_1112] : memref<16x8x8x512xf32, #tpu.memory_space<vmem_shared>> -> memref<1x8x8x1xf32, #tpu.memory_space<vmem_shared>>
      %dma_wait3A_1114 = tpu.memref_squeeze %dma_wait3A_1113 : memref<1x8x8x1xf32, #tpu.memory_space<vmem_shared>> -> memref<8x8x1xf32, #tpu.memory_space<vmem_shared>>
      %dma_wait3A_1115 = arith.constant 0 : i32
      %dma_wait3A_1116 = arith.constant 0 : i32
      %dma_wait3A_1117 = arith.constant 0 : i32
      %dma_wait3A_1118 = tpu.memref_slice %arg14[%arg1, %dma_wait3A_1115, %dma_wait3A_1116, %dma_wait3A_1117] : memref<16x8x8x512xf32, #tpu.memory_space<vmem_shared>> -> memref<1x8x8x1xf32, #tpu.memory_space<vmem_shared>>
      %dma_wait3A_1119 = tpu.memref_squeeze %dma_wait3A_1118 : memref<1x8x8x1xf32, #tpu.memory_space<vmem_shared>> -> memref<8x8x1xf32, #tpu.memory_space<vmem_shared>>
      %dma_wait3A_1120 = arith.constant 0 : i32
      %dma_wait3A_1121 = arith.constant 0 : i32
      %dma_wait3A_1122 = arith.constant 0 : i32
      %dma_wait3A_1123 = tpu.memref_slice %arg13[%dma_wait3A_1120, %dma_wait3A_1121, %dma_wait3A_1122] : memref<8x8x128xf32, #tpu.memory_space<vmem>> -> memref<8x8x1xf32, #tpu.memory_space<vmem>>
      tpu.wait_dma2 semaphore(%arg23 : memref<!tpu.dma_semaphore, #tpu.memory_space<semaphore_mem>>) src(%dma_wait3A_1123 : memref<8x8x1xf32, #tpu.memory_space<vmem>>) dst(%dma_wait3A_1119 : memref<8x8x1xf32, #tpu.memory_space<vmem_shared>>)
      %slice3A_1124 = vector.extract_strided_slice %get3A_190 {offsets = [7], sizes = [1], strides = [1]} : vector<16xi32> to vector<1xi32>
      %squeeze3A_1125 = vector.extract %slice3A_1124[0] : i32 from vector<1xi32>
      %shift_right_arithmetic3A_1126 = arith.constant 7 : i32
      %shift_right_arithmetic3A_1127 = arith.shrsi %squeeze3A_1125, %shift_right_arithmetic3A_1126 : i32
      %mul3A_1128 = arith.constant 128 : i32
      %mul3A_1129 = arith.muli %shift_right_arithmetic3A_1127, %mul3A_1128 : i32
      %multiple_of3A_1130 = tpu.assume_multiple %mul3A_1129, 128 : i32
      %dma_start3A_1131 = arith.constant 0 : i32
      %dma_start3A_1132 = arith.constant 0 : i32
      %dma_start3A_1133 = tpu.memref_slice %arg3[%dma_start3A_1131, %dma_start3A_1132, %multiple_of3A_1130] : memref<8x8x1000000xf32, #tpu.memory_space<hbm>> -> memref<8x8x128xf32, #tpu.memory_space<hbm>>
      %dma_start3A_1134 = arith.constant 0 : i32
      %dma_start3A_1135 = arith.constant 0 : i32
      %dma_start3A_1136 = tpu.memref_slice %arg3[%dma_start3A_1134, %dma_start3A_1135, %multiple_of3A_1130] : memref<8x8x1000000xf32, #tpu.memory_space<hbm>> -> memref<8x8x128xf32, #tpu.memory_space<hbm>>
      tpu.enqueue_dma source(%dma_start3A_1136 : memref<8x8x128xf32, #tpu.memory_space<hbm>>) target(%arg13 : memref<8x8x128xf32, #tpu.memory_space<vmem>>) target_semaphore(%arg22 : memref<!tpu.dma_semaphore, #tpu.memory_space<semaphore_mem>>)
    }
    %scan3A_114 = arith.constant 32 : i32
    %dma_wait3A = arith.constant 0 : i32
    %dma_wait3A_115 = arith.constant 0 : i32
    %dma_wait3A_116 = arith.constant 0 : i32
    %dma_wait3A_117 = tpu.memref_slice %arg3[%dma_wait3A, %dma_wait3A_115, %dma_wait3A_116] : memref<8x8x1000000xf32, #tpu.memory_space<hbm>> -> memref<8x8x128xf32, #tpu.memory_space<hbm>>
    %dma_wait3A_118 = arith.constant 0 : i32
    %dma_wait3A_119 = arith.constant 0 : i32
    %dma_wait3A_120 = arith.constant 0 : i32
    %dma_wait3A_121 = tpu.memref_slice %arg3[%dma_wait3A_118, %dma_wait3A_119, %dma_wait3A_120] : memref<8x8x1000000xf32, #tpu.memory_space<hbm>> -> memref<8x8x128xf32, #tpu.memory_space<hbm>>
    tpu.wait_dma2 semaphore(%arg15 : memref<!tpu.dma_semaphore, #tpu.memory_space<semaphore_mem>>) src(%dma_wait3A_121 : memref<8x8x128xf32, #tpu.memory_space<hbm>>) dst(%arg6 : memref<8x8x128xf32, #tpu.memory_space<vmem>>)
    %dma_wait3A_122 = arith.constant 0 : i32
    %dma_wait3A_123 = arith.constant 0 : i32
    %dma_wait3A_124 = arith.constant 0 : i32
    %dma_wait3A_125 = tpu.memref_slice %arg3[%dma_wait3A_122, %dma_wait3A_123, %dma_wait3A_124] : memref<8x8x1000000xf32, #tpu.memory_space<hbm>> -> memref<8x8x128xf32, #tpu.memory_space<hbm>>
    %dma_wait3A_126 = arith.constant 0 : i32
    %dma_wait3A_127 = arith.constant 0 : i32
    %dma_wait3A_128 = arith.constant 0 : i32
    %dma_wait3A_129 = tpu.memref_slice %arg3[%dma_wait3A_126, %dma_wait3A_127, %dma_wait3A_128] : memref<8x8x1000000xf32, #tpu.memory_space<hbm>> -> memref<8x8x128xf32, #tpu.memory_space<hbm>>
    tpu.wait_dma2 semaphore(%arg16 : memref<!tpu.dma_semaphore, #tpu.memory_space<semaphore_mem>>) src(%dma_wait3A_129 : memref<8x8x128xf32, #tpu.memory_space<hbm>>) dst(%arg7 : memref<8x8x128xf32, #tpu.memory_space<vmem>>)
    %dma_wait3A_130 = arith.constant 0 : i32
    %dma_wait3A_131 = arith.constant 0 : i32
    %dma_wait3A_132 = arith.constant 0 : i32
    %dma_wait3A_133 = tpu.memref_slice %arg3[%dma_wait3A_130, %dma_wait3A_131, %dma_wait3A_132] : memref<8x8x1000000xf32, #tpu.memory_space<hbm>> -> memref<8x8x128xf32, #tpu.memory_space<hbm>>
    %dma_wait3A_134 = arith.constant 0 : i32
    %dma_wait3A_135 = arith.constant 0 : i32
    %dma_wait3A_136 = arith.constant 0 : i32
    %dma_wait3A_137 = tpu.memref_slice %arg3[%dma_wait3A_134, %dma_wait3A_135, %dma_wait3A_136] : memref<8x8x1000000xf32, #tpu.memory_space<hbm>> -> memref<8x8x128xf32, #tpu.memory_space<hbm>>
    tpu.wait_dma2 semaphore(%arg17 : memref<!tpu.dma_semaphore, #tpu.memory_space<semaphore_mem>>) src(%dma_wait3A_137 : memref<8x8x128xf32, #tpu.memory_space<hbm>>) dst(%arg8 : memref<8x8x128xf32, #tpu.memory_space<vmem>>)
    %dma_wait3A_138 = arith.constant 0 : i32
    %dma_wait3A_139 = arith.constant 0 : i32
    %dma_wait3A_140 = arith.constant 0 : i32
    %dma_wait3A_141 = tpu.memref_slice %arg3[%dma_wait3A_138, %dma_wait3A_139, %dma_wait3A_140] : memref<8x8x1000000xf32, #tpu.memory_space<hbm>> -> memref<8x8x128xf32, #tpu.memory_space<hbm>>
    %dma_wait3A_142 = arith.constant 0 : i32
    %dma_wait3A_143 = arith.constant 0 : i32
    %dma_wait3A_144 = arith.constant 0 : i32
    %dma_wait3A_145 = tpu.memref_slice %arg3[%dma_wait3A_142, %dma_wait3A_143, %dma_wait3A_144] : memref<8x8x1000000xf32, #tpu.memory_space<hbm>> -> memref<8x8x128xf32, #tpu.memory_space<hbm>>
    tpu.wait_dma2 semaphore(%arg18 : memref<!tpu.dma_semaphore, #tpu.memory_space<semaphore_mem>>) src(%dma_wait3A_145 : memref<8x8x128xf32, #tpu.memory_space<hbm>>) dst(%arg9 : memref<8x8x128xf32, #tpu.memory_space<vmem>>)
    %dma_wait3A_146 = arith.constant 0 : i32
    %dma_wait3A_147 = arith.constant 0 : i32
    %dma_wait3A_148 = arith.constant 0 : i32
    %dma_wait3A_149 = tpu.memref_slice %arg3[%dma_wait3A_146, %dma_wait3A_147, %dma_wait3A_148] : memref<8x8x1000000xf32, #tpu.memory_space<hbm>> -> memref<8x8x128xf32, #tpu.memory_space<hbm>>
    %dma_wait3A_150 = arith.constant 0 : i32
    %dma_wait3A_151 = arith.constant 0 : i32
    %dma_wait3A_152 = arith.constant 0 : i32
    %dma_wait3A_153 = tpu.memref_slice %arg3[%dma_wait3A_150, %dma_wait3A_151, %dma_wait3A_152] : memref<8x8x1000000xf32, #tpu.memory_space<hbm>> -> memref<8x8x128xf32, #tpu.memory_space<hbm>>
    tpu.wait_dma2 semaphore(%arg19 : memref<!tpu.dma_semaphore, #tpu.memory_space<semaphore_mem>>) src(%dma_wait3A_153 : memref<8x8x128xf32, #tpu.memory_space<hbm>>) dst(%arg10 : memref<8x8x128xf32, #tpu.memory_space<vmem>>)
    %dma_wait3A_154 = arith.constant 0 : i32
    %dma_wait3A_155 = arith.constant 0 : i32
    %dma_wait3A_156 = arith.constant 0 : i32
    %dma_wait3A_157 = tpu.memref_slice %arg3[%dma_wait3A_154, %dma_wait3A_155, %dma_wait3A_156] : memref<8x8x1000000xf32, #tpu.memory_space<hbm>> -> memref<8x8x128xf32, #tpu.memory_space<hbm>>
    %dma_wait3A_158 = arith.constant 0 : i32
    %dma_wait3A_159 = arith.constant 0 : i32
    %dma_wait3A_160 = arith.constant 0 : i32
    %dma_wait3A_161 = tpu.memref_slice %arg3[%dma_wait3A_158, %dma_wait3A_159, %dma_wait3A_160] : memref<8x8x1000000xf32, #tpu.memory_space<hbm>> -> memref<8x8x128xf32, #tpu.memory_space<hbm>>
    tpu.wait_dma2 semaphore(%arg20 : memref<!tpu.dma_semaphore, #tpu.memory_space<semaphore_mem>>) src(%dma_wait3A_161 : memref<8x8x128xf32, #tpu.memory_space<hbm>>) dst(%arg11 : memref<8x8x128xf32, #tpu.memory_space<vmem>>)
    %dma_wait3A_162 = arith.constant 0 : i32
    %dma_wait3A_163 = arith.constant 0 : i32
    %dma_wait3A_164 = arith.constant 0 : i32
    %dma_wait3A_165 = tpu.memref_slice %arg3[%dma_wait3A_162, %dma_wait3A_163, %dma_wait3A_164] : memref<8x8x1000000xf32, #tpu.memory_space<hbm>> -> memref<8x8x128xf32, #tpu.memory_space<hbm>>
    %dma_wait3A_166 = arith.constant 0 : i32
    %dma_wait3A_167 = arith.constant 0 : i32
    %dma_wait3A_168 = arith.constant 0 : i32
    %dma_wait3A_169 = tpu.memref_slice %arg3[%dma_wait3A_166, %dma_wait3A_167, %dma_wait3A_168] : memref<8x8x1000000xf32, #tpu.memory_space<hbm>> -> memref<8x8x128xf32, #tpu.memory_space<hbm>>
    tpu.wait_dma2 semaphore(%arg21 : memref<!tpu.dma_semaphore, #tpu.memory_space<semaphore_mem>>) src(%dma_wait3A_169 : memref<8x8x128xf32, #tpu.memory_space<hbm>>) dst(%arg12 : memref<8x8x128xf32, #tpu.memory_space<vmem>>)
    %dma_wait3A_170 = arith.constant 0 : i32
    %dma_wait3A_171 = arith.constant 0 : i32
    %dma_wait3A_172 = arith.constant 0 : i32
    %dma_wait3A_173 = tpu.memref_slice %arg3[%dma_wait3A_170, %dma_wait3A_171, %dma_wait3A_172] : memref<8x8x1000000xf32, #tpu.memory_space<hbm>> -> memref<8x8x128xf32, #tpu.memory_space<hbm>>
    %dma_wait3A_174 = arith.constant 0 : i32
    %dma_wait3A_175 = arith.constant 0 : i32
    %dma_wait3A_176 = arith.constant 0 : i32
    %dma_wait3A_177 = tpu.memref_slice %arg3[%dma_wait3A_174, %dma_wait3A_175, %dma_wait3A_176] : memref<8x8x1000000xf32, #tpu.memory_space<hbm>> -> memref<8x8x128xf32, #tpu.memory_space<hbm>>
    tpu.wait_dma2 semaphore(%arg22 : memref<!tpu.dma_semaphore, #tpu.memory_space<semaphore_mem>>) src(%dma_wait3A_177 : memref<8x8x128xf32, #tpu.memory_space<hbm>>) dst(%arg13 : memref<8x8x128xf32, #tpu.memory_space<vmem>>)
    "tpu.region"() ({
      %run_scoped3A = tpu.sem_alloc : memref<!tpu.dma_semaphore, #tpu.memory_space<semaphore_mem>>
      %dma_start3A_178 = arith.constant 0 : i32
      %dma_start3A_179 = arith.constant 0 : i32
      %dma_start3A_180 = tpu.memref_slice %arg4[%dma_start3A_178, %dma_start3A_179, %mul3A_2] : memref<8x8x16384xf32, #tpu.memory_space<hbm>> -> memref<8x8x512xf32, #tpu.memory_space<hbm>>
      %dma_start3A_181 = arith.constant 0 : i32
      %dma_start3A_182 = arith.constant 0 : i32
      %dma_start3A_183 = arith.constant 0 : i32
      %dma_start3A_184 = tpu.memref_slice %arg14[%arg1, %dma_start3A_181, %dma_start3A_182, %dma_start3A_183] : memref<16x8x8x512xf32, #tpu.memory_space<vmem_shared>> -> memref<1x8x8x512xf32, #tpu.memory_space<vmem_shared>>
      %dma_start3A_185 = tpu.memref_squeeze %dma_start3A_184 : memref<1x8x8x512xf32, #tpu.memory_space<vmem_shared>> -> memref<8x8x512xf32, #tpu.memory_space<vmem_shared>>
      tpu.enqueue_dma source(%dma_start3A_185 : memref<8x8x512xf32, #tpu.memory_space<vmem_shared>>) target(%dma_start3A_180 : memref<8x8x512xf32, #tpu.memory_space<hbm>>) target_semaphore(%run_scoped3A : memref<!tpu.dma_semaphore, #tpu.memory_space<semaphore_mem>>)
      %dma_wait3A_186 = arith.constant 0 : i32
      %dma_wait3A_187 = arith.constant 0 : i32
      %dma_wait3A_188 = tpu.memref_slice %arg4[%dma_wait3A_186, %dma_wait3A_187, %mul3A_2] : memref<8x8x16384xf32, #tpu.memory_space<hbm>> -> memref<8x8x512xf32, #tpu.memory_space<hbm>>
      %dma_wait3A_189 = arith.constant 0 : i32
      %dma_wait3A_190 = arith.constant 0 : i32
      %dma_wait3A_191 = arith.constant 0 : i32
      %dma_wait3A_192 = tpu.memref_slice %arg14[%arg1, %dma_wait3A_189, %dma_wait3A_190, %dma_wait3A_191] : memref<16x8x8x512xf32, #tpu.memory_space<vmem_shared>> -> memref<1x8x8x512xf32, #tpu.memory_space<vmem_shared>>
      %dma_wait3A_193 = tpu.memref_squeeze %dma_wait3A_192 : memref<1x8x8x512xf32, #tpu.memory_space<vmem_shared>> -> memref<8x8x512xf32, #tpu.memory_space<vmem_shared>>
      tpu.wait_dma2 semaphore(%run_scoped3A : memref<!tpu.dma_semaphore, #tpu.memory_space<semaphore_mem>>) src(%dma_wait3A_193 : memref<8x8x512xf32, #tpu.memory_space<vmem_shared>>) dst(%dma_wait3A_188 : memref<8x8x512xf32, #tpu.memory_space<hbm>>)
      tpu.yield
    }) : () -> ()
    return
  }
}

</mosaic_0001>

<sc_bundles>
// kernel: kernel.3.cloned.1.call-start
scs
__scs_entry_jumppad:
0x0: {  	(pc) =	sbr.rel $0x88, $3  }
0x1: {  	(tag) =	ssettag $0x0;
	lr =	simm.s32 $0x1  }
0x2: {  	[smem:$0x3F9F] =	sst lr;
	_ =	strace $0xD0000000  }
0x3: {  	_ = 	snop  }
0x4: {  	_ = 	snop  }
0x5: {  	_ = 	snop  }
0x6: {  	_ = 	snop  }
0x7: {  	_ = 	snop  }
__scs_overlays_trampoline_lowered:
0x8: {  	[smem:$0x3FAE] =	sst s0  }
0x9: {  	[smem:$0x3FAF] =	sst s1  }
0xa: {  	[smem:$0x3FB0] =	sst s2  }
0xb: {  	[smem:$0x3FB1] =	sst s3  }
0xc: {  	[smem:$0x3FB2] =	sst s4  }
0xd: {  	[smem:$0x3FB3] =	sst s5  }
0xe: {  	[smem:$0x3FB4] =	sst s6  }
0xf: {  	[smem:$0x3FB5] =	sst s7  }
0x10: {  	[smem:$0x3FB6] =	sst s8  }
0x11: {  	[smem:$0x3FB7] =	sst s9;
	s0 =	simm.s32 @!p0 $0x0  }
0x12: {  	s1 =	sld [smem:$0x3F9D];
	s0 =	simm.s32 @p0 $0x1  }
0x13: {  	[smem:$0x3FB8] =	sst s0;
	s0 =	simm.s32 @!p1 $0x0  }
0x14: {  	s2 =	sld [smem:$0x3F9C];
	s0 =	simm.s32 @p1 $0x1  }
0x15: {  	[smem:$0x3FB9] =	sst s0;
	s0 =	simm.s32 @!p2 $0x0  }
0x16: {  	s3 =	sld [smem:$0x3FDB];
	s0 =	simm.s32 @p2 $0x1  }
0x17: {  	s4 =	simm.s32 $0x1BF5;
	[smem:$0x3FBB] =	sst s0  }
0x18: {  	s0 =	sld [smem:$0x3F9E];
	_ =	swait.ge [sflag:s4], $0x0  }
0x19: {  	s7 =	sld [smem:$0x3F9F]  }
0x1a: {  	s8 =	sadd.s32 $0xFFFFE003, lr  }
0x1b: {  	s9 =	sadd.s32 $0xFFFFFEF7, lr;
	s5 =	simm.s32 $0xFFFFFFFF;
	p2 =	slt.u32 s8, $0xFFFFF086  }
0x1c: {  	p1 =	slt.u32 s9, $0xF7A;
	s5 =	simm.s32 @!p2 $0x0  }
0x1d: {  	s5 =	simm.s32 @p1 $0x1;
	p0 =	seq.s32 s7, s2  }
0x1e: {  	s7 =	smul.u32 @!p0 $0xF7A, s2;
	p2 =	seq.s32 @!p0 s5, $0x0  }
0x1f: {  	s9 =	smul.u32 $0xF7A, s1;
	s8 =	simm.s32 @!p0 $0x1BF5;
	p2 =	por !p2, p0  }
0x20: {  	[sflag:s8] =	ssyncset.s32 @!p0 $0xFFFFF086;
	s6 =	sadd.s32 @!p0 s3, s7;
	s7 =	simm.s32 @!p0 $0x108  }
0x21: {  	s3 =	sadd.s32 s3, s9;
	s6 =	sadd.s32 @!p0 $0x88, s6;
	s7 =	simm.s32 @p2 $0x1082  }
0x22: {  	[simem:s7], [sflag:s8] =	dma.local @!p0 [hbm:s6], $0xF7A  }
0x23: {  	s9 =	sor.u32 $0xD0000000, s2;
	s6 =	simm.s32 $0x108;
	_ =	swait.ge @!p0 [sflag:s8], $0x0  }
0x24: {  	s3 =	sadd.s32 $0x88, s3;
	s6 =	simm.s32 @!p1 $0x1082;
	[sflag:s4] =	ssyncset.s32 $0xFFFFF086  }
0x25: {  	[simem:s6], [sflag:s4] =	dma.local [hbm:s3], $0xF7A  }
0x26: {  	[smem:$0x3F9F] =	sst s1;
	(tag) =	ssettag s2;
	_ =	strace s9  }
0x27: {  	s1 =	sld [smem:$0x3FAF]  }
0x28: {  	s2 =	sld [smem:$0x3FB0]  }
0x29: {  	s4 =	sld [smem:$0x3FB2]  }
0x2a: {  	p0 =	seq.s32 s5, $0x0;
	s5 =	sld [smem:$0x3FB3]  }
0x2b: {  	s6 =	sld [smem:$0x3FB4]  }
0x2c: {  	s7 =	sld [smem:$0x3FB5]  }
0x2d: {  	s3 =	simm.s32 $0x108;
	s8 =	sld [smem:$0x3FB6]  }
0x2e: {  	s3 =	simm.s32 @!p0 $0x1082;
	s9 =	sld [smem:$0x3FB7]  }
0x2f: {  	lr =	sadd.s32 s0, s3;
	s0 =	sld [smem:$0x3FAE]  }
0x30: {  	s3 =	sld [smem:$0x3FB1]  }
0x31: {  	[smem:$0x3FBA] =	sst s10  }
0x32: {  	s10 =	sld [smem:$0x3FB8];
	_ =	sdelay $0x3  }
0x33: {  	p0 =	seq.s32 s10, $0x1;
	s10 =	sld [smem:$0x3FBA];
	_ =	sdelay $0x3  }
0x34: {  	[smem:$0x3FBA] =	sst s10  }
0x35: {  	s10 =	sld [smem:$0x3FB9];
	_ =	sdelay $0x3  }
0x36: {  	p1 =	seq.s32 s10, $0x1;
	s10 =	sld [smem:$0x3FBA];
	_ =	sdelay $0x3  }
0x37: {  	[smem:$0x3FBA] =	sst s10  }
0x38: {  	s10 =	sld [smem:$0x3FBB]  }
0x39: {  	_ = 	snop;
	(pc) =	sbr.ind lr, $3  }
0x3a: {  	_ = 	snop  }
0x3b: {  	_ = 	snop  }
0x3c: {  	p2 =	seq.s32 s10, $0x1;
	s10 =	sld [smem:$0x3FBA]  }
0x3d: {  	_ =	shalt  }
0x3e: {  	_ =	shalt  }
0x3f: {  	_ =	shalt  }
0x40: {  	_ =	shalt  }
0x41: {  	_ =	shalt  }
0x42: {  	_ =	shalt  }
0x43: {  	_ =	shalt  }
0x44: {  	_ =	shalt  }
0x45: {  	_ =	shalt  }
0x46: {  	_ =	shalt  }
0x47: {  	_ =	shalt  }
0x48: {  	_ =	shalt  }
0x49: {  	_ =	shalt  }
0x4a: {  	_ =	shalt  }
0x4b: {  	_ =	shalt  }
0x4c: {  	_ =	shalt  }
0x4d: {  	_ =	shalt  }
0x4e: {  	_ =	shalt  }
0x4f: {  	_ =	shalt  }
0x50: {  	_ =	shalt  }
0x51: {  	_ =	shalt  }
0x52: {  	_ =	shalt  }
0x53: {  	_ =	shalt  }
0x54: {  	_ =	shalt  }
0x55: {  	_ =	shalt  }
0x56: {  	_ =	shalt  }
0x57: {  	_ =	shalt  }
0x58: {  	_ =	shalt  }
0x59: {  	_ =	shalt  }
0x5a: {  	_ =	shalt  }
0x5b: {  	_ =	shalt  }
0x5c: {  	_ =	shalt  }
0x5d: {  	_ =	shalt  }
0x5e: {  	_ =	shalt  }
0x5f: {  	_ =	shalt  }
0x60: {  	_ =	shalt  }
0x61: {  	_ =	shalt  }
0x62: {  	_ =	shalt  }
0x63: {  	_ =	shalt  }
0x64: {  	_ =	shalt  }
0x65: {  	_ =	shalt  }
0x66: {  	_ =	shalt  }
0x67: {  	_ =	shalt  }
0x68: {  	_ =	shalt  }
0x69: {  	_ =	shalt  }
0x6a: {  	_ =	shalt  }
0x6b: {  	_ =	shalt  }
0x6c: {  	_ =	shalt  }
0x6d: {  	_ =	shalt  }
0x6e: {  	_ =	shalt  }
0x6f: {  	_ =	shalt  }
0x70: {  	_ =	shalt  }
0x71: {  	_ =	shalt  }
0x72: {  	_ =	shalt  }
0x73: {  	_ =	shalt  }
0x74: {  	_ =	shalt  }
0x75: {  	_ =	shalt  }
0x76: {  	_ =	shalt  }
0x77: {  	_ =	shalt  }
0x78: {  	_ =	shalt  }
0x79: {  	_ =	shalt  }
0x7a: {  	_ =	shalt  }
0x7b: {  	_ =	shalt  }
0x7c: {  	_ =	shalt  }
0x7d: {  	_ =	shalt  }
0x7e: {  	_ =	shalt  }
0x7f: {  	_ =	shalt  }
0x80: {  	_ =	shalt  }
0x81: {  	_ =	shalt  }
0x82: {  	_ =	shalt  }
0x83: {  	_ =	shalt  }
0x84: {  	_ =	shalt  }
0x85: {  	_ =	shalt  }
0x86: {  	_ =	shalt  }
0x87: {  	_ =	shalt  }
.Lfunc_end0:
.L_simem_size_0:
called_computation_lowered:
.L_overlay_start_0:
0x88: {  	s2 =	sld [smem:$0x3FD9]  }
0x89: {  	s3 =	sld [smem:$0x3FFE];
	_ =	sdelay $0x1  }
0x8a: {  	s1 =	srdreg.scid  }
0x8b: {  	s0 =	sand.u32 $0x1, s1  }
0x8c: {  	s18 =	sshll.u32 s0, $0xA;
	s2 =	sadd.s32 s3, s2  }
0x8d: {  	s2 =	sadd.s32 s2, s18  }
0x8e: {  	[smem:$0x3FC6] =	sst s2  }
0x8f: {  	_ = 	snop  }
0x90: {  	s2 =	sld [smem:$0x3FC9]  }
0x91: {  	s19 =	sld [smem:$0x3FC8]  }
0x92: {  	s4 =	sld [smem:$0x3FD0];
	(tm) =	ssettm $0x1  }
0x93: {  	s5 =	sld [smem:$0x3FFB];
	_ =	sdelay $0x3  }
0x94: {  	_ =	strace s5  }
0x95: {  	s5 =	sld [smem:$0x3FFC];
	_ =	sdelay $0x3  }
0x96: {  	_ =	strace s5  }
0x97: {  	s5 =	sld [smem:$0x3FFD];
	_ =	sdelay $0x3  }
0x98: {  	_ =	strace s5  }
0x99: {  	_ =	strace $0x8FFFFFFF  }
0x9a: {  	s20 =	sld [smem:$0x3FDB];
	_ =	sdelay $0x1  }
0x9b: {  	s6 =	simm.s32 $_scs_section_size  }
0x9c: {  	s7 =	simm.s32 $_size__tile_overlayer_lowered;
	s8 =	simm.s32 $_tile_overlayer_lowered  }
0x9d: {  	s23 =	simm.s32 $0x1BFF;
	s22 =	sshll.u32 s8, $0x1;
	s5 =	sadd.s32 s6, s20  }
0x9e: {  	s9 =	simm.s32 $0x0;
	s21 =	sshll.u32 s7, $0x1;
	s7 =	sadd.s32 s22, s5  }
0x9f: {  	[timem:s9], [sflag:s23] =	dma.local [hbm:s7], s21  }
0xa0: {  	_ =	swait.ge [sflag:s23], s21  }
0xa1: {  	s6 =	ssub.s32 $0x0, s21;
	[sflag:s23] =	ssyncset.done $0x0  }
0xa2: {  	[sflag:s23] =	ssyncadd.s32 s6;
	_ =	sdelay $0x1  }
0xa3: {  	s24 =	simm.s32 $0x1B8B  }
0xa4: {  	_ =	swait.ge [sflag:s24], $0x1  }
0xa5: {  	[sflag:s24] =	ssyncset.done $0x0  }
0xa6: {  	s25 =	simm.s32 $0x1B8E;
	[sflag:s24] =	ssyncadd.s32 $0xFFFFFFFF  }
0xa7: {  	s26 =	simm.s32 $execute0_lowered;
	[smem:$0x3FD2] =	sst s25  }
0xa8: {  	s6 =	sshll.u32 s26, $0x1;
	_ =	strace $0x80000046;
	[dreg:$0x1] =	wrdreg $0xFFFFFFFF  }
0xa9: {  	s28 =	simm.s32 $_size_execute0_lowered;
	s5 =	sadd.s32 s5, s6;
	[dreg:$0x0] =	wrdreg $0x0  }
0xaa: {  	s6 =	sshll.u32 s28, $0x1;
	[dreg:$0x2] =	wrdreg s5  }
0xab: {  	[dreg:$0x3] =	wrdreg s6  }
0xac: {  	[dreg:$0x4] =	wrdreg $0xC0  }
0xad: {  	_ =	task [dreg:s9], $0x5FFFF  }
0xae: {  	[dreg:$0x1] =	wrdreg $0xFFFFFFFF  }
0xaf: {  	[dreg:$0x0] =	wrdreg $0x60  }
0xb0: {  	[dreg:$0x2] =	wrdreg s2  }
0xb1: {  	[dreg:$0x3] =	wrdreg s19  }
0xb2: {  	[dreg:$0x4] =	wrdreg s4  }
0xb3: {  	[dreg:$0x5] =	wrdreg $0x102800  }
0xb4: {  	[dreg:$0x6] =	wrdreg $0x9  }
0xb5: {  	_ =	task.clear_ibuf [dreg:s9], $0x7FFFF;
	_ =	strace $0x90000046  }
0xb6: {  	s29 =	simm.s32 $0x9;
	_ =	strace $0x80000048  }
0xb7: {  	_ =	swait.ge [sflag:s29], $0x1  }
0xb8: {  	[sflag:s29] =	ssyncadd.s32 $0xFFFFFFFF  }
0xb9: {  	_ =	strace $0x90000048  }
0xba: {  	_ =	sfence  }
0xbb: {  	s30 =	sld [smem:$0x0];
	_ =	sdelay $0x2  }
0xbc: {  	s31 =	sshll.u32 s1, $0xD;
	s1 =	sshrl.u32 s1, $0x2  }
0xbd: {  	s3 =	sand.u32 $0x4000, s31;
	s1 =	sadd.s32 s1, s30  }
0xbe: {  	s0 =	sor.u32 s3, s0;
	s1 =	sshll.u32 s1, $0x11  }
0xbf: {  	s0 =	sor.u32 s1, s0  }
0xc0: {  	s0 =	sadd.s32 $0x8F2B, s0  }
0xc1: {  	[sflag:s0] =	ssyncadd.remote.s32 $0x1  }
0xc2: {  	_ =	sfence.sel $0xFFFF  }
0xc3: {  	[dreg:$0x0] =	wrdreg $0xFFFFFFFF;
	(pc) =	sbr.abs _section_cstart, $3  }
0xc4: {  	[dreg:$0x1] =	wrdreg $0xFFFFFFFF  }
0xc5: {  	_ =	task.clear_ibuf [dreg:s9], $0x2FFFF;
	_ =	strace $0x9FFFFFFF  }
0xc6: {  	(tm) =	ssettm $0x7FFFFFFF  }
0xc7: {  	_ =	shalt  }
tec
execute0_lowered:
.L_overlay_start_1:
0x0: {  	(tag) =	ssettag $0x1  }
0x1: {  	s0 =	rddreg [dreg:$0x0]  }
0x2: {  	s1 =	rddreg [dreg:$0x1]  }
0x3: {  	s2 =	rddreg [dreg:$0x2]  }
0x4: {  	s3 =	rddreg [dreg:$0x3]  }
0x5: {  	s4 =	srdreg.scid;
	s9 =	stileid.u32  }
0x6: {  	s7 =	simm.s32 $0x0;
	s10 =	simm.s32 $0x7A1400;
	s11 =	simm.s32 $0x280  }
0x7: {  	s12 =	simm.s32 $0x2280;
	s13 =	simm.s32 $0x4280;
	s14 =	simm.s32 $0x6280  }
0x8: {  	s15 =	simm.s32 $0x8280;
	s16 =	simm.s32 $0xA280;
	s17 =	simm.s32 $0xC280  }
0x9: {  	s18 =	simm.s32 $0xE280;
	s19 =	simm.s32 $0x1;
	s20 =	simm.s32 $0x9  }
0xa: {  	s21 =	simm.s32 $0x2;
	s22 =	simm.s32 $0x3;
	s23 =	simm.s32 $0x4  }
0xb: {  	s24 =	simm.s32 $0x5;
	s25 =	simm.s32 $0x6;
	s28 =	simm.s32 $0x8  }
0xc: {  	s4 =	sand.u32 $0x1, s4;
	s5 =	sshll.u32 s9, $0xA;
	[smem:$0x7FF] =	sst s7  }
0xd: {  	s30 =	sshll.u32 s9, $0xF;
	s9 =	simm.s32 $0x400;
	s6 =	sshll.u32 s4, $0x9  }
0xe: {  	s4 =	ssub.s32 $0x2, s4;
	_ =	strace $0x80000047;
	s6 =	sor.u32 s6, s5  }
0xf: {  	s26 =	sshrl.u32 s4, $0x1;
	s5 =	sadd.s32 s30, s3;
	s29 =	sshrl.u32 s6, $0x3  }
0x10: {  	s8 =	ssub.s32 s4, s26;
	s31 =	sadd.s32 s2, s6;
	s26 =	simm.s32 $0x7  }
0x11: {  	s0 =	sadd.s32 s0, s29;
	[dreg:$0x6] =	wrdreg s31;
	s7 =	smax.u32 s8, $0x1  }
0x12: {  	v0 =	vimm.s32 $0x0;
	s8 =	simm.s32 $0xA;
	[dreg:$0x5] =	wrdreg s0;
	s0 =	simm.s32 $0x0  }
.LBB2_1:
0x13: {  	[tilespmem:$0x200] =	vst v0;
	s2 =	simm.s32 $0x0;
	s3 =	rddreg [dreg:$0x5]  }
0x14: {  	[tilespmem:s2], [sflag:$0xA] =	stream.linear.gather [hbm4b:s3+s2], $0x200, $0x38;
	[tilespmem:$0x18280] =	vst v63  }
0x15: {  	_ =	swait.ge [sflag:s8], $0x200  }
0x16: {  	[sflag:s8] =	ssyncset.done $0x0  }
0x17: {  	[sflag:s8] =	ssyncadd.s32 $0xFFFFFE00  }
0x18: {  	v1 =	vld [tilespmem:$0x0];
	_ =	sdelay $0x4  }
0x19: {  	(v2sf) =	vpush v1, $0x0  }
0x1a: {  	(v2sf) =	vpush v1, $0x1;
	_ =	sdelay $0x1  }
0x1b: {  	(v2sf) =	vpush v1, $0x2;
	_ =	sdelay $0x4  }
0x1c: {  	(v2sf) =	vpush v1, $0x3  }
0x1d: {  	(v2sf) =	vpush v1, $0x4;
	_ =	sdelay $0x5  }
0x1e: {  	s6 =	spop (v2sf);
	(v2sf) =	vpush v1, $0x5  }
0x1f: {  	s3 =	spop (v2sf);
	(v2sf) =	vpush v1, $0x6  }
0x20: {  	s2 =	sand.u32 $0xFFFFF80, s6  }
0x21: {  	s2 =	sadd.s32 s1, s2;
	s4 =	spop (v2sf)  }
0x22: {  	(v2sf) =	vpush v1, $0x7;
	[tilespmem:s11], [sflag:$0x1] =	stream.strided.gather [hbm4b:s2+s9], $0x2000, s10, s9, $0x38;
	[tilespmem:$0x18280] =	vst v63  }
0x23: {  	s2 =	sand.u32 $0xFFFFF80, s3  }
0x24: {  	s2 =	sadd.s32 s1, s2  }
0x25: {  	[tilespmem:s12], [sflag:$0x2] =	stream.strided.gather [hbm4b:s2+s9], $0x2000, s10, s9, $0x38;
	[tilespmem:$0x18280] =	vst v63  }
0x26: {  	s6 =	spop (v2sf);
	s2 =	sand.u32 $0xFFFFF80, s4  }
0x27: {  	s4 =	sand.u32 $0xFFFFF80, s6;
	s6 =	spop (v2sf);
	s2 =	sadd.s32 s1, s2  }
0x28: {  	[tilespmem:s13], [sflag:$0x3] =	stream.strided.gather [hbm4b:s2+s9], $0x2000, s10, s9, $0x38;
	[tilespmem:$0x18280] =	vst v63  }
0x29: {  	s2 =	sadd.s32 s1, s4;
	s4 =	sand.u32 $0xFFFFF80, s6  }
0x2a: {  	[tilespmem:s14], [sflag:$0x4] =	stream.strided.gather [hbm4b:s2+s9], $0x2000, s10, s9, $0x38;
	[tilespmem:$0x18280] =	vst v63  }
0x2b: {  	s2 =	sadd.s32 s1, s4  }
0x2c: {  	[tilespmem:s15], [sflag:$0x5] =	stream.strided.gather [hbm4b:s2+s9], $0x2000, s10, s9, $0x38;
	[tilespmem:$0x18280] =	vst v63  }
0x2d: {  	s6 =	spop (v2sf)  }
0x2e: {  	s4 =	sand.u32 $0xFFFFF80, s6;
	s6 =	spop (v2sf)  }
0x2f: {  	s2 =	sadd.s32 s1, s4;
	s4 =	sand.u32 $0xFFFFF80, s6  }
0x30: {  	[tilespmem:s16], [sflag:$0x6] =	stream.strided.gather [hbm4b:s2+s9], $0x2000, s10, s9, $0x38;
	[tilespmem:$0x18280] =	vst v63  }
0x31: {  	s6 =	spop (v2sf);
	s2 =	sadd.s32 s1, s4  }
0x32: {  	[tilespmem:s17], [sflag:$0x7] =	stream.strided.gather [hbm4b:s2+s9], $0x2000, s10, s9, $0x38;
	[tilespmem:$0x18280] =	vst v63  }
0x33: {  	s29 =	simm.s32 $0x10;
	s2 =	sand.u32 $0xFFFFF80, s6  }
0x34: {  	s30 =	simm.s32 $0x0;
	s31 =	simm.s32 $0x0;
	s2 =	sadd.s32 s1, s2  }
0x35: {  	[tilespmem:s18], [sflag:$0x8] =	stream.strided.gather [hbm4b:s2+s9], $0x2000, s10, s9, $0x38;
	[tilespmem:$0x18280] =	vst v63  }
.LBB2_2:
0x36: {  	v3 =	vld [tilespmem:s29+$0xFFFFFFF0];
	_ =	sdelay $0x4  }
0x37: {  	v1 =	vld [tilespmem:s29+$0x0];
	_ =	swait.ge [sflag:s19], $0x2000;
	v2 =	vand.u32 $0x7F, v3  }
0x38: {  	(v2sf) =	vpush v2, $0x0;
	_ =	sdelay $0xd  }
0x39: {  	s3 =	sand.u32 $0x70, s31;
	s4 =	sand.u32 $0xC00, s30  }
0x3a: {  	[sflag:s19] =	ssyncset.done $0x0;
	s4 =	sadd.s32 s4, s5;
	s2 =	spop (v2sf)  }
0x3b: {  	[sflag:s19] =	ssyncadd.s32 $0xFFFFE000;
	s3 =	sadd.s32 s3, s4;
	s6 =	sor.u32 $0x280, s2  }
0x3c: {  	[spmem:s3] =	stream.linear.scatter [tilespmem:s6], [sflag:$0x9], $0x1, $0x38;
	[tilespmem:$0x18280] =	vst v63  }
0x3d: {  	s4 =	sor.u32 $0x300, s2;
	s6 =	sadd.s32 $0x80, s3  }
0x3e: {  	[spmem:s6] =	stream.linear.scatter [tilespmem:s4], [sflag:$0x9], $0x1, $0x38;
	[tilespmem:$0x18280] =	vst v63  }
0x3f: {  	s4 =	sor.u32 $0x380, s2;
	s6 =	sadd.s32 $0x100, s3  }
0x40: {  	[spmem:s6] =	stream.linear.scatter [tilespmem:s4], [sflag:$0x9], $0x1, $0x38;
	[tilespmem:$0x18280] =	vst v63  }
0x41: {  	s4 =	sor.u32 $0x400, s2;
	s6 =	sadd.s32 $0x180, s3  }
0x42: {  	[spmem:s6] =	stream.linear.scatter [tilespmem:s4], [sflag:$0x9], $0x1, $0x38;
	[tilespmem:$0x18280] =	vst v63  }
0x43: {  	s4 =	sor.u32 $0x480, s2;
	s6 =	sadd.s32 $0x200, s3  }
0x44: {  	[spmem:s6] =	stream.linear.scatter [tilespmem:s4], [sflag:$0x9], $0x1, $0x38;
	[tilespmem:$0x18280] =	vst v63  }
0x45: {  	s4 =	sor.u32 $0x500, s2;
	s6 =	sadd.s32 $0x280, s3  }
0x46: {  	[spmem:s6] =	stream.linear.scatter [tilespmem:s4], [sflag:$0x9], $0x1, $0x38;
	[tilespmem:$0x18280] =	vst v63  }
0x47: {  	s4 =	sor.u32 $0x580, s2;
	s6 =	sadd.s32 $0x300, s3  }
0x48: {  	[spmem:s6] =	stream.linear.scatter [tilespmem:s4], [sflag:$0x9], $0x1, $0x38;
	[tilespmem:$0x18280] =	vst v63  }
0x49: {  	s4 =	sor.u32 $0x600, s2;
	s6 =	sadd.s32 $0x380, s3  }
0x4a: {  	[spmem:s6] =	stream.linear.scatter [tilespmem:s4], [sflag:$0x9], $0x1, $0x38;
	[tilespmem:$0x18280] =	vst v63  }
0x4b: {  	s4 =	sor.u32 $0x680, s2;
	s6 =	sadd.s32 $0x1000, s3  }
0x4c: {  	[spmem:s6] =	stream.linear.scatter [tilespmem:s4], [sflag:$0x9], $0x1, $0x38;
	[tilespmem:$0x18280] =	vst v63  }
0x4d: {  	s4 =	sor.u32 $0x700, s2;
	s6 =	sadd.s32 $0x1080, s3  }
0x4e: {  	[spmem:s6] =	stream.linear.scatter [tilespmem:s4], [sflag:$0x9], $0x1, $0x38;
	[tilespmem:$0x18280] =	vst v63  }
0x4f: {  	s4 =	sor.u32 $0x780, s2;
	s6 =	sadd.s32 $0x1100, s3  }
0x50: {  	[spmem:s6] =	stream.linear.scatter [tilespmem:s4], [sflag:$0x9], $0x1, $0x38;
	[tilespmem:$0x18280] =	vst v63  }
0x51: {  	s4 =	sor.u32 $0x800, s2;
	s6 =	sadd.s32 $0x1180, s3  }
0x52: {  	[spmem:s6] =	stream.linear.scatter [tilespmem:s4], [sflag:$0x9], $0x1, $0x38;
	[tilespmem:$0x18280] =	vst v63  }
0x53: {  	s4 =	sor.u32 $0x880, s2;
	s6 =	sadd.s32 $0x1200, s3  }
0x54: {  	[spmem:s6] =	stream.linear.scatter [tilespmem:s4], [sflag:$0x9], $0x1, $0x38;
	[tilespmem:$0x18280] =	vst v63  }
0x55: {  	s4 =	sor.u32 $0x900, s2;
	s6 =	sadd.s32 $0x1280, s3  }
0x56: {  	[spmem:s6] =	stream.linear.scatter [tilespmem:s4], [sflag:$0x9], $0x1, $0x38;
	[tilespmem:$0x18280] =	vst v63  }
0x57: {  	s4 =	sor.u32 $0x980, s2;
	s6 =	sadd.s32 $0x1300, s3  }
0x58: {  	[spmem:s6] =	stream.linear.scatter [tilespmem:s4], [sflag:$0x9], $0x1, $0x38;
	[tilespmem:$0x18280] =	vst v63  }
0x59: {  	s4 =	sor.u32 $0xA00, s2;
	s6 =	sadd.s32 $0x1380, s3  }
0x5a: {  	[spmem:s6] =	stream.linear.scatter [tilespmem:s4], [sflag:$0x9], $0x1, $0x38;
	[tilespmem:$0x18280] =	vst v63  }
0x5b: {  	s4 =	sor.u32 $0xA80, s2;
	s6 =	sadd.s32 $0x2000, s3  }
0x5c: {  	[spmem:s6] =	stream.linear.scatter [tilespmem:s4], [sflag:$0x9], $0x1, $0x38;
	[tilespmem:$0x18280] =	vst v63  }
0x5d: {  	s4 =	sor.u32 $0xB00, s2;
	s6 =	sadd.s32 $0x2080, s3  }
0x5e: {  	[spmem:s6] =	stream.linear.scatter [tilespmem:s4], [sflag:$0x9], $0x1, $0x38;
	[tilespmem:$0x18280] =	vst v63  }
0x5f: {  	s4 =	sor.u32 $0xB80, s2;
	s6 =	sadd.s32 $0x2100, s3  }
0x60: {  	[spmem:s6] =	stream.linear.scatter [tilespmem:s4], [sflag:$0x9], $0x1, $0x38;
	[tilespmem:$0x18280] =	vst v63  }
0x61: {  	s4 =	sor.u32 $0xC00, s2;
	s6 =	sadd.s32 $0x2180, s3  }
0x62: {  	[spmem:s6] =	stream.linear.scatter [tilespmem:s4], [sflag:$0x9], $0x1, $0x38;
	[tilespmem:$0x18280] =	vst v63  }
0x63: {  	s4 =	sor.u32 $0xC80, s2;
	s6 =	sadd.s32 $0x2200, s3  }
0x64: {  	[spmem:s6] =	stream.linear.scatter [tilespmem:s4], [sflag:$0x9], $0x1, $0x38;
	[tilespmem:$0x18280] =	vst v63  }
0x65: {  	s4 =	sor.u32 $0xD00, s2;
	s6 =	sadd.s32 $0x2280, s3  }
0x66: {  	[spmem:s6] =	stream.linear.scatter [tilespmem:s4], [sflag:$0x9], $0x1, $0x38;
	[tilespmem:$0x18280] =	vst v63  }
0x67: {  	s4 =	sor.u32 $0xD80, s2;
	s6 =	sadd.s32 $0x2300, s3  }
0x68: {  	[spmem:s6] =	stream.linear.scatter [tilespmem:s4], [sflag:$0x9], $0x1, $0x38;
	[tilespmem:$0x18280] =	vst v63  }
0x69: {  	s4 =	sor.u32 $0xE00, s2;
	s6 =	sadd.s32 $0x2380, s3  }
0x6a: {  	[spmem:s6] =	stream.linear.scatter [tilespmem:s4], [sflag:$0x9], $0x1, $0x38;
	[tilespmem:$0x18280] =	vst v63  }
0x6b: {  	s4 =	sor.u32 $0xE80, s2;
	s6 =	sadd.s32 $0x3000, s3  }
0x6c: {  	[spmem:s6] =	stream.linear.scatter [tilespmem:s4], [sflag:$0x9], $0x1, $0x38;
	[tilespmem:$0x18280] =	vst v63  }
0x6d: {  	s4 =	sor.u32 $0xF00, s2;
	s6 =	sadd.s32 $0x3080, s3  }
0x6e: {  	[spmem:s6] =	stream.linear.scatter [tilespmem:s4], [sflag:$0x9], $0x1, $0x38;
	[tilespmem:$0x18280] =	vst v63  }
0x6f: {  	s4 =	sor.u32 $0xF80, s2;
	s6 =	sadd.s32 $0x3100, s3  }
0x70: {  	[spmem:s6] =	stream.linear.scatter [tilespmem:s4], [sflag:$0x9], $0x1, $0x38;
	[tilespmem:$0x18280] =	vst v63  }
0x71: {  	s4 =	sor.u32 $0x1000, s2;
	s6 =	sadd.s32 $0x3180, s3  }
0x72: {  	[spmem:s6] =	stream.linear.scatter [tilespmem:s4], [sflag:$0x9], $0x1, $0x38;
	[tilespmem:$0x18280] =	vst v63  }
0x73: {  	s4 =	sor.u32 $0x1080, s2;
	s6 =	sadd.s32 $0x3200, s3  }
0x74: {  	[spmem:s6] =	stream.linear.scatter [tilespmem:s4], [sflag:$0x9], $0x1, $0x38;
	[tilespmem:$0x18280] =	vst v63  }
0x75: {  	s4 =	sor.u32 $0x1100, s2;
	s6 =	sadd.s32 $0x3280, s3  }
0x76: {  	[spmem:s6] =	stream.linear.scatter [tilespmem:s4], [sflag:$0x9], $0x1, $0x38;
	[tilespmem:$0x18280] =	vst v63  }
0x77: {  	s4 =	sor.u32 $0x1180, s2;
	s6 =	sadd.s32 $0x3300, s3  }
0x78: {  	[spmem:s6] =	stream.linear.scatter [tilespmem:s4], [sflag:$0x9], $0x1, $0x38;
	[tilespmem:$0x18280] =	vst v63  }
0x79: {  	s4 =	sor.u32 $0x1200, s2;
	s6 =	sadd.s32 $0x3380, s3  }
0x7a: {  	[spmem:s6] =	stream.linear.scatter [tilespmem:s4], [sflag:$0x9], $0x1, $0x38;
	[tilespmem:$0x18280] =	vst v63  }
0x7b: {  	s4 =	sor.u32 $0x1280, s2;
	s6 =	sadd.s32 $0x4000, s3  }
0x7c: {  	[spmem:s6] =	stream.linear.scatter [tilespmem:s4], [sflag:$0x9], $0x1, $0x38;
	[tilespmem:$0x18280] =	vst v63  }
0x7d: {  	s4 =	sor.u32 $0x1300, s2;
	s6 =	sadd.s32 $0x4080, s3  }
0x7e: {  	[spmem:s6] =	stream.linear.scatter [tilespmem:s4], [sflag:$0x9], $0x1, $0x38;
	[tilespmem:$0x18280] =	vst v63  }
0x7f: {  	s4 =	sor.u32 $0x1380, s2;
	s6 =	sadd.s32 $0x4100, s3  }
0x80: {  	[spmem:s6] =	stream.linear.scatter [tilespmem:s4], [sflag:$0x9], $0x1, $0x38;
	[tilespmem:$0x18280] =	vst v63  }
0x81: {  	s4 =	sor.u32 $0x1400, s2;
	s6 =	sadd.s32 $0x4180, s3  }
0x82: {  	[spmem:s6] =	stream.linear.scatter [tilespmem:s4], [sflag:$0x9], $0x1, $0x38;
	[tilespmem:$0x18280] =	vst v63  }
0x83: {  	s4 =	sor.u32 $0x1480, s2;
	s6 =	sadd.s32 $0x4200, s3  }
0x84: {  	[spmem:s6] =	stream.linear.scatter [tilespmem:s4], [sflag:$0x9], $0x1, $0x38;
	[tilespmem:$0x18280] =	vst v63  }
0x85: {  	s4 =	sor.u32 $0x1500, s2;
	s6 =	sadd.s32 $0x4280, s3  }
0x86: {  	[spmem:s6] =	stream.linear.scatter [tilespmem:s4], [sflag:$0x9], $0x1, $0x38;
	[tilespmem:$0x18280] =	vst v63  }
0x87: {  	s4 =	sor.u32 $0x1580, s2;
	s6 =	sadd.s32 $0x4300, s3  }
0x88: {  	[spmem:s6] =	stream.linear.scatter [tilespmem:s4], [sflag:$0x9], $0x1, $0x38;
	[tilespmem:$0x18280] =	vst v63  }
0x89: {  	s4 =	sor.u32 $0x1600, s2;
	s6 =	sadd.s32 $0x4380, s3  }
0x8a: {  	[spmem:s6] =	stream.linear.scatter [tilespmem:s4], [sflag:$0x9], $0x1, $0x38;
	[tilespmem:$0x18280] =	vst v63  }
0x8b: {  	s4 =	sor.u32 $0x1680, s2;
	s6 =	sadd.s32 $0x5000, s3  }
0x8c: {  	[spmem:s6] =	stream.linear.scatter [tilespmem:s4], [sflag:$0x9], $0x1, $0x38;
	[tilespmem:$0x18280] =	vst v63  }
0x8d: {  	s4 =	sor.u32 $0x1700, s2;
	s6 =	sadd.s32 $0x5080, s3  }
0x8e: {  	[spmem:s6] =	stream.linear.scatter [tilespmem:s4], [sflag:$0x9], $0x1, $0x38;
	[tilespmem:$0x18280] =	vst v63  }
0x8f: {  	s4 =	sor.u32 $0x1780, s2;
	s6 =	sadd.s32 $0x5100, s3  }
0x90: {  	[spmem:s6] =	stream.linear.scatter [tilespmem:s4], [sflag:$0x9], $0x1, $0x38;
	[tilespmem:$0x18280] =	vst v63  }
0x91: {  	s4 =	sor.u32 $0x1800, s2;
	s6 =	sadd.s32 $0x5180, s3  }
0x92: {  	[spmem:s6] =	stream.linear.scatter [tilespmem:s4], [sflag:$0x9], $0x1, $0x38;
	[tilespmem:$0x18280] =	vst v63  }
0x93: {  	s4 =	sor.u32 $0x1880, s2;
	s6 =	sadd.s32 $0x5200, s3  }
0x94: {  	[spmem:s6] =	stream.linear.scatter [tilespmem:s4], [sflag:$0x9], $0x1, $0x38;
	[tilespmem:$0x18280] =	vst v63  }
0x95: {  	s4 =	sor.u32 $0x1900, s2;
	s6 =	sadd.s32 $0x5280, s3  }
0x96: {  	[spmem:s6] =	stream.linear.scatter [tilespmem:s4], [sflag:$0x9], $0x1, $0x38;
	[tilespmem:$0x18280] =	vst v63  }
0x97: {  	s4 =	sor.u32 $0x1980, s2;
	s6 =	sadd.s32 $0x5300, s3  }
0x98: {  	[spmem:s6] =	stream.linear.scatter [tilespmem:s4], [sflag:$0x9], $0x1, $0x38;
	[tilespmem:$0x18280] =	vst v63  }
0x99: {  	s4 =	sor.u32 $0x1A00, s2;
	s6 =	sadd.s32 $0x5380, s3  }
0x9a: {  	[spmem:s6] =	stream.linear.scatter [tilespmem:s4], [sflag:$0x9], $0x1, $0x38;
	[tilespmem:$0x18280] =	vst v63  }
0x9b: {  	s4 =	sor.u32 $0x1A80, s2;
	s6 =	sadd.s32 $0x6000, s3  }
0x9c: {  	[spmem:s6] =	stream.linear.scatter [tilespmem:s4], [sflag:$0x9], $0x1, $0x38;
	[tilespmem:$0x18280] =	vst v63  }
0x9d: {  	s4 =	sor.u32 $0x1B00, s2;
	s6 =	sadd.s32 $0x6080, s3  }
0x9e: {  	[spmem:s6] =	stream.linear.scatter [tilespmem:s4], [sflag:$0x9], $0x1, $0x38;
	[tilespmem:$0x18280] =	vst v63  }
0x9f: {  	s4 =	sor.u32 $0x1B80, s2;
	s6 =	sadd.s32 $0x6100, s3  }
0xa0: {  	[spmem:s6] =	stream.linear.scatter [tilespmem:s4], [sflag:$0x9], $0x1, $0x38;
	[tilespmem:$0x18280] =	vst v63  }
0xa1: {  	s4 =	sor.u32 $0x1C00, s2;
	s6 =	sadd.s32 $0x6180, s3  }
0xa2: {  	[spmem:s6] =	stream.linear.scatter [tilespmem:s4], [sflag:$0x9], $0x1, $0x38;
	[tilespmem:$0x18280] =	vst v63  }
0xa3: {  	s4 =	sor.u32 $0x1C80, s2;
	s6 =	sadd.s32 $0x6200, s3  }
0xa4: {  	[spmem:s6] =	stream.linear.scatter [tilespmem:s4], [sflag:$0x9], $0x1, $0x38;
	[tilespmem:$0x18280] =	vst v63  }
0xa5: {  	s4 =	sor.u32 $0x1D00, s2;
	s6 =	sadd.s32 $0x6280, s3  }
0xa6: {  	[spmem:s6] =	stream.linear.scatter [tilespmem:s4], [sflag:$0x9], $0x1, $0x38;
	[tilespmem:$0x18280] =	vst v63  }
0xa7: {  	s4 =	sor.u32 $0x1D80, s2;
	s6 =	sadd.s32 $0x6300, s3  }
0xa8: {  	[spmem:s6] =	stream.linear.scatter [tilespmem:s4], [sflag:$0x9], $0x1, $0x38;
	[tilespmem:$0x18280] =	vst v63  }
0xa9: {  	s4 =	sor.u32 $0x1E00, s2;
	s6 =	sadd.s32 $0x6380, s3  }
0xaa: {  	[spmem:s6] =	stream.linear.scatter [tilespmem:s4], [sflag:$0x9], $0x1, $0x38;
	[tilespmem:$0x18280] =	vst v63  }
0xab: {  	s4 =	sor.u32 $0x1E80, s2;
	s6 =	sadd.s32 $0x7000, s3  }
0xac: {  	[spmem:s6] =	stream.linear.scatter [tilespmem:s4], [sflag:$0x9], $0x1, $0x38;
	[tilespmem:$0x18280] =	vst v63  }
0xad: {  	s4 =	sor.u32 $0x1F00, s2;
	s6 =	sadd.s32 $0x7080, s3  }
0xae: {  	[spmem:s6] =	stream.linear.scatter [tilespmem:s4], [sflag:$0x9], $0x1, $0x38;
	[tilespmem:$0x18280] =	vst v63  }
0xaf: {  	s4 =	sor.u32 $0x1F80, s2;
	s6 =	sadd.s32 $0x7100, s3  }
0xb0: {  	[spmem:s6] =	stream.linear.scatter [tilespmem:s4], [sflag:$0x9], $0x1, $0x38;
	[tilespmem:$0x18280] =	vst v63  }
0xb1: {  	s4 =	sor.u32 $0x2000, s2;
	s6 =	sadd.s32 $0x7180, s3  }
0xb2: {  	[spmem:s6] =	stream.linear.scatter [tilespmem:s4], [sflag:$0x9], $0x1, $0x38;
	[tilespmem:$0x18280] =	vst v63  }
0xb3: {  	s4 =	sor.u32 $0x2080, s2;
	s6 =	sadd.s32 $0x7200, s3  }
0xb4: {  	[spmem:s6] =	stream.linear.scatter [tilespmem:s4], [sflag:$0x9], $0x1, $0x38;
	[tilespmem:$0x18280] =	vst v63  }
0xb5: {  	s4 =	sor.u32 $0x2100, s2;
	s6 =	sadd.s32 $0x7280, s3  }
0xb6: {  	[spmem:s6] =	stream.linear.scatter [tilespmem:s4], [sflag:$0x9], $0x1, $0x38;
	[tilespmem:$0x18280] =	vst v63  }
0xb7: {  	s4 =	sor.u32 $0x2180, s2;
	s6 =	sadd.s32 $0x7300, s3  }
0xb8: {  	[spmem:s6] =	stream.linear.scatter [tilespmem:s4], [sflag:$0x9], $0x1, $0x38;
	[tilespmem:$0x18280] =	vst v63  }
0xb9: {  	s2 =	sor.u32 $0x2200, s2;
	s6 =	sadd.s32 $0x7380, s3  }
0xba: {  	[spmem:s6] =	stream.linear.scatter [tilespmem:s2], [sflag:$0x9], $0x1, $0x38;
	[tilespmem:$0x18280] =	vst v63  }
0xbb: {  	_ =	swait.ge [sflag:s20], $0x40  }
0xbc: {  	(v2sf) =	vpush v3, $0x8;
	_ =	sdelay $0xe  }
0xbd: {  	s4 =	spop (v2sf)  }
0xbe: {  	[sflag:s20] =	ssyncset.done $0x0;
	s2 =	sand.u32 $0xFFFFF80, s4  }
0xbf: {  	[sflag:s20] =	ssyncadd.s32 $0xFFFFFFC0;
	s2 =	sadd.s32 s1, s2  }
0xc0: {  	[tilespmem:s11], [sflag:$0x1] =	stream.strided.gather [hbm4b:s2+s9], $0x2000, s10, s9, $0x38;
	[tilespmem:$0x18280] =	vst v63  }
0xc1: {  	_ =	swait.ge [sflag:s21], $0x2000  }
0xc2: {  	(v2sf) =	vpush v2, $0x1;
	_ =	sdelay $0xe  }
0xc3: {  	[sflag:s21] =	ssyncset.done $0x0;
	s2 =	spop (v2sf)  }
0xc4: {  	s4 =	sadd.s32 $0x1, s3;
	[sflag:s21] =	ssyncadd.s32 $0xFFFFE000;
	s6 =	sor.u32 $0x2280, s2  }
0xc5: {  	[spmem:s4] =	stream.linear.scatter [tilespmem:s6], [sflag:$0x9], $0x1, $0x38;
	[tilespmem:$0x18280] =	vst v63  }
0xc6: {  	s4 =	sor.u32 $0x2300, s2;
	s6 =	sadd.s32 $0x81, s3  }
0xc7: {  	[spmem:s6] =	stream.linear.scatter [tilespmem:s4], [sflag:$0x9], $0x1, $0x38;
	[tilespmem:$0x18280] =	vst v63  }
0xc8: {  	s4 =	sor.u32 $0x2380, s2;
	s6 =	sadd.s32 $0x101, s3  }
0xc9: {  	[spmem:s6] =	stream.linear.scatter [tilespmem:s4], [sflag:$0x9], $0x1, $0x38;
	[tilespmem:$0x18280] =	vst v63  }
0xca: {  	s4 =	sor.u32 $0x2400, s2;
	s6 =	sadd.s32 $0x181, s3  }
0xcb: {  	[spmem:s6] =	stream.linear.scatter [tilespmem:s4], [sflag:$0x9], $0x1, $0x38;
	[tilespmem:$0x18280] =	vst v63  }
0xcc: {  	s4 =	sor.u32 $0x2480, s2;
	s6 =	sadd.s32 $0x201, s3  }
0xcd: {  	[spmem:s6] =	stream.linear.scatter [tilespmem:s4], [sflag:$0x9], $0x1, $0x38;
	[tilespmem:$0x18280] =	vst v63  }
0xce: {  	s4 =	sor.u32 $0x2500, s2;
	s6 =	sadd.s32 $0x281, s3  }
0xcf: {  	[spmem:s6] =	stream.linear.scatter [tilespmem:s4], [sflag:$0x9], $0x1, $0x38;
	[tilespmem:$0x18280] =	vst v63  }
0xd0: {  	s4 =	sor.u32 $0x2580, s2;
	s6 =	sadd.s32 $0x301, s3  }
0xd1: {  	[spmem:s6] =	stream.linear.scatter [tilespmem:s4], [sflag:$0x9], $0x1, $0x38;
	[tilespmem:$0x18280] =	vst v63  }
0xd2: {  	s4 =	sor.u32 $0x2600, s2;
	s6 =	sadd.s32 $0x381, s3  }
0xd3: {  	[spmem:s6] =	stream.linear.scatter [tilespmem:s4], [sflag:$0x9], $0x1, $0x38;
	[tilespmem:$0x18280] =	vst v63  }
0xd4: {  	s4 =	sor.u32 $0x2680, s2;
	s6 =	sadd.s32 $0x1001, s3  }
0xd5: {  	[spmem:s6] =	stream.linear.scatter [tilespmem:s4], [sflag:$0x9], $0x1, $0x38;
	[tilespmem:$0x18280] =	vst v63  }
0xd6: {  	s4 =	sor.u32 $0x2700, s2;
	s6 =	sadd.s32 $0x1081, s3  }
0xd7: {  	[spmem:s6] =	stream.linear.scatter [tilespmem:s4], [sflag:$0x9], $0x1, $0x38;
	[tilespmem:$0x18280] =	vst v63  }
0xd8: {  	s4 =	sor.u32 $0x2780, s2;
	s6 =	sadd.s32 $0x1101, s3  }
0xd9: {  	[spmem:s6] =	stream.linear.scatter [tilespmem:s4], [sflag:$0x9], $0x1, $0x38;
	[tilespmem:$0x18280] =	vst v63  }
0xda: {  	s4 =	sor.u32 $0x2800, s2;
	s6 =	sadd.s32 $0x1181, s3  }
0xdb: {  	[spmem:s6] =	stream.linear.scatter [tilespmem:s4], [sflag:$0x9], $0x1, $0x38;
	[tilespmem:$0x18280] =	vst v63  }
0xdc: {  	s4 =	sor.u32 $0x2880, s2;
	s6 =	sadd.s32 $0x1201, s3  }
0xdd: {  	[spmem:s6] =	stream.linear.scatter [tilespmem:s4], [sflag:$0x9], $0x1, $0x38;
	[tilespmem:$0x18280] =	vst v63  }
0xde: {  	s4 =	sor.u32 $0x2900, s2;
	s6 =	sadd.s32 $0x1281, s3  }
0xdf: {  	[spmem:s6] =	stream.linear.scatter [tilespmem:s4], [sflag:$0x9], $0x1, $0x38;
	[tilespmem:$0x18280] =	vst v63  }
0xe0: {  	s4 =	sor.u32 $0x2980, s2;
	s6 =	sadd.s32 $0x1301, s3  }
0xe1: {  	[spmem:s6] =	stream.linear.scatter [tilespmem:s4], [sflag:$0x9], $0x1, $0x38;
	[tilespmem:$0x18280] =	vst v63  }
0xe2: {  	s4 =	sor.u32 $0x2A00, s2;
	s6 =	sadd.s32 $0x1381, s3  }
0xe3: {  	[spmem:s6] =	stream.linear.scatter [tilespmem:s4], [sflag:$0x9], $0x1, $0x38;
	[tilespmem:$0x18280] =	vst v63  }
0xe4: {  	s4 =	sor.u32 $0x2A80, s2;
	s6 =	sadd.s32 $0x2001, s3  }
0xe5: {  	[spmem:s6] =	stream.linear.scatter [tilespmem:s4], [sflag:$0x9], $0x1, $0x38;
	[tilespmem:$0x18280] =	vst v63  }
0xe6: {  	s4 =	sor.u32 $0x2B00, s2;
	s6 =	sadd.s32 $0x2081, s3  }
0xe7: {  	[spmem:s6] =	stream.linear.scatter [tilespmem:s4], [sflag:$0x9], $0x1, $0x38;
	[tilespmem:$0x18280] =	vst v63  }
0xe8: {  	s4 =	sor.u32 $0x2B80, s2;
	s6 =	sadd.s32 $0x2101, s3  }
0xe9: {  	[spmem:s6] =	stream.linear.scatter [tilespmem:s4], [sflag:$0x9], $0x1, $0x38;
	[tilespmem:$0x18280] =	vst v63  }
0xea: {  	s4 =	sor.u32 $0x2C00, s2;
	s6 =	sadd.s32 $0x2181, s3  }
0xeb: {  	[spmem:s6] =	stream.linear.scatter [tilespmem:s4], [sflag:$0x9], $0x1, $0x38;
	[tilespmem:$0x18280] =	vst v63  }
0xec: {  	s4 =	sor.u32 $0x2C80, s2;
	s6 =	sadd.s32 $0x2201, s3  }
0xed: {  	[spmem:s6] =	stream.linear.scatter [tilespmem:s4], [sflag:$0x9], $0x1, $0x38;
	[tilespmem:$0x18280] =	vst v63  }
0xee: {  	s4 =	sor.u32 $0x2D00, s2;
	s6 =	sadd.s32 $0x2281, s3  }
0xef: {  	[spmem:s6] =	stream.linear.scatter [tilespmem:s4], [sflag:$0x9], $0x1, $0x38;
	[tilespmem:$0x18280] =	vst v63  }
0xf0: {  	s4 =	sor.u32 $0x2D80, s2;
	s6 =	sadd.s32 $0x2301, s3  }
0xf1: {  	[spmem:s6] =	stream.linear.scatter [tilespmem:s4], [sflag:$0x9], $0x1, $0x38;
	[tilespmem:$0x18280] =	vst v63  }
0xf2: {  	s4 =	sor.u32 $0x2E00, s2;
	s6 =	sadd.s32 $0x2381, s3  }
0xf3: {  	[spmem:s6] =	stream.linear.scatter [tilespmem:s4], [sflag:$0x9], $0x1, $0x38;
	[tilespmem:$0x18280] =	vst v63  }
0xf4: {  	s4 =	sor.u32 $0x2E80, s2;
	s6 =	sadd.s32 $0x3001, s3  }
0xf5: {  	[spmem:s6] =	stream.linear.scatter [tilespmem:s4], [sflag:$0x9], $0x1, $0x38;
	[tilespmem:$0x18280] =	vst v63  }
0xf6: {  	s4 =	sor.u32 $0x2F00, s2;
	s6 =	sadd.s32 $0x3081, s3  }
0xf7: {  	[spmem:s6] =	stream.linear.scatter [tilespmem:s4], [sflag:$0x9], $0x1, $0x38;
	[tilespmem:$0x18280] =	vst v63  }
0xf8: {  	s4 =	sor.u32 $0x2F80, s2;
	s6 =	sadd.s32 $0x3101, s3  }
0xf9: {  	[spmem:s6] =	stream.linear.scatter [tilespmem:s4], [sflag:$0x9], $0x1, $0x38;
	[tilespmem:$0x18280] =	vst v63  }
0xfa: {  	s4 =	sor.u32 $0x3000, s2;
	s6 =	sadd.s32 $0x3181, s3  }
0xfb: {  	[spmem:s6] =	stream.linear.scatter [tilespmem:s4], [sflag:$0x9], $0x1, $0x38;
	[tilespmem:$0x18280] =	vst v63  }
0xfc: {  	s4 =	sor.u32 $0x3080, s2;
	s6 =	sadd.s32 $0x3201, s3  }
0xfd: {  	[spmem:s6] =	stream.linear.scatter [tilespmem:s4], [sflag:$0x9], $0x1, $0x38;
	[tilespmem:$0x18280] =	vst v63  }
0xfe: {  	s4 =	sor.u32 $0x3100, s2;
	s6 =	sadd.s32 $0x3281, s3  }
0xff: {  	[spmem:s6] =	stream.linear.scatter [tilespmem:s4], [sflag:$0x9], $0x1, $0x38;
	[tilespmem:$0x18280] =	vst v63  }
0x100: {  	s4 =	sor.u32 $0x3180, s2;
	s6 =	sadd.s32 $0x3301, s3  }
0x101: {  	[spmem:s6] =	stream.linear.scatter [tilespmem:s4], [sflag:$0x9], $0x1, $0x38;
	[tilespmem:$0x18280] =	vst v63  }
0x102: {  	s4 =	sor.u32 $0x3200, s2;
	s6 =	sadd.s32 $0x3381, s3  }
0x103: {  	[spmem:s6] =	stream.linear.scatter [tilespmem:s4], [sflag:$0x9], $0x1, $0x38;
	[tilespmem:$0x18280] =	vst v63  }
0x104: {  	s4 =	sor.u32 $0x3280, s2;
	s6 =	sadd.s32 $0x4001, s3  }
0x105: {  	[spmem:s6] =	stream.linear.scatter [tilespmem:s4], [sflag:$0x9], $0x1, $0x38;
	[tilespmem:$0x18280] =	vst v63  }
0x106: {  	s4 =	sor.u32 $0x3300, s2;
	s6 =	sadd.s32 $0x4081, s3  }
0x107: {  	[spmem:s6] =	stream.linear.scatter [tilespmem:s4], [sflag:$0x9], $0x1, $0x38;
	[tilespmem:$0x18280] =	vst v63  }
0x108: {  	s4 =	sor.u32 $0x3380, s2;
	s6 =	sadd.s32 $0x4101, s3  }
0x109: {  	[spmem:s6] =	stream.linear.scatter [tilespmem:s4], [sflag:$0x9], $0x1, $0x38;
	[tilespmem:$0x18280] =	vst v63  }
0x10a: {  	s4 =	sor.u32 $0x3400, s2;
	s6 =	sadd.s32 $0x4181, s3  }
0x10b: {  	[spmem:s6] =	stream.linear.scatter [tilespmem:s4], [sflag:$0x9], $0x1, $0x38;
	[tilespmem:$0x18280] =	vst v63  }
0x10c: {  	s4 =	sor.u32 $0x3480, s2;
	s6 =	sadd.s32 $0x4201, s3  }
0x10d: {  	[spmem:s6] =	stream.linear.scatter [tilespmem:s4], [sflag:$0x9], $0x1, $0x38;
	[tilespmem:$0x18280] =	vst v63  }
0x10e: {  	s4 =	sor.u32 $0x3500, s2;
	s6 =	sadd.s32 $0x4281, s3  }
0x10f: {  	[spmem:s6] =	stream.linear.scatter [tilespmem:s4], [sflag:$0x9], $0x1, $0x38;
	[tilespmem:$0x18280] =	vst v63  }
0x110: {  	s4 =	sor.u32 $0x3580, s2;
	s6 =	sadd.s32 $0x4301, s3  }
0x111: {  	[spmem:s6] =	stream.linear.scatter [tilespmem:s4], [sflag:$0x9], $0x1, $0x38;
	[tilespmem:$0x18280] =	vst v63  }
0x112: {  	s4 =	sor.u32 $0x3600, s2;
	s6 =	sadd.s32 $0x4381, s3  }
0x113: {  	[spmem:s6] =	stream.linear.scatter [tilespmem:s4], [sflag:$0x9], $0x1, $0x38;
	[tilespmem:$0x18280] =	vst v63  }
0x114: {  	s4 =	sor.u32 $0x3680, s2;
	s6 =	sadd.s32 $0x5001, s3  }
0x115: {  	[spmem:s6] =	stream.linear.scatter [tilespmem:s4], [sflag:$0x9], $0x1, $0x38;
	[tilespmem:$0x18280] =	vst v63  }
0x116: {  	s4 =	sor.u32 $0x3700, s2;
	s6 =	sadd.s32 $0x5081, s3  }
0x117: {  	[spmem:s6] =	stream.linear.scatter [tilespmem:s4], [sflag:$0x9], $0x1, $0x38;
	[tilespmem:$0x18280] =	vst v63  }
0x118: {  	s4 =	sor.u32 $0x3780, s2;
	s6 =	sadd.s32 $0x5101, s3  }
0x119: {  	[spmem:s6] =	stream.linear.scatter [tilespmem:s4], [sflag:$0x9], $0x1, $0x38;
	[tilespmem:$0x18280] =	vst v63  }
0x11a: {  	s4 =	sor.u32 $0x3800, s2;
	s6 =	sadd.s32 $0x5181, s3  }
0x11b: {  	[spmem:s6] =	stream.linear.scatter [tilespmem:s4], [sflag:$0x9], $0x1, $0x38;
	[tilespmem:$0x18280] =	vst v63  }
0x11c: {  	s4 =	sor.u32 $0x3880, s2;
	s6 =	sadd.s32 $0x5201, s3  }
0x11d: {  	[spmem:s6] =	stream.linear.scatter [tilespmem:s4], [sflag:$0x9], $0x1, $0x38;
	[tilespmem:$0x18280] =	vst v63  }
0x11e: {  	s4 =	sor.u32 $0x3900, s2;
	s6 =	sadd.s32 $0x5281, s3  }
0x11f: {  	[spmem:s6] =	stream.linear.scatter [tilespmem:s4], [sflag:$0x9], $0x1, $0x38;
	[tilespmem:$0x18280] =	vst v63  }
0x120: {  	s4 =	sor.u32 $0x3980, s2;
	s6 =	sadd.s32 $0x5301, s3  }
0x121: {  	[spmem:s6] =	stream.linear.scatter [tilespmem:s4], [sflag:$0x9], $0x1, $0x38;
	[tilespmem:$0x18280] =	vst v63  }
0x122: {  	s4 =	sor.u32 $0x3A00, s2;
	s6 =	sadd.s32 $0x5381, s3  }
0x123: {  	[spmem:s6] =	stream.linear.scatter [tilespmem:s4], [sflag:$0x9], $0x1, $0x38;
	[tilespmem:$0x18280] =	vst v63  }
0x124: {  	s4 =	sor.u32 $0x3A80, s2;
	s6 =	sadd.s32 $0x6001, s3  }
0x125: {  	[spmem:s6] =	stream.linear.scatter [tilespmem:s4], [sflag:$0x9], $0x1, $0x38;
	[tilespmem:$0x18280] =	vst v63  }
0x126: {  	s4 =	sor.u32 $0x3B00, s2;
	s6 =	sadd.s32 $0x6081, s3  }
0x127: {  	[spmem:s6] =	stream.linear.scatter [tilespmem:s4], [sflag:$0x9], $0x1, $0x38;
	[tilespmem:$0x18280] =	vst v63  }
0x128: {  	s4 =	sor.u32 $0x3B80, s2;
	s6 =	sadd.s32 $0x6101, s3  }
0x129: {  	[spmem:s6] =	stream.linear.scatter [tilespmem:s4], [sflag:$0x9], $0x1, $0x38;
	[tilespmem:$0x18280] =	vst v63  }
0x12a: {  	s4 =	sor.u32 $0x3C00, s2;
	s6 =	sadd.s32 $0x6181, s3  }
0x12b: {  	[spmem:s6] =	stream.linear.scatter [tilespmem:s4], [sflag:$0x9], $0x1, $0x38;
	[tilespmem:$0x18280] =	vst v63  }
0x12c: {  	s4 =	sor.u32 $0x3C80, s2;
	s6 =	sadd.s32 $0x6201, s3  }
0x12d: {  	[spmem:s6] =	stream.linear.scatter [tilespmem:s4], [sflag:$0x9], $0x1, $0x38;
	[tilespmem:$0x18280] =	vst v63  }
0x12e: {  	s4 =	sor.u32 $0x3D00, s2;
	s6 =	sadd.s32 $0x6281, s3  }
0x12f: {  	[spmem:s6] =	stream.linear.scatter [tilespmem:s4], [sflag:$0x9], $0x1, $0x38;
	[tilespmem:$0x18280] =	vst v63  }
0x130: {  	s4 =	sor.u32 $0x3D80, s2;
	s6 =	sadd.s32 $0x6301, s3  }
0x131: {  	[spmem:s6] =	stream.linear.scatter [tilespmem:s4], [sflag:$0x9], $0x1, $0x38;
	[tilespmem:$0x18280] =	vst v63  }
0x132: {  	s4 =	sor.u32 $0x3E00, s2;
	s6 =	sadd.s32 $0x6381, s3  }
0x133: {  	[spmem:s6] =	stream.linear.scatter [tilespmem:s4], [sflag:$0x9], $0x1, $0x38;
	[tilespmem:$0x18280] =	vst v63  }
0x134: {  	s4 =	sor.u32 $0x3E80, s2;
	s6 =	sadd.s32 $0x7001, s3  }
0x135: {  	[spmem:s6] =	stream.linear.scatter [tilespmem:s4], [sflag:$0x9], $0x1, $0x38;
	[tilespmem:$0x18280] =	vst v63  }
0x136: {  	s4 =	sor.u32 $0x3F00, s2;
	s6 =	sadd.s32 $0x7081, s3  }
0x137: {  	[spmem:s6] =	stream.linear.scatter [tilespmem:s4], [sflag:$0x9], $0x1, $0x38;
	[tilespmem:$0x18280] =	vst v63  }
0x138: {  	s4 =	sor.u32 $0x3F80, s2;
	s6 =	sadd.s32 $0x7101, s3  }
0x139: {  	[spmem:s6] =	stream.linear.scatter [tilespmem:s4], [sflag:$0x9], $0x1, $0x38;
	[tilespmem:$0x18280] =	vst v63  }
0x13a: {  	s4 =	sor.u32 $0x4000, s2;
	s6 =	sadd.s32 $0x7181, s3  }
0x13b: {  	[spmem:s6] =	stream.linear.scatter [tilespmem:s4], [sflag:$0x9], $0x1, $0x38;
	[tilespmem:$0x18280] =	vst v63  }
0x13c: {  	s4 =	sor.u32 $0x4080, s2;
	s6 =	sadd.s32 $0x7201, s3  }
0x13d: {  	[spmem:s6] =	stream.linear.scatter [tilespmem:s4], [sflag:$0x9], $0x1, $0x38;
	[tilespmem:$0x18280] =	vst v63  }
0x13e: {  	s4 =	sor.u32 $0x4100, s2;
	s6 =	sadd.s32 $0x7281, s3  }
0x13f: {  	[spmem:s6] =	stream.linear.scatter [tilespmem:s4], [sflag:$0x9], $0x1, $0x38;
	[tilespmem:$0x18280] =	vst v63  }
0x140: {  	s4 =	sor.u32 $0x4180, s2;
	s6 =	sadd.s32 $0x7301, s3  }
0x141: {  	[spmem:s6] =	stream.linear.scatter [tilespmem:s4], [sflag:$0x9], $0x1, $0x38;
	[tilespmem:$0x18280] =	vst v63  }
0x142: {  	s2 =	sor.u32 $0x4200, s2;
	s6 =	sadd.s32 $0x7381, s3  }
0x143: {  	[spmem:s6] =	stream.linear.scatter [tilespmem:s2], [sflag:$0x9], $0x1, $0x38;
	[tilespmem:$0x18280] =	vst v63  }
0x144: {  	_ =	swait.ge [sflag:s20], $0x40  }
0x145: {  	(v2sf) =	vpush v3, $0x9;
	_ =	sdelay $0xe  }
0x146: {  	s4 =	spop (v2sf)  }
0x147: {  	[sflag:s20] =	ssyncset.done $0x0;
	s2 =	sand.u32 $0xFFFFF80, s4  }
0x148: {  	[sflag:s20] =	ssyncadd.s32 $0xFFFFFFC0;
	s2 =	sadd.s32 s1, s2  }
0x149: {  	[tilespmem:s12], [sflag:$0x2] =	stream.strided.gather [hbm4b:s2+s9], $0x2000, s10, s9, $0x38;
	[tilespmem:$0x18280] =	vst v63  }
0x14a: {  	_ =	swait.ge [sflag:s22], $0x2000  }
0x14b: {  	(v2sf) =	vpush v2, $0x2;
	_ =	sdelay $0xe  }
0x14c: {  	[sflag:s22] =	ssyncset.done $0x0;
	s2 =	spop (v2sf)  }
0x14d: {  	s4 =	sadd.s32 $0x2, s3;
	[sflag:s22] =	ssyncadd.s32 $0xFFFFE000;
	s6 =	sor.u32 $0x4280, s2  }
0x14e: {  	[spmem:s4] =	stream.linear.scatter [tilespmem:s6], [sflag:$0x9], $0x1, $0x38;
	[tilespmem:$0x18280] =	vst v63  }
0x14f: {  	s4 =	sor.u32 $0x4300, s2;
	s6 =	sadd.s32 $0x82, s3  }
0x150: {  	[spmem:s6] =	stream.linear.scatter [tilespmem:s4], [sflag:$0x9], $0x1, $0x38;
	[tilespmem:$0x18280] =	vst v63  }
0x151: {  	s4 =	sor.u32 $0x4380, s2;
	s6 =	sadd.s32 $0x102, s3  }
0x152: {  	[spmem:s6] =	stream.linear.scatter [tilespmem:s4], [sflag:$0x9], $0x1, $0x38;
	[tilespmem:$0x18280] =	vst v63  }
0x153: {  	s4 =	sor.u32 $0x4400, s2;
	s6 =	sadd.s32 $0x182, s3  }
0x154: {  	[spmem:s6] =	stream.linear.scatter [tilespmem:s4], [sflag:$0x9], $0x1, $0x38;
	[tilespmem:$0x18280] =	vst v63  }
0x155: {  	s4 =	sor.u32 $0x4480, s2;
	s6 =	sadd.s32 $0x202, s3  }
0x156: {  	[spmem:s6] =	stream.linear.scatter [tilespmem:s4], [sflag:$0x9], $0x1, $0x38;
	[tilespmem:$0x18280] =	vst v63  }
0x157: {  	s4 =	sor.u32 $0x4500, s2;
	s6 =	sadd.s32 $0x282, s3  }
0x158: {  	[spmem:s6] =	stream.linear.scatter [tilespmem:s4], [sflag:$0x9], $0x1, $0x38;
	[tilespmem:$0x18280] =	vst v63  }
0x159: {  	s4 =	sor.u32 $0x4580, s2;
	s6 =	sadd.s32 $0x302, s3  }
0x15a: {  	[spmem:s6] =	stream.linear.scatter [tilespmem:s4], [sflag:$0x9], $0x1, $0x38;
	[tilespmem:$0x18280] =	vst v63  }
0x15b: {  	s4 =	sor.u32 $0x4600, s2;
	s6 =	sadd.s32 $0x382, s3  }
0x15c: {  	[spmem:s6] =	stream.linear.scatter [tilespmem:s4], [sflag:$0x9], $0x1, $0x38;
	[tilespmem:$0x18280] =	vst v63  }
0x15d: {  	s4 =	sor.u32 $0x4680, s2;
	s6 =	sadd.s32 $0x1002, s3  }
0x15e: {  	[spmem:s6] =	stream.linear.scatter [tilespmem:s4], [sflag:$0x9], $0x1, $0x38;
	[tilespmem:$0x18280] =	vst v63  }
0x15f: {  	s4 =	sor.u32 $0x4700, s2;
	s6 =	sadd.s32 $0x1082, s3  }
0x160: {  	[spmem:s6] =	stream.linear.scatter [tilespmem:s4], [sflag:$0x9], $0x1, $0x38;
	[tilespmem:$0x18280] =	vst v63  }
0x161: {  	s4 =	sor.u32 $0x4780, s2;
	s6 =	sadd.s32 $0x1102, s3  }
0x162: {  	[spmem:s6] =	stream.linear.scatter [tilespmem:s4], [sflag:$0x9], $0x1, $0x38;
	[tilespmem:$0x18280] =	vst v63  }
0x163: {  	s4 =	sor.u32 $0x4800, s2;
	s6 =	sadd.s32 $0x1182, s3  }
0x164: {  	[spmem:s6] =	stream.linear.scatter [tilespmem:s4], [sflag:$0x9], $0x1, $0x38;
	[tilespmem:$0x18280] =	vst v63  }
0x165: {  	s4 =	sor.u32 $0x4880, s2;
	s6 =	sadd.s32 $0x1202, s3  }
0x166: {  	[spmem:s6] =	stream.linear.scatter [tilespmem:s4], [sflag:$0x9], $0x1, $0x38;
	[tilespmem:$0x18280] =	vst v63  }
0x167: {  	s4 =	sor.u32 $0x4900, s2;
	s6 =	sadd.s32 $0x1282, s3  }
0x168: {  	[spmem:s6] =	stream.linear.scatter [tilespmem:s4], [sflag:$0x9], $0x1, $0x38;
	[tilespmem:$0x18280] =	vst v63  }
0x169: {  	s4 =	sor.u32 $0x4980, s2;
	s6 =	sadd.s32 $0x1302, s3  }
0x16a: {  	[spmem:s6] =	stream.linear.scatter [tilespmem:s4], [sflag:$0x9], $0x1, $0x38;
	[tilespmem:$0x18280] =	vst v63  }
0x16b: {  	s4 =	sor.u32 $0x4A00, s2;
	s6 =	sadd.s32 $0x1382, s3  }
0x16c: {  	[spmem:s6] =	stream.linear.scatter [tilespmem:s4], [sflag:$0x9], $0x1, $0x38;
	[tilespmem:$0x18280] =	vst v63  }
0x16d: {  	s4 =	sor.u32 $0x4A80, s2;
	s6 =	sadd.s32 $0x2002, s3  }
0x16e: {  	[spmem:s6] =	stream.linear.scatter [tilespmem:s4], [sflag:$0x9], $0x1, $0x38;
	[tilespmem:$0x18280] =	vst v63  }
0x16f: {  	s4 =	sor.u32 $0x4B00, s2;
	s6 =	sadd.s32 $0x2082, s3  }
0x170: {  	[spmem:s6] =	stream.linear.scatter [tilespmem:s4], [sflag:$0x9], $0x1, $0x38;
	[tilespmem:$0x18280] =	vst v63  }
0x171: {  	s4 =	sor.u32 $0x4B80, s2;
	s6 =	sadd.s32 $0x2102, s3  }
0x172: {  	[spmem:s6] =	stream.linear.scatter [tilespmem:s4], [sflag:$0x9], $0x1, $0x38;
	[tilespmem:$0x18280] =	vst v63  }
0x173: {  	s4 =	sor.u32 $0x4C00, s2;
	s6 =	sadd.s32 $0x2182, s3  }
0x174: {  	[spmem:s6] =	stream.linear.scatter [tilespmem:s4], [sflag:$0x9], $0x1, $0x38;
	[tilespmem:$0x18280] =	vst v63  }
0x175: {  	s4 =	sor.u32 $0x4C80, s2;
	s6 =	sadd.s32 $0x2202, s3  }
0x176: {  	[spmem:s6] =	stream.linear.scatter [tilespmem:s4], [sflag:$0x9], $0x1, $0x38;
	[tilespmem:$0x18280] =	vst v63  }
0x177: {  	s4 =	sor.u32 $0x4D00, s2;
	s6 =	sadd.s32 $0x2282, s3  }
0x178: {  	[spmem:s6] =	stream.linear.scatter [tilespmem:s4], [sflag:$0x9], $0x1, $0x38;
	[tilespmem:$0x18280] =	vst v63  }
0x179: {  	s4 =	sor.u32 $0x4D80, s2;
	s6 =	sadd.s32 $0x2302, s3  }
0x17a: {  	[spmem:s6] =	stream.linear.scatter [tilespmem:s4], [sflag:$0x9], $0x1, $0x38;
	[tilespmem:$0x18280] =	vst v63  }
0x17b: {  	s4 =	sor.u32 $0x4E00, s2;
	s6 =	sadd.s32 $0x2382, s3  }
0x17c: {  	[spmem:s6] =	stream.linear.scatter [tilespmem:s4], [sflag:$0x9], $0x1, $0x38;
	[tilespmem:$0x18280] =	vst v63  }
0x17d: {  	s4 =	sor.u32 $0x4E80, s2;
	s6 =	sadd.s32 $0x3002, s3  }
0x17e: {  	[spmem:s6] =	stream.linear.scatter [tilespmem:s4], [sflag:$0x9], $0x1, $0x38;
	[tilespmem:$0x18280] =	vst v63  }
0x17f: {  	s4 =	sor.u32 $0x4F00, s2;
	s6 =	sadd.s32 $0x3082, s3  }
0x180: {  	[spmem:s6] =	stream.linear.scatter [tilespmem:s4], [sflag:$0x9], $0x1, $0x38;
	[tilespmem:$0x18280] =	vst v63  }
0x181: {  	s4 =	sor.u32 $0x4F80, s2;
	s6 =	sadd.s32 $0x3102, s3  }
0x182: {  	[spmem:s6] =	stream.linear.scatter [tilespmem:s4], [sflag:$0x9], $0x1, $0x38;
	[tilespmem:$0x18280] =	vst v63  }
0x183: {  	s4 =	sor.u32 $0x5000, s2;
	s6 =	sadd.s32 $0x3182, s3  }
0x184: {  	[spmem:s6] =	stream.linear.scatter [tilespmem:s4], [sflag:$0x9], $0x1, $0x38;
	[tilespmem:$0x18280] =	vst v63  }
0x185: {  	s4 =	sor.u32 $0x5080, s2;
	s6 =	sadd.s32 $0x3202, s3  }
0x186: {  	[spmem:s6] =	stream.linear.scatter [tilespmem:s4], [sflag:$0x9], $0x1, $0x38;
	[tilespmem:$0x18280] =	vst v63  }
0x187: {  	s4 =	sor.u32 $0x5100, s2;
	s6 =	sadd.s32 $0x3282, s3  }
0x188: {  	[spmem:s6] =	stream.linear.scatter [tilespmem:s4], [sflag:$0x9], $0x1, $0x38;
	[tilespmem:$0x18280] =	vst v63  }
0x189: {  	s4 =	sor.u32 $0x5180, s2;
	s6 =	sadd.s32 $0x3302, s3  }
0x18a: {  	[spmem:s6] =	stream.linear.scatter [tilespmem:s4], [sflag:$0x9], $0x1, $0x38;
	[tilespmem:$0x18280] =	vst v63  }
0x18b: {  	s4 =	sor.u32 $0x5200, s2;
	s6 =	sadd.s32 $0x3382, s3  }
0x18c: {  	[spmem:s6] =	stream.linear.scatter [tilespmem:s4], [sflag:$0x9], $0x1, $0x38;
	[tilespmem:$0x18280] =	vst v63  }
0x18d: {  	s4 =	sor.u32 $0x5280, s2;
	s6 =	sadd.s32 $0x4002, s3  }
0x18e: {  	[spmem:s6] =	stream.linear.scatter [tilespmem:s4], [sflag:$0x9], $0x1, $0x38;
	[tilespmem:$0x18280] =	vst v63  }
0x18f: {  	s4 =	sor.u32 $0x5300, s2;
	s6 =	sadd.s32 $0x4082, s3  }
0x190: {  	[spmem:s6] =	stream.linear.scatter [tilespmem:s4], [sflag:$0x9], $0x1, $0x38;
	[tilespmem:$0x18280] =	vst v63  }
0x191: {  	s4 =	sor.u32 $0x5380, s2;
	s6 =	sadd.s32 $0x4102, s3  }
0x192: {  	[spmem:s6] =	stream.linear.scatter [tilespmem:s4], [sflag:$0x9], $0x1, $0x38;
	[tilespmem:$0x18280] =	vst v63  }
0x193: {  	s4 =	sor.u32 $0x5400, s2;
	s6 =	sadd.s32 $0x4182, s3  }
0x194: {  	[spmem:s6] =	stream.linear.scatter [tilespmem:s4], [sflag:$0x9], $0x1, $0x38;
	[tilespmem:$0x18280] =	vst v63  }
0x195: {  	s4 =	sor.u32 $0x5480, s2;
	s6 =	sadd.s32 $0x4202, s3  }
0x196: {  	[spmem:s6] =	stream.linear.scatter [tilespmem:s4], [sflag:$0x9], $0x1, $0x38;
	[tilespmem:$0x18280] =	vst v63  }
0x197: {  	s4 =	sor.u32 $0x5500, s2;
	s6 =	sadd.s32 $0x4282, s3  }
0x198: {  	[spmem:s6] =	stream.linear.scatter [tilespmem:s4], [sflag:$0x9], $0x1, $0x38;
	[tilespmem:$0x18280] =	vst v63  }
0x199: {  	s4 =	sor.u32 $0x5580, s2;
	s6 =	sadd.s32 $0x4302, s3  }
0x19a: {  	[spmem:s6] =	stream.linear.scatter [tilespmem:s4], [sflag:$0x9], $0x1, $0x38;
	[tilespmem:$0x18280] =	vst v63  }
0x19b: {  	s4 =	sor.u32 $0x5600, s2;
	s6 =	sadd.s32 $0x4382, s3  }
0x19c: {  	[spmem:s6] =	stream.linear.scatter [tilespmem:s4], [sflag:$0x9], $0x1, $0x38;
	[tilespmem:$0x18280] =	vst v63  }
0x19d: {  	s4 =	sor.u32 $0x5680, s2;
	s6 =	sadd.s32 $0x5002, s3  }
0x19e: {  	[spmem:s6] =	stream.linear.scatter [tilespmem:s4], [sflag:$0x9], $0x1, $0x38;
	[tilespmem:$0x18280] =	vst v63  }
0x19f: {  	s4 =	sor.u32 $0x5700, s2;
	s6 =	sadd.s32 $0x5082, s3  }
0x1a0: {  	[spmem:s6] =	stream.linear.scatter [tilespmem:s4], [sflag:$0x9], $0x1, $0x38;
	[tilespmem:$0x18280] =	vst v63  }
0x1a1: {  	s4 =	sor.u32 $0x5780, s2;
	s6 =	sadd.s32 $0x5102, s3  }
0x1a2: {  	[spmem:s6] =	stream.linear.scatter [tilespmem:s4], [sflag:$0x9], $0x1, $0x38;
	[tilespmem:$0x18280] =	vst v63  }
0x1a3: {  	s4 =	sor.u32 $0x5800, s2;
	s6 =	sadd.s32 $0x5182, s3  }
0x1a4: {  	[spmem:s6] =	stream.linear.scatter [tilespmem:s4], [sflag:$0x9], $0x1, $0x38;
	[tilespmem:$0x18280] =	vst v63  }
0x1a5: {  	s4 =	sor.u32 $0x5880, s2;
	s6 =	sadd.s32 $0x5202, s3  }
0x1a6: {  	[spmem:s6] =	stream.linear.scatter [tilespmem:s4], [sflag:$0x9], $0x1, $0x38;
	[tilespmem:$0x18280] =	vst v63  }
0x1a7: {  	s4 =	sor.u32 $0x5900, s2;
	s6 =	sadd.s32 $0x5282, s3  }
0x1a8: {  	[spmem:s6] =	stream.linear.scatter [tilespmem:s4], [sflag:$0x9], $0x1, $0x38;
	[tilespmem:$0x18280] =	vst v63  }
0x1a9: {  	s4 =	sor.u32 $0x5980, s2;
	s6 =	sadd.s32 $0x5302, s3  }
0x1aa: {  	[spmem:s6] =	stream.linear.scatter [tilespmem:s4], [sflag:$0x9], $0x1, $0x38;
	[tilespmem:$0x18280] =	vst v63  }
0x1ab: {  	s4 =	sor.u32 $0x5A00, s2;
	s6 =	sadd.s32 $0x5382, s3  }
0x1ac: {  	[spmem:s6] =	stream.linear.scatter [tilespmem:s4], [sflag:$0x9], $0x1, $0x38;
	[tilespmem:$0x18280] =	vst v63  }
0x1ad: {  	s4 =	sor.u32 $0x5A80, s2;
	s6 =	sadd.s32 $0x6002, s3  }
0x1ae: {  	[spmem:s6] =	stream.linear.scatter [tilespmem:s4], [sflag:$0x9], $0x1, $0x38;
	[tilespmem:$0x18280] =	vst v63  }
0x1af: {  	s4 =	sor.u32 $0x5B00, s2;
	s6 =	sadd.s32 $0x6082, s3  }
0x1b0: {  	[spmem:s6] =	stream.linear.scatter [tilespmem:s4], [sflag:$0x9], $0x1, $0x38;
	[tilespmem:$0x18280] =	vst v63  }
0x1b1: {  	s4 =	sor.u32 $0x5B80, s2;
	s6 =	sadd.s32 $0x6102, s3  }
0x1b2: {  	[spmem:s6] =	stream.linear.scatter [tilespmem:s4], [sflag:$0x9], $0x1, $0x38;
	[tilespmem:$0x18280] =	vst v63  }
0x1b3: {  	s4 =	sor.u32 $0x5C00, s2;
	s6 =	sadd.s32 $0x6182, s3  }
0x1b4: {  	[spmem:s6] =	stream.linear.scatter [tilespmem:s4], [sflag:$0x9], $0x1, $0x38;
	[tilespmem:$0x18280] =	vst v63  }
0x1b5: {  	s4 =	sor.u32 $0x5C80, s2;
	s6 =	sadd.s32 $0x6202, s3  }
0x1b6: {  	[spmem:s6] =	stream.linear.scatter [tilespmem:s4], [sflag:$0x9], $0x1, $0x38;
	[tilespmem:$0x18280] =	vst v63  }
0x1b7: {  	s4 =	sor.u32 $0x5D00, s2;
	s6 =	sadd.s32 $0x6282, s3  }
0x1b8: {  	[spmem:s6] =	stream.linear.scatter [tilespmem:s4], [sflag:$0x9], $0x1, $0x38;
	[tilespmem:$0x18280] =	vst v63  }
0x1b9: {  	s4 =	sor.u32 $0x5D80, s2;
	s6 =	sadd.s32 $0x6302, s3  }
0x1ba: {  	[spmem:s6] =	stream.linear.scatter [tilespmem:s4], [sflag:$0x9], $0x1, $0x38;
	[tilespmem:$0x18280] =	vst v63  }
0x1bb: {  	s4 =	sor.u32 $0x5E00, s2;
	s6 =	sadd.s32 $0x6382, s3  }
0x1bc: {  	[spmem:s6] =	stream.linear.scatter [tilespmem:s4], [sflag:$0x9], $0x1, $0x38;
	[tilespmem:$0x18280] =	vst v63  }
0x1bd: {  	s4 =	sor.u32 $0x5E80, s2;
	s6 =	sadd.s32 $0x7002, s3  }
0x1be: {  	[spmem:s6] =	stream.linear.scatter [tilespmem:s4], [sflag:$0x9], $0x1, $0x38;
	[tilespmem:$0x18280] =	vst v63  }
0x1bf: {  	s4 =	sor.u32 $0x5F00, s2;
	s6 =	sadd.s32 $0x7082, s3  }
0x1c0: {  	[spmem:s6] =	stream.linear.scatter [tilespmem:s4], [sflag:$0x9], $0x1, $0x38;
	[tilespmem:$0x18280] =	vst v63  }
0x1c1: {  	s4 =	sor.u32 $0x5F80, s2;
	s6 =	sadd.s32 $0x7102, s3  }
0x1c2: {  	[spmem:s6] =	stream.linear.scatter [tilespmem:s4], [sflag:$0x9], $0x1, $0x38;
	[tilespmem:$0x18280] =	vst v63  }
0x1c3: {  	s4 =	sor.u32 $0x6000, s2;
	s6 =	sadd.s32 $0x7182, s3  }
0x1c4: {  	[spmem:s6] =	stream.linear.scatter [tilespmem:s4], [sflag:$0x9], $0x1, $0x38;
	[tilespmem:$0x18280] =	vst v63  }
0x1c5: {  	s4 =	sor.u32 $0x6080, s2;
	s6 =	sadd.s32 $0x7202, s3  }
0x1c6: {  	[spmem:s6] =	stream.linear.scatter [tilespmem:s4], [sflag:$0x9], $0x1, $0x38;
	[tilespmem:$0x18280] =	vst v63  }
0x1c7: {  	s4 =	sor.u32 $0x6100, s2;
	s6 =	sadd.s32 $0x7282, s3  }
0x1c8: {  	[spmem:s6] =	stream.linear.scatter [tilespmem:s4], [sflag:$0x9], $0x1, $0x38;
	[tilespmem:$0x18280] =	vst v63  }
0x1c9: {  	s4 =	sor.u32 $0x6180, s2;
	s6 =	sadd.s32 $0x7302, s3  }
0x1ca: {  	[spmem:s6] =	stream.linear.scatter [tilespmem:s4], [sflag:$0x9], $0x1, $0x38;
	[tilespmem:$0x18280] =	vst v63  }
0x1cb: {  	s2 =	sor.u32 $0x6200, s2;
	s6 =	sadd.s32 $0x7382, s3  }
0x1cc: {  	[spmem:s6] =	stream.linear.scatter [tilespmem:s2], [sflag:$0x9], $0x1, $0x38;
	[tilespmem:$0x18280] =	vst v63  }
0x1cd: {  	_ =	swait.ge [sflag:s20], $0x40  }
0x1ce: {  	(v2sf) =	vpush v3, $0xA;
	_ =	sdelay $0xe  }
0x1cf: {  	s4 =	spop (v2sf)  }
0x1d0: {  	[sflag:s20] =	ssyncset.done $0x0;
	s2 =	sand.u32 $0xFFFFF80, s4  }
0x1d1: {  	[sflag:s20] =	ssyncadd.s32 $0xFFFFFFC0;
	s2 =	sadd.s32 s1, s2  }
0x1d2: {  	[tilespmem:s13], [sflag:$0x3] =	stream.strided.gather [hbm4b:s2+s9], $0x2000, s10, s9, $0x38;
	[tilespmem:$0x18280] =	vst v63  }
0x1d3: {  	_ =	swait.ge [sflag:s23], $0x2000  }
0x1d4: {  	(v2sf) =	vpush v2, $0x3;
	_ =	sdelay $0xe  }
0x1d5: {  	[sflag:s23] =	ssyncset.done $0x0;
	s2 =	spop (v2sf)  }
0x1d6: {  	s4 =	sadd.s32 $0x3, s3;
	[sflag:s23] =	ssyncadd.s32 $0xFFFFE000;
	s6 =	sor.u32 $0x6280, s2  }
0x1d7: {  	[spmem:s4] =	stream.linear.scatter [tilespmem:s6], [sflag:$0x9], $0x1, $0x38;
	[tilespmem:$0x18280] =	vst v63  }
0x1d8: {  	s4 =	sor.u32 $0x6300, s2;
	s6 =	sadd.s32 $0x83, s3  }
0x1d9: {  	[spmem:s6] =	stream.linear.scatter [tilespmem:s4], [sflag:$0x9], $0x1, $0x38;
	[tilespmem:$0x18280] =	vst v63  }
0x1da: {  	s4 =	sor.u32 $0x6380, s2;
	s6 =	sadd.s32 $0x103, s3  }
0x1db: {  	[spmem:s6] =	stream.linear.scatter [tilespmem:s4], [sflag:$0x9], $0x1, $0x38;
	[tilespmem:$0x18280] =	vst v63  }
0x1dc: {  	s4 =	sor.u32 $0x6400, s2;
	s6 =	sadd.s32 $0x183, s3  }
0x1dd: {  	[spmem:s6] =	stream.linear.scatter [tilespmem:s4], [sflag:$0x9], $0x1, $0x38;
	[tilespmem:$0x18280] =	vst v63  }
0x1de: {  	s4 =	sor.u32 $0x6480, s2;
	s6 =	sadd.s32 $0x203, s3  }
0x1df: {  	[spmem:s6] =	stream.linear.scatter [tilespmem:s4], [sflag:$0x9], $0x1, $0x38;
	[tilespmem:$0x18280] =	vst v63  }
0x1e0: {  	s4 =	sor.u32 $0x6500, s2;
	s6 =	sadd.s32 $0x283, s3  }
0x1e1: {  	[spmem:s6] =	stream.linear.scatter [tilespmem:s4], [sflag:$0x9], $0x1, $0x38;
	[tilespmem:$0x18280] =	vst v63  }
0x1e2: {  	s4 =	sor.u32 $0x6580, s2;
	s6 =	sadd.s32 $0x303, s3  }
0x1e3: {  	[spmem:s6] =	stream.linear.scatter [tilespmem:s4], [sflag:$0x9], $0x1, $0x38;
	[tilespmem:$0x18280] =	vst v63  }
0x1e4: {  	s4 =	sor.u32 $0x6600, s2;
	s6 =	sadd.s32 $0x383, s3  }
0x1e5: {  	[spmem:s6] =	stream.linear.scatter [tilespmem:s4], [sflag:$0x9], $0x1, $0x38;
	[tilespmem:$0x18280] =	vst v63  }
0x1e6: {  	s4 =	sor.u32 $0x6680, s2;
	s6 =	sadd.s32 $0x1003, s3  }
0x1e7: {  	[spmem:s6] =	stream.linear.scatter [tilespmem:s4], [sflag:$0x9], $0x1, $0x38;
	[tilespmem:$0x18280] =	vst v63  }
0x1e8: {  	s4 =	sor.u32 $0x6700, s2;
	s6 =	sadd.s32 $0x1083, s3  }
0x1e9: {  	[spmem:s6] =	stream.linear.scatter [tilespmem:s4], [sflag:$0x9], $0x1, $0x38;
	[tilespmem:$0x18280] =	vst v63  }
0x1ea: {  	s4 =	sor.u32 $0x6780, s2;
	s6 =	sadd.s32 $0x1103, s3  }
0x1eb: {  	[spmem:s6] =	stream.linear.scatter [tilespmem:s4], [sflag:$0x9], $0x1, $0x38;
	[tilespmem:$0x18280] =	vst v63  }
0x1ec: {  	s4 =	sor.u32 $0x6800, s2;
	s6 =	sadd.s32 $0x1183, s3  }
0x1ed: {  	[spmem:s6] =	stream.linear.scatter [tilespmem:s4], [sflag:$0x9], $0x1, $0x38;
	[tilespmem:$0x18280] =	vst v63  }
0x1ee: {  	s4 =	sor.u32 $0x6880, s2;
	s6 =	sadd.s32 $0x1203, s3  }
0x1ef: {  	[spmem:s6] =	stream.linear.scatter [tilespmem:s4], [sflag:$0x9], $0x1, $0x38;
	[tilespmem:$0x18280] =	vst v63  }
0x1f0: {  	s4 =	sor.u32 $0x6900, s2;
	s6 =	sadd.s32 $0x1283, s3  }
0x1f1: {  	[spmem:s6] =	stream.linear.scatter [tilespmem:s4], [sflag:$0x9], $0x1, $0x38;
	[tilespmem:$0x18280] =	vst v63  }
0x1f2: {  	s4 =	sor.u32 $0x6980, s2;
	s6 =	sadd.s32 $0x1303, s3  }
0x1f3: {  	[spmem:s6] =	stream.linear.scatter [tilespmem:s4], [sflag:$0x9], $0x1, $0x38;
	[tilespmem:$0x18280] =	vst v63  }
0x1f4: {  	s4 =	sor.u32 $0x6A00, s2;
	s6 =	sadd.s32 $0x1383, s3  }
0x1f5: {  	[spmem:s6] =	stream.linear.scatter [tilespmem:s4], [sflag:$0x9], $0x1, $0x38;
	[tilespmem:$0x18280] =	vst v63  }
0x1f6: {  	s4 =	sor.u32 $0x6A80, s2;
	s6 =	sadd.s32 $0x2003, s3  }
0x1f7: {  	[spmem:s6] =	stream.linear.scatter [tilespmem:s4], [sflag:$0x9], $0x1, $0x38;
	[tilespmem:$0x18280] =	vst v63  }
0x1f8: {  	s4 =	sor.u32 $0x6B00, s2;
	s6 =	sadd.s32 $0x2083, s3  }
0x1f9: {  	[spmem:s6] =	stream.linear.scatter [tilespmem:s4], [sflag:$0x9], $0x1, $0x38;
	[tilespmem:$0x18280] =	vst v63  }
0x1fa: {  	s4 =	sor.u32 $0x6B80, s2;
	s6 =	sadd.s32 $0x2103, s3  }
0x1fb: {  	[spmem:s6] =	stream.linear.scatter [tilespmem:s4], [sflag:$0x9], $0x1, $0x38;
	[tilespmem:$0x18280] =	vst v63  }
0x1fc: {  	s4 =	sor.u32 $0x6C00, s2;
	s6 =	sadd.s32 $0x2183, s3  }
0x1fd: {  	[spmem:s6] =	stream.linear.scatter [tilespmem:s4], [sflag:$0x9], $0x1, $0x38;
	[tilespmem:$0x18280] =	vst v63  }
0x1fe: {  	s4 =	sor.u32 $0x6C80, s2;
	s6 =	sadd.s32 $0x2203, s3  }
0x1ff: {  	[spmem:s6] =	stream.linear.scatter [tilespmem:s4], [sflag:$0x9], $0x1, $0x38;
	[tilespmem:$0x18280] =	vst v63  }
0x200: {  	s4 =	sor.u32 $0x6D00, s2;
	s6 =	sadd.s32 $0x2283, s3  }
0x201: {  	[spmem:s6] =	stream.linear.scatter [tilespmem:s4], [sflag:$0x9], $0x1, $0x38;
	[tilespmem:$0x18280] =	vst v63  }
0x202: {  	s4 =	sor.u32 $0x6D80, s2;
	s6 =	sadd.s32 $0x2303, s3  }
0x203: {  	[spmem:s6] =	stream.linear.scatter [tilespmem:s4], [sflag:$0x9], $0x1, $0x38;
	[tilespmem:$0x18280] =	vst v63  }
0x204: {  	s4 =	sor.u32 $0x6E00, s2;
	s6 =	sadd.s32 $0x2383, s3  }
0x205: {  	[spmem:s6] =	stream.linear.scatter [tilespmem:s4], [sflag:$0x9], $0x1, $0x38;
	[tilespmem:$0x18280] =	vst v63  }
0x206: {  	s4 =	sor.u32 $0x6E80, s2;
	s6 =	sadd.s32 $0x3003, s3  }
0x207: {  	[spmem:s6] =	stream.linear.scatter [tilespmem:s4], [sflag:$0x9], $0x1, $0x38;
	[tilespmem:$0x18280] =	vst v63  }
0x208: {  	s4 =	sor.u32 $0x6F00, s2;
	s6 =	sadd.s32 $0x3083, s3  }
0x209: {  	[spmem:s6] =	stream.linear.scatter [tilespmem:s4], [sflag:$0x9], $0x1, $0x38;
	[tilespmem:$0x18280] =	vst v63  }
0x20a: {  	s4 =	sor.u32 $0x6F80, s2;
	s6 =	sadd.s32 $0x3103, s3  }
0x20b: {  	[spmem:s6] =	stream.linear.scatter [tilespmem:s4], [sflag:$0x9], $0x1, $0x38;
	[tilespmem:$0x18280] =	vst v63  }
0x20c: {  	s4 =	sor.u32 $0x7000, s2;
	s6 =	sadd.s32 $0x3183, s3  }
0x20d: {  	[spmem:s6] =	stream.linear.scatter [tilespmem:s4], [sflag:$0x9], $0x1, $0x38;
	[tilespmem:$0x18280] =	vst v63  }
0x20e: {  	s4 =	sor.u32 $0x7080, s2;
	s6 =	sadd.s32 $0x3203, s3  }
0x20f: {  	[spmem:s6] =	stream.linear.scatter [tilespmem:s4], [sflag:$0x9], $0x1, $0x38;
	[tilespmem:$0x18280] =	vst v63  }
0x210: {  	s4 =	sor.u32 $0x7100, s2;
	s6 =	sadd.s32 $0x3283, s3  }
0x211: {  	[spmem:s6] =	stream.linear.scatter [tilespmem:s4], [sflag:$0x9], $0x1, $0x38;
	[tilespmem:$0x18280] =	vst v63  }
0x212: {  	s4 =	sor.u32 $0x7180, s2;
	s6 =	sadd.s32 $0x3303, s3  }
0x213: {  	[spmem:s6] =	stream.linear.scatter [tilespmem:s4], [sflag:$0x9], $0x1, $0x38;
	[tilespmem:$0x18280] =	vst v63  }
0x214: {  	s4 =	sor.u32 $0x7200, s2;
	s6 =	sadd.s32 $0x3383, s3  }
0x215: {  	[spmem:s6] =	stream.linear.scatter [tilespmem:s4], [sflag:$0x9], $0x1, $0x38;
	[tilespmem:$0x18280] =	vst v63  }
0x216: {  	s4 =	sor.u32 $0x7280, s2;
	s6 =	sadd.s32 $0x4003, s3  }
0x217: {  	[spmem:s6] =	stream.linear.scatter [tilespmem:s4], [sflag:$0x9], $0x1, $0x38;
	[tilespmem:$0x18280] =	vst v63  }
0x218: {  	s4 =	sor.u32 $0x7300, s2;
	s6 =	sadd.s32 $0x4083, s3  }
0x219: {  	[spmem:s6] =	stream.linear.scatter [tilespmem:s4], [sflag:$0x9], $0x1, $0x38;
	[tilespmem:$0x18280] =	vst v63  }
0x21a: {  	s4 =	sor.u32 $0x7380, s2;
	s6 =	sadd.s32 $0x4103, s3  }
0x21b: {  	[spmem:s6] =	stream.linear.scatter [tilespmem:s4], [sflag:$0x9], $0x1, $0x38;
	[tilespmem:$0x18280] =	vst v63  }
0x21c: {  	s4 =	sor.u32 $0x7400, s2;
	s6 =	sadd.s32 $0x4183, s3  }
0x21d: {  	[spmem:s6] =	stream.linear.scatter [tilespmem:s4], [sflag:$0x9], $0x1, $0x38;
	[tilespmem:$0x18280] =	vst v63  }
0x21e: {  	s4 =	sor.u32 $0x7480, s2;
	s6 =	sadd.s32 $0x4203, s3  }
0x21f: {  	[spmem:s6] =	stream.linear.scatter [tilespmem:s4], [sflag:$0x9], $0x1, $0x38;
	[tilespmem:$0x18280] =	vst v63  }
0x220: {  	s4 =	sor.u32 $0x7500, s2;
	s6 =	sadd.s32 $0x4283, s3  }
0x221: {  	[spmem:s6] =	stream.linear.scatter [tilespmem:s4], [sflag:$0x9], $0x1, $0x38;
	[tilespmem:$0x18280] =	vst v63  }
0x222: {  	s4 =	sor.u32 $0x7580, s2;
	s6 =	sadd.s32 $0x4303, s3  }
0x223: {  	[spmem:s6] =	stream.linear.scatter [tilespmem:s4], [sflag:$0x9], $0x1, $0x38;
	[tilespmem:$0x18280] =	vst v63  }
0x224: {  	s4 =	sor.u32 $0x7600, s2;
	s6 =	sadd.s32 $0x4383, s3  }
0x225: {  	[spmem:s6] =	stream.linear.scatter [tilespmem:s4], [sflag:$0x9], $0x1, $0x38;
	[tilespmem:$0x18280] =	vst v63  }
0x226: {  	s4 =	sor.u32 $0x7680, s2;
	s6 =	sadd.s32 $0x5003, s3  }
0x227: {  	[spmem:s6] =	stream.linear.scatter [tilespmem:s4], [sflag:$0x9], $0x1, $0x38;
	[tilespmem:$0x18280] =	vst v63  }
0x228: {  	s4 =	sor.u32 $0x7700, s2;
	s6 =	sadd.s32 $0x5083, s3  }
0x229: {  	[spmem:s6] =	stream.linear.scatter [tilespmem:s4], [sflag:$0x9], $0x1, $0x38;
	[tilespmem:$0x18280] =	vst v63  }
0x22a: {  	s4 =	sor.u32 $0x7780, s2;
	s6 =	sadd.s32 $0x5103, s3  }
0x22b: {  	[spmem:s6] =	stream.linear.scatter [tilespmem:s4], [sflag:$0x9], $0x1, $0x38;
	[tilespmem:$0x18280] =	vst v63  }
0x22c: {  	s4 =	sor.u32 $0x7800, s2;
	s6 =	sadd.s32 $0x5183, s3  }
0x22d: {  	[spmem:s6] =	stream.linear.scatter [tilespmem:s4], [sflag:$0x9], $0x1, $0x38;
	[tilespmem:$0x18280] =	vst v63  }
0x22e: {  	s4 =	sor.u32 $0x7880, s2;
	s6 =	sadd.s32 $0x5203, s3  }
0x22f: {  	[spmem:s6] =	stream.linear.scatter [tilespmem:s4], [sflag:$0x9], $0x1, $0x38;
	[tilespmem:$0x18280] =	vst v63  }
0x230: {  	s4 =	sor.u32 $0x7900, s2;
	s6 =	sadd.s32 $0x5283, s3  }
0x231: {  	[spmem:s6] =	stream.linear.scatter [tilespmem:s4], [sflag:$0x9], $0x1, $0x38;
	[tilespmem:$0x18280] =	vst v63  }
0x232: {  	s4 =	sor.u32 $0x7980, s2;
	s6 =	sadd.s32 $0x5303, s3  }
0x233: {  	[spmem:s6] =	stream.linear.scatter [tilespmem:s4], [sflag:$0x9], $0x1, $0x38;
	[tilespmem:$0x18280] =	vst v63  }
0x234: {  	s4 =	sor.u32 $0x7A00, s2;
	s6 =	sadd.s32 $0x5383, s3  }
0x235: {  	[spmem:s6] =	stream.linear.scatter [tilespmem:s4], [sflag:$0x9], $0x1, $0x38;
	[tilespmem:$0x18280] =	vst v63  }
0x236: {  	s4 =	sor.u32 $0x7A80, s2;
	s6 =	sadd.s32 $0x6003, s3  }
0x237: {  	[spmem:s6] =	stream.linear.scatter [tilespmem:s4], [sflag:$0x9], $0x1, $0x38;
	[tilespmem:$0x18280] =	vst v63  }
0x238: {  	s4 =	sor.u32 $0x7B00, s2;
	s6 =	sadd.s32 $0x6083, s3  }
0x239: {  	[spmem:s6] =	stream.linear.scatter [tilespmem:s4], [sflag:$0x9], $0x1, $0x38;
	[tilespmem:$0x18280] =	vst v63  }
0x23a: {  	s4 =	sor.u32 $0x7B80, s2;
	s6 =	sadd.s32 $0x6103, s3  }
0x23b: {  	[spmem:s6] =	stream.linear.scatter [tilespmem:s4], [sflag:$0x9], $0x1, $0x38;
	[tilespmem:$0x18280] =	vst v63  }
0x23c: {  	s4 =	sor.u32 $0x7C00, s2;
	s6 =	sadd.s32 $0x6183, s3  }
0x23d: {  	[spmem:s6] =	stream.linear.scatter [tilespmem:s4], [sflag:$0x9], $0x1, $0x38;
	[tilespmem:$0x18280] =	vst v63  }
0x23e: {  	s4 =	sor.u32 $0x7C80, s2;
	s6 =	sadd.s32 $0x6203, s3  }
0x23f: {  	[spmem:s6] =	stream.linear.scatter [tilespmem:s4], [sflag:$0x9], $0x1, $0x38;
	[tilespmem:$0x18280] =	vst v63  }
0x240: {  	s4 =	sor.u32 $0x7D00, s2;
	s6 =	sadd.s32 $0x6283, s3  }
0x241: {  	[spmem:s6] =	stream.linear.scatter [tilespmem:s4], [sflag:$0x9], $0x1, $0x38;
	[tilespmem:$0x18280] =	vst v63  }
0x242: {  	s4 =	sor.u32 $0x7D80, s2;
	s6 =	sadd.s32 $0x6303, s3  }
0x243: {  	[spmem:s6] =	stream.linear.scatter [tilespmem:s4], [sflag:$0x9], $0x1, $0x38;
	[tilespmem:$0x18280] =	vst v63  }
0x244: {  	s4 =	sor.u32 $0x7E00, s2;
	s6 =	sadd.s32 $0x6383, s3  }
0x245: {  	[spmem:s6] =	stream.linear.scatter [tilespmem:s4], [sflag:$0x9], $0x1, $0x38;
	[tilespmem:$0x18280] =	vst v63  }
0x246: {  	s4 =	sor.u32 $0x7E80, s2;
	s6 =	sadd.s32 $0x7003, s3  }
0x247: {  	[spmem:s6] =	stream.linear.scatter [tilespmem:s4], [sflag:$0x9], $0x1, $0x38;
	[tilespmem:$0x18280] =	vst v63  }
0x248: {  	s4 =	sor.u32 $0x7F00, s2;
	s6 =	sadd.s32 $0x7083, s3  }
0x249: {  	[spmem:s6] =	stream.linear.scatter [tilespmem:s4], [sflag:$0x9], $0x1, $0x38;
	[tilespmem:$0x18280] =	vst v63  }
0x24a: {  	s4 =	sor.u32 $0x7F80, s2;
	s6 =	sadd.s32 $0x7103, s3  }
0x24b: {  	[spmem:s6] =	stream.linear.scatter [tilespmem:s4], [sflag:$0x9], $0x1, $0x38;
	[tilespmem:$0x18280] =	vst v63  }
0x24c: {  	s4 =	sor.u32 $0x8000, s2;
	s6 =	sadd.s32 $0x7183, s3  }
0x24d: {  	[spmem:s6] =	stream.linear.scatter [tilespmem:s4], [sflag:$0x9], $0x1, $0x38;
	[tilespmem:$0x18280] =	vst v63  }
0x24e: {  	s4 =	sor.u32 $0x8080, s2;
	s6 =	sadd.s32 $0x7203, s3  }
0x24f: {  	[spmem:s6] =	stream.linear.scatter [tilespmem:s4], [sflag:$0x9], $0x1, $0x38;
	[tilespmem:$0x18280] =	vst v63  }
0x250: {  	s4 =	sor.u32 $0x8100, s2;
	s6 =	sadd.s32 $0x7283, s3  }
0x251: {  	[spmem:s6] =	stream.linear.scatter [tilespmem:s4], [sflag:$0x9], $0x1, $0x38;
	[tilespmem:$0x18280] =	vst v63  }
0x252: {  	s4 =	sor.u32 $0x8180, s2;
	s6 =	sadd.s32 $0x7303, s3  }
0x253: {  	[spmem:s6] =	stream.linear.scatter [tilespmem:s4], [sflag:$0x9], $0x1, $0x38;
	[tilespmem:$0x18280] =	vst v63  }
0x254: {  	s2 =	sor.u32 $0x8200, s2;
	s6 =	sadd.s32 $0x7383, s3  }
0x255: {  	[spmem:s6] =	stream.linear.scatter [tilespmem:s2], [sflag:$0x9], $0x1, $0x38;
	[tilespmem:$0x18280] =	vst v63  }
0x256: {  	_ =	swait.ge [sflag:s20], $0x40  }
0x257: {  	(v2sf) =	vpush v3, $0xB;
	_ =	sdelay $0xe  }
0x258: {  	s4 =	spop (v2sf)  }
0x259: {  	[sflag:s20] =	ssyncset.done $0x0;
	s2 =	sand.u32 $0xFFFFF80, s4  }
0x25a: {  	[sflag:s20] =	ssyncadd.s32 $0xFFFFFFC0;
	s2 =	sadd.s32 s1, s2  }
0x25b: {  	[tilespmem:s14], [sflag:$0x4] =	stream.strided.gather [hbm4b:s2+s9], $0x2000, s10, s9, $0x38;
	[tilespmem:$0x18280] =	vst v63  }
0x25c: {  	_ =	swait.ge [sflag:s24], $0x2000  }
0x25d: {  	(v2sf) =	vpush v2, $0x4;
	_ =	sdelay $0xe  }
0x25e: {  	[sflag:s24] =	ssyncset.done $0x0;
	s2 =	spop (v2sf)  }
0x25f: {  	s4 =	sadd.s32 $0x4, s3;
	[sflag:s24] =	ssyncadd.s32 $0xFFFFE000;
	s6 =	sor.u32 $0x8280, s2  }
0x260: {  	[spmem:s4] =	stream.linear.scatter [tilespmem:s6], [sflag:$0x9], $0x1, $0x38;
	[tilespmem:$0x18280] =	vst v63  }
0x261: {  	s4 =	sor.u32 $0x8300, s2;
	s6 =	sadd.s32 $0x84, s3  }
0x262: {  	[spmem:s6] =	stream.linear.scatter [tilespmem:s4], [sflag:$0x9], $0x1, $0x38;
	[tilespmem:$0x18280] =	vst v63  }
0x263: {  	s4 =	sor.u32 $0x8380, s2;
	s6 =	sadd.s32 $0x104, s3  }
0x264: {  	[spmem:s6] =	stream.linear.scatter [tilespmem:s4], [sflag:$0x9], $0x1, $0x38;
	[tilespmem:$0x18280] =	vst v63  }
0x265: {  	s4 =	sor.u32 $0x8400, s2;
	s6 =	sadd.s32 $0x184, s3  }
0x266: {  	[spmem:s6] =	stream.linear.scatter [tilespmem:s4], [sflag:$0x9], $0x1, $0x38;
	[tilespmem:$0x18280] =	vst v63  }
0x267: {  	s4 =	sor.u32 $0x8480, s2;
	s6 =	sadd.s32 $0x204, s3  }
0x268: {  	[spmem:s6] =	stream.linear.scatter [tilespmem:s4], [sflag:$0x9], $0x1, $0x38;
	[tilespmem:$0x18280] =	vst v63  }
0x269: {  	s4 =	sor.u32 $0x8500, s2;
	s6 =	sadd.s32 $0x284, s3  }
0x26a: {  	[spmem:s6] =	stream.linear.scatter [tilespmem:s4], [sflag:$0x9], $0x1, $0x38;
	[tilespmem:$0x18280] =	vst v63  }
0x26b: {  	s4 =	sor.u32 $0x8580, s2;
	s6 =	sadd.s32 $0x304, s3  }
0x26c: {  	[spmem:s6] =	stream.linear.scatter [tilespmem:s4], [sflag:$0x9], $0x1, $0x38;
	[tilespmem:$0x18280] =	vst v63  }
0x26d: {  	s4 =	sor.u32 $0x8600, s2;
	s6 =	sadd.s32 $0x384, s3  }
0x26e: {  	[spmem:s6] =	stream.linear.scatter [tilespmem:s4], [sflag:$0x9], $0x1, $0x38;
	[tilespmem:$0x18280] =	vst v63  }
0x26f: {  	s4 =	sor.u32 $0x8680, s2;
	s6 =	sadd.s32 $0x1004, s3  }
0x270: {  	[spmem:s6] =	stream.linear.scatter [tilespmem:s4], [sflag:$0x9], $0x1, $0x38;
	[tilespmem:$0x18280] =	vst v63  }
0x271: {  	s4 =	sor.u32 $0x8700, s2;
	s6 =	sadd.s32 $0x1084, s3  }
0x272: {  	[spmem:s6] =	stream.linear.scatter [tilespmem:s4], [sflag:$0x9], $0x1, $0x38;
	[tilespmem:$0x18280] =	vst v63  }
0x273: {  	s4 =	sor.u32 $0x8780, s2;
	s6 =	sadd.s32 $0x1104, s3  }
0x274: {  	[spmem:s6] =	stream.linear.scatter [tilespmem:s4], [sflag:$0x9], $0x1, $0x38;
	[tilespmem:$0x18280] =	vst v63  }
0x275: {  	s4 =	sor.u32 $0x8800, s2;
	s6 =	sadd.s32 $0x1184, s3  }
0x276: {  	[spmem:s6] =	stream.linear.scatter [tilespmem:s4], [sflag:$0x9], $0x1, $0x38;
	[tilespmem:$0x18280] =	vst v63  }
0x277: {  	s4 =	sor.u32 $0x8880, s2;
	s6 =	sadd.s32 $0x1204, s3  }
0x278: {  	[spmem:s6] =	stream.linear.scatter [tilespmem:s4], [sflag:$0x9], $0x1, $0x38;
	[tilespmem:$0x18280] =	vst v63  }
0x279: {  	s4 =	sor.u32 $0x8900, s2;
	s6 =	sadd.s32 $0x1284, s3  }
0x27a: {  	[spmem:s6] =	stream.linear.scatter [tilespmem:s4], [sflag:$0x9], $0x1, $0x38;
	[tilespmem:$0x18280] =	vst v63  }
0x27b: {  	s4 =	sor.u32 $0x8980, s2;
	s6 =	sadd.s32 $0x1304, s3  }
0x27c: {  	[spmem:s6] =	stream.linear.scatter [tilespmem:s4], [sflag:$0x9], $0x1, $0x38;
	[tilespmem:$0x18280] =	vst v63  }
0x27d: {  	s4 =	sor.u32 $0x8A00, s2;
	s6 =	sadd.s32 $0x1384, s3  }
0x27e: {  	[spmem:s6] =	stream.linear.scatter [tilespmem:s4], [sflag:$0x9], $0x1, $0x38;
	[tilespmem:$0x18280] =	vst v63  }
0x27f: {  	s4 =	sor.u32 $0x8A80, s2;
	s6 =	sadd.s32 $0x2004, s3  }
0x280: {  	[spmem:s6] =	stream.linear.scatter [tilespmem:s4], [sflag:$0x9], $0x1, $0x38;
	[tilespmem:$0x18280] =	vst v63  }
0x281: {  	s4 =	sor.u32 $0x8B00, s2;
	s6 =	sadd.s32 $0x2084, s3  }
0x282: {  	[spmem:s6] =	stream.linear.scatter [tilespmem:s4], [sflag:$0x9], $0x1, $0x38;
	[tilespmem:$0x18280] =	vst v63  }
0x283: {  	s4 =	sor.u32 $0x8B80, s2;
	s6 =	sadd.s32 $0x2104, s3  }
0x284: {  	[spmem:s6] =	stream.linear.scatter [tilespmem:s4], [sflag:$0x9], $0x1, $0x38;
	[tilespmem:$0x18280] =	vst v63  }
0x285: {  	s4 =	sor.u32 $0x8C00, s2;
	s6 =	sadd.s32 $0x2184, s3  }
0x286: {  	[spmem:s6] =	stream.linear.scatter [tilespmem:s4], [sflag:$0x9], $0x1, $0x38;
	[tilespmem:$0x18280] =	vst v63  }
0x287: {  	s4 =	sor.u32 $0x8C80, s2;
	s6 =	sadd.s32 $0x2204, s3  }
0x288: {  	[spmem:s6] =	stream.linear.scatter [tilespmem:s4], [sflag:$0x9], $0x1, $0x38;
	[tilespmem:$0x18280] =	vst v63  }
0x289: {  	s4 =	sor.u32 $0x8D00, s2;
	s6 =	sadd.s32 $0x2284, s3  }
0x28a: {  	[spmem:s6] =	stream.linear.scatter [tilespmem:s4], [sflag:$0x9], $0x1, $0x38;
	[tilespmem:$0x18280] =	vst v63  }
0x28b: {  	s4 =	sor.u32 $0x8D80, s2;
	s6 =	sadd.s32 $0x2304, s3  }
0x28c: {  	[spmem:s6] =	stream.linear.scatter [tilespmem:s4], [sflag:$0x9], $0x1, $0x38;
	[tilespmem:$0x18280] =	vst v63  }
0x28d: {  	s4 =	sor.u32 $0x8E00, s2;
	s6 =	sadd.s32 $0x2384, s3  }
0x28e: {  	[spmem:s6] =	stream.linear.scatter [tilespmem:s4], [sflag:$0x9], $0x1, $0x38;
	[tilespmem:$0x18280] =	vst v63  }
0x28f: {  	s4 =	sor.u32 $0x8E80, s2;
	s6 =	sadd.s32 $0x3004, s3  }
0x290: {  	[spmem:s6] =	stream.linear.scatter [tilespmem:s4], [sflag:$0x9], $0x1, $0x38;
	[tilespmem:$0x18280] =	vst v63  }
0x291: {  	s4 =	sor.u32 $0x8F00, s2;
	s6 =	sadd.s32 $0x3084, s3  }
0x292: {  	[spmem:s6] =	stream.linear.scatter [tilespmem:s4], [sflag:$0x9], $0x1, $0x38;
	[tilespmem:$0x18280] =	vst v63  }
0x293: {  	s4 =	sor.u32 $0x8F80, s2;
	s6 =	sadd.s32 $0x3104, s3  }
0x294: {  	[spmem:s6] =	stream.linear.scatter [tilespmem:s4], [sflag:$0x9], $0x1, $0x38;
	[tilespmem:$0x18280] =	vst v63  }
0x295: {  	s4 =	sor.u32 $0x9000, s2;
	s6 =	sadd.s32 $0x3184, s3  }
0x296: {  	[spmem:s6] =	stream.linear.scatter [tilespmem:s4], [sflag:$0x9], $0x1, $0x38;
	[tilespmem:$0x18280] =	vst v63  }
0x297: {  	s4 =	sor.u32 $0x9080, s2;
	s6 =	sadd.s32 $0x3204, s3  }
0x298: {  	[spmem:s6] =	stream.linear.scatter [tilespmem:s4], [sflag:$0x9], $0x1, $0x38;
	[tilespmem:$0x18280] =	vst v63  }
0x299: {  	s4 =	sor.u32 $0x9100, s2;
	s6 =	sadd.s32 $0x3284, s3  }
0x29a: {  	[spmem:s6] =	stream.linear.scatter [tilespmem:s4], [sflag:$0x9], $0x1, $0x38;
	[tilespmem:$0x18280] =	vst v63  }
0x29b: {  	s4 =	sor.u32 $0x9180, s2;
	s6 =	sadd.s32 $0x3304, s3  }
0x29c: {  	[spmem:s6] =	stream.linear.scatter [tilespmem:s4], [sflag:$0x9], $0x1, $0x38;
	[tilespmem:$0x18280] =	vst v63  }
0x29d: {  	s4 =	sor.u32 $0x9200, s2;
	s6 =	sadd.s32 $0x3384, s3  }
0x29e: {  	[spmem:s6] =	stream.linear.scatter [tilespmem:s4], [sflag:$0x9], $0x1, $0x38;
	[tilespmem:$0x18280] =	vst v63  }
0x29f: {  	s4 =	sor.u32 $0x9280, s2;
	s6 =	sadd.s32 $0x4004, s3  }
0x2a0: {  	[spmem:s6] =	stream.linear.scatter [tilespmem:s4], [sflag:$0x9], $0x1, $0x38;
	[tilespmem:$0x18280] =	vst v63  }
0x2a1: {  	s4 =	sor.u32 $0x9300, s2;
	s6 =	sadd.s32 $0x4084, s3  }
0x2a2: {  	[spmem:s6] =	stream.linear.scatter [tilespmem:s4], [sflag:$0x9], $0x1, $0x38;
	[tilespmem:$0x18280] =	vst v63  }
0x2a3: {  	s4 =	sor.u32 $0x9380, s2;
	s6 =	sadd.s32 $0x4104, s3  }
0x2a4: {  	[spmem:s6] =	stream.linear.scatter [tilespmem:s4], [sflag:$0x9], $0x1, $0x38;
	[tilespmem:$0x18280] =	vst v63  }
0x2a5: {  	s4 =	sor.u32 $0x9400, s2;
	s6 =	sadd.s32 $0x4184, s3  }
0x2a6: {  	[spmem:s6] =	stream.linear.scatter [tilespmem:s4], [sflag:$0x9], $0x1, $0x38;
	[tilespmem:$0x18280] =	vst v63  }
0x2a7: {  	s4 =	sor.u32 $0x9480, s2;
	s6 =	sadd.s32 $0x4204, s3  }
0x2a8: {  	[spmem:s6] =	stream.linear.scatter [tilespmem:s4], [sflag:$0x9], $0x1, $0x38;
	[tilespmem:$0x18280] =	vst v63  }
0x2a9: {  	s4 =	sor.u32 $0x9500, s2;
	s6 =	sadd.s32 $0x4284, s3  }
0x2aa: {  	[spmem:s6] =	stream.linear.scatter [tilespmem:s4], [sflag:$0x9], $0x1, $0x38;
	[tilespmem:$0x18280] =	vst v63  }
0x2ab: {  	s4 =	sor.u32 $0x9580, s2;
	s6 =	sadd.s32 $0x4304, s3  }
0x2ac: {  	[spmem:s6] =	stream.linear.scatter [tilespmem:s4], [sflag:$0x9], $0x1, $0x38;
	[tilespmem:$0x18280] =	vst v63  }
0x2ad: {  	s4 =	sor.u32 $0x9600, s2;
	s6 =	sadd.s32 $0x4384, s3  }
0x2ae: {  	[spmem:s6] =	stream.linear.scatter [tilespmem:s4], [sflag:$0x9], $0x1, $0x38;
	[tilespmem:$0x18280] =	vst v63  }
0x2af: {  	s4 =	sor.u32 $0x9680, s2;
	s6 =	sadd.s32 $0x5004, s3  }
0x2b0: {  	[spmem:s6] =	stream.linear.scatter [tilespmem:s4], [sflag:$0x9], $0x1, $0x38;
	[tilespmem:$0x18280] =	vst v63  }
0x2b1: {  	s4 =	sor.u32 $0x9700, s2;
	s6 =	sadd.s32 $0x5084, s3  }
0x2b2: {  	[spmem:s6] =	stream.linear.scatter [tilespmem:s4], [sflag:$0x9], $0x1, $0x38;
	[tilespmem:$0x18280] =	vst v63  }
0x2b3: {  	s4 =	sor.u32 $0x9780, s2;
	s6 =	sadd.s32 $0x5104, s3  }
0x2b4: {  	[spmem:s6] =	stream.linear.scatter [tilespmem:s4], [sflag:$0x9], $0x1, $0x38;
	[tilespmem:$0x18280] =	vst v63  }
0x2b5: {  	s4 =	sor.u32 $0x9800, s2;
	s6 =	sadd.s32 $0x5184, s3  }
0x2b6: {  	[spmem:s6] =	stream.linear.scatter [tilespmem:s4], [sflag:$0x9], $0x1, $0x38;
	[tilespmem:$0x18280] =	vst v63  }
0x2b7: {  	s4 =	sor.u32 $0x9880, s2;
	s6 =	sadd.s32 $0x5204, s3  }
0x2b8: {  	[spmem:s6] =	stream.linear.scatter [tilespmem:s4], [sflag:$0x9], $0x1, $0x38;
	[tilespmem:$0x18280] =	vst v63  }
0x2b9: {  	s4 =	sor.u32 $0x9900, s2;
	s6 =	sadd.s32 $0x5284, s3  }
0x2ba: {  	[spmem:s6] =	stream.linear.scatter [tilespmem:s4], [sflag:$0x9], $0x1, $0x38;
	[tilespmem:$0x18280] =	vst v63  }
0x2bb: {  	s4 =	sor.u32 $0x9980, s2;
	s6 =	sadd.s32 $0x5304, s3  }
0x2bc: {  	[spmem:s6] =	stream.linear.scatter [tilespmem:s4], [sflag:$0x9], $0x1, $0x38;
	[tilespmem:$0x18280] =	vst v63  }
0x2bd: {  	s4 =	sor.u32 $0x9A00, s2;
	s6 =	sadd.s32 $0x5384, s3  }
0x2be: {  	[spmem:s6] =	stream.linear.scatter [tilespmem:s4], [sflag:$0x9], $0x1, $0x38;
	[tilespmem:$0x18280] =	vst v63  }
0x2bf: {  	s4 =	sor.u32 $0x9A80, s2;
	s6 =	sadd.s32 $0x6004, s3  }
0x2c0: {  	[spmem:s6] =	stream.linear.scatter [tilespmem:s4], [sflag:$0x9], $0x1, $0x38;
	[tilespmem:$0x18280] =	vst v63  }
0x2c1: {  	s4 =	sor.u32 $0x9B00, s2;
	s6 =	sadd.s32 $0x6084, s3  }
0x2c2: {  	[spmem:s6] =	stream.linear.scatter [tilespmem:s4], [sflag:$0x9], $0x1, $0x38;
	[tilespmem:$0x18280] =	vst v63  }
0x2c3: {  	s4 =	sor.u32 $0x9B80, s2;
	s6 =	sadd.s32 $0x6104, s3  }
0x2c4: {  	[spmem:s6] =	stream.linear.scatter [tilespmem:s4], [sflag:$0x9], $0x1, $0x38;
	[tilespmem:$0x18280] =	vst v63  }
0x2c5: {  	s4 =	sor.u32 $0x9C00, s2;
	s6 =	sadd.s32 $0x6184, s3  }
0x2c6: {  	[spmem:s6] =	stream.linear.scatter [tilespmem:s4], [sflag:$0x9], $0x1, $0x38;
	[tilespmem:$0x18280] =	vst v63  }
0x2c7: {  	s4 =	sor.u32 $0x9C80, s2;
	s6 =	sadd.s32 $0x6204, s3  }
0x2c8: {  	[spmem:s6] =	stream.linear.scatter [tilespmem:s4], [sflag:$0x9], $0x1, $0x38;
	[tilespmem:$0x18280] =	vst v63  }
0x2c9: {  	s4 =	sor.u32 $0x9D00, s2;
	s6 =	sadd.s32 $0x6284, s3  }
0x2ca: {  	[spmem:s6] =	stream.linear.scatter [tilespmem:s4], [sflag:$0x9], $0x1, $0x38;
	[tilespmem:$0x18280] =	vst v63  }
0x2cb: {  	s4 =	sor.u32 $0x9D80, s2;
	s6 =	sadd.s32 $0x6304, s3  }
0x2cc: {  	[spmem:s6] =	stream.linear.scatter [tilespmem:s4], [sflag:$0x9], $0x1, $0x38;
	[tilespmem:$0x18280] =	vst v63  }
0x2cd: {  	s4 =	sor.u32 $0x9E00, s2;
	s6 =	sadd.s32 $0x6384, s3  }
0x2ce: {  	[spmem:s6] =	stream.linear.scatter [tilespmem:s4], [sflag:$0x9], $0x1, $0x38;
	[tilespmem:$0x18280] =	vst v63  }
0x2cf: {  	s4 =	sor.u32 $0x9E80, s2;
	s6 =	sadd.s32 $0x7004, s3  }
0x2d0: {  	[spmem:s6] =	stream.linear.scatter [tilespmem:s4], [sflag:$0x9], $0x1, $0x38;
	[tilespmem:$0x18280] =	vst v63  }
0x2d1: {  	s4 =	sor.u32 $0x9F00, s2;
	s6 =	sadd.s32 $0x7084, s3  }
0x2d2: {  	[spmem:s6] =	stream.linear.scatter [tilespmem:s4], [sflag:$0x9], $0x1, $0x38;
	[tilespmem:$0x18280] =	vst v63  }
0x2d3: {  	s4 =	sor.u32 $0x9F80, s2;
	s6 =	sadd.s32 $0x7104, s3  }
0x2d4: {  	[spmem:s6] =	stream.linear.scatter [tilespmem:s4], [sflag:$0x9], $0x1, $0x38;
	[tilespmem:$0x18280] =	vst v63  }
0x2d5: {  	s4 =	sor.u32 $0xA000, s2;
	s6 =	sadd.s32 $0x7184, s3  }
0x2d6: {  	[spmem:s6] =	stream.linear.scatter [tilespmem:s4], [sflag:$0x9], $0x1, $0x38;
	[tilespmem:$0x18280] =	vst v63  }
0x2d7: {  	s4 =	sor.u32 $0xA080, s2;
	s6 =	sadd.s32 $0x7204, s3  }
0x2d8: {  	[spmem:s6] =	stream.linear.scatter [tilespmem:s4], [sflag:$0x9], $0x1, $0x38;
	[tilespmem:$0x18280] =	vst v63  }
0x2d9: {  	s4 =	sor.u32 $0xA100, s2;
	s6 =	sadd.s32 $0x7284, s3  }
0x2da: {  	[spmem:s6] =	stream.linear.scatter [tilespmem:s4], [sflag:$0x9], $0x1, $0x38;
	[tilespmem:$0x18280] =	vst v63  }
0x2db: {  	s4 =	sor.u32 $0xA180, s2;
	s6 =	sadd.s32 $0x7304, s3  }
0x2dc: {  	[spmem:s6] =	stream.linear.scatter [tilespmem:s4], [sflag:$0x9], $0x1, $0x38;
	[tilespmem:$0x18280] =	vst v63  }
0x2dd: {  	s2 =	sor.u32 $0xA200, s2;
	s6 =	sadd.s32 $0x7384, s3  }
0x2de: {  	[spmem:s6] =	stream.linear.scatter [tilespmem:s2], [sflag:$0x9], $0x1, $0x38;
	[tilespmem:$0x18280] =	vst v63  }
0x2df: {  	_ =	swait.ge [sflag:s20], $0x40  }
0x2e0: {  	(v2sf) =	vpush v3, $0xC;
	_ =	sdelay $0xe  }
0x2e1: {  	s4 =	spop (v2sf)  }
0x2e2: {  	[sflag:s20] =	ssyncset.done $0x0;
	s2 =	sand.u32 $0xFFFFF80, s4  }
0x2e3: {  	[sflag:s20] =	ssyncadd.s32 $0xFFFFFFC0;
	s2 =	sadd.s32 s1, s2  }
0x2e4: {  	[tilespmem:s15], [sflag:$0x5] =	stream.strided.gather [hbm4b:s2+s9], $0x2000, s10, s9, $0x38;
	[tilespmem:$0x18280] =	vst v63  }
0x2e5: {  	_ =	swait.ge [sflag:s25], $0x2000  }
0x2e6: {  	(v2sf) =	vpush v2, $0x5;
	_ =	sdelay $0xe  }
0x2e7: {  	[sflag:s25] =	ssyncset.done $0x0;
	s2 =	spop (v2sf)  }
0x2e8: {  	s4 =	sadd.s32 $0x5, s3;
	[sflag:s25] =	ssyncadd.s32 $0xFFFFE000;
	s6 =	sor.u32 $0xA280, s2  }
0x2e9: {  	[spmem:s4] =	stream.linear.scatter [tilespmem:s6], [sflag:$0x9], $0x1, $0x38;
	[tilespmem:$0x18280] =	vst v63  }
0x2ea: {  	s4 =	sor.u32 $0xA300, s2;
	s6 =	sadd.s32 $0x85, s3  }
0x2eb: {  	[spmem:s6] =	stream.linear.scatter [tilespmem:s4], [sflag:$0x9], $0x1, $0x38;
	[tilespmem:$0x18280] =	vst v63  }
0x2ec: {  	s4 =	sor.u32 $0xA380, s2;
	s6 =	sadd.s32 $0x105, s3  }
0x2ed: {  	[spmem:s6] =	stream.linear.scatter [tilespmem:s4], [sflag:$0x9], $0x1, $0x38;
	[tilespmem:$0x18280] =	vst v63  }
0x2ee: {  	s4 =	sor.u32 $0xA400, s2;
	s6 =	sadd.s32 $0x185, s3  }
0x2ef: {  	[spmem:s6] =	stream.linear.scatter [tilespmem:s4], [sflag:$0x9], $0x1, $0x38;
	[tilespmem:$0x18280] =	vst v63  }
0x2f0: {  	s4 =	sor.u32 $0xA480, s2;
	s6 =	sadd.s32 $0x205, s3  }
0x2f1: {  	[spmem:s6] =	stream.linear.scatter [tilespmem:s4], [sflag:$0x9], $0x1, $0x38;
	[tilespmem:$0x18280] =	vst v63  }
0x2f2: {  	s4 =	sor.u32 $0xA500, s2;
	s6 =	sadd.s32 $0x285, s3  }
0x2f3: {  	[spmem:s6] =	stream.linear.scatter [tilespmem:s4], [sflag:$0x9], $0x1, $0x38;
	[tilespmem:$0x18280] =	vst v63  }
0x2f4: {  	s4 =	sor.u32 $0xA580, s2;
	s6 =	sadd.s32 $0x305, s3  }
0x2f5: {  	[spmem:s6] =	stream.linear.scatter [tilespmem:s4], [sflag:$0x9], $0x1, $0x38;
	[tilespmem:$0x18280] =	vst v63  }
0x2f6: {  	s4 =	sor.u32 $0xA600, s2;
	s6 =	sadd.s32 $0x385, s3  }
0x2f7: {  	[spmem:s6] =	stream.linear.scatter [tilespmem:s4], [sflag:$0x9], $0x1, $0x38;
	[tilespmem:$0x18280] =	vst v63  }
0x2f8: {  	s4 =	sor.u32 $0xA680, s2;
	s6 =	sadd.s32 $0x1005, s3  }
0x2f9: {  	[spmem:s6] =	stream.linear.scatter [tilespmem:s4], [sflag:$0x9], $0x1, $0x38;
	[tilespmem:$0x18280] =	vst v63  }
0x2fa: {  	s4 =	sor.u32 $0xA700, s2;
	s6 =	sadd.s32 $0x1085, s3  }
0x2fb: {  	[spmem:s6] =	stream.linear.scatter [tilespmem:s4], [sflag:$0x9], $0x1, $0x38;
	[tilespmem:$0x18280] =	vst v63  }
0x2fc: {  	s4 =	sor.u32 $0xA780, s2;
	s6 =	sadd.s32 $0x1105, s3  }
0x2fd: {  	[spmem:s6] =	stream.linear.scatter [tilespmem:s4], [sflag:$0x9], $0x1, $0x38;
	[tilespmem:$0x18280] =	vst v63  }
0x2fe: {  	s4 =	sor.u32 $0xA800, s2;
	s6 =	sadd.s32 $0x1185, s3  }
0x2ff: {  	[spmem:s6] =	stream.linear.scatter [tilespmem:s4], [sflag:$0x9], $0x1, $0x38;
	[tilespmem:$0x18280] =	vst v63  }
0x300: {  	s4 =	sor.u32 $0xA880, s2;
	s6 =	sadd.s32 $0x1205, s3  }
0x301: {  	[spmem:s6] =	stream.linear.scatter [tilespmem:s4], [sflag:$0x9], $0x1, $0x38;
	[tilespmem:$0x18280] =	vst v63  }
0x302: {  	s4 =	sor.u32 $0xA900, s2;
	s6 =	sadd.s32 $0x1285, s3  }
0x303: {  	[spmem:s6] =	stream.linear.scatter [tilespmem:s4], [sflag:$0x9], $0x1, $0x38;
	[tilespmem:$0x18280] =	vst v63  }
0x304: {  	s4 =	sor.u32 $0xA980, s2;
	s6 =	sadd.s32 $0x1305, s3  }
0x305: {  	[spmem:s6] =	stream.linear.scatter [tilespmem:s4], [sflag:$0x9], $0x1, $0x38;
	[tilespmem:$0x18280] =	vst v63  }
0x306: {  	s4 =	sor.u32 $0xAA00, s2;
	s6 =	sadd.s32 $0x1385, s3  }
0x307: {  	[spmem:s6] =	stream.linear.scatter [tilespmem:s4], [sflag:$0x9], $0x1, $0x38;
	[tilespmem:$0x18280] =	vst v63  }
0x308: {  	s4 =	sor.u32 $0xAA80, s2;
	s6 =	sadd.s32 $0x2005, s3  }
0x309: {  	[spmem:s6] =	stream.linear.scatter [tilespmem:s4], [sflag:$0x9], $0x1, $0x38;
	[tilespmem:$0x18280] =	vst v63  }
0x30a: {  	s4 =	sor.u32 $0xAB00, s2;
	s6 =	sadd.s32 $0x2085, s3  }
0x30b: {  	[spmem:s6] =	stream.linear.scatter [tilespmem:s4], [sflag:$0x9], $0x1, $0x38;
	[tilespmem:$0x18280] =	vst v63  }
0x30c: {  	s4 =	sor.u32 $0xAB80, s2;
	s6 =	sadd.s32 $0x2105, s3  }
0x30d: {  	[spmem:s6] =	stream.linear.scatter [tilespmem:s4], [sflag:$0x9], $0x1, $0x38;
	[tilespmem:$0x18280] =	vst v63  }
0x30e: {  	s4 =	sor.u32 $0xAC00, s2;
	s6 =	sadd.s32 $0x2185, s3  }
0x30f: {  	[spmem:s6] =	stream.linear.scatter [tilespmem:s4], [sflag:$0x9], $0x1, $0x38;
	[tilespmem:$0x18280] =	vst v63  }
0x310: {  	s4 =	sor.u32 $0xAC80, s2;
	s6 =	sadd.s32 $0x2205, s3  }
0x311: {  	[spmem:s6] =	stream.linear.scatter [tilespmem:s4], [sflag:$0x9], $0x1, $0x38;
	[tilespmem:$0x18280] =	vst v63  }
0x312: {  	s4 =	sor.u32 $0xAD00, s2;
	s6 =	sadd.s32 $0x2285, s3  }
0x313: {  	[spmem:s6] =	stream.linear.scatter [tilespmem:s4], [sflag:$0x9], $0x1, $0x38;
	[tilespmem:$0x18280] =	vst v63  }
0x314: {  	s4 =	sor.u32 $0xAD80, s2;
	s6 =	sadd.s32 $0x2305, s3  }
0x315: {  	[spmem:s6] =	stream.linear.scatter [tilespmem:s4], [sflag:$0x9], $0x1, $0x38;
	[tilespmem:$0x18280] =	vst v63  }
0x316: {  	s4 =	sor.u32 $0xAE00, s2;
	s6 =	sadd.s32 $0x2385, s3  }
0x317: {  	[spmem:s6] =	stream.linear.scatter [tilespmem:s4], [sflag:$0x9], $0x1, $0x38;
	[tilespmem:$0x18280] =	vst v63  }
0x318: {  	s4 =	sor.u32 $0xAE80, s2;
	s6 =	sadd.s32 $0x3005, s3  }
0x319: {  	[spmem:s6] =	stream.linear.scatter [tilespmem:s4], [sflag:$0x9], $0x1, $0x38;
	[tilespmem:$0x18280] =	vst v63  }
0x31a: {  	s4 =	sor.u32 $0xAF00, s2;
	s6 =	sadd.s32 $0x3085, s3  }
0x31b: {  	[spmem:s6] =	stream.linear.scatter [tilespmem:s4], [sflag:$0x9], $0x1, $0x38;
	[tilespmem:$0x18280] =	vst v63  }
0x31c: {  	s4 =	sor.u32 $0xAF80, s2;
	s6 =	sadd.s32 $0x3105, s3  }
0x31d: {  	[spmem:s6] =	stream.linear.scatter [tilespmem:s4], [sflag:$0x9], $0x1, $0x38;
	[tilespmem:$0x18280] =	vst v63  }
0x31e: {  	s4 =	sor.u32 $0xB000, s2;
	s6 =	sadd.s32 $0x3185, s3  }
0x31f: {  	[spmem:s6] =	stream.linear.scatter [tilespmem:s4], [sflag:$0x9], $0x1, $0x38;
	[tilespmem:$0x18280] =	vst v63  }
0x320: {  	s4 =	sor.u32 $0xB080, s2;
	s6 =	sadd.s32 $0x3205, s3  }
0x321: {  	[spmem:s6] =	stream.linear.scatter [tilespmem:s4], [sflag:$0x9], $0x1, $0x38;
	[tilespmem:$0x18280] =	vst v63  }
0x322: {  	s4 =	sor.u32 $0xB100, s2;
	s6 =	sadd.s32 $0x3285, s3  }
0x323: {  	[spmem:s6] =	stream.linear.scatter [tilespmem:s4], [sflag:$0x9], $0x1, $0x38;
	[tilespmem:$0x18280] =	vst v63  }
0x324: {  	s4 =	sor.u32 $0xB180, s2;
	s6 =	sadd.s32 $0x3305, s3  }
0x325: {  	[spmem:s6] =	stream.linear.scatter [tilespmem:s4], [sflag:$0x9], $0x1, $0x38;
	[tilespmem:$0x18280] =	vst v63  }
0x326: {  	s4 =	sor.u32 $0xB200, s2;
	s6 =	sadd.s32 $0x3385, s3  }
0x327: {  	[spmem:s6] =	stream.linear.scatter [tilespmem:s4], [sflag:$0x9], $0x1, $0x38;
	[tilespmem:$0x18280] =	vst v63  }
0x328: {  	s4 =	sor.u32 $0xB280, s2;
	s6 =	sadd.s32 $0x4005, s3  }
0x329: {  	[spmem:s6] =	stream.linear.scatter [tilespmem:s4], [sflag:$0x9], $0x1, $0x38;
	[tilespmem:$0x18280] =	vst v63  }
0x32a: {  	s4 =	sor.u32 $0xB300, s2;
	s6 =	sadd.s32 $0x4085, s3  }
0x32b: {  	[spmem:s6] =	stream.linear.scatter [tilespmem:s4], [sflag:$0x9], $0x1, $0x38;
	[tilespmem:$0x18280] =	vst v63  }
0x32c: {  	s4 =	sor.u32 $0xB380, s2;
	s6 =	sadd.s32 $0x4105, s3  }
0x32d: {  	[spmem:s6] =	stream.linear.scatter [tilespmem:s4], [sflag:$0x9], $0x1, $0x38;
	[tilespmem:$0x18280] =	vst v63  }
0x32e: {  	s4 =	sor.u32 $0xB400, s2;
	s6 =	sadd.s32 $0x4185, s3  }
0x32f: {  	[spmem:s6] =	stream.linear.scatter [tilespmem:s4], [sflag:$0x9], $0x1, $0x38;
	[tilespmem:$0x18280] =	vst v63  }
0x330: {  	s4 =	sor.u32 $0xB480, s2;
	s6 =	sadd.s32 $0x4205, s3  }
0x331: {  	[spmem:s6] =	stream.linear.scatter [tilespmem:s4], [sflag:$0x9], $0x1, $0x38;
	[tilespmem:$0x18280] =	vst v63  }
0x332: {  	s4 =	sor.u32 $0xB500, s2;
	s6 =	sadd.s32 $0x4285, s3  }
0x333: {  	[spmem:s6] =	stream.linear.scatter [tilespmem:s4], [sflag:$0x9], $0x1, $0x38;
	[tilespmem:$0x18280] =	vst v63  }
0x334: {  	s4 =	sor.u32 $0xB580, s2;
	s6 =	sadd.s32 $0x4305, s3  }
0x335: {  	[spmem:s6] =	stream.linear.scatter [tilespmem:s4], [sflag:$0x9], $0x1, $0x38;
	[tilespmem:$0x18280] =	vst v63  }
0x336: {  	s4 =	sor.u32 $0xB600, s2;
	s6 =	sadd.s32 $0x4385, s3  }
0x337: {  	[spmem:s6] =	stream.linear.scatter [tilespmem:s4], [sflag:$0x9], $0x1, $0x38;
	[tilespmem:$0x18280] =	vst v63  }
0x338: {  	s4 =	sor.u32 $0xB680, s2;
	s6 =	sadd.s32 $0x5005, s3  }
0x339: {  	[spmem:s6] =	stream.linear.scatter [tilespmem:s4], [sflag:$0x9], $0x1, $0x38;
	[tilespmem:$0x18280] =	vst v63  }
0x33a: {  	s4 =	sor.u32 $0xB700, s2;
	s6 =	sadd.s32 $0x5085, s3  }
0x33b: {  	[spmem:s6] =	stream.linear.scatter [tilespmem:s4], [sflag:$0x9], $0x1, $0x38;
	[tilespmem:$0x18280] =	vst v63  }
0x33c: {  	s4 =	sor.u32 $0xB780, s2;
	s6 =	sadd.s32 $0x5105, s3  }
0x33d: {  	[spmem:s6] =	stream.linear.scatter [tilespmem:s4], [sflag:$0x9], $0x1, $0x38;
	[tilespmem:$0x18280] =	vst v63  }
0x33e: {  	s4 =	sor.u32 $0xB800, s2;
	s6 =	sadd.s32 $0x5185, s3  }
0x33f: {  	[spmem:s6] =	stream.linear.scatter [tilespmem:s4], [sflag:$0x9], $0x1, $0x38;
	[tilespmem:$0x18280] =	vst v63  }
0x340: {  	s4 =	sor.u32 $0xB880, s2;
	s6 =	sadd.s32 $0x5205, s3  }
0x341: {  	[spmem:s6] =	stream.linear.scatter [tilespmem:s4], [sflag:$0x9], $0x1, $0x38;
	[tilespmem:$0x18280] =	vst v63  }
0x342: {  	s4 =	sor.u32 $0xB900, s2;
	s6 =	sadd.s32 $0x5285, s3  }
0x343: {  	[spmem:s6] =	stream.linear.scatter [tilespmem:s4], [sflag:$0x9], $0x1, $0x38;
	[tilespmem:$0x18280] =	vst v63  }
0x344: {  	s4 =	sor.u32 $0xB980, s2;
	s6 =	sadd.s32 $0x5305, s3  }
0x345: {  	[spmem:s6] =	stream.linear.scatter [tilespmem:s4], [sflag:$0x9], $0x1, $0x38;
	[tilespmem:$0x18280] =	vst v63  }
0x346: {  	s4 =	sor.u32 $0xBA00, s2;
	s6 =	sadd.s32 $0x5385, s3  }
0x347: {  	[spmem:s6] =	stream.linear.scatter [tilespmem:s4], [sflag:$0x9], $0x1, $0x38;
	[tilespmem:$0x18280] =	vst v63  }
0x348: {  	s4 =	sor.u32 $0xBA80, s2;
	s6 =	sadd.s32 $0x6005, s3  }
0x349: {  	[spmem:s6] =	stream.linear.scatter [tilespmem:s4], [sflag:$0x9], $0x1, $0x38;
	[tilespmem:$0x18280] =	vst v63  }
0x34a: {  	s4 =	sor.u32 $0xBB00, s2;
	s6 =	sadd.s32 $0x6085, s3  }
0x34b: {  	[spmem:s6] =	stream.linear.scatter [tilespmem:s4], [sflag:$0x9], $0x1, $0x38;
	[tilespmem:$0x18280] =	vst v63  }
0x34c: {  	s4 =	sor.u32 $0xBB80, s2;
	s6 =	sadd.s32 $0x6105, s3  }
0x34d: {  	[spmem:s6] =	stream.linear.scatter [tilespmem:s4], [sflag:$0x9], $0x1, $0x38;
	[tilespmem:$0x18280] =	vst v63  }
0x34e: {  	s4 =	sor.u32 $0xBC00, s2;
	s6 =	sadd.s32 $0x6185, s3  }
0x34f: {  	[spmem:s6] =	stream.linear.scatter [tilespmem:s4], [sflag:$0x9], $0x1, $0x38;
	[tilespmem:$0x18280] =	vst v63  }
0x350: {  	s4 =	sor.u32 $0xBC80, s2;
	s6 =	sadd.s32 $0x6205, s3  }
0x351: {  	[spmem:s6] =	stream.linear.scatter [tilespmem:s4], [sflag:$0x9], $0x1, $0x38;
	[tilespmem:$0x18280] =	vst v63  }
0x352: {  	s4 =	sor.u32 $0xBD00, s2;
	s6 =	sadd.s32 $0x6285, s3  }
0x353: {  	[spmem:s6] =	stream.linear.scatter [tilespmem:s4], [sflag:$0x9], $0x1, $0x38;
	[tilespmem:$0x18280] =	vst v63  }
0x354: {  	s4 =	sor.u32 $0xBD80, s2;
	s6 =	sadd.s32 $0x6305, s3  }
0x355: {  	[spmem:s6] =	stream.linear.scatter [tilespmem:s4], [sflag:$0x9], $0x1, $0x38;
	[tilespmem:$0x18280] =	vst v63  }
0x356: {  	s4 =	sor.u32 $0xBE00, s2;
	s6 =	sadd.s32 $0x6385, s3  }
0x357: {  	[spmem:s6] =	stream.linear.scatter [tilespmem:s4], [sflag:$0x9], $0x1, $0x38;
	[tilespmem:$0x18280] =	vst v63  }
0x358: {  	s4 =	sor.u32 $0xBE80, s2;
	s6 =	sadd.s32 $0x7005, s3  }
0x359: {  	[spmem:s6] =	stream.linear.scatter [tilespmem:s4], [sflag:$0x9], $0x1, $0x38;
	[tilespmem:$0x18280] =	vst v63  }
0x35a: {  	s4 =	sor.u32 $0xBF00, s2;
	s6 =	sadd.s32 $0x7085, s3  }
0x35b: {  	[spmem:s6] =	stream.linear.scatter [tilespmem:s4], [sflag:$0x9], $0x1, $0x38;
	[tilespmem:$0x18280] =	vst v63  }
0x35c: {  	s4 =	sor.u32 $0xBF80, s2;
	s6 =	sadd.s32 $0x7105, s3  }
0x35d: {  	[spmem:s6] =	stream.linear.scatter [tilespmem:s4], [sflag:$0x9], $0x1, $0x38;
	[tilespmem:$0x18280] =	vst v63  }
0x35e: {  	s4 =	sor.u32 $0xC000, s2;
	s6 =	sadd.s32 $0x7185, s3  }
0x35f: {  	[spmem:s6] =	stream.linear.scatter [tilespmem:s4], [sflag:$0x9], $0x1, $0x38;
	[tilespmem:$0x18280] =	vst v63  }
0x360: {  	s4 =	sor.u32 $0xC080, s2;
	s6 =	sadd.s32 $0x7205, s3  }
0x361: {  	[spmem:s6] =	stream.linear.scatter [tilespmem:s4], [sflag:$0x9], $0x1, $0x38;
	[tilespmem:$0x18280] =	vst v63  }
0x362: {  	s4 =	sor.u32 $0xC100, s2;
	s6 =	sadd.s32 $0x7285, s3  }
0x363: {  	[spmem:s6] =	stream.linear.scatter [tilespmem:s4], [sflag:$0x9], $0x1, $0x38;
	[tilespmem:$0x18280] =	vst v63  }
0x364: {  	s4 =	sor.u32 $0xC180, s2;
	s6 =	sadd.s32 $0x7305, s3  }
0x365: {  	[spmem:s6] =	stream.linear.scatter [tilespmem:s4], [sflag:$0x9], $0x1, $0x38;
	[tilespmem:$0x18280] =	vst v63  }
0x366: {  	s2 =	sor.u32 $0xC200, s2;
	s6 =	sadd.s32 $0x7385, s3  }
0x367: {  	[spmem:s6] =	stream.linear.scatter [tilespmem:s2], [sflag:$0x9], $0x1, $0x38;
	[tilespmem:$0x18280] =	vst v63  }
0x368: {  	_ =	swait.ge [sflag:s20], $0x40  }
0x369: {  	(v2sf) =	vpush v3, $0xD;
	_ =	sdelay $0xe  }
0x36a: {  	s4 =	spop (v2sf)  }
0x36b: {  	[sflag:s20] =	ssyncset.done $0x0;
	s2 =	sand.u32 $0xFFFFF80, s4  }
0x36c: {  	[sflag:s20] =	ssyncadd.s32 $0xFFFFFFC0;
	s2 =	sadd.s32 s1, s2  }
0x36d: {  	[tilespmem:s16], [sflag:$0x6] =	stream.strided.gather [hbm4b:s2+s9], $0x2000, s10, s9, $0x38;
	[tilespmem:$0x18280] =	vst v63  }
0x36e: {  	_ =	swait.ge [sflag:s26], $0x2000  }
0x36f: {  	(v2sf) =	vpush v2, $0x6;
	_ =	sdelay $0xe  }
0x370: {  	[sflag:s26] =	ssyncset.done $0x0;
	s2 =	spop (v2sf)  }
0x371: {  	s4 =	sadd.s32 $0x6, s3;
	[sflag:s26] =	ssyncadd.s32 $0xFFFFE000;
	s6 =	sor.u32 $0xC280, s2  }
0x372: {  	[spmem:s4] =	stream.linear.scatter [tilespmem:s6], [sflag:$0x9], $0x1, $0x38;
	[tilespmem:$0x18280] =	vst v63  }
0x373: {  	s4 =	sor.u32 $0xC300, s2;
	s6 =	sadd.s32 $0x86, s3  }
0x374: {  	[spmem:s6] =	stream.linear.scatter [tilespmem:s4], [sflag:$0x9], $0x1, $0x38;
	[tilespmem:$0x18280] =	vst v63  }
0x375: {  	s4 =	sor.u32 $0xC380, s2;
	s6 =	sadd.s32 $0x106, s3  }
0x376: {  	[spmem:s6] =	stream.linear.scatter [tilespmem:s4], [sflag:$0x9], $0x1, $0x38;
	[tilespmem:$0x18280] =	vst v63  }
0x377: {  	s4 =	sor.u32 $0xC400, s2;
	s6 =	sadd.s32 $0x186, s3  }
0x378: {  	[spmem:s6] =	stream.linear.scatter [tilespmem:s4], [sflag:$0x9], $0x1, $0x38;
	[tilespmem:$0x18280] =	vst v63  }
0x379: {  	s4 =	sor.u32 $0xC480, s2;
	s6 =	sadd.s32 $0x206, s3  }
0x37a: {  	[spmem:s6] =	stream.linear.scatter [tilespmem:s4], [sflag:$0x9], $0x1, $0x38;
	[tilespmem:$0x18280] =	vst v63  }
0x37b: {  	s4 =	sor.u32 $0xC500, s2;
	s6 =	sadd.s32 $0x286, s3  }
0x37c: {  	[spmem:s6] =	stream.linear.scatter [tilespmem:s4], [sflag:$0x9], $0x1, $0x38;
	[tilespmem:$0x18280] =	vst v63  }
0x37d: {  	s4 =	sor.u32 $0xC580, s2;
	s6 =	sadd.s32 $0x306, s3  }
0x37e: {  	[spmem:s6] =	stream.linear.scatter [tilespmem:s4], [sflag:$0x9], $0x1, $0x38;
	[tilespmem:$0x18280] =	vst v63  }
0x37f: {  	s4 =	sor.u32 $0xC600, s2;
	s6 =	sadd.s32 $0x386, s3  }
0x380: {  	[spmem:s6] =	stream.linear.scatter [tilespmem:s4], [sflag:$0x9], $0x1, $0x38;
	[tilespmem:$0x18280] =	vst v63  }
0x381: {  	s4 =	sor.u32 $0xC680, s2;
	s6 =	sadd.s32 $0x1006, s3  }
0x382: {  	[spmem:s6] =	stream.linear.scatter [tilespmem:s4], [sflag:$0x9], $0x1, $0x38;
	[tilespmem:$0x18280] =	vst v63  }
0x383: {  	s4 =	sor.u32 $0xC700, s2;
	s6 =	sadd.s32 $0x1086, s3  }
0x384: {  	[spmem:s6] =	stream.linear.scatter [tilespmem:s4], [sflag:$0x9], $0x1, $0x38;
	[tilespmem:$0x18280] =	vst v63  }
0x385: {  	s4 =	sor.u32 $0xC780, s2;
	s6 =	sadd.s32 $0x1106, s3  }
0x386: {  	[spmem:s6] =	stream.linear.scatter [tilespmem:s4], [sflag:$0x9], $0x1, $0x38;
	[tilespmem:$0x18280] =	vst v63  }
0x387: {  	s4 =	sor.u32 $0xC800, s2;
	s6 =	sadd.s32 $0x1186, s3  }
0x388: {  	[spmem:s6] =	stream.linear.scatter [tilespmem:s4], [sflag:$0x9], $0x1, $0x38;
	[tilespmem:$0x18280] =	vst v63  }
0x389: {  	s4 =	sor.u32 $0xC880, s2;
	s6 =	sadd.s32 $0x1206, s3  }
0x38a: {  	[spmem:s6] =	stream.linear.scatter [tilespmem:s4], [sflag:$0x9], $0x1, $0x38;
	[tilespmem:$0x18280] =	vst v63  }
0x38b: {  	s4 =	sor.u32 $0xC900, s2;
	s6 =	sadd.s32 $0x1286, s3  }
0x38c: {  	[spmem:s6] =	stream.linear.scatter [tilespmem:s4], [sflag:$0x9], $0x1, $0x38;
	[tilespmem:$0x18280] =	vst v63  }
0x38d: {  	s4 =	sor.u32 $0xC980, s2;
	s6 =	sadd.s32 $0x1306, s3  }
0x38e: {  	[spmem:s6] =	stream.linear.scatter [tilespmem:s4], [sflag:$0x9], $0x1, $0x38;
	[tilespmem:$0x18280] =	vst v63  }
0x38f: {  	s4 =	sor.u32 $0xCA00, s2;
	s6 =	sadd.s32 $0x1386, s3  }
0x390: {  	[spmem:s6] =	stream.linear.scatter [tilespmem:s4], [sflag:$0x9], $0x1, $0x38;
	[tilespmem:$0x18280] =	vst v63  }
0x391: {  	s4 =	sor.u32 $0xCA80, s2;
	s6 =	sadd.s32 $0x2006, s3  }
0x392: {  	[spmem:s6] =	stream.linear.scatter [tilespmem:s4], [sflag:$0x9], $0x1, $0x38;
	[tilespmem:$0x18280] =	vst v63  }
0x393: {  	s4 =	sor.u32 $0xCB00, s2;
	s6 =	sadd.s32 $0x2086, s3  }
0x394: {  	[spmem:s6] =	stream.linear.scatter [tilespmem:s4], [sflag:$0x9], $0x1, $0x38;
	[tilespmem:$0x18280] =	vst v63  }
0x395: {  	s4 =	sor.u32 $0xCB80, s2;
	s6 =	sadd.s32 $0x2106, s3  }
0x396: {  	[spmem:s6] =	stream.linear.scatter [tilespmem:s4], [sflag:$0x9], $0x1, $0x38;
	[tilespmem:$0x18280] =	vst v63  }
0x397: {  	s4 =	sor.u32 $0xCC00, s2;
	s6 =	sadd.s32 $0x2186, s3  }
0x398: {  	[spmem:s6] =	stream.linear.scatter [tilespmem:s4], [sflag:$0x9], $0x1, $0x38;
	[tilespmem:$0x18280] =	vst v63  }
0x399: {  	s4 =	sor.u32 $0xCC80, s2;
	s6 =	sadd.s32 $0x2206, s3  }
0x39a: {  	[spmem:s6] =	stream.linear.scatter [tilespmem:s4], [sflag:$0x9], $0x1, $0x38;
	[tilespmem:$0x18280] =	vst v63  }
0x39b: {  	s4 =	sor.u32 $0xCD00, s2;
	s6 =	sadd.s32 $0x2286, s3  }
0x39c: {  	[spmem:s6] =	stream.linear.scatter [tilespmem:s4], [sflag:$0x9], $0x1, $0x38;
	[tilespmem:$0x18280] =	vst v63  }
0x39d: {  	s4 =	sor.u32 $0xCD80, s2;
	s6 =	sadd.s32 $0x2306, s3  }
0x39e: {  	[spmem:s6] =	stream.linear.scatter [tilespmem:s4], [sflag:$0x9], $0x1, $0x38;
	[tilespmem:$0x18280] =	vst v63  }
0x39f: {  	s4 =	sor.u32 $0xCE00, s2;
	s6 =	sadd.s32 $0x2386, s3  }
0x3a0: {  	[spmem:s6] =	stream.linear.scatter [tilespmem:s4], [sflag:$0x9], $0x1, $0x38;
	[tilespmem:$0x18280] =	vst v63  }
0x3a1: {  	s4 =	sor.u32 $0xCE80, s2;
	s6 =	sadd.s32 $0x3006, s3  }
0x3a2: {  	[spmem:s6] =	stream.linear.scatter [tilespmem:s4], [sflag:$0x9], $0x1, $0x38;
	[tilespmem:$0x18280] =	vst v63  }
0x3a3: {  	s4 =	sor.u32 $0xCF00, s2;
	s6 =	sadd.s32 $0x3086, s3  }
0x3a4: {  	[spmem:s6] =	stream.linear.scatter [tilespmem:s4], [sflag:$0x9], $0x1, $0x38;
	[tilespmem:$0x18280] =	vst v63  }
0x3a5: {  	s4 =	sor.u32 $0xCF80, s2;
	s6 =	sadd.s32 $0x3106, s3  }
0x3a6: {  	[spmem:s6] =	stream.linear.scatter [tilespmem:s4], [sflag:$0x9], $0x1, $0x38;
	[tilespmem:$0x18280] =	vst v63  }
0x3a7: {  	s4 =	sor.u32 $0xD000, s2;
	s6 =	sadd.s32 $0x3186, s3  }
0x3a8: {  	[spmem:s6] =	stream.linear.scatter [tilespmem:s4], [sflag:$0x9], $0x1, $0x38;
	[tilespmem:$0x18280] =	vst v63  }
0x3a9: {  	s4 =	sor.u32 $0xD080, s2;
	s6 =	sadd.s32 $0x3206, s3  }
0x3aa: {  	[spmem:s6] =	stream.linear.scatter [tilespmem:s4], [sflag:$0x9], $0x1, $0x38;
	[tilespmem:$0x18280] =	vst v63  }
0x3ab: {  	s4 =	sor.u32 $0xD100, s2;
	s6 =	sadd.s32 $0x3286, s3  }
0x3ac: {  	[spmem:s6] =	stream.linear.scatter [tilespmem:s4], [sflag:$0x9], $0x1, $0x38;
	[tilespmem:$0x18280] =	vst v63  }
0x3ad: {  	s4 =	sor.u32 $0xD180, s2;
	s6 =	sadd.s32 $0x3306, s3  }
0x3ae: {  	[spmem:s6] =	stream.linear.scatter [tilespmem:s4], [sflag:$0x9], $0x1, $0x38;
	[tilespmem:$0x18280] =	vst v63  }
0x3af: {  	s4 =	sor.u32 $0xD200, s2;
	s6 =	sadd.s32 $0x3386, s3  }
0x3b0: {  	[spmem:s6] =	stream.linear.scatter [tilespmem:s4], [sflag:$0x9], $0x1, $0x38;
	[tilespmem:$0x18280] =	vst v63  }
0x3b1: {  	s4 =	sor.u32 $0xD280, s2;
	s6 =	sadd.s32 $0x4006, s3  }
0x3b2: {  	[spmem:s6] =	stream.linear.scatter [tilespmem:s4], [sflag:$0x9], $0x1, $0x38;
	[tilespmem:$0x18280] =	vst v63  }
0x3b3: {  	s4 =	sor.u32 $0xD300, s2;
	s6 =	sadd.s32 $0x4086, s3  }
0x3b4: {  	[spmem:s6] =	stream.linear.scatter [tilespmem:s4], [sflag:$0x9], $0x1, $0x38;
	[tilespmem:$0x18280] =	vst v63  }
0x3b5: {  	s4 =	sor.u32 $0xD380, s2;
	s6 =	sadd.s32 $0x4106, s3  }
0x3b6: {  	[spmem:s6] =	stream.linear.scatter [tilespmem:s4], [sflag:$0x9], $0x1, $0x38;
	[tilespmem:$0x18280] =	vst v63  }
0x3b7: {  	s4 =	sor.u32 $0xD400, s2;
	s6 =	sadd.s32 $0x4186, s3  }
0x3b8: {  	[spmem:s6] =	stream.linear.scatter [tilespmem:s4], [sflag:$0x9], $0x1, $0x38;
	[tilespmem:$0x18280] =	vst v63  }
0x3b9: {  	s4 =	sor.u32 $0xD480, s2;
	s6 =	sadd.s32 $0x4206, s3  }
0x3ba: {  	[spmem:s6] =	stream.linear.scatter [tilespmem:s4], [sflag:$0x9], $0x1, $0x38;
	[tilespmem:$0x18280] =	vst v63  }
0x3bb: {  	s4 =	sor.u32 $0xD500, s2;
	s6 =	sadd.s32 $0x4286, s3  }
0x3bc: {  	[spmem:s6] =	stream.linear.scatter [tilespmem:s4], [sflag:$0x9], $0x1, $0x38;
	[tilespmem:$0x18280] =	vst v63  }
0x3bd: {  	s4 =	sor.u32 $0xD580, s2;
	s6 =	sadd.s32 $0x4306, s3  }
0x3be: {  	[spmem:s6] =	stream.linear.scatter [tilespmem:s4], [sflag:$0x9], $0x1, $0x38;
	[tilespmem:$0x18280] =	vst v63  }
0x3bf: {  	s4 =	sor.u32 $0xD600, s2;
	s6 =	sadd.s32 $0x4386, s3  }
0x3c0: {  	[spmem:s6] =	stream.linear.scatter [tilespmem:s4], [sflag:$0x9], $0x1, $0x38;
	[tilespmem:$0x18280] =	vst v63  }
0x3c1: {  	s4 =	sor.u32 $0xD680, s2;
	s6 =	sadd.s32 $0x5006, s3  }
0x3c2: {  	[spmem:s6] =	stream.linear.scatter [tilespmem:s4], [sflag:$0x9], $0x1, $0x38;
	[tilespmem:$0x18280] =	vst v63  }
0x3c3: {  	s4 =	sor.u32 $0xD700, s2;
	s6 =	sadd.s32 $0x5086, s3  }
0x3c4: {  	[spmem:s6] =	stream.linear.scatter [tilespmem:s4], [sflag:$0x9], $0x1, $0x38;
	[tilespmem:$0x18280] =	vst v63  }
0x3c5: {  	s4 =	sor.u32 $0xD780, s2;
	s6 =	sadd.s32 $0x5106, s3  }
0x3c6: {  	[spmem:s6] =	stream.linear.scatter [tilespmem:s4], [sflag:$0x9], $0x1, $0x38;
	[tilespmem:$0x18280] =	vst v63  }
0x3c7: {  	s4 =	sor.u32 $0xD800, s2;
	s6 =	sadd.s32 $0x5186, s3  }
0x3c8: {  	[spmem:s6] =	stream.linear.scatter [tilespmem:s4], [sflag:$0x9], $0x1, $0x38;
	[tilespmem:$0x18280] =	vst v63  }
0x3c9: {  	s4 =	sor.u32 $0xD880, s2;
	s6 =	sadd.s32 $0x5206, s3  }
0x3ca: {  	[spmem:s6] =	stream.linear.scatter [tilespmem:s4], [sflag:$0x9], $0x1, $0x38;
	[tilespmem:$0x18280] =	vst v63  }
0x3cb: {  	s4 =	sor.u32 $0xD900, s2;
	s6 =	sadd.s32 $0x5286, s3  }
0x3cc: {  	[spmem:s6] =	stream.linear.scatter [tilespmem:s4], [sflag:$0x9], $0x1, $0x38;
	[tilespmem:$0x18280] =	vst v63  }
0x3cd: {  	s4 =	sor.u32 $0xD980, s2;
	s6 =	sadd.s32 $0x5306, s3  }
0x3ce: {  	[spmem:s6] =	stream.linear.scatter [tilespmem:s4], [sflag:$0x9], $0x1, $0x38;
	[tilespmem:$0x18280] =	vst v63  }
0x3cf: {  	s4 =	sor.u32 $0xDA00, s2;
	s6 =	sadd.s32 $0x5386, s3  }
0x3d0: {  	[spmem:s6] =	stream.linear.scatter [tilespmem:s4], [sflag:$0x9], $0x1, $0x38;
	[tilespmem:$0x18280] =	vst v63  }
0x3d1: {  	s4 =	sor.u32 $0xDA80, s2;
	s6 =	sadd.s32 $0x6006, s3  }
0x3d2: {  	[spmem:s6] =	stream.linear.scatter [tilespmem:s4], [sflag:$0x9], $0x1, $0x38;
	[tilespmem:$0x18280] =	vst v63  }
0x3d3: {  	s4 =	sor.u32 $0xDB00, s2;
	s6 =	sadd.s32 $0x6086, s3  }
0x3d4: {  	[spmem:s6] =	stream.linear.scatter [tilespmem:s4], [sflag:$0x9], $0x1, $0x38;
	[tilespmem:$0x18280] =	vst v63  }
0x3d5: {  	s4 =	sor.u32 $0xDB80, s2;
	s6 =	sadd.s32 $0x6106, s3  }
0x3d6: {  	[spmem:s6] =	stream.linear.scatter [tilespmem:s4], [sflag:$0x9], $0x1, $0x38;
	[tilespmem:$0x18280] =	vst v63  }
0x3d7: {  	s4 =	sor.u32 $0xDC00, s2;
	s6 =	sadd.s32 $0x6186, s3  }
0x3d8: {  	[spmem:s6] =	stream.linear.scatter [tilespmem:s4], [sflag:$0x9], $0x1, $0x38;
	[tilespmem:$0x18280] =	vst v63  }
0x3d9: {  	s4 =	sor.u32 $0xDC80, s2;
	s6 =	sadd.s32 $0x6206, s3  }
0x3da: {  	[spmem:s6] =	stream.linear.scatter [tilespmem:s4], [sflag:$0x9], $0x1, $0x38;
	[tilespmem:$0x18280] =	vst v63  }
0x3db: {  	s4 =	sor.u32 $0xDD00, s2;
	s6 =	sadd.s32 $0x6286, s3  }
0x3dc: {  	[spmem:s6] =	stream.linear.scatter [tilespmem:s4], [sflag:$0x9], $0x1, $0x38;
	[tilespmem:$0x18280] =	vst v63  }
0x3dd: {  	s4 =	sor.u32 $0xDD80, s2;
	s6 =	sadd.s32 $0x6306, s3  }
0x3de: {  	[spmem:s6] =	stream.linear.scatter [tilespmem:s4], [sflag:$0x9], $0x1, $0x38;
	[tilespmem:$0x18280] =	vst v63  }
0x3df: {  	s4 =	sor.u32 $0xDE00, s2;
	s6 =	sadd.s32 $0x6386, s3  }
0x3e0: {  	[spmem:s6] =	stream.linear.scatter [tilespmem:s4], [sflag:$0x9], $0x1, $0x38;
	[tilespmem:$0x18280] =	vst v63  }
0x3e1: {  	s4 =	sor.u32 $0xDE80, s2;
	s6 =	sadd.s32 $0x7006, s3  }
0x3e2: {  	[spmem:s6] =	stream.linear.scatter [tilespmem:s4], [sflag:$0x9], $0x1, $0x38;
	[tilespmem:$0x18280] =	vst v63  }
0x3e3: {  	s4 =	sor.u32 $0xDF00, s2;
	s6 =	sadd.s32 $0x7086, s3  }
0x3e4: {  	[spmem:s6] =	stream.linear.scatter [tilespmem:s4], [sflag:$0x9], $0x1, $0x38;
	[tilespmem:$0x18280] =	vst v63  }
0x3e5: {  	s4 =	sor.u32 $0xDF80, s2;
	s6 =	sadd.s32 $0x7106, s3  }
0x3e6: {  	[spmem:s6] =	stream.linear.scatter [tilespmem:s4], [sflag:$0x9], $0x1, $0x38;
	[tilespmem:$0x18280] =	vst v63  }
0x3e7: {  	s4 =	sor.u32 $0xE000, s2;
	s6 =	sadd.s32 $0x7186, s3  }
0x3e8: {  	[spmem:s6] =	stream.linear.scatter [tilespmem:s4], [sflag:$0x9], $0x1, $0x38;
	[tilespmem:$0x18280] =	vst v63  }
0x3e9: {  	s4 =	sor.u32 $0xE080, s2;
	s6 =	sadd.s32 $0x7206, s3  }
0x3ea: {  	[spmem:s6] =	stream.linear.scatter [tilespmem:s4], [sflag:$0x9], $0x1, $0x38;
	[tilespmem:$0x18280] =	vst v63  }
0x3eb: {  	s4 =	sor.u32 $0xE100, s2;
	s6 =	sadd.s32 $0x7286, s3  }
0x3ec: {  	[spmem:s6] =	stream.linear.scatter [tilespmem:s4], [sflag:$0x9], $0x1, $0x38;
	[tilespmem:$0x18280] =	vst v63  }
0x3ed: {  	s4 =	sor.u32 $0xE180, s2;
	s6 =	sadd.s32 $0x7306, s3  }
0x3ee: {  	[spmem:s6] =	stream.linear.scatter [tilespmem:s4], [sflag:$0x9], $0x1, $0x38;
	[tilespmem:$0x18280] =	vst v63  }
0x3ef: {  	s2 =	sor.u32 $0xE200, s2;
	s6 =	sadd.s32 $0x7386, s3  }
0x3f0: {  	[spmem:s6] =	stream.linear.scatter [tilespmem:s2], [sflag:$0x9], $0x1, $0x38;
	[tilespmem:$0x18280] =	vst v63  }
0x3f1: {  	_ =	swait.ge [sflag:s20], $0x40  }
0x3f2: {  	(v2sf) =	vpush v3, $0xE;
	_ =	sdelay $0xe  }
0x3f3: {  	s4 =	spop (v2sf)  }
0x3f4: {  	[sflag:s20] =	ssyncset.done $0x0;
	s2 =	sand.u32 $0xFFFFF80, s4  }
0x3f5: {  	[sflag:s20] =	ssyncadd.s32 $0xFFFFFFC0;
	s2 =	sadd.s32 s1, s2  }
0x3f6: {  	[tilespmem:s17], [sflag:$0x7] =	stream.strided.gather [hbm4b:s2+s9], $0x2000, s10, s9, $0x38;
	[tilespmem:$0x18280] =	vst v63  }
0x3f7: {  	_ =	swait.ge [sflag:s28], $0x2000  }
0x3f8: {  	(v2sf) =	vpush v2, $0x7;
	_ =	sdelay $0xe  }
0x3f9: {  	[sflag:s28] =	ssyncset.done $0x0;
	s2 =	spop (v2sf)  }
0x3fa: {  	s4 =	sadd.s32 $0x7, s3;
	[sflag:s28] =	ssyncadd.s32 $0xFFFFE000;
	s6 =	sor.u32 $0xE280, s2  }
0x3fb: {  	[spmem:s4] =	stream.linear.scatter [tilespmem:s6], [sflag:$0x9], $0x1, $0x38;
	[tilespmem:$0x18280] =	vst v63  }
0x3fc: {  	s4 =	sor.u32 $0xE300, s2;
	s6 =	sadd.s32 $0x87, s3  }
0x3fd: {  	[spmem:s6] =	stream.linear.scatter [tilespmem:s4], [sflag:$0x9], $0x1, $0x38;
	[tilespmem:$0x18280] =	vst v63  }
0x3fe: {  	s4 =	sor.u32 $0xE380, s2;
	s6 =	sadd.s32 $0x107, s3  }
0x3ff: {  	[spmem:s6] =	stream.linear.scatter [tilespmem:s4], [sflag:$0x9], $0x1, $0x38;
	[tilespmem:$0x18280] =	vst v63  }
0x400: {  	s4 =	sor.u32 $0xE400, s2;
	s6 =	sadd.s32 $0x187, s3  }
0x401: {  	[spmem:s6] =	stream.linear.scatter [tilespmem:s4], [sflag:$0x9], $0x1, $0x38;
	[tilespmem:$0x18280] =	vst v63  }
0x402: {  	s4 =	sor.u32 $0xE480, s2;
	s6 =	sadd.s32 $0x207, s3  }
0x403: {  	[spmem:s6] =	stream.linear.scatter [tilespmem:s4], [sflag:$0x9], $0x1, $0x38;
	[tilespmem:$0x18280] =	vst v63  }
0x404: {  	s4 =	sor.u32 $0xE500, s2;
	s6 =	sadd.s32 $0x287, s3  }
0x405: {  	[spmem:s6] =	stream.linear.scatter [tilespmem:s4], [sflag:$0x9], $0x1, $0x38;
	[tilespmem:$0x18280] =	vst v63  }
0x406: {  	s4 =	sor.u32 $0xE580, s2;
	s6 =	sadd.s32 $0x307, s3  }
0x407: {  	[spmem:s6] =	stream.linear.scatter [tilespmem:s4], [sflag:$0x9], $0x1, $0x38;
	[tilespmem:$0x18280] =	vst v63  }
0x408: {  	s4 =	sor.u32 $0xE600, s2;
	s6 =	sadd.s32 $0x387, s3  }
0x409: {  	[spmem:s6] =	stream.linear.scatter [tilespmem:s4], [sflag:$0x9], $0x1, $0x38;
	[tilespmem:$0x18280] =	vst v63  }
0x40a: {  	s4 =	sor.u32 $0xE680, s2;
	s6 =	sadd.s32 $0x1007, s3  }
0x40b: {  	[spmem:s6] =	stream.linear.scatter [tilespmem:s4], [sflag:$0x9], $0x1, $0x38;
	[tilespmem:$0x18280] =	vst v63  }
0x40c: {  	s4 =	sor.u32 $0xE700, s2;
	s6 =	sadd.s32 $0x1087, s3  }
0x40d: {  	[spmem:s6] =	stream.linear.scatter [tilespmem:s4], [sflag:$0x9], $0x1, $0x38;
	[tilespmem:$0x18280] =	vst v63  }
0x40e: {  	s4 =	sor.u32 $0xE780, s2;
	s6 =	sadd.s32 $0x1107, s3  }
0x40f: {  	[spmem:s6] =	stream.linear.scatter [tilespmem:s4], [sflag:$0x9], $0x1, $0x38;
	[tilespmem:$0x18280] =	vst v63  }
0x410: {  	s4 =	sor.u32 $0xE800, s2;
	s6 =	sadd.s32 $0x1187, s3  }
0x411: {  	[spmem:s6] =	stream.linear.scatter [tilespmem:s4], [sflag:$0x9], $0x1, $0x38;
	[tilespmem:$0x18280] =	vst v63  }
0x412: {  	s4 =	sor.u32 $0xE880, s2;
	s6 =	sadd.s32 $0x1207, s3  }
0x413: {  	[spmem:s6] =	stream.linear.scatter [tilespmem:s4], [sflag:$0x9], $0x1, $0x38;
	[tilespmem:$0x18280] =	vst v63  }
0x414: {  	s4 =	sor.u32 $0xE900, s2;
	s6 =	sadd.s32 $0x1287, s3  }
0x415: {  	[spmem:s6] =	stream.linear.scatter [tilespmem:s4], [sflag:$0x9], $0x1, $0x38;
	[tilespmem:$0x18280] =	vst v63  }
0x416: {  	s4 =	sor.u32 $0xE980, s2;
	s6 =	sadd.s32 $0x1307, s3  }
0x417: {  	[spmem:s6] =	stream.linear.scatter [tilespmem:s4], [sflag:$0x9], $0x1, $0x38;
	[tilespmem:$0x18280] =	vst v63  }
0x418: {  	s4 =	sor.u32 $0xEA00, s2;
	s6 =	sadd.s32 $0x1387, s3  }
0x419: {  	[spmem:s6] =	stream.linear.scatter [tilespmem:s4], [sflag:$0x9], $0x1, $0x38;
	[tilespmem:$0x18280] =	vst v63  }
0x41a: {  	s4 =	sor.u32 $0xEA80, s2;
	s6 =	sadd.s32 $0x2007, s3  }
0x41b: {  	[spmem:s6] =	stream.linear.scatter [tilespmem:s4], [sflag:$0x9], $0x1, $0x38;
	[tilespmem:$0x18280] =	vst v63  }
0x41c: {  	s4 =	sor.u32 $0xEB00, s2;
	s6 =	sadd.s32 $0x2087, s3  }
0x41d: {  	[spmem:s6] =	stream.linear.scatter [tilespmem:s4], [sflag:$0x9], $0x1, $0x38;
	[tilespmem:$0x18280] =	vst v63  }
0x41e: {  	s4 =	sor.u32 $0xEB80, s2;
	s6 =	sadd.s32 $0x2107, s3  }
0x41f: {  	[spmem:s6] =	stream.linear.scatter [tilespmem:s4], [sflag:$0x9], $0x1, $0x38;
	[tilespmem:$0x18280] =	vst v63  }
0x420: {  	s4 =	sor.u32 $0xEC00, s2;
	s6 =	sadd.s32 $0x2187, s3  }
0x421: {  	[spmem:s6] =	stream.linear.scatter [tilespmem:s4], [sflag:$0x9], $0x1, $0x38;
	[tilespmem:$0x18280] =	vst v63  }
0x422: {  	s4 =	sor.u32 $0xEC80, s2;
	s6 =	sadd.s32 $0x2207, s3  }
0x423: {  	[spmem:s6] =	stream.linear.scatter [tilespmem:s4], [sflag:$0x9], $0x1, $0x38;
	[tilespmem:$0x18280] =	vst v63  }
0x424: {  	s4 =	sor.u32 $0xED00, s2;
	s6 =	sadd.s32 $0x2287, s3  }
0x425: {  	[spmem:s6] =	stream.linear.scatter [tilespmem:s4], [sflag:$0x9], $0x1, $0x38;
	[tilespmem:$0x18280] =	vst v63  }
0x426: {  	s4 =	sor.u32 $0xED80, s2;
	s6 =	sadd.s32 $0x2307, s3  }
0x427: {  	[spmem:s6] =	stream.linear.scatter [tilespmem:s4], [sflag:$0x9], $0x1, $0x38;
	[tilespmem:$0x18280] =	vst v63  }
0x428: {  	s4 =	sor.u32 $0xEE00, s2;
	s6 =	sadd.s32 $0x2387, s3  }
0x429: {  	[spmem:s6] =	stream.linear.scatter [tilespmem:s4], [sflag:$0x9], $0x1, $0x38;
	[tilespmem:$0x18280] =	vst v63  }
0x42a: {  	s4 =	sor.u32 $0xEE80, s2;
	s6 =	sadd.s32 $0x3007, s3  }
0x42b: {  	[spmem:s6] =	stream.linear.scatter [tilespmem:s4], [sflag:$0x9], $0x1, $0x38;
	[tilespmem:$0x18280] =	vst v63  }
0x42c: {  	s4 =	sor.u32 $0xEF00, s2;
	s6 =	sadd.s32 $0x3087, s3  }
0x42d: {  	[spmem:s6] =	stream.linear.scatter [tilespmem:s4], [sflag:$0x9], $0x1, $0x38;
	[tilespmem:$0x18280] =	vst v63  }
0x42e: {  	s4 =	sor.u32 $0xEF80, s2;
	s6 =	sadd.s32 $0x3107, s3  }
0x42f: {  	[spmem:s6] =	stream.linear.scatter [tilespmem:s4], [sflag:$0x9], $0x1, $0x38;
	[tilespmem:$0x18280] =	vst v63  }
0x430: {  	s4 =	sor.u32 $0xF000, s2;
	s6 =	sadd.s32 $0x3187, s3  }
0x431: {  	[spmem:s6] =	stream.linear.scatter [tilespmem:s4], [sflag:$0x9], $0x1, $0x38;
	[tilespmem:$0x18280] =	vst v63  }
0x432: {  	s4 =	sor.u32 $0xF080, s2;
	s6 =	sadd.s32 $0x3207, s3  }
0x433: {  	[spmem:s6] =	stream.linear.scatter [tilespmem:s4], [sflag:$0x9], $0x1, $0x38;
	[tilespmem:$0x18280] =	vst v63  }
0x434: {  	s4 =	sor.u32 $0xF100, s2;
	s6 =	sadd.s32 $0x3287, s3  }
0x435: {  	[spmem:s6] =	stream.linear.scatter [tilespmem:s4], [sflag:$0x9], $0x1, $0x38;
	[tilespmem:$0x18280] =	vst v63  }
0x436: {  	s4 =	sor.u32 $0xF180, s2;
	s6 =	sadd.s32 $0x3307, s3  }
0x437: {  	[spmem:s6] =	stream.linear.scatter [tilespmem:s4], [sflag:$0x9], $0x1, $0x38;
	[tilespmem:$0x18280] =	vst v63  }
0x438: {  	s4 =	sor.u32 $0xF200, s2;
	s6 =	sadd.s32 $0x3387, s3  }
0x439: {  	[spmem:s6] =	stream.linear.scatter [tilespmem:s4], [sflag:$0x9], $0x1, $0x38;
	[tilespmem:$0x18280] =	vst v63  }
0x43a: {  	s4 =	sor.u32 $0xF280, s2;
	s6 =	sadd.s32 $0x4007, s3  }
0x43b: {  	[spmem:s6] =	stream.linear.scatter [tilespmem:s4], [sflag:$0x9], $0x1, $0x38;
	[tilespmem:$0x18280] =	vst v63  }
0x43c: {  	s4 =	sor.u32 $0xF300, s2;
	s6 =	sadd.s32 $0x4087, s3  }
0x43d: {  	[spmem:s6] =	stream.linear.scatter [tilespmem:s4], [sflag:$0x9], $0x1, $0x38;
	[tilespmem:$0x18280] =	vst v63  }
0x43e: {  	s4 =	sor.u32 $0xF380, s2;
	s6 =	sadd.s32 $0x4107, s3  }
0x43f: {  	[spmem:s6] =	stream.linear.scatter [tilespmem:s4], [sflag:$0x9], $0x1, $0x38;
	[tilespmem:$0x18280] =	vst v63  }
0x440: {  	s4 =	sor.u32 $0xF400, s2;
	s6 =	sadd.s32 $0x4187, s3  }
0x441: {  	[spmem:s6] =	stream.linear.scatter [tilespmem:s4], [sflag:$0x9], $0x1, $0x38;
	[tilespmem:$0x18280] =	vst v63  }
0x442: {  	s4 =	sor.u32 $0xF480, s2;
	s6 =	sadd.s32 $0x4207, s3  }
0x443: {  	[spmem:s6] =	stream.linear.scatter [tilespmem:s4], [sflag:$0x9], $0x1, $0x38;
	[tilespmem:$0x18280] =	vst v63  }
0x444: {  	s4 =	sor.u32 $0xF500, s2;
	s6 =	sadd.s32 $0x4287, s3  }
0x445: {  	[spmem:s6] =	stream.linear.scatter [tilespmem:s4], [sflag:$0x9], $0x1, $0x38;
	[tilespmem:$0x18280] =	vst v63  }
0x446: {  	s4 =	sor.u32 $0xF580, s2;
	s6 =	sadd.s32 $0x4307, s3  }
0x447: {  	[spmem:s6] =	stream.linear.scatter [tilespmem:s4], [sflag:$0x9], $0x1, $0x38;
	[tilespmem:$0x18280] =	vst v63  }
0x448: {  	s4 =	sor.u32 $0xF600, s2;
	s6 =	sadd.s32 $0x4387, s3  }
0x449: {  	[spmem:s6] =	stream.linear.scatter [tilespmem:s4], [sflag:$0x9], $0x1, $0x38;
	[tilespmem:$0x18280] =	vst v63  }
0x44a: {  	s4 =	sor.u32 $0xF680, s2;
	s6 =	sadd.s32 $0x5007, s3  }
0x44b: {  	[spmem:s6] =	stream.linear.scatter [tilespmem:s4], [sflag:$0x9], $0x1, $0x38;
	[tilespmem:$0x18280] =	vst v63  }
0x44c: {  	s4 =	sor.u32 $0xF700, s2;
	s6 =	sadd.s32 $0x5087, s3  }
0x44d: {  	[spmem:s6] =	stream.linear.scatter [tilespmem:s4], [sflag:$0x9], $0x1, $0x38;
	[tilespmem:$0x18280] =	vst v63  }
0x44e: {  	s4 =	sor.u32 $0xF780, s2;
	s6 =	sadd.s32 $0x5107, s3  }
0x44f: {  	[spmem:s6] =	stream.linear.scatter [tilespmem:s4], [sflag:$0x9], $0x1, $0x38;
	[tilespmem:$0x18280] =	vst v63  }
0x450: {  	s4 =	sor.u32 $0xF800, s2;
	s6 =	sadd.s32 $0x5187, s3  }
0x451: {  	[spmem:s6] =	stream.linear.scatter [tilespmem:s4], [sflag:$0x9], $0x1, $0x38;
	[tilespmem:$0x18280] =	vst v63  }
0x452: {  	s4 =	sor.u32 $0xF880, s2;
	s6 =	sadd.s32 $0x5207, s3  }
0x453: {  	[spmem:s6] =	stream.linear.scatter [tilespmem:s4], [sflag:$0x9], $0x1, $0x38;
	[tilespmem:$0x18280] =	vst v63  }
0x454: {  	s4 =	sor.u32 $0xF900, s2;
	s6 =	sadd.s32 $0x5287, s3  }
0x455: {  	[spmem:s6] =	stream.linear.scatter [tilespmem:s4], [sflag:$0x9], $0x1, $0x38;
	[tilespmem:$0x18280] =	vst v63  }
0x456: {  	s4 =	sor.u32 $0xF980, s2;
	s6 =	sadd.s32 $0x5307, s3  }
0x457: {  	[spmem:s6] =	stream.linear.scatter [tilespmem:s4], [sflag:$0x9], $0x1, $0x38;
	[tilespmem:$0x18280] =	vst v63  }
0x458: {  	s4 =	sor.u32 $0xFA00, s2;
	s6 =	sadd.s32 $0x5387, s3  }
0x459: {  	[spmem:s6] =	stream.linear.scatter [tilespmem:s4], [sflag:$0x9], $0x1, $0x38;
	[tilespmem:$0x18280] =	vst v63  }
0x45a: {  	s4 =	sor.u32 $0xFA80, s2;
	s6 =	sadd.s32 $0x6007, s3  }
0x45b: {  	[spmem:s6] =	stream.linear.scatter [tilespmem:s4], [sflag:$0x9], $0x1, $0x38;
	[tilespmem:$0x18280] =	vst v63  }
0x45c: {  	s4 =	sor.u32 $0xFB00, s2;
	s6 =	sadd.s32 $0x6087, s3  }
0x45d: {  	[spmem:s6] =	stream.linear.scatter [tilespmem:s4], [sflag:$0x9], $0x1, $0x38;
	[tilespmem:$0x18280] =	vst v63  }
0x45e: {  	s4 =	sor.u32 $0xFB80, s2;
	s6 =	sadd.s32 $0x6107, s3  }
0x45f: {  	[spmem:s6] =	stream.linear.scatter [tilespmem:s4], [sflag:$0x9], $0x1, $0x38;
	[tilespmem:$0x18280] =	vst v63  }
0x460: {  	s4 =	sor.u32 $0xFC00, s2;
	s6 =	sadd.s32 $0x6187, s3  }
0x461: {  	[spmem:s6] =	stream.linear.scatter [tilespmem:s4], [sflag:$0x9], $0x1, $0x38;
	[tilespmem:$0x18280] =	vst v63  }
0x462: {  	s4 =	sor.u32 $0xFC80, s2;
	s6 =	sadd.s32 $0x6207, s3  }
0x463: {  	[spmem:s6] =	stream.linear.scatter [tilespmem:s4], [sflag:$0x9], $0x1, $0x38;
	[tilespmem:$0x18280] =	vst v63  }
0x464: {  	s4 =	sor.u32 $0xFD00, s2;
	s6 =	sadd.s32 $0x6287, s3  }
0x465: {  	[spmem:s6] =	stream.linear.scatter [tilespmem:s4], [sflag:$0x9], $0x1, $0x38;
	[tilespmem:$0x18280] =	vst v63  }
0x466: {  	s4 =	sor.u32 $0xFD80, s2;
	s6 =	sadd.s32 $0x6307, s3  }
0x467: {  	[spmem:s6] =	stream.linear.scatter [tilespmem:s4], [sflag:$0x9], $0x1, $0x38;
	[tilespmem:$0x18280] =	vst v63  }
0x468: {  	s4 =	sor.u32 $0xFE00, s2;
	s6 =	sadd.s32 $0x6387, s3  }
0x469: {  	[spmem:s6] =	stream.linear.scatter [tilespmem:s4], [sflag:$0x9], $0x1, $0x38;
	[tilespmem:$0x18280] =	vst v63  }
0x46a: {  	s4 =	sor.u32 $0xFE80, s2;
	s6 =	sadd.s32 $0x7007, s3  }
0x46b: {  	[spmem:s6] =	stream.linear.scatter [tilespmem:s4], [sflag:$0x9], $0x1, $0x38;
	[tilespmem:$0x18280] =	vst v63  }
0x46c: {  	s4 =	sor.u32 $0xFF00, s2;
	s6 =	sadd.s32 $0x7087, s3  }
0x46d: {  	[spmem:s6] =	stream.linear.scatter [tilespmem:s4], [sflag:$0x9], $0x1, $0x38;
	[tilespmem:$0x18280] =	vst v63  }
0x46e: {  	s4 =	sor.u32 $0xFF80, s2;
	s6 =	sadd.s32 $0x7107, s3  }
0x46f: {  	[spmem:s6] =	stream.linear.scatter [tilespmem:s4], [sflag:$0x9], $0x1, $0x38;
	[tilespmem:$0x18280] =	vst v63  }
0x470: {  	s4 =	sor.u32 $0x10000, s2;
	s6 =	sadd.s32 $0x7187, s3  }
0x471: {  	[spmem:s6] =	stream.linear.scatter [tilespmem:s4], [sflag:$0x9], $0x1, $0x38;
	[tilespmem:$0x18280] =	vst v63  }
0x472: {  	s4 =	sor.u32 $0x10080, s2;
	s6 =	sadd.s32 $0x7207, s3  }
0x473: {  	[spmem:s6] =	stream.linear.scatter [tilespmem:s4], [sflag:$0x9], $0x1, $0x38;
	[tilespmem:$0x18280] =	vst v63  }
0x474: {  	s4 =	sor.u32 $0x10100, s2;
	s6 =	sadd.s32 $0x7287, s3  }
0x475: {  	[spmem:s6] =	stream.linear.scatter [tilespmem:s4], [sflag:$0x9], $0x1, $0x38;
	[tilespmem:$0x18280] =	vst v63  }
0x476: {  	s4 =	sor.u32 $0x10180, s2;
	s6 =	sadd.s32 $0x7307, s3  }
0x477: {  	[spmem:s6] =	stream.linear.scatter [tilespmem:s4], [sflag:$0x9], $0x1, $0x38;
	[tilespmem:$0x18280] =	vst v63  }
0x478: {  	s2 =	sor.u32 $0x10200, s2;
	s6 =	sadd.s32 $0x7387, s3  }
0x479: {  	[spmem:s6] =	stream.linear.scatter [tilespmem:s2], [sflag:$0x9], $0x1, $0x38;
	[tilespmem:$0x18280] =	vst v63  }
0x47a: {  	_ =	swait.ge [sflag:s20], $0x40  }
0x47b: {  	(v2sf) =	vpush v3, $0xF;
	_ =	sdelay $0xe  }
0x47c: {  	s4 =	spop (v2sf)  }
0x47d: {  	[sflag:s20] =	ssyncset.done $0x0;
	s2 =	sand.u32 $0xFFFFF80, s4  }
0x47e: {  	[sflag:s20] =	ssyncadd.s32 $0xFFFFFFC0;
	s2 =	sadd.s32 s1, s2  }
0x47f: {  	[tilespmem:s18], [sflag:$0x8] =	stream.strided.gather [hbm4b:s2+s9], $0x2000, s10, s9, $0x38;
	[tilespmem:$0x18280] =	vst v63  }
0x480: {  	_ =	swait.ge [sflag:s19], $0x2000  }
0x481: {  	(v2sf) =	vpush v2, $0x8;
	_ =	sdelay $0xe  }
0x482: {  	[sflag:s19] =	ssyncset.done $0x0;
	s2 =	spop (v2sf)  }
0x483: {  	s4 =	sadd.s32 $0x8, s3;
	[sflag:s19] =	ssyncadd.s32 $0xFFFFE000;
	s6 =	sor.u32 $0x280, s2  }
0x484: {  	[spmem:s4] =	stream.linear.scatter [tilespmem:s6], [sflag:$0x9], $0x1, $0x38;
	[tilespmem:$0x18280] =	vst v63  }
0x485: {  	s4 =	sor.u32 $0x300, s2;
	s6 =	sadd.s32 $0x88, s3  }
0x486: {  	[spmem:s6] =	stream.linear.scatter [tilespmem:s4], [sflag:$0x9], $0x1, $0x38;
	[tilespmem:$0x18280] =	vst v63  }
0x487: {  	s4 =	sor.u32 $0x380, s2;
	s6 =	sadd.s32 $0x108, s3  }
0x488: {  	[spmem:s6] =	stream.linear.scatter [tilespmem:s4], [sflag:$0x9], $0x1, $0x38;
	[tilespmem:$0x18280] =	vst v63  }
0x489: {  	s4 =	sor.u32 $0x400, s2;
	s6 =	sadd.s32 $0x188, s3  }
0x48a: {  	[spmem:s6] =	stream.linear.scatter [tilespmem:s4], [sflag:$0x9], $0x1, $0x38;
	[tilespmem:$0x18280] =	vst v63  }
0x48b: {  	s4 =	sor.u32 $0x480, s2;
	s6 =	sadd.s32 $0x208, s3  }
0x48c: {  	[spmem:s6] =	stream.linear.scatter [tilespmem:s4], [sflag:$0x9], $0x1, $0x38;
	[tilespmem:$0x18280] =	vst v63  }
0x48d: {  	s4 =	sor.u32 $0x500, s2;
	s6 =	sadd.s32 $0x288, s3  }
0x48e: {  	[spmem:s6] =	stream.linear.scatter [tilespmem:s4], [sflag:$0x9], $0x1, $0x38;
	[tilespmem:$0x18280] =	vst v63  }
0x48f: {  	s4 =	sor.u32 $0x580, s2;
	s6 =	sadd.s32 $0x308, s3  }
0x490: {  	[spmem:s6] =	stream.linear.scatter [tilespmem:s4], [sflag:$0x9], $0x1, $0x38;
	[tilespmem:$0x18280] =	vst v63  }
0x491: {  	s4 =	sor.u32 $0x600, s2;
	s6 =	sadd.s32 $0x388, s3  }
0x492: {  	[spmem:s6] =	stream.linear.scatter [tilespmem:s4], [sflag:$0x9], $0x1, $0x38;
	[tilespmem:$0x18280] =	vst v63  }
0x493: {  	s4 =	sor.u32 $0x680, s2;
	s6 =	sadd.s32 $0x1008, s3  }
0x494: {  	[spmem:s6] =	stream.linear.scatter [tilespmem:s4], [sflag:$0x9], $0x1, $0x38;
	[tilespmem:$0x18280] =	vst v63  }
0x495: {  	s4 =	sor.u32 $0x700, s2;
	s6 =	sadd.s32 $0x1088, s3  }
0x496: {  	[spmem:s6] =	stream.linear.scatter [tilespmem:s4], [sflag:$0x9], $0x1, $0x38;
	[tilespmem:$0x18280] =	vst v63  }
0x497: {  	s4 =	sor.u32 $0x780, s2;
	s6 =	sadd.s32 $0x1108, s3  }
0x498: {  	[spmem:s6] =	stream.linear.scatter [tilespmem:s4], [sflag:$0x9], $0x1, $0x38;
	[tilespmem:$0x18280] =	vst v63  }
0x499: {  	s4 =	sor.u32 $0x800, s2;
	s6 =	sadd.s32 $0x1188, s3  }
0x49a: {  	[spmem:s6] =	stream.linear.scatter [tilespmem:s4], [sflag:$0x9], $0x1, $0x38;
	[tilespmem:$0x18280] =	vst v63  }
0x49b: {  	s4 =	sor.u32 $0x880, s2;
	s6 =	sadd.s32 $0x1208, s3  }
0x49c: {  	[spmem:s6] =	stream.linear.scatter [tilespmem:s4], [sflag:$0x9], $0x1, $0x38;
	[tilespmem:$0x18280] =	vst v63  }
0x49d: {  	s4 =	sor.u32 $0x900, s2;
	s6 =	sadd.s32 $0x1288, s3  }
0x49e: {  	[spmem:s6] =	stream.linear.scatter [tilespmem:s4], [sflag:$0x9], $0x1, $0x38;
	[tilespmem:$0x18280] =	vst v63  }
0x49f: {  	s4 =	sor.u32 $0x980, s2;
	s6 =	sadd.s32 $0x1308, s3  }
0x4a0: {  	[spmem:s6] =	stream.linear.scatter [tilespmem:s4], [sflag:$0x9], $0x1, $0x38;
	[tilespmem:$0x18280] =	vst v63  }
0x4a1: {  	s4 =	sor.u32 $0xA00, s2;
	s6 =	sadd.s32 $0x1388, s3  }
0x4a2: {  	[spmem:s6] =	stream.linear.scatter [tilespmem:s4], [sflag:$0x9], $0x1, $0x38;
	[tilespmem:$0x18280] =	vst v63  }
0x4a3: {  	s4 =	sor.u32 $0xA80, s2;
	s6 =	sadd.s32 $0x2008, s3  }
0x4a4: {  	[spmem:s6] =	stream.linear.scatter [tilespmem:s4], [sflag:$0x9], $0x1, $0x38;
	[tilespmem:$0x18280] =	vst v63  }
0x4a5: {  	s4 =	sor.u32 $0xB00, s2;
	s6 =	sadd.s32 $0x2088, s3  }
0x4a6: {  	[spmem:s6] =	stream.linear.scatter [tilespmem:s4], [sflag:$0x9], $0x1, $0x38;
	[tilespmem:$0x18280] =	vst v63  }
0x4a7: {  	s4 =	sor.u32 $0xB80, s2;
	s6 =	sadd.s32 $0x2108, s3  }
0x4a8: {  	[spmem:s6] =	stream.linear.scatter [tilespmem:s4], [sflag:$0x9], $0x1, $0x38;
	[tilespmem:$0x18280] =	vst v63  }
0x4a9: {  	s4 =	sor.u32 $0xC00, s2;
	s6 =	sadd.s32 $0x2188, s3  }
0x4aa: {  	[spmem:s6] =	stream.linear.scatter [tilespmem:s4], [sflag:$0x9], $0x1, $0x38;
	[tilespmem:$0x18280] =	vst v63  }
0x4ab: {  	s4 =	sor.u32 $0xC80, s2;
	s6 =	sadd.s32 $0x2208, s3  }
0x4ac: {  	[spmem:s6] =	stream.linear.scatter [tilespmem:s4], [sflag:$0x9], $0x1, $0x38;
	[tilespmem:$0x18280] =	vst v63  }
0x4ad: {  	s4 =	sor.u32 $0xD00, s2;
	s6 =	sadd.s32 $0x2288, s3  }
0x4ae: {  	[spmem:s6] =	stream.linear.scatter [tilespmem:s4], [sflag:$0x9], $0x1, $0x38;
	[tilespmem:$0x18280] =	vst v63  }
0x4af: {  	s4 =	sor.u32 $0xD80, s2;
	s6 =	sadd.s32 $0x2308, s3  }
0x4b0: {  	[spmem:s6] =	stream.linear.scatter [tilespmem:s4], [sflag:$0x9], $0x1, $0x38;
	[tilespmem:$0x18280] =	vst v63  }
0x4b1: {  	s4 =	sor.u32 $0xE00, s2;
	s6 =	sadd.s32 $0x2388, s3  }
0x4b2: {  	[spmem:s6] =	stream.linear.scatter [tilespmem:s4], [sflag:$0x9], $0x1, $0x38;
	[tilespmem:$0x18280] =	vst v63  }
0x4b3: {  	s4 =	sor.u32 $0xE80, s2;
	s6 =	sadd.s32 $0x3008, s3  }
0x4b4: {  	[spmem:s6] =	stream.linear.scatter [tilespmem:s4], [sflag:$0x9], $0x1, $0x38;
	[tilespmem:$0x18280] =	vst v63  }
0x4b5: {  	s4 =	sor.u32 $0xF00, s2;
	s6 =	sadd.s32 $0x3088, s3  }
0x4b6: {  	[spmem:s6] =	stream.linear.scatter [tilespmem:s4], [sflag:$0x9], $0x1, $0x38;
	[tilespmem:$0x18280] =	vst v63  }
0x4b7: {  	s4 =	sor.u32 $0xF80, s2;
	s6 =	sadd.s32 $0x3108, s3  }
0x4b8: {  	[spmem:s6] =	stream.linear.scatter [tilespmem:s4], [sflag:$0x9], $0x1, $0x38;
	[tilespmem:$0x18280] =	vst v63  }
0x4b9: {  	s4 =	sor.u32 $0x1000, s2;
	s6 =	sadd.s32 $0x3188, s3  }
0x4ba: {  	[spmem:s6] =	stream.linear.scatter [tilespmem:s4], [sflag:$0x9], $0x1, $0x38;
	[tilespmem:$0x18280] =	vst v63  }
0x4bb: {  	s4 =	sor.u32 $0x1080, s2;
	s6 =	sadd.s32 $0x3208, s3  }
0x4bc: {  	[spmem:s6] =	stream.linear.scatter [tilespmem:s4], [sflag:$0x9], $0x1, $0x38;
	[tilespmem:$0x18280] =	vst v63  }
0x4bd: {  	s4 =	sor.u32 $0x1100, s2;
	s6 =	sadd.s32 $0x3288, s3  }
0x4be: {  	[spmem:s6] =	stream.linear.scatter [tilespmem:s4], [sflag:$0x9], $0x1, $0x38;
	[tilespmem:$0x18280] =	vst v63  }
0x4bf: {  	s4 =	sor.u32 $0x1180, s2;
	s6 =	sadd.s32 $0x3308, s3  }
0x4c0: {  	[spmem:s6] =	stream.linear.scatter [tilespmem:s4], [sflag:$0x9], $0x1, $0x38;
	[tilespmem:$0x18280] =	vst v63  }
0x4c1: {  	s4 =	sor.u32 $0x1200, s2;
	s6 =	sadd.s32 $0x3388, s3  }
0x4c2: {  	[spmem:s6] =	stream.linear.scatter [tilespmem:s4], [sflag:$0x9], $0x1, $0x38;
	[tilespmem:$0x18280] =	vst v63  }
0x4c3: {  	s4 =	sor.u32 $0x1280, s2;
	s6 =	sadd.s32 $0x4008, s3  }
0x4c4: {  	[spmem:s6] =	stream.linear.scatter [tilespmem:s4], [sflag:$0x9], $0x1, $0x38;
	[tilespmem:$0x18280] =	vst v63  }
0x4c5: {  	s4 =	sor.u32 $0x1300, s2;
	s6 =	sadd.s32 $0x4088, s3  }
0x4c6: {  	[spmem:s6] =	stream.linear.scatter [tilespmem:s4], [sflag:$0x9], $0x1, $0x38;
	[tilespmem:$0x18280] =	vst v63  }
0x4c7: {  	s4 =	sor.u32 $0x1380, s2;
	s6 =	sadd.s32 $0x4108, s3  }
0x4c8: {  	[spmem:s6] =	stream.linear.scatter [tilespmem:s4], [sflag:$0x9], $0x1, $0x38;
	[tilespmem:$0x18280] =	vst v63  }
0x4c9: {  	s4 =	sor.u32 $0x1400, s2;
	s6 =	sadd.s32 $0x4188, s3  }
0x4ca: {  	[spmem:s6] =	stream.linear.scatter [tilespmem:s4], [sflag:$0x9], $0x1, $0x38;
	[tilespmem:$0x18280] =	vst v63  }
0x4cb: {  	s4 =	sor.u32 $0x1480, s2;
	s6 =	sadd.s32 $0x4208, s3  }
0x4cc: {  	[spmem:s6] =	stream.linear.scatter [tilespmem:s4], [sflag:$0x9], $0x1, $0x38;
	[tilespmem:$0x18280] =	vst v63  }
0x4cd: {  	s4 =	sor.u32 $0x1500, s2;
	s6 =	sadd.s32 $0x4288, s3  }
0x4ce: {  	[spmem:s6] =	stream.linear.scatter [tilespmem:s4], [sflag:$0x9], $0x1, $0x38;
	[tilespmem:$0x18280] =	vst v63  }
0x4cf: {  	s4 =	sor.u32 $0x1580, s2;
	s6 =	sadd.s32 $0x4308, s3  }
0x4d0: {  	[spmem:s6] =	stream.linear.scatter [tilespmem:s4], [sflag:$0x9], $0x1, $0x38;
	[tilespmem:$0x18280] =	vst v63  }
0x4d1: {  	s4 =	sor.u32 $0x1600, s2;
	s6 =	sadd.s32 $0x4388, s3  }
0x4d2: {  	[spmem:s6] =	stream.linear.scatter [tilespmem:s4], [sflag:$0x9], $0x1, $0x38;
	[tilespmem:$0x18280] =	vst v63  }
0x4d3: {  	s4 =	sor.u32 $0x1680, s2;
	s6 =	sadd.s32 $0x5008, s3  }
0x4d4: {  	[spmem:s6] =	stream.linear.scatter [tilespmem:s4], [sflag:$0x9], $0x1, $0x38;
	[tilespmem:$0x18280] =	vst v63  }
0x4d5: {  	s4 =	sor.u32 $0x1700, s2;
	s6 =	sadd.s32 $0x5088, s3  }
0x4d6: {  	[spmem:s6] =	stream.linear.scatter [tilespmem:s4], [sflag:$0x9], $0x1, $0x38;
	[tilespmem:$0x18280] =	vst v63  }
0x4d7: {  	s4 =	sor.u32 $0x1780, s2;
	s6 =	sadd.s32 $0x5108, s3  }
0x4d8: {  	[spmem:s6] =	stream.linear.scatter [tilespmem:s4], [sflag:$0x9], $0x1, $0x38;
	[tilespmem:$0x18280] =	vst v63  }
0x4d9: {  	s4 =	sor.u32 $0x1800, s2;
	s6 =	sadd.s32 $0x5188, s3  }
0x4da: {  	[spmem:s6] =	stream.linear.scatter [tilespmem:s4], [sflag:$0x9], $0x1, $0x38;
	[tilespmem:$0x18280] =	vst v63  }
0x4db: {  	s4 =	sor.u32 $0x1880, s2;
	s6 =	sadd.s32 $0x5208, s3  }
0x4dc: {  	[spmem:s6] =	stream.linear.scatter [tilespmem:s4], [sflag:$0x9], $0x1, $0x38;
	[tilespmem:$0x18280] =	vst v63  }
0x4dd: {  	s4 =	sor.u32 $0x1900, s2;
	s6 =	sadd.s32 $0x5288, s3  }
0x4de: {  	[spmem:s6] =	stream.linear.scatter [tilespmem:s4], [sflag:$0x9], $0x1, $0x38;
	[tilespmem:$0x18280] =	vst v63  }
0x4df: {  	s4 =	sor.u32 $0x1980, s2;
	s6 =	sadd.s32 $0x5308, s3  }
0x4e0: {  	[spmem:s6] =	stream.linear.scatter [tilespmem:s4], [sflag:$0x9], $0x1, $0x38;
	[tilespmem:$0x18280] =	vst v63  }
0x4e1: {  	s4 =	sor.u32 $0x1A00, s2;
	s6 =	sadd.s32 $0x5388, s3  }
0x4e2: {  	[spmem:s6] =	stream.linear.scatter [tilespmem:s4], [sflag:$0x9], $0x1, $0x38;
	[tilespmem:$0x18280] =	vst v63  }
0x4e3: {  	s4 =	sor.u32 $0x1A80, s2;
	s6 =	sadd.s32 $0x6008, s3  }
0x4e4: {  	[spmem:s6] =	stream.linear.scatter [tilespmem:s4], [sflag:$0x9], $0x1, $0x38;
	[tilespmem:$0x18280] =	vst v63  }
0x4e5: {  	s4 =	sor.u32 $0x1B00, s2;
	s6 =	sadd.s32 $0x6088, s3  }
0x4e6: {  	[spmem:s6] =	stream.linear.scatter [tilespmem:s4], [sflag:$0x9], $0x1, $0x38;
	[tilespmem:$0x18280] =	vst v63  }
0x4e7: {  	s4 =	sor.u32 $0x1B80, s2;
	s6 =	sadd.s32 $0x6108, s3  }
0x4e8: {  	[spmem:s6] =	stream.linear.scatter [tilespmem:s4], [sflag:$0x9], $0x1, $0x38;
	[tilespmem:$0x18280] =	vst v63  }
0x4e9: {  	s4 =	sor.u32 $0x1C00, s2;
	s6 =	sadd.s32 $0x6188, s3  }
0x4ea: {  	[spmem:s6] =	stream.linear.scatter [tilespmem:s4], [sflag:$0x9], $0x1, $0x38;
	[tilespmem:$0x18280] =	vst v63  }
0x4eb: {  	s4 =	sor.u32 $0x1C80, s2;
	s6 =	sadd.s32 $0x6208, s3  }
0x4ec: {  	[spmem:s6] =	stream.linear.scatter [tilespmem:s4], [sflag:$0x9], $0x1, $0x38;
	[tilespmem:$0x18280] =	vst v63  }
0x4ed: {  	s4 =	sor.u32 $0x1D00, s2;
	s6 =	sadd.s32 $0x6288, s3  }
0x4ee: {  	[spmem:s6] =	stream.linear.scatter [tilespmem:s4], [sflag:$0x9], $0x1, $0x38;
	[tilespmem:$0x18280] =	vst v63  }
0x4ef: {  	s4 =	sor.u32 $0x1D80, s2;
	s6 =	sadd.s32 $0x6308, s3  }
0x4f0: {  	[spmem:s6] =	stream.linear.scatter [tilespmem:s4], [sflag:$0x9], $0x1, $0x38;
	[tilespmem:$0x18280] =	vst v63  }
0x4f1: {  	s4 =	sor.u32 $0x1E00, s2;
	s6 =	sadd.s32 $0x6388, s3  }
0x4f2: {  	[spmem:s6] =	stream.linear.scatter [tilespmem:s4], [sflag:$0x9], $0x1, $0x38;
	[tilespmem:$0x18280] =	vst v63  }
0x4f3: {  	s4 =	sor.u32 $0x1E80, s2;
	s6 =	sadd.s32 $0x7008, s3  }
0x4f4: {  	[spmem:s6] =	stream.linear.scatter [tilespmem:s4], [sflag:$0x9], $0x1, $0x38;
	[tilespmem:$0x18280] =	vst v63  }
0x4f5: {  	s4 =	sor.u32 $0x1F00, s2;
	s6 =	sadd.s32 $0x7088, s3  }
0x4f6: {  	[spmem:s6] =	stream.linear.scatter [tilespmem:s4], [sflag:$0x9], $0x1, $0x38;
	[tilespmem:$0x18280] =	vst v63  }
0x4f7: {  	s4 =	sor.u32 $0x1F80, s2;
	s6 =	sadd.s32 $0x7108, s3  }
0x4f8: {  	[spmem:s6] =	stream.linear.scatter [tilespmem:s4], [sflag:$0x9], $0x1, $0x38;
	[tilespmem:$0x18280] =	vst v63  }
0x4f9: {  	s4 =	sor.u32 $0x2000, s2;
	s6 =	sadd.s32 $0x7188, s3  }
0x4fa: {  	[spmem:s6] =	stream.linear.scatter [tilespmem:s4], [sflag:$0x9], $0x1, $0x38;
	[tilespmem:$0x18280] =	vst v63  }
0x4fb: {  	s4 =	sor.u32 $0x2080, s2;
	s6 =	sadd.s32 $0x7208, s3  }
0x4fc: {  	[spmem:s6] =	stream.linear.scatter [tilespmem:s4], [sflag:$0x9], $0x1, $0x38;
	[tilespmem:$0x18280] =	vst v63  }
0x4fd: {  	s4 =	sor.u32 $0x2100, s2;
	s6 =	sadd.s32 $0x7288, s3  }
0x4fe: {  	[spmem:s6] =	stream.linear.scatter [tilespmem:s4], [sflag:$0x9], $0x1, $0x38;
	[tilespmem:$0x18280] =	vst v63  }
0x4ff: {  	s4 =	sor.u32 $0x2180, s2;
	s6 =	sadd.s32 $0x7308, s3  }
0x500: {  	[spmem:s6] =	stream.linear.scatter [tilespmem:s4], [sflag:$0x9], $0x1, $0x38;
	[tilespmem:$0x18280] =	vst v63  }
0x501: {  	s2 =	sor.u32 $0x2200, s2;
	s6 =	sadd.s32 $0x7388, s3  }
0x502: {  	[spmem:s6] =	stream.linear.scatter [tilespmem:s2], [sflag:$0x9], $0x1, $0x38;
	[tilespmem:$0x18280] =	vst v63  }
0x503: {  	_ =	swait.ge [sflag:s20], $0x40  }
0x504: {  	(v2sf) =	vpush v1, $0x0;
	_ =	sdelay $0xe  }
0x505: {  	s4 =	spop (v2sf)  }
0x506: {  	[sflag:s20] =	ssyncset.done $0x0;
	s2 =	sand.u32 $0xFFFFF80, s4  }
0x507: {  	[sflag:s20] =	ssyncadd.s32 $0xFFFFFFC0;
	s2 =	sadd.s32 s1, s2  }
0x508: {  	[tilespmem:s11], [sflag:$0x1] =	stream.strided.gather [hbm4b:s2+s9], $0x2000, s10, s9, $0x38;
	[tilespmem:$0x18280] =	vst v63  }
0x509: {  	_ =	swait.ge [sflag:s21], $0x2000  }
0x50a: {  	(v2sf) =	vpush v2, $0x9;
	_ =	sdelay $0xe  }
0x50b: {  	[sflag:s21] =	ssyncset.done $0x0;
	s2 =	spop (v2sf)  }
0x50c: {  	s4 =	sadd.s32 $0x9, s3;
	[sflag:s21] =	ssyncadd.s32 $0xFFFFE000;
	s6 =	sor.u32 $0x2280, s2  }
0x50d: {  	[spmem:s4] =	stream.linear.scatter [tilespmem:s6], [sflag:$0x9], $0x1, $0x38;
	[tilespmem:$0x18280] =	vst v63  }
0x50e: {  	s4 =	sor.u32 $0x2300, s2;
	s6 =	sadd.s32 $0x89, s3  }
0x50f: {  	[spmem:s6] =	stream.linear.scatter [tilespmem:s4], [sflag:$0x9], $0x1, $0x38;
	[tilespmem:$0x18280] =	vst v63  }
0x510: {  	s4 =	sor.u32 $0x2380, s2;
	s6 =	sadd.s32 $0x109, s3  }
0x511: {  	[spmem:s6] =	stream.linear.scatter [tilespmem:s4], [sflag:$0x9], $0x1, $0x38;
	[tilespmem:$0x18280] =	vst v63  }
0x512: {  	s4 =	sor.u32 $0x2400, s2;
	s6 =	sadd.s32 $0x189, s3  }
0x513: {  	[spmem:s6] =	stream.linear.scatter [tilespmem:s4], [sflag:$0x9], $0x1, $0x38;
	[tilespmem:$0x18280] =	vst v63  }
0x514: {  	s4 =	sor.u32 $0x2480, s2;
	s6 =	sadd.s32 $0x209, s3  }
0x515: {  	[spmem:s6] =	stream.linear.scatter [tilespmem:s4], [sflag:$0x9], $0x1, $0x38;
	[tilespmem:$0x18280] =	vst v63  }
0x516: {  	s4 =	sor.u32 $0x2500, s2;
	s6 =	sadd.s32 $0x289, s3  }
0x517: {  	[spmem:s6] =	stream.linear.scatter [tilespmem:s4], [sflag:$0x9], $0x1, $0x38;
	[tilespmem:$0x18280] =	vst v63  }
0x518: {  	s4 =	sor.u32 $0x2580, s2;
	s6 =	sadd.s32 $0x309, s3  }
0x519: {  	[spmem:s6] =	stream.linear.scatter [tilespmem:s4], [sflag:$0x9], $0x1, $0x38;
	[tilespmem:$0x18280] =	vst v63  }
0x51a: {  	s4 =	sor.u32 $0x2600, s2;
	s6 =	sadd.s32 $0x389, s3  }
0x51b: {  	[spmem:s6] =	stream.linear.scatter [tilespmem:s4], [sflag:$0x9], $0x1, $0x38;
	[tilespmem:$0x18280] =	vst v63  }
0x51c: {  	s4 =	sor.u32 $0x2680, s2;
	s6 =	sadd.s32 $0x1009, s3  }
0x51d: {  	[spmem:s6] =	stream.linear.scatter [tilespmem:s4], [sflag:$0x9], $0x1, $0x38;
	[tilespmem:$0x18280] =	vst v63  }
0x51e: {  	s4 =	sor.u32 $0x2700, s2;
	s6 =	sadd.s32 $0x1089, s3  }
0x51f: {  	[spmem:s6] =	stream.linear.scatter [tilespmem:s4], [sflag:$0x9], $0x1, $0x38;
	[tilespmem:$0x18280] =	vst v63  }
0x520: {  	s4 =	sor.u32 $0x2780, s2;
	s6 =	sadd.s32 $0x1109, s3  }
0x521: {  	[spmem:s6] =	stream.linear.scatter [tilespmem:s4], [sflag:$0x9], $0x1, $0x38;
	[tilespmem:$0x18280] =	vst v63  }
0x522: {  	s4 =	sor.u32 $0x2800, s2;
	s6 =	sadd.s32 $0x1189, s3  }
0x523: {  	[spmem:s6] =	stream.linear.scatter [tilespmem:s4], [sflag:$0x9], $0x1, $0x38;
	[tilespmem:$0x18280] =	vst v63  }
0x524: {  	s4 =	sor.u32 $0x2880, s2;
	s6 =	sadd.s32 $0x1209, s3  }
0x525: {  	[spmem:s6] =	stream.linear.scatter [tilespmem:s4], [sflag:$0x9], $0x1, $0x38;
	[tilespmem:$0x18280] =	vst v63  }
0x526: {  	s4 =	sor.u32 $0x2900, s2;
	s6 =	sadd.s32 $0x1289, s3  }
0x527: {  	[spmem:s6] =	stream.linear.scatter [tilespmem:s4], [sflag:$0x9], $0x1, $0x38;
	[tilespmem:$0x18280] =	vst v63  }
0x528: {  	s4 =	sor.u32 $0x2980, s2;
	s6 =	sadd.s32 $0x1309, s3  }
0x529: {  	[spmem:s6] =	stream.linear.scatter [tilespmem:s4], [sflag:$0x9], $0x1, $0x38;
	[tilespmem:$0x18280] =	vst v63  }
0x52a: {  	s4 =	sor.u32 $0x2A00, s2;
	s6 =	sadd.s32 $0x1389, s3  }
0x52b: {  	[spmem:s6] =	stream.linear.scatter [tilespmem:s4], [sflag:$0x9], $0x1, $0x38;
	[tilespmem:$0x18280] =	vst v63  }
0x52c: {  	s4 =	sor.u32 $0x2A80, s2;
	s6 =	sadd.s32 $0x2009, s3  }
0x52d: {  	[spmem:s6] =	stream.linear.scatter [tilespmem:s4], [sflag:$0x9], $0x1, $0x38;
	[tilespmem:$0x18280] =	vst v63  }
0x52e: {  	s4 =	sor.u32 $0x2B00, s2;
	s6 =	sadd.s32 $0x2089, s3  }
0x52f: {  	[spmem:s6] =	stream.linear.scatter [tilespmem:s4], [sflag:$0x9], $0x1, $0x38;
	[tilespmem:$0x18280] =	vst v63  }
0x530: {  	s4 =	sor.u32 $0x2B80, s2;
	s6 =	sadd.s32 $0x2109, s3  }
0x531: {  	[spmem:s6] =	stream.linear.scatter [tilespmem:s4], [sflag:$0x9], $0x1, $0x38;
	[tilespmem:$0x18280] =	vst v63  }
0x532: {  	s4 =	sor.u32 $0x2C00, s2;
	s6 =	sadd.s32 $0x2189, s3  }
0x533: {  	[spmem:s6] =	stream.linear.scatter [tilespmem:s4], [sflag:$0x9], $0x1, $0x38;
	[tilespmem:$0x18280] =	vst v63  }
0x534: {  	s4 =	sor.u32 $0x2C80, s2;
	s6 =	sadd.s32 $0x2209, s3  }
0x535: {  	[spmem:s6] =	stream.linear.scatter [tilespmem:s4], [sflag:$0x9], $0x1, $0x38;
	[tilespmem:$0x18280] =	vst v63  }
0x536: {  	s4 =	sor.u32 $0x2D00, s2;
	s6 =	sadd.s32 $0x2289, s3  }
0x537: {  	[spmem:s6] =	stream.linear.scatter [tilespmem:s4], [sflag:$0x9], $0x1, $0x38;
	[tilespmem:$0x18280] =	vst v63  }
0x538: {  	s4 =	sor.u32 $0x2D80, s2;
	s6 =	sadd.s32 $0x2309, s3  }
0x539: {  	[spmem:s6] =	stream.linear.scatter [tilespmem:s4], [sflag:$0x9], $0x1, $0x38;
	[tilespmem:$0x18280] =	vst v63  }
0x53a: {  	s4 =	sor.u32 $0x2E00, s2;
	s6 =	sadd.s32 $0x2389, s3  }
0x53b: {  	[spmem:s6] =	stream.linear.scatter [tilespmem:s4], [sflag:$0x9], $0x1, $0x38;
	[tilespmem:$0x18280] =	vst v63  }
0x53c: {  	s4 =	sor.u32 $0x2E80, s2;
	s6 =	sadd.s32 $0x3009, s3  }
0x53d: {  	[spmem:s6] =	stream.linear.scatter [tilespmem:s4], [sflag:$0x9], $0x1, $0x38;
	[tilespmem:$0x18280] =	vst v63  }
0x53e: {  	s4 =	sor.u32 $0x2F00, s2;
	s6 =	sadd.s32 $0x3089, s3  }
0x53f: {  	[spmem:s6] =	stream.linear.scatter [tilespmem:s4], [sflag:$0x9], $0x1, $0x38;
	[tilespmem:$0x18280] =	vst v63  }
0x540: {  	s4 =	sor.u32 $0x2F80, s2;
	s6 =	sadd.s32 $0x3109, s3  }
0x541: {  	[spmem:s6] =	stream.linear.scatter [tilespmem:s4], [sflag:$0x9], $0x1, $0x38;
	[tilespmem:$0x18280] =	vst v63  }
0x542: {  	s4 =	sor.u32 $0x3000, s2;
	s6 =	sadd.s32 $0x3189, s3  }
0x543: {  	[spmem:s6] =	stream.linear.scatter [tilespmem:s4], [sflag:$0x9], $0x1, $0x38;
	[tilespmem:$0x18280] =	vst v63  }
0x544: {  	s4 =	sor.u32 $0x3080, s2;
	s6 =	sadd.s32 $0x3209, s3  }
0x545: {  	[spmem:s6] =	stream.linear.scatter [tilespmem:s4], [sflag:$0x9], $0x1, $0x38;
	[tilespmem:$0x18280] =	vst v63  }
0x546: {  	s4 =	sor.u32 $0x3100, s2;
	s6 =	sadd.s32 $0x3289, s3  }
0x547: {  	[spmem:s6] =	stream.linear.scatter [tilespmem:s4], [sflag:$0x9], $0x1, $0x38;
	[tilespmem:$0x18280] =	vst v63  }
0x548: {  	s4 =	sor.u32 $0x3180, s2;
	s6 =	sadd.s32 $0x3309, s3  }
0x549: {  	[spmem:s6] =	stream.linear.scatter [tilespmem:s4], [sflag:$0x9], $0x1, $0x38;
	[tilespmem:$0x18280] =	vst v63  }
0x54a: {  	s4 =	sor.u32 $0x3200, s2;
	s6 =	sadd.s32 $0x3389, s3  }
0x54b: {  	[spmem:s6] =	stream.linear.scatter [tilespmem:s4], [sflag:$0x9], $0x1, $0x38;
	[tilespmem:$0x18280] =	vst v63  }
0x54c: {  	s4 =	sor.u32 $0x3280, s2;
	s6 =	sadd.s32 $0x4009, s3  }
0x54d: {  	[spmem:s6] =	stream.linear.scatter [tilespmem:s4], [sflag:$0x9], $0x1, $0x38;
	[tilespmem:$0x18280] =	vst v63  }
0x54e: {  	s4 =	sor.u32 $0x3300, s2;
	s6 =	sadd.s32 $0x4089, s3  }
0x54f: {  	[spmem:s6] =	stream.linear.scatter [tilespmem:s4], [sflag:$0x9], $0x1, $0x38;
	[tilespmem:$0x18280] =	vst v63  }
0x550: {  	s4 =	sor.u32 $0x3380, s2;
	s6 =	sadd.s32 $0x4109, s3  }
0x551: {  	[spmem:s6] =	stream.linear.scatter [tilespmem:s4], [sflag:$0x9], $0x1, $0x38;
	[tilespmem:$0x18280] =	vst v63  }
0x552: {  	s4 =	sor.u32 $0x3400, s2;
	s6 =	sadd.s32 $0x4189, s3  }
0x553: {  	[spmem:s6] =	stream.linear.scatter [tilespmem:s4], [sflag:$0x9], $0x1, $0x38;
	[tilespmem:$0x18280] =	vst v63  }
0x554: {  	s4 =	sor.u32 $0x3480, s2;
	s6 =	sadd.s32 $0x4209, s3  }
0x555: {  	[spmem:s6] =	stream.linear.scatter [tilespmem:s4], [sflag:$0x9], $0x1, $0x38;
	[tilespmem:$0x18280] =	vst v63  }
0x556: {  	s4 =	sor.u32 $0x3500, s2;
	s6 =	sadd.s32 $0x4289, s3  }
0x557: {  	[spmem:s6] =	stream.linear.scatter [tilespmem:s4], [sflag:$0x9], $0x1, $0x38;
	[tilespmem:$0x18280] =	vst v63  }
0x558: {  	s4 =	sor.u32 $0x3580, s2;
	s6 =	sadd.s32 $0x4309, s3  }
0x559: {  	[spmem:s6] =	stream.linear.scatter [tilespmem:s4], [sflag:$0x9], $0x1, $0x38;
	[tilespmem:$0x18280] =	vst v63  }
0x55a: {  	s4 =	sor.u32 $0x3600, s2;
	s6 =	sadd.s32 $0x4389, s3  }
0x55b: {  	[spmem:s6] =	stream.linear.scatter [tilespmem:s4], [sflag:$0x9], $0x1, $0x38;
	[tilespmem:$0x18280] =	vst v63  }
0x55c: {  	s4 =	sor.u32 $0x3680, s2;
	s6 =	sadd.s32 $0x5009, s3  }
0x55d: {  	[spmem:s6] =	stream.linear.scatter [tilespmem:s4], [sflag:$0x9], $0x1, $0x38;
	[tilespmem:$0x18280] =	vst v63  }
0x55e: {  	s4 =	sor.u32 $0x3700, s2;
	s6 =	sadd.s32 $0x5089, s3  }
0x55f: {  	[spmem:s6] =	stream.linear.scatter [tilespmem:s4], [sflag:$0x9], $0x1, $0x38;
	[tilespmem:$0x18280] =	vst v63  }
0x560: {  	s4 =	sor.u32 $0x3780, s2;
	s6 =	sadd.s32 $0x5109, s3  }
0x561: {  	[spmem:s6] =	stream.linear.scatter [tilespmem:s4], [sflag:$0x9], $0x1, $0x38;
	[tilespmem:$0x18280] =	vst v63  }
0x562: {  	s4 =	sor.u32 $0x3800, s2;
	s6 =	sadd.s32 $0x5189, s3  }
0x563: {  	[spmem:s6] =	stream.linear.scatter [tilespmem:s4], [sflag:$0x9], $0x1, $0x38;
	[tilespmem:$0x18280] =	vst v63  }
0x564: {  	s4 =	sor.u32 $0x3880, s2;
	s6 =	sadd.s32 $0x5209, s3  }
0x565: {  	[spmem:s6] =	stream.linear.scatter [tilespmem:s4], [sflag:$0x9], $0x1, $0x38;
	[tilespmem:$0x18280] =	vst v63  }
0x566: {  	s4 =	sor.u32 $0x3900, s2;
	s6 =	sadd.s32 $0x5289, s3  }
0x567: {  	[spmem:s6] =	stream.linear.scatter [tilespmem:s4], [sflag:$0x9], $0x1, $0x38;
	[tilespmem:$0x18280] =	vst v63  }
0x568: {  	s4 =	sor.u32 $0x3980, s2;
	s6 =	sadd.s32 $0x5309, s3  }
0x569: {  	[spmem:s6] =	stream.linear.scatter [tilespmem:s4], [sflag:$0x9], $0x1, $0x38;
	[tilespmem:$0x18280] =	vst v63  }
0x56a: {  	s4 =	sor.u32 $0x3A00, s2;
	s6 =	sadd.s32 $0x5389, s3  }
0x56b: {  	[spmem:s6] =	stream.linear.scatter [tilespmem:s4], [sflag:$0x9], $0x1, $0x38;
	[tilespmem:$0x18280] =	vst v63  }
0x56c: {  	s4 =	sor.u32 $0x3A80, s2;
	s6 =	sadd.s32 $0x6009, s3  }
0x56d: {  	[spmem:s6] =	stream.linear.scatter [tilespmem:s4], [sflag:$0x9], $0x1, $0x38;
	[tilespmem:$0x18280] =	vst v63  }
0x56e: {  	s4 =	sor.u32 $0x3B00, s2;
	s6 =	sadd.s32 $0x6089, s3  }
0x56f: {  	[spmem:s6] =	stream.linear.scatter [tilespmem:s4], [sflag:$0x9], $0x1, $0x38;
	[tilespmem:$0x18280] =	vst v63  }
0x570: {  	s4 =	sor.u32 $0x3B80, s2;
	s6 =	sadd.s32 $0x6109, s3  }
0x571: {  	[spmem:s6] =	stream.linear.scatter [tilespmem:s4], [sflag:$0x9], $0x1, $0x38;
	[tilespmem:$0x18280] =	vst v63  }
0x572: {  	s4 =	sor.u32 $0x3C00, s2;
	s6 =	sadd.s32 $0x6189, s3  }
0x573: {  	[spmem:s6] =	stream.linear.scatter [tilespmem:s4], [sflag:$0x9], $0x1, $0x38;
	[tilespmem:$0x18280] =	vst v63  }
0x574: {  	s4 =	sor.u32 $0x3C80, s2;
	s6 =	sadd.s32 $0x6209, s3  }
0x575: {  	[spmem:s6] =	stream.linear.scatter [tilespmem:s4], [sflag:$0x9], $0x1, $0x38;
	[tilespmem:$0x18280] =	vst v63  }
0x576: {  	s4 =	sor.u32 $0x3D00, s2;
	s6 =	sadd.s32 $0x6289, s3  }
0x577: {  	[spmem:s6] =	stream.linear.scatter [tilespmem:s4], [sflag:$0x9], $0x1, $0x38;
	[tilespmem:$0x18280] =	vst v63  }
0x578: {  	s4 =	sor.u32 $0x3D80, s2;
	s6 =	sadd.s32 $0x6309, s3  }
0x579: {  	[spmem:s6] =	stream.linear.scatter [tilespmem:s4], [sflag:$0x9], $0x1, $0x38;
	[tilespmem:$0x18280] =	vst v63  }
0x57a: {  	s4 =	sor.u32 $0x3E00, s2;
	s6 =	sadd.s32 $0x6389, s3  }
0x57b: {  	[spmem:s6] =	stream.linear.scatter [tilespmem:s4], [sflag:$0x9], $0x1, $0x38;
	[tilespmem:$0x18280] =	vst v63  }
0x57c: {  	s4 =	sor.u32 $0x3E80, s2;
	s6 =	sadd.s32 $0x7009, s3  }
0x57d: {  	[spmem:s6] =	stream.linear.scatter [tilespmem:s4], [sflag:$0x9], $0x1, $0x38;
	[tilespmem:$0x18280] =	vst v63  }
0x57e: {  	s4 =	sor.u32 $0x3F00, s2;
	s6 =	sadd.s32 $0x7089, s3  }
0x57f: {  	[spmem:s6] =	stream.linear.scatter [tilespmem:s4], [sflag:$0x9], $0x1, $0x38;
	[tilespmem:$0x18280] =	vst v63  }
0x580: {  	s4 =	sor.u32 $0x3F80, s2;
	s6 =	sadd.s32 $0x7109, s3  }
0x581: {  	[spmem:s6] =	stream.linear.scatter [tilespmem:s4], [sflag:$0x9], $0x1, $0x38;
	[tilespmem:$0x18280] =	vst v63  }
0x582: {  	s4 =	sor.u32 $0x4000, s2;
	s6 =	sadd.s32 $0x7189, s3  }
0x583: {  	[spmem:s6] =	stream.linear.scatter [tilespmem:s4], [sflag:$0x9], $0x1, $0x38;
	[tilespmem:$0x18280] =	vst v63  }
0x584: {  	s4 =	sor.u32 $0x4080, s2;
	s6 =	sadd.s32 $0x7209, s3  }
0x585: {  	[spmem:s6] =	stream.linear.scatter [tilespmem:s4], [sflag:$0x9], $0x1, $0x38;
	[tilespmem:$0x18280] =	vst v63  }
0x586: {  	s4 =	sor.u32 $0x4100, s2;
	s6 =	sadd.s32 $0x7289, s3  }
0x587: {  	[spmem:s6] =	stream.linear.scatter [tilespmem:s4], [sflag:$0x9], $0x1, $0x38;
	[tilespmem:$0x18280] =	vst v63  }
0x588: {  	s4 =	sor.u32 $0x4180, s2;
	s6 =	sadd.s32 $0x7309, s3  }
0x589: {  	[spmem:s6] =	stream.linear.scatter [tilespmem:s4], [sflag:$0x9], $0x1, $0x38;
	[tilespmem:$0x18280] =	vst v63  }
0x58a: {  	s2 =	sor.u32 $0x4200, s2;
	s6 =	sadd.s32 $0x7389, s3  }
0x58b: {  	[spmem:s6] =	stream.linear.scatter [tilespmem:s2], [sflag:$0x9], $0x1, $0x38;
	[tilespmem:$0x18280] =	vst v63  }
0x58c: {  	_ =	swait.ge [sflag:s20], $0x40  }
0x58d: {  	(v2sf) =	vpush v1, $0x1;
	_ =	sdelay $0xe  }
0x58e: {  	s4 =	spop (v2sf)  }
0x58f: {  	[sflag:s20] =	ssyncset.done $0x0;
	s2 =	sand.u32 $0xFFFFF80, s4  }
0x590: {  	[sflag:s20] =	ssyncadd.s32 $0xFFFFFFC0;
	s2 =	sadd.s32 s1, s2  }
0x591: {  	[tilespmem:s12], [sflag:$0x2] =	stream.strided.gather [hbm4b:s2+s9], $0x2000, s10, s9, $0x38;
	[tilespmem:$0x18280] =	vst v63  }
0x592: {  	_ =	swait.ge [sflag:s22], $0x2000  }
0x593: {  	(v2sf) =	vpush v2, $0xA;
	_ =	sdelay $0xe  }
0x594: {  	[sflag:s22] =	ssyncset.done $0x0;
	s2 =	spop (v2sf)  }
0x595: {  	s4 =	sadd.s32 $0xA, s3;
	[sflag:s22] =	ssyncadd.s32 $0xFFFFE000;
	s6 =	sor.u32 $0x4280, s2  }
0x596: {  	[spmem:s4] =	stream.linear.scatter [tilespmem:s6], [sflag:$0x9], $0x1, $0x38;
	[tilespmem:$0x18280] =	vst v63  }
0x597: {  	s4 =	sor.u32 $0x4300, s2;
	s6 =	sadd.s32 $0x8A, s3  }
0x598: {  	[spmem:s6] =	stream.linear.scatter [tilespmem:s4], [sflag:$0x9], $0x1, $0x38;
	[tilespmem:$0x18280] =	vst v63  }
0x599: {  	s4 =	sor.u32 $0x4380, s2;
	s6 =	sadd.s32 $0x10A, s3  }
0x59a: {  	[spmem:s6] =	stream.linear.scatter [tilespmem:s4], [sflag:$0x9], $0x1, $0x38;
	[tilespmem:$0x18280] =	vst v63  }
0x59b: {  	s4 =	sor.u32 $0x4400, s2;
	s6 =	sadd.s32 $0x18A, s3  }
0x59c: {  	[spmem:s6] =	stream.linear.scatter [tilespmem:s4], [sflag:$0x9], $0x1, $0x38;
	[tilespmem:$0x18280] =	vst v63  }
0x59d: {  	s4 =	sor.u32 $0x4480, s2;
	s6 =	sadd.s32 $0x20A, s3  }
0x59e: {  	[spmem:s6] =	stream.linear.scatter [tilespmem:s4], [sflag:$0x9], $0x1, $0x38;
	[tilespmem:$0x18280] =	vst v63  }
0x59f: {  	s4 =	sor.u32 $0x4500, s2;
	s6 =	sadd.s32 $0x28A, s3  }
0x5a0: {  	[spmem:s6] =	stream.linear.scatter [tilespmem:s4], [sflag:$0x9], $0x1, $0x38;
	[tilespmem:$0x18280] =	vst v63  }
0x5a1: {  	s4 =	sor.u32 $0x4580, s2;
	s6 =	sadd.s32 $0x30A, s3  }
0x5a2: {  	[spmem:s6] =	stream.linear.scatter [tilespmem:s4], [sflag:$0x9], $0x1, $0x38;
	[tilespmem:$0x18280] =	vst v63  }
0x5a3: {  	s4 =	sor.u32 $0x4600, s2;
	s6 =	sadd.s32 $0x38A, s3  }
0x5a4: {  	[spmem:s6] =	stream.linear.scatter [tilespmem:s4], [sflag:$0x9], $0x1, $0x38;
	[tilespmem:$0x18280] =	vst v63  }
0x5a5: {  	s4 =	sor.u32 $0x4680, s2;
	s6 =	sadd.s32 $0x100A, s3  }
0x5a6: {  	[spmem:s6] =	stream.linear.scatter [tilespmem:s4], [sflag:$0x9], $0x1, $0x38;
	[tilespmem:$0x18280] =	vst v63  }
0x5a7: {  	s4 =	sor.u32 $0x4700, s2;
	s6 =	sadd.s32 $0x108A, s3  }
0x5a8: {  	[spmem:s6] =	stream.linear.scatter [tilespmem:s4], [sflag:$0x9], $0x1, $0x38;
	[tilespmem:$0x18280] =	vst v63  }
0x5a9: {  	s4 =	sor.u32 $0x4780, s2;
	s6 =	sadd.s32 $0x110A, s3  }
0x5aa: {  	[spmem:s6] =	stream.linear.scatter [tilespmem:s4], [sflag:$0x9], $0x1, $0x38;
	[tilespmem:$0x18280] =	vst v63  }
0x5ab: {  	s4 =	sor.u32 $0x4800, s2;
	s6 =	sadd.s32 $0x118A, s3  }
0x5ac: {  	[spmem:s6] =	stream.linear.scatter [tilespmem:s4], [sflag:$0x9], $0x1, $0x38;
	[tilespmem:$0x18280] =	vst v63  }
0x5ad: {  	s4 =	sor.u32 $0x4880, s2;
	s6 =	sadd.s32 $0x120A, s3  }
0x5ae: {  	[spmem:s6] =	stream.linear.scatter [tilespmem:s4], [sflag:$0x9], $0x1, $0x38;
	[tilespmem:$0x18280] =	vst v63  }
0x5af: {  	s4 =	sor.u32 $0x4900, s2;
	s6 =	sadd.s32 $0x128A, s3  }
0x5b0: {  	[spmem:s6] =	stream.linear.scatter [tilespmem:s4], [sflag:$0x9], $0x1, $0x38;
	[tilespmem:$0x18280] =	vst v63  }
0x5b1: {  	s4 =	sor.u32 $0x4980, s2;
	s6 =	sadd.s32 $0x130A, s3  }
0x5b2: {  	[spmem:s6] =	stream.linear.scatter [tilespmem:s4], [sflag:$0x9], $0x1, $0x38;
	[tilespmem:$0x18280] =	vst v63  }
0x5b3: {  	s4 =	sor.u32 $0x4A00, s2;
	s6 =	sadd.s32 $0x138A, s3  }
0x5b4: {  	[spmem:s6] =	stream.linear.scatter [tilespmem:s4], [sflag:$0x9], $0x1, $0x38;
	[tilespmem:$0x18280] =	vst v63  }
0x5b5: {  	s4 =	sor.u32 $0x4A80, s2;
	s6 =	sadd.s32 $0x200A, s3  }
0x5b6: {  	[spmem:s6] =	stream.linear.scatter [tilespmem:s4], [sflag:$0x9], $0x1, $0x38;
	[tilespmem:$0x18280] =	vst v63  }
0x5b7: {  	s4 =	sor.u32 $0x4B00, s2;
	s6 =	sadd.s32 $0x208A, s3  }
0x5b8: {  	[spmem:s6] =	stream.linear.scatter [tilespmem:s4], [sflag:$0x9], $0x1, $0x38;
	[tilespmem:$0x18280] =	vst v63  }
0x5b9: {  	s4 =	sor.u32 $0x4B80, s2;
	s6 =	sadd.s32 $0x210A, s3  }
0x5ba: {  	[spmem:s6] =	stream.linear.scatter [tilespmem:s4], [sflag:$0x9], $0x1, $0x38;
	[tilespmem:$0x18280] =	vst v63  }
0x5bb: {  	s4 =	sor.u32 $0x4C00, s2;
	s6 =	sadd.s32 $0x218A, s3  }
0x5bc: {  	[spmem:s6] =	stream.linear.scatter [tilespmem:s4], [sflag:$0x9], $0x1, $0x38;
	[tilespmem:$0x18280] =	vst v63  }
0x5bd: {  	s4 =	sor.u32 $0x4C80, s2;
	s6 =	sadd.s32 $0x220A, s3  }
0x5be: {  	[spmem:s6] =	stream.linear.scatter [tilespmem:s4], [sflag:$0x9], $0x1, $0x38;
	[tilespmem:$0x18280] =	vst v63  }
0x5bf: {  	s4 =	sor.u32 $0x4D00, s2;
	s6 =	sadd.s32 $0x228A, s3  }
0x5c0: {  	[spmem:s6] =	stream.linear.scatter [tilespmem:s4], [sflag:$0x9], $0x1, $0x38;
	[tilespmem:$0x18280] =	vst v63  }
0x5c1: {  	s4 =	sor.u32 $0x4D80, s2;
	s6 =	sadd.s32 $0x230A, s3  }
0x5c2: {  	[spmem:s6] =	stream.linear.scatter [tilespmem:s4], [sflag:$0x9], $0x1, $0x38;
	[tilespmem:$0x18280] =	vst v63  }
0x5c3: {  	s4 =	sor.u32 $0x4E00, s2;
	s6 =	sadd.s32 $0x238A, s3  }
0x5c4: {  	[spmem:s6] =	stream.linear.scatter [tilespmem:s4], [sflag:$0x9], $0x1, $0x38;
	[tilespmem:$0x18280] =	vst v63  }
0x5c5: {  	s4 =	sor.u32 $0x4E80, s2;
	s6 =	sadd.s32 $0x300A, s3  }
0x5c6: {  	[spmem:s6] =	stream.linear.scatter [tilespmem:s4], [sflag:$0x9], $0x1, $0x38;
	[tilespmem:$0x18280] =	vst v63  }
0x5c7: {  	s4 =	sor.u32 $0x4F00, s2;
	s6 =	sadd.s32 $0x308A, s3  }
0x5c8: {  	[spmem:s6] =	stream.linear.scatter [tilespmem:s4], [sflag:$0x9], $0x1, $0x38;
	[tilespmem:$0x18280] =	vst v63  }
0x5c9: {  	s4 =	sor.u32 $0x4F80, s2;
	s6 =	sadd.s32 $0x310A, s3  }
0x5ca: {  	[spmem:s6] =	stream.linear.scatter [tilespmem:s4], [sflag:$0x9], $0x1, $0x38;
	[tilespmem:$0x18280] =	vst v63  }
0x5cb: {  	s4 =	sor.u32 $0x5000, s2;
	s6 =	sadd.s32 $0x318A, s3  }
0x5cc: {  	[spmem:s6] =	stream.linear.scatter [tilespmem:s4], [sflag:$0x9], $0x1, $0x38;
	[tilespmem:$0x18280] =	vst v63  }
0x5cd: {  	s4 =	sor.u32 $0x5080, s2;
	s6 =	sadd.s32 $0x320A, s3  }
0x5ce: {  	[spmem:s6] =	stream.linear.scatter [tilespmem:s4], [sflag:$0x9], $0x1, $0x38;
	[tilespmem:$0x18280] =	vst v63  }
0x5cf: {  	s4 =	sor.u32 $0x5100, s2;
	s6 =	sadd.s32 $0x328A, s3  }
0x5d0: {  	[spmem:s6] =	stream.linear.scatter [tilespmem:s4], [sflag:$0x9], $0x1, $0x38;
	[tilespmem:$0x18280] =	vst v63  }
0x5d1: {  	s4 =	sor.u32 $0x5180, s2;
	s6 =	sadd.s32 $0x330A, s3  }
0x5d2: {  	[spmem:s6] =	stream.linear.scatter [tilespmem:s4], [sflag:$0x9], $0x1, $0x38;
	[tilespmem:$0x18280] =	vst v63  }
0x5d3: {  	s4 =	sor.u32 $0x5200, s2;
	s6 =	sadd.s32 $0x338A, s3  }
0x5d4: {  	[spmem:s6] =	stream.linear.scatter [tilespmem:s4], [sflag:$0x9], $0x1, $0x38;
	[tilespmem:$0x18280] =	vst v63  }
0x5d5: {  	s4 =	sor.u32 $0x5280, s2;
	s6 =	sadd.s32 $0x400A, s3  }
0x5d6: {  	[spmem:s6] =	stream.linear.scatter [tilespmem:s4], [sflag:$0x9], $0x1, $0x38;
	[tilespmem:$0x18280] =	vst v63  }
0x5d7: {  	s4 =	sor.u32 $0x5300, s2;
	s6 =	sadd.s32 $0x408A, s3  }
0x5d8: {  	[spmem:s6] =	stream.linear.scatter [tilespmem:s4], [sflag:$0x9], $0x1, $0x38;
	[tilespmem:$0x18280] =	vst v63  }
0x5d9: {  	s4 =	sor.u32 $0x5380, s2;
	s6 =	sadd.s32 $0x410A, s3  }
0x5da: {  	[spmem:s6] =	stream.linear.scatter [tilespmem:s4], [sflag:$0x9], $0x1, $0x38;
	[tilespmem:$0x18280] =	vst v63  }
0x5db: {  	s4 =	sor.u32 $0x5400, s2;
	s6 =	sadd.s32 $0x418A, s3  }
0x5dc: {  	[spmem:s6] =	stream.linear.scatter [tilespmem:s4], [sflag:$0x9], $0x1, $0x38;
	[tilespmem:$0x18280] =	vst v63  }
0x5dd: {  	s4 =	sor.u32 $0x5480, s2;
	s6 =	sadd.s32 $0x420A, s3  }
0x5de: {  	[spmem:s6] =	stream.linear.scatter [tilespmem:s4], [sflag:$0x9], $0x1, $0x38;
	[tilespmem:$0x18280] =	vst v63  }
0x5df: {  	s4 =	sor.u32 $0x5500, s2;
	s6 =	sadd.s32 $0x428A, s3  }
0x5e0: {  	[spmem:s6] =	stream.linear.scatter [tilespmem:s4], [sflag:$0x9], $0x1, $0x38;
	[tilespmem:$0x18280] =	vst v63  }
0x5e1: {  	s4 =	sor.u32 $0x5580, s2;
	s6 =	sadd.s32 $0x430A, s3  }
0x5e2: {  	[spmem:s6] =	stream.linear.scatter [tilespmem:s4], [sflag:$0x9], $0x1, $0x38;
	[tilespmem:$0x18280] =	vst v63  }
0x5e3: {  	s4 =	sor.u32 $0x5600, s2;
	s6 =	sadd.s32 $0x438A, s3  }
0x5e4: {  	[spmem:s6] =	stream.linear.scatter [tilespmem:s4], [sflag:$0x9], $0x1, $0x38;
	[tilespmem:$0x18280] =	vst v63  }
0x5e5: {  	s4 =	sor.u32 $0x5680, s2;
	s6 =	sadd.s32 $0x500A, s3  }
0x5e6: {  	[spmem:s6] =	stream.linear.scatter [tilespmem:s4], [sflag:$0x9], $0x1, $0x38;
	[tilespmem:$0x18280] =	vst v63  }
0x5e7: {  	s4 =	sor.u32 $0x5700, s2;
	s6 =	sadd.s32 $0x508A, s3  }
0x5e8: {  	[spmem:s6] =	stream.linear.scatter [tilespmem:s4], [sflag:$0x9], $0x1, $0x38;
	[tilespmem:$0x18280] =	vst v63  }
0x5e9: {  	s4 =	sor.u32 $0x5780, s2;
	s6 =	sadd.s32 $0x510A, s3  }
0x5ea: {  	[spmem:s6] =	stream.linear.scatter [tilespmem:s4], [sflag:$0x9], $0x1, $0x38;
	[tilespmem:$0x18280] =	vst v63  }
0x5eb: {  	s4 =	sor.u32 $0x5800, s2;
	s6 =	sadd.s32 $0x518A, s3  }
0x5ec: {  	[spmem:s6] =	stream.linear.scatter [tilespmem:s4], [sflag:$0x9], $0x1, $0x38;
	[tilespmem:$0x18280] =	vst v63  }
0x5ed: {  	s4 =	sor.u32 $0x5880, s2;
	s6 =	sadd.s32 $0x520A, s3  }
0x5ee: {  	[spmem:s6] =	stream.linear.scatter [tilespmem:s4], [sflag:$0x9], $0x1, $0x38;
	[tilespmem:$0x18280] =	vst v63  }
0x5ef: {  	s4 =	sor.u32 $0x5900, s2;
	s6 =	sadd.s32 $0x528A, s3  }
0x5f0: {  	[spmem:s6] =	stream.linear.scatter [tilespmem:s4], [sflag:$0x9], $0x1, $0x38;
	[tilespmem:$0x18280] =	vst v63  }
0x5f1: {  	s4 =	sor.u32 $0x5980, s2;
	s6 =	sadd.s32 $0x530A, s3  }
0x5f2: {  	[spmem:s6] =	stream.linear.scatter [tilespmem:s4], [sflag:$0x9], $0x1, $0x38;
	[tilespmem:$0x18280] =	vst v63  }
0x5f3: {  	s4 =	sor.u32 $0x5A00, s2;
	s6 =	sadd.s32 $0x538A, s3  }
0x5f4: {  	[spmem:s6] =	stream.linear.scatter [tilespmem:s4], [sflag:$0x9], $0x1, $0x38;
	[tilespmem:$0x18280] =	vst v63  }
0x5f5: {  	s4 =	sor.u32 $0x5A80, s2;
	s6 =	sadd.s32 $0x600A, s3  }
0x5f6: {  	[spmem:s6] =	stream.linear.scatter [tilespmem:s4], [sflag:$0x9], $0x1, $0x38;
	[tilespmem:$0x18280] =	vst v63  }
0x5f7: {  	s4 =	sor.u32 $0x5B00, s2;
	s6 =	sadd.s32 $0x608A, s3  }
0x5f8: {  	[spmem:s6] =	stream.linear.scatter [tilespmem:s4], [sflag:$0x9], $0x1, $0x38;
	[tilespmem:$0x18280] =	vst v63  }
0x5f9: {  	s4 =	sor.u32 $0x5B80, s2;
	s6 =	sadd.s32 $0x610A, s3  }
0x5fa: {  	[spmem:s6] =	stream.linear.scatter [tilespmem:s4], [sflag:$0x9], $0x1, $0x38;
	[tilespmem:$0x18280] =	vst v63  }
0x5fb: {  	s4 =	sor.u32 $0x5C00, s2;
	s6 =	sadd.s32 $0x618A, s3  }
0x5fc: {  	[spmem:s6] =	stream.linear.scatter [tilespmem:s4], [sflag:$0x9], $0x1, $0x38;
	[tilespmem:$0x18280] =	vst v63  }
0x5fd: {  	s4 =	sor.u32 $0x5C80, s2;
	s6 =	sadd.s32 $0x620A, s3  }
0x5fe: {  	[spmem:s6] =	stream.linear.scatter [tilespmem:s4], [sflag:$0x9], $0x1, $0x38;
	[tilespmem:$0x18280] =	vst v63  }
0x5ff: {  	s4 =	sor.u32 $0x5D00, s2;
	s6 =	sadd.s32 $0x628A, s3  }
0x600: {  	[spmem:s6] =	stream.linear.scatter [tilespmem:s4], [sflag:$0x9], $0x1, $0x38;
	[tilespmem:$0x18280] =	vst v63  }
0x601: {  	s4 =	sor.u32 $0x5D80, s2;
	s6 =	sadd.s32 $0x630A, s3  }
0x602: {  	[spmem:s6] =	stream.linear.scatter [tilespmem:s4], [sflag:$0x9], $0x1, $0x38;
	[tilespmem:$0x18280] =	vst v63  }
0x603: {  	s4 =	sor.u32 $0x5E00, s2;
	s6 =	sadd.s32 $0x638A, s3  }
0x604: {  	[spmem:s6] =	stream.linear.scatter [tilespmem:s4], [sflag:$0x9], $0x1, $0x38;
	[tilespmem:$0x18280] =	vst v63  }
0x605: {  	s4 =	sor.u32 $0x5E80, s2;
	s6 =	sadd.s32 $0x700A, s3  }
0x606: {  	[spmem:s6] =	stream.linear.scatter [tilespmem:s4], [sflag:$0x9], $0x1, $0x38;
	[tilespmem:$0x18280] =	vst v63  }
0x607: {  	s4 =	sor.u32 $0x5F00, s2;
	s6 =	sadd.s32 $0x708A, s3  }
0x608: {  	[spmem:s6] =	stream.linear.scatter [tilespmem:s4], [sflag:$0x9], $0x1, $0x38;
	[tilespmem:$0x18280] =	vst v63  }
0x609: {  	s4 =	sor.u32 $0x5F80, s2;
	s6 =	sadd.s32 $0x710A, s3  }
0x60a: {  	[spmem:s6] =	stream.linear.scatter [tilespmem:s4], [sflag:$0x9], $0x1, $0x38;
	[tilespmem:$0x18280] =	vst v63  }
0x60b: {  	s4 =	sor.u32 $0x6000, s2;
	s6 =	sadd.s32 $0x718A, s3  }
0x60c: {  	[spmem:s6] =	stream.linear.scatter [tilespmem:s4], [sflag:$0x9], $0x1, $0x38;
	[tilespmem:$0x18280] =	vst v63  }
0x60d: {  	s4 =	sor.u32 $0x6080, s2;
	s6 =	sadd.s32 $0x720A, s3  }
0x60e: {  	[spmem:s6] =	stream.linear.scatter [tilespmem:s4], [sflag:$0x9], $0x1, $0x38;
	[tilespmem:$0x18280] =	vst v63  }
0x60f: {  	s4 =	sor.u32 $0x6100, s2;
	s6 =	sadd.s32 $0x728A, s3  }
0x610: {  	[spmem:s6] =	stream.linear.scatter [tilespmem:s4], [sflag:$0x9], $0x1, $0x38;
	[tilespmem:$0x18280] =	vst v63  }
0x611: {  	s4 =	sor.u32 $0x6180, s2;
	s6 =	sadd.s32 $0x730A, s3  }
0x612: {  	[spmem:s6] =	stream.linear.scatter [tilespmem:s4], [sflag:$0x9], $0x1, $0x38;
	[tilespmem:$0x18280] =	vst v63  }
0x613: {  	s2 =	sor.u32 $0x6200, s2;
	s6 =	sadd.s32 $0x738A, s3  }
0x614: {  	[spmem:s6] =	stream.linear.scatter [tilespmem:s2], [sflag:$0x9], $0x1, $0x38;
	[tilespmem:$0x18280] =	vst v63  }
0x615: {  	_ =	swait.ge [sflag:s20], $0x40  }
0x616: {  	(v2sf) =	vpush v1, $0x2;
	_ =	sdelay $0xe  }
0x617: {  	s4 =	spop (v2sf)  }
0x618: {  	[sflag:s20] =	ssyncset.done $0x0;
	s2 =	sand.u32 $0xFFFFF80, s4  }
0x619: {  	[sflag:s20] =	ssyncadd.s32 $0xFFFFFFC0;
	s2 =	sadd.s32 s1, s2  }
0x61a: {  	[tilespmem:s13], [sflag:$0x3] =	stream.strided.gather [hbm4b:s2+s9], $0x2000, s10, s9, $0x38;
	[tilespmem:$0x18280] =	vst v63  }
0x61b: {  	_ =	swait.ge [sflag:s23], $0x2000  }
0x61c: {  	(v2sf) =	vpush v2, $0xB;
	_ =	sdelay $0xe  }
0x61d: {  	[sflag:s23] =	ssyncset.done $0x0;
	s2 =	spop (v2sf)  }
0x61e: {  	s4 =	sadd.s32 $0xB, s3;
	[sflag:s23] =	ssyncadd.s32 $0xFFFFE000;
	s6 =	sor.u32 $0x6280, s2  }
0x61f: {  	[spmem:s4] =	stream.linear.scatter [tilespmem:s6], [sflag:$0x9], $0x1, $0x38;
	[tilespmem:$0x18280] =	vst v63  }
0x620: {  	s4 =	sor.u32 $0x6300, s2;
	s6 =	sadd.s32 $0x8B, s3  }
0x621: {  	[spmem:s6] =	stream.linear.scatter [tilespmem:s4], [sflag:$0x9], $0x1, $0x38;
	[tilespmem:$0x18280] =	vst v63  }
0x622: {  	s4 =	sor.u32 $0x6380, s2;
	s6 =	sadd.s32 $0x10B, s3  }
0x623: {  	[spmem:s6] =	stream.linear.scatter [tilespmem:s4], [sflag:$0x9], $0x1, $0x38;
	[tilespmem:$0x18280] =	vst v63  }
0x624: {  	s4 =	sor.u32 $0x6400, s2;
	s6 =	sadd.s32 $0x18B, s3  }
0x625: {  	[spmem:s6] =	stream.linear.scatter [tilespmem:s4], [sflag:$0x9], $0x1, $0x38;
	[tilespmem:$0x18280] =	vst v63  }
0x626: {  	s4 =	sor.u32 $0x6480, s2;
	s6 =	sadd.s32 $0x20B, s3  }
0x627: {  	[spmem:s6] =	stream.linear.scatter [tilespmem:s4], [sflag:$0x9], $0x1, $0x38;
	[tilespmem:$0x18280] =	vst v63  }
0x628: {  	s4 =	sor.u32 $0x6500, s2;
	s6 =	sadd.s32 $0x28B, s3  }
0x629: {  	[spmem:s6] =	stream.linear.scatter [tilespmem:s4], [sflag:$0x9], $0x1, $0x38;
	[tilespmem:$0x18280] =	vst v63  }
0x62a: {  	s4 =	sor.u32 $0x6580, s2;
	s6 =	sadd.s32 $0x30B, s3  }
0x62b: {  	[spmem:s6] =	stream.linear.scatter [tilespmem:s4], [sflag:$0x9], $0x1, $0x38;
	[tilespmem:$0x18280] =	vst v63  }
0x62c: {  	s4 =	sor.u32 $0x6600, s2;
	s6 =	sadd.s32 $0x38B, s3  }
0x62d: {  	[spmem:s6] =	stream.linear.scatter [tilespmem:s4], [sflag:$0x9], $0x1, $0x38;
	[tilespmem:$0x18280] =	vst v63  }
0x62e: {  	s4 =	sor.u32 $0x6680, s2;
	s6 =	sadd.s32 $0x100B, s3  }
0x62f: {  	[spmem:s6] =	stream.linear.scatter [tilespmem:s4], [sflag:$0x9], $0x1, $0x38;
	[tilespmem:$0x18280] =	vst v63  }
0x630: {  	s4 =	sor.u32 $0x6700, s2;
	s6 =	sadd.s32 $0x108B, s3  }
0x631: {  	[spmem:s6] =	stream.linear.scatter [tilespmem:s4], [sflag:$0x9], $0x1, $0x38;
	[tilespmem:$0x18280] =	vst v63  }
0x632: {  	s4 =	sor.u32 $0x6780, s2;
	s6 =	sadd.s32 $0x110B, s3  }
0x633: {  	[spmem:s6] =	stream.linear.scatter [tilespmem:s4], [sflag:$0x9], $0x1, $0x38;
	[tilespmem:$0x18280] =	vst v63  }
0x634: {  	s4 =	sor.u32 $0x6800, s2;
	s6 =	sadd.s32 $0x118B, s3  }
0x635: {  	[spmem:s6] =	stream.linear.scatter [tilespmem:s4], [sflag:$0x9], $0x1, $0x38;
	[tilespmem:$0x18280] =	vst v63  }
0x636: {  	s4 =	sor.u32 $0x6880, s2;
	s6 =	sadd.s32 $0x120B, s3  }
0x637: {  	[spmem:s6] =	stream.linear.scatter [tilespmem:s4], [sflag:$0x9], $0x1, $0x38;
	[tilespmem:$0x18280] =	vst v63  }
0x638: {  	s4 =	sor.u32 $0x6900, s2;
	s6 =	sadd.s32 $0x128B, s3  }
0x639: {  	[spmem:s6] =	stream.linear.scatter [tilespmem:s4], [sflag:$0x9], $0x1, $0x38;
	[tilespmem:$0x18280] =	vst v63  }
0x63a: {  	s4 =	sor.u32 $0x6980, s2;
	s6 =	sadd.s32 $0x130B, s3  }
0x63b: {  	[spmem:s6] =	stream.linear.scatter [tilespmem:s4], [sflag:$0x9], $0x1, $0x38;
	[tilespmem:$0x18280] =	vst v63  }
0x63c: {  	s4 =	sor.u32 $0x6A00, s2;
	s6 =	sadd.s32 $0x138B, s3  }
0x63d: {  	[spmem:s6] =	stream.linear.scatter [tilespmem:s4], [sflag:$0x9], $0x1, $0x38;
	[tilespmem:$0x18280] =	vst v63  }
0x63e: {  	s4 =	sor.u32 $0x6A80, s2;
	s6 =	sadd.s32 $0x200B, s3  }
0x63f: {  	[spmem:s6] =	stream.linear.scatter [tilespmem:s4], [sflag:$0x9], $0x1, $0x38;
	[tilespmem:$0x18280] =	vst v63  }
0x640: {  	s4 =	sor.u32 $0x6B00, s2;
	s6 =	sadd.s32 $0x208B, s3  }
0x641: {  	[spmem:s6] =	stream.linear.scatter [tilespmem:s4], [sflag:$0x9], $0x1, $0x38;
	[tilespmem:$0x18280] =	vst v63  }
0x642: {  	s4 =	sor.u32 $0x6B80, s2;
	s6 =	sadd.s32 $0x210B, s3  }
0x643: {  	[spmem:s6] =	stream.linear.scatter [tilespmem:s4], [sflag:$0x9], $0x1, $0x38;
	[tilespmem:$0x18280] =	vst v63  }
0x644: {  	s4 =	sor.u32 $0x6C00, s2;
	s6 =	sadd.s32 $0x218B, s3  }
0x645: {  	[spmem:s6] =	stream.linear.scatter [tilespmem:s4], [sflag:$0x9], $0x1, $0x38;
	[tilespmem:$0x18280] =	vst v63  }
0x646: {  	s4 =	sor.u32 $0x6C80, s2;
	s6 =	sadd.s32 $0x220B, s3  }
0x647: {  	[spmem:s6] =	stream.linear.scatter [tilespmem:s4], [sflag:$0x9], $0x1, $0x38;
	[tilespmem:$0x18280] =	vst v63  }
0x648: {  	s4 =	sor.u32 $0x6D00, s2;
	s6 =	sadd.s32 $0x228B, s3  }
0x649: {  	[spmem:s6] =	stream.linear.scatter [tilespmem:s4], [sflag:$0x9], $0x1, $0x38;
	[tilespmem:$0x18280] =	vst v63  }
0x64a: {  	s4 =	sor.u32 $0x6D80, s2;
	s6 =	sadd.s32 $0x230B, s3  }
0x64b: {  	[spmem:s6] =	stream.linear.scatter [tilespmem:s4], [sflag:$0x9], $0x1, $0x38;
	[tilespmem:$0x18280] =	vst v63  }
0x64c: {  	s4 =	sor.u32 $0x6E00, s2;
	s6 =	sadd.s32 $0x238B, s3  }
0x64d: {  	[spmem:s6] =	stream.linear.scatter [tilespmem:s4], [sflag:$0x9], $0x1, $0x38;
	[tilespmem:$0x18280] =	vst v63  }
0x64e: {  	s4 =	sor.u32 $0x6E80, s2;
	s6 =	sadd.s32 $0x300B, s3  }
0x64f: {  	[spmem:s6] =	stream.linear.scatter [tilespmem:s4], [sflag:$0x9], $0x1, $0x38;
	[tilespmem:$0x18280] =	vst v63  }
0x650: {  	s4 =	sor.u32 $0x6F00, s2;
	s6 =	sadd.s32 $0x308B, s3  }
0x651: {  	[spmem:s6] =	stream.linear.scatter [tilespmem:s4], [sflag:$0x9], $0x1, $0x38;
	[tilespmem:$0x18280] =	vst v63  }
0x652: {  	s4 =	sor.u32 $0x6F80, s2;
	s6 =	sadd.s32 $0x310B, s3  }
0x653: {  	[spmem:s6] =	stream.linear.scatter [tilespmem:s4], [sflag:$0x9], $0x1, $0x38;
	[tilespmem:$0x18280] =	vst v63  }
0x654: {  	s4 =	sor.u32 $0x7000, s2;
	s6 =	sadd.s32 $0x318B, s3  }
0x655: {  	[spmem:s6] =	stream.linear.scatter [tilespmem:s4], [sflag:$0x9], $0x1, $0x38;
	[tilespmem:$0x18280] =	vst v63  }
0x656: {  	s4 =	sor.u32 $0x7080, s2;
	s6 =	sadd.s32 $0x320B, s3  }
0x657: {  	[spmem:s6] =	stream.linear.scatter [tilespmem:s4], [sflag:$0x9], $0x1, $0x38;
	[tilespmem:$0x18280] =	vst v63  }
0x658: {  	s4 =	sor.u32 $0x7100, s2;
	s6 =	sadd.s32 $0x328B, s3  }
0x659: {  	[spmem:s6] =	stream.linear.scatter [tilespmem:s4], [sflag:$0x9], $0x1, $0x38;
	[tilespmem:$0x18280] =	vst v63  }
0x65a: {  	s4 =	sor.u32 $0x7180, s2;
	s6 =	sadd.s32 $0x330B, s3  }
0x65b: {  	[spmem:s6] =	stream.linear.scatter [tilespmem:s4], [sflag:$0x9], $0x1, $0x38;
	[tilespmem:$0x18280] =	vst v63  }
0x65c: {  	s4 =	sor.u32 $0x7200, s2;
	s6 =	sadd.s32 $0x338B, s3  }
0x65d: {  	[spmem:s6] =	stream.linear.scatter [tilespmem:s4], [sflag:$0x9], $0x1, $0x38;
	[tilespmem:$0x18280] =	vst v63  }
0x65e: {  	s4 =	sor.u32 $0x7280, s2;
	s6 =	sadd.s32 $0x400B, s3  }
0x65f: {  	[spmem:s6] =	stream.linear.scatter [tilespmem:s4], [sflag:$0x9], $0x1, $0x38;
	[tilespmem:$0x18280] =	vst v63  }
0x660: {  	s4 =	sor.u32 $0x7300, s2;
	s6 =	sadd.s32 $0x408B, s3  }
0x661: {  	[spmem:s6] =	stream.linear.scatter [tilespmem:s4], [sflag:$0x9], $0x1, $0x38;
	[tilespmem:$0x18280] =	vst v63  }
0x662: {  	s4 =	sor.u32 $0x7380, s2;
	s6 =	sadd.s32 $0x410B, s3  }
0x663: {  	[spmem:s6] =	stream.linear.scatter [tilespmem:s4], [sflag:$0x9], $0x1, $0x38;
	[tilespmem:$0x18280] =	vst v63  }
0x664: {  	s4 =	sor.u32 $0x7400, s2;
	s6 =	sadd.s32 $0x418B, s3  }
0x665: {  	[spmem:s6] =	stream.linear.scatter [tilespmem:s4], [sflag:$0x9], $0x1, $0x38;
	[tilespmem:$0x18280] =	vst v63  }
0x666: {  	s4 =	sor.u32 $0x7480, s2;
	s6 =	sadd.s32 $0x420B, s3  }
0x667: {  	[spmem:s6] =	stream.linear.scatter [tilespmem:s4], [sflag:$0x9], $0x1, $0x38;
	[tilespmem:$0x18280] =	vst v63  }
0x668: {  	s4 =	sor.u32 $0x7500, s2;
	s6 =	sadd.s32 $0x428B, s3  }
0x669: {  	[spmem:s6] =	stream.linear.scatter [tilespmem:s4], [sflag:$0x9], $0x1, $0x38;
	[tilespmem:$0x18280] =	vst v63  }
0x66a: {  	s4 =	sor.u32 $0x7580, s2;
	s6 =	sadd.s32 $0x430B, s3  }
0x66b: {  	[spmem:s6] =	stream.linear.scatter [tilespmem:s4], [sflag:$0x9], $0x1, $0x38;
	[tilespmem:$0x18280] =	vst v63  }
0x66c: {  	s4 =	sor.u32 $0x7600, s2;
	s6 =	sadd.s32 $0x438B, s3  }
0x66d: {  	[spmem:s6] =	stream.linear.scatter [tilespmem:s4], [sflag:$0x9], $0x1, $0x38;
	[tilespmem:$0x18280] =	vst v63  }
0x66e: {  	s4 =	sor.u32 $0x7680, s2;
	s6 =	sadd.s32 $0x500B, s3  }
0x66f: {  	[spmem:s6] =	stream.linear.scatter [tilespmem:s4], [sflag:$0x9], $0x1, $0x38;
	[tilespmem:$0x18280] =	vst v63  }
0x670: {  	s4 =	sor.u32 $0x7700, s2;
	s6 =	sadd.s32 $0x508B, s3  }
0x671: {  	[spmem:s6] =	stream.linear.scatter [tilespmem:s4], [sflag:$0x9], $0x1, $0x38;
	[tilespmem:$0x18280] =	vst v63  }
0x672: {  	s4 =	sor.u32 $0x7780, s2;
	s6 =	sadd.s32 $0x510B, s3  }
0x673: {  	[spmem:s6] =	stream.linear.scatter [tilespmem:s4], [sflag:$0x9], $0x1, $0x38;
	[tilespmem:$0x18280] =	vst v63  }
0x674: {  	s4 =	sor.u32 $0x7800, s2;
	s6 =	sadd.s32 $0x518B, s3  }
0x675: {  	[spmem:s6] =	stream.linear.scatter [tilespmem:s4], [sflag:$0x9], $0x1, $0x38;
	[tilespmem:$0x18280] =	vst v63  }
0x676: {  	s4 =	sor.u32 $0x7880, s2;
	s6 =	sadd.s32 $0x520B, s3  }
0x677: {  	[spmem:s6] =	stream.linear.scatter [tilespmem:s4], [sflag:$0x9], $0x1, $0x38;
	[tilespmem:$0x18280] =	vst v63  }
0x678: {  	s4 =	sor.u32 $0x7900, s2;
	s6 =	sadd.s32 $0x528B, s3  }
0x679: {  	[spmem:s6] =	stream.linear.scatter [tilespmem:s4], [sflag:$0x9], $0x1, $0x38;
	[tilespmem:$0x18280] =	vst v63  }
0x67a: {  	s4 =	sor.u32 $0x7980, s2;
	s6 =	sadd.s32 $0x530B, s3  }
0x67b: {  	[spmem:s6] =	stream.linear.scatter [tilespmem:s4], [sflag:$0x9], $0x1, $0x38;
	[tilespmem:$0x18280] =	vst v63  }
0x67c: {  	s4 =	sor.u32 $0x7A00, s2;
	s6 =	sadd.s32 $0x538B, s3  }
0x67d: {  	[spmem:s6] =	stream.linear.scatter [tilespmem:s4], [sflag:$0x9], $0x1, $0x38;
	[tilespmem:$0x18280] =	vst v63  }
0x67e: {  	s4 =	sor.u32 $0x7A80, s2;
	s6 =	sadd.s32 $0x600B, s3  }
0x67f: {  	[spmem:s6] =	stream.linear.scatter [tilespmem:s4], [sflag:$0x9], $0x1, $0x38;
	[tilespmem:$0x18280] =	vst v63  }
0x680: {  	s4 =	sor.u32 $0x7B00, s2;
	s6 =	sadd.s32 $0x608B, s3  }
0x681: {  	[spmem:s6] =	stream.linear.scatter [tilespmem:s4], [sflag:$0x9], $0x1, $0x38;
	[tilespmem:$0x18280] =	vst v63  }
0x682: {  	s4 =	sor.u32 $0x7B80, s2;
	s6 =	sadd.s32 $0x610B, s3  }
0x683: {  	[spmem:s6] =	stream.linear.scatter [tilespmem:s4], [sflag:$0x9], $0x1, $0x38;
	[tilespmem:$0x18280] =	vst v63  }
0x684: {  	s4 =	sor.u32 $0x7C00, s2;
	s6 =	sadd.s32 $0x618B, s3  }
0x685: {  	[spmem:s6] =	stream.linear.scatter [tilespmem:s4], [sflag:$0x9], $0x1, $0x38;
	[tilespmem:$0x18280] =	vst v63  }
0x686: {  	s4 =	sor.u32 $0x7C80, s2;
	s6 =	sadd.s32 $0x620B, s3  }
0x687: {  	[spmem:s6] =	stream.linear.scatter [tilespmem:s4], [sflag:$0x9], $0x1, $0x38;
	[tilespmem:$0x18280] =	vst v63  }
0x688: {  	s4 =	sor.u32 $0x7D00, s2;
	s6 =	sadd.s32 $0x628B, s3  }
0x689: {  	[spmem:s6] =	stream.linear.scatter [tilespmem:s4], [sflag:$0x9], $0x1, $0x38;
	[tilespmem:$0x18280] =	vst v63  }
0x68a: {  	s4 =	sor.u32 $0x7D80, s2;
	s6 =	sadd.s32 $0x630B, s3  }
0x68b: {  	[spmem:s6] =	stream.linear.scatter [tilespmem:s4], [sflag:$0x9], $0x1, $0x38;
	[tilespmem:$0x18280] =	vst v63  }
0x68c: {  	s4 =	sor.u32 $0x7E00, s2;
	s6 =	sadd.s32 $0x638B, s3  }
0x68d: {  	[spmem:s6] =	stream.linear.scatter [tilespmem:s4], [sflag:$0x9], $0x1, $0x38;
	[tilespmem:$0x18280] =	vst v63  }
0x68e: {  	s4 =	sor.u32 $0x7E80, s2;
	s6 =	sadd.s32 $0x700B, s3  }
0x68f: {  	[spmem:s6] =	stream.linear.scatter [tilespmem:s4], [sflag:$0x9], $0x1, $0x38;
	[tilespmem:$0x18280] =	vst v63  }
0x690: {  	s4 =	sor.u32 $0x7F00, s2;
	s6 =	sadd.s32 $0x708B, s3  }
0x691: {  	[spmem:s6] =	stream.linear.scatter [tilespmem:s4], [sflag:$0x9], $0x1, $0x38;
	[tilespmem:$0x18280] =	vst v63  }
0x692: {  	s4 =	sor.u32 $0x7F80, s2;
	s6 =	sadd.s32 $0x710B, s3  }
0x693: {  	[spmem:s6] =	stream.linear.scatter [tilespmem:s4], [sflag:$0x9], $0x1, $0x38;
	[tilespmem:$0x18280] =	vst v63  }
0x694: {  	s4 =	sor.u32 $0x8000, s2;
	s6 =	sadd.s32 $0x718B, s3  }
0x695: {  	[spmem:s6] =	stream.linear.scatter [tilespmem:s4], [sflag:$0x9], $0x1, $0x38;
	[tilespmem:$0x18280] =	vst v63  }
0x696: {  	s4 =	sor.u32 $0x8080, s2;
	s6 =	sadd.s32 $0x720B, s3  }
0x697: {  	[spmem:s6] =	stream.linear.scatter [tilespmem:s4], [sflag:$0x9], $0x1, $0x38;
	[tilespmem:$0x18280] =	vst v63  }
0x698: {  	s4 =	sor.u32 $0x8100, s2;
	s6 =	sadd.s32 $0x728B, s3  }
0x699: {  	[spmem:s6] =	stream.linear.scatter [tilespmem:s4], [sflag:$0x9], $0x1, $0x38;
	[tilespmem:$0x18280] =	vst v63  }
0x69a: {  	s4 =	sor.u32 $0x8180, s2;
	s6 =	sadd.s32 $0x730B, s3  }
0x69b: {  	[spmem:s6] =	stream.linear.scatter [tilespmem:s4], [sflag:$0x9], $0x1, $0x38;
	[tilespmem:$0x18280] =	vst v63  }
0x69c: {  	s2 =	sor.u32 $0x8200, s2;
	s6 =	sadd.s32 $0x738B, s3  }
0x69d: {  	[spmem:s6] =	stream.linear.scatter [tilespmem:s2], [sflag:$0x9], $0x1, $0x38;
	[tilespmem:$0x18280] =	vst v63  }
0x69e: {  	_ =	swait.ge [sflag:s20], $0x40  }
0x69f: {  	(v2sf) =	vpush v1, $0x3;
	_ =	sdelay $0xe  }
0x6a0: {  	s4 =	spop (v2sf)  }
0x6a1: {  	[sflag:s20] =	ssyncset.done $0x0;
	s2 =	sand.u32 $0xFFFFF80, s4  }
0x6a2: {  	[sflag:s20] =	ssyncadd.s32 $0xFFFFFFC0;
	s2 =	sadd.s32 s1, s2  }
0x6a3: {  	[tilespmem:s14], [sflag:$0x4] =	stream.strided.gather [hbm4b:s2+s9], $0x2000, s10, s9, $0x38;
	[tilespmem:$0x18280] =	vst v63  }
0x6a4: {  	_ =	swait.ge [sflag:s24], $0x2000  }
0x6a5: {  	(v2sf) =	vpush v2, $0xC;
	_ =	sdelay $0xe  }
0x6a6: {  	[sflag:s24] =	ssyncset.done $0x0;
	s2 =	spop (v2sf)  }
0x6a7: {  	s4 =	sadd.s32 $0xC, s3;
	[sflag:s24] =	ssyncadd.s32 $0xFFFFE000;
	s6 =	sor.u32 $0x8280, s2  }
0x6a8: {  	[spmem:s4] =	stream.linear.scatter [tilespmem:s6], [sflag:$0x9], $0x1, $0x38;
	[tilespmem:$0x18280] =	vst v63  }
0x6a9: {  	s4 =	sor.u32 $0x8300, s2;
	s6 =	sadd.s32 $0x8C, s3  }
0x6aa: {  	[spmem:s6] =	stream.linear.scatter [tilespmem:s4], [sflag:$0x9], $0x1, $0x38;
	[tilespmem:$0x18280] =	vst v63  }
0x6ab: {  	s4 =	sor.u32 $0x8380, s2;
	s6 =	sadd.s32 $0x10C, s3  }
0x6ac: {  	[spmem:s6] =	stream.linear.scatter [tilespmem:s4], [sflag:$0x9], $0x1, $0x38;
	[tilespmem:$0x18280] =	vst v63  }
0x6ad: {  	s4 =	sor.u32 $0x8400, s2;
	s6 =	sadd.s32 $0x18C, s3  }
0x6ae: {  	[spmem:s6] =	stream.linear.scatter [tilespmem:s4], [sflag:$0x9], $0x1, $0x38;
	[tilespmem:$0x18280] =	vst v63  }
0x6af: {  	s4 =	sor.u32 $0x8480, s2;
	s6 =	sadd.s32 $0x20C, s3  }
0x6b0: {  	[spmem:s6] =	stream.linear.scatter [tilespmem:s4], [sflag:$0x9], $0x1, $0x38;
	[tilespmem:$0x18280] =	vst v63  }
0x6b1: {  	s4 =	sor.u32 $0x8500, s2;
	s6 =	sadd.s32 $0x28C, s3  }
0x6b2: {  	[spmem:s6] =	stream.linear.scatter [tilespmem:s4], [sflag:$0x9], $0x1, $0x38;
	[tilespmem:$0x18280] =	vst v63  }
0x6b3: {  	s4 =	sor.u32 $0x8580, s2;
	s6 =	sadd.s32 $0x30C, s3  }
0x6b4: {  	[spmem:s6] =	stream.linear.scatter [tilespmem:s4], [sflag:$0x9], $0x1, $0x38;
	[tilespmem:$0x18280] =	vst v63  }
0x6b5: {  	s4 =	sor.u32 $0x8600, s2;
	s6 =	sadd.s32 $0x38C, s3  }
0x6b6: {  	[spmem:s6] =	stream.linear.scatter [tilespmem:s4], [sflag:$0x9], $0x1, $0x38;
	[tilespmem:$0x18280] =	vst v63  }
0x6b7: {  	s4 =	sor.u32 $0x8680, s2;
	s6 =	sadd.s32 $0x100C, s3  }
0x6b8: {  	[spmem:s6] =	stream.linear.scatter [tilespmem:s4], [sflag:$0x9], $0x1, $0x38;
	[tilespmem:$0x18280] =	vst v63  }
0x6b9: {  	s4 =	sor.u32 $0x8700, s2;
	s6 =	sadd.s32 $0x108C, s3  }
0x6ba: {  	[spmem:s6] =	stream.linear.scatter [tilespmem:s4], [sflag:$0x9], $0x1, $0x38;
	[tilespmem:$0x18280] =	vst v63  }
0x6bb: {  	s4 =	sor.u32 $0x8780, s2;
	s6 =	sadd.s32 $0x110C, s3  }
0x6bc: {  	[spmem:s6] =	stream.linear.scatter [tilespmem:s4], [sflag:$0x9], $0x1, $0x38;
	[tilespmem:$0x18280] =	vst v63  }
0x6bd: {  	s4 =	sor.u32 $0x8800, s2;
	s6 =	sadd.s32 $0x118C, s3  }
0x6be: {  	[spmem:s6] =	stream.linear.scatter [tilespmem:s4], [sflag:$0x9], $0x1, $0x38;
	[tilespmem:$0x18280] =	vst v63  }
0x6bf: {  	s4 =	sor.u32 $0x8880, s2;
	s6 =	sadd.s32 $0x120C, s3  }
0x6c0: {  	[spmem:s6] =	stream.linear.scatter [tilespmem:s4], [sflag:$0x9], $0x1, $0x38;
	[tilespmem:$0x18280] =	vst v63  }
0x6c1: {  	s4 =	sor.u32 $0x8900, s2;
	s6 =	sadd.s32 $0x128C, s3  }
0x6c2: {  	[spmem:s6] =	stream.linear.scatter [tilespmem:s4], [sflag:$0x9], $0x1, $0x38;
	[tilespmem:$0x18280] =	vst v63  }
0x6c3: {  	s4 =	sor.u32 $0x8980, s2;
	s6 =	sadd.s32 $0x130C, s3  }
0x6c4: {  	[spmem:s6] =	stream.linear.scatter [tilespmem:s4], [sflag:$0x9], $0x1, $0x38;
	[tilespmem:$0x18280] =	vst v63  }
0x6c5: {  	s4 =	sor.u32 $0x8A00, s2;
	s6 =	sadd.s32 $0x138C, s3  }
0x6c6: {  	[spmem:s6] =	stream.linear.scatter [tilespmem:s4], [sflag:$0x9], $0x1, $0x38;
	[tilespmem:$0x18280] =	vst v63  }
0x6c7: {  	s4 =	sor.u32 $0x8A80, s2;
	s6 =	sadd.s32 $0x200C, s3  }
0x6c8: {  	[spmem:s6] =	stream.linear.scatter [tilespmem:s4], [sflag:$0x9], $0x1, $0x38;
	[tilespmem:$0x18280] =	vst v63  }
0x6c9: {  	s4 =	sor.u32 $0x8B00, s2;
	s6 =	sadd.s32 $0x208C, s3  }
0x6ca: {  	[spmem:s6] =	stream.linear.scatter [tilespmem:s4], [sflag:$0x9], $0x1, $0x38;
	[tilespmem:$0x18280] =	vst v63  }
0x6cb: {  	s4 =	sor.u32 $0x8B80, s2;
	s6 =	sadd.s32 $0x210C, s3  }
0x6cc: {  	[spmem:s6] =	stream.linear.scatter [tilespmem:s4], [sflag:$0x9], $0x1, $0x38;
	[tilespmem:$0x18280] =	vst v63  }
0x6cd: {  	s4 =	sor.u32 $0x8C00, s2;
	s6 =	sadd.s32 $0x218C, s3  }
0x6ce: {  	[spmem:s6] =	stream.linear.scatter [tilespmem:s4], [sflag:$0x9], $0x1, $0x38;
	[tilespmem:$0x18280] =	vst v63  }
0x6cf: {  	s4 =	sor.u32 $0x8C80, s2;
	s6 =	sadd.s32 $0x220C, s3  }
0x6d0: {  	[spmem:s6] =	stream.linear.scatter [tilespmem:s4], [sflag:$0x9], $0x1, $0x38;
	[tilespmem:$0x18280] =	vst v63  }
0x6d1: {  	s4 =	sor.u32 $0x8D00, s2;
	s6 =	sadd.s32 $0x228C, s3  }
0x6d2: {  	[spmem:s6] =	stream.linear.scatter [tilespmem:s4], [sflag:$0x9], $0x1, $0x38;
	[tilespmem:$0x18280] =	vst v63  }
0x6d3: {  	s4 =	sor.u32 $0x8D80, s2;
	s6 =	sadd.s32 $0x230C, s3  }
0x6d4: {  	[spmem:s6] =	stream.linear.scatter [tilespmem:s4], [sflag:$0x9], $0x1, $0x38;
	[tilespmem:$0x18280] =	vst v63  }
0x6d5: {  	s4 =	sor.u32 $0x8E00, s2;
	s6 =	sadd.s32 $0x238C, s3  }
0x6d6: {  	[spmem:s6] =	stream.linear.scatter [tilespmem:s4], [sflag:$0x9], $0x1, $0x38;
	[tilespmem:$0x18280] =	vst v63  }
0x6d7: {  	s4 =	sor.u32 $0x8E80, s2;
	s6 =	sadd.s32 $0x300C, s3  }
0x6d8: {  	[spmem:s6] =	stream.linear.scatter [tilespmem:s4], [sflag:$0x9], $0x1, $0x38;
	[tilespmem:$0x18280] =	vst v63  }
0x6d9: {  	s4 =	sor.u32 $0x8F00, s2;
	s6 =	sadd.s32 $0x308C, s3  }
0x6da: {  	[spmem:s6] =	stream.linear.scatter [tilespmem:s4], [sflag:$0x9], $0x1, $0x38;
	[tilespmem:$0x18280] =	vst v63  }
0x6db: {  	s4 =	sor.u32 $0x8F80, s2;
	s6 =	sadd.s32 $0x310C, s3  }
0x6dc: {  	[spmem:s6] =	stream.linear.scatter [tilespmem:s4], [sflag:$0x9], $0x1, $0x38;
	[tilespmem:$0x18280] =	vst v63  }
0x6dd: {  	s4 =	sor.u32 $0x9000, s2;
	s6 =	sadd.s32 $0x318C, s3  }
0x6de: {  	[spmem:s6] =	stream.linear.scatter [tilespmem:s4], [sflag:$0x9], $0x1, $0x38;
	[tilespmem:$0x18280] =	vst v63  }
0x6df: {  	s4 =	sor.u32 $0x9080, s2;
	s6 =	sadd.s32 $0x320C, s3  }
0x6e0: {  	[spmem:s6] =	stream.linear.scatter [tilespmem:s4], [sflag:$0x9], $0x1, $0x38;
	[tilespmem:$0x18280] =	vst v63  }
0x6e1: {  	s4 =	sor.u32 $0x9100, s2;
	s6 =	sadd.s32 $0x328C, s3  }
0x6e2: {  	[spmem:s6] =	stream.linear.scatter [tilespmem:s4], [sflag:$0x9], $0x1, $0x38;
	[tilespmem:$0x18280] =	vst v63  }
0x6e3: {  	s4 =	sor.u32 $0x9180, s2;
	s6 =	sadd.s32 $0x330C, s3  }
0x6e4: {  	[spmem:s6] =	stream.linear.scatter [tilespmem:s4], [sflag:$0x9], $0x1, $0x38;
	[tilespmem:$0x18280] =	vst v63  }
0x6e5: {  	s4 =	sor.u32 $0x9200, s2;
	s6 =	sadd.s32 $0x338C, s3  }
0x6e6: {  	[spmem:s6] =	stream.linear.scatter [tilespmem:s4], [sflag:$0x9], $0x1, $0x38;
	[tilespmem:$0x18280] =	vst v63  }
0x6e7: {  	s4 =	sor.u32 $0x9280, s2;
	s6 =	sadd.s32 $0x400C, s3  }
0x6e8: {  	[spmem:s6] =	stream.linear.scatter [tilespmem:s4], [sflag:$0x9], $0x1, $0x38;
	[tilespmem:$0x18280] =	vst v63  }
0x6e9: {  	s4 =	sor.u32 $0x9300, s2;
	s6 =	sadd.s32 $0x408C, s3  }
0x6ea: {  	[spmem:s6] =	stream.linear.scatter [tilespmem:s4], [sflag:$0x9], $0x1, $0x38;
	[tilespmem:$0x18280] =	vst v63  }
0x6eb: {  	s4 =	sor.u32 $0x9380, s2;
	s6 =	sadd.s32 $0x410C, s3  }
0x6ec: {  	[spmem:s6] =	stream.linear.scatter [tilespmem:s4], [sflag:$0x9], $0x1, $0x38;
	[tilespmem:$0x18280] =	vst v63  }
0x6ed: {  	s4 =	sor.u32 $0x9400, s2;
	s6 =	sadd.s32 $0x418C, s3  }
0x6ee: {  	[spmem:s6] =	stream.linear.scatter [tilespmem:s4], [sflag:$0x9], $0x1, $0x38;
	[tilespmem:$0x18280] =	vst v63  }
0x6ef: {  	s4 =	sor.u32 $0x9480, s2;
	s6 =	sadd.s32 $0x420C, s3  }
0x6f0: {  	[spmem:s6] =	stream.linear.scatter [tilespmem:s4], [sflag:$0x9], $0x1, $0x38;
	[tilespmem:$0x18280] =	vst v63  }
0x6f1: {  	s4 =	sor.u32 $0x9500, s2;
	s6 =	sadd.s32 $0x428C, s3  }
0x6f2: {  	[spmem:s6] =	stream.linear.scatter [tilespmem:s4], [sflag:$0x9], $0x1, $0x38;
	[tilespmem:$0x18280] =	vst v63  }
0x6f3: {  	s4 =	sor.u32 $0x9580, s2;
	s6 =	sadd.s32 $0x430C, s3  }
0x6f4: {  	[spmem:s6] =	stream.linear.scatter [tilespmem:s4], [sflag:$0x9], $0x1, $0x38;
	[tilespmem:$0x18280] =	vst v63  }
0x6f5: {  	s4 =	sor.u32 $0x9600, s2;
	s6 =	sadd.s32 $0x438C, s3  }
0x6f6: {  	[spmem:s6] =	stream.linear.scatter [tilespmem:s4], [sflag:$0x9], $0x1, $0x38;
	[tilespmem:$0x18280] =	vst v63  }
0x6f7: {  	s4 =	sor.u32 $0x9680, s2;
	s6 =	sadd.s32 $0x500C, s3  }
0x6f8: {  	[spmem:s6] =	stream.linear.scatter [tilespmem:s4], [sflag:$0x9], $0x1, $0x38;
	[tilespmem:$0x18280] =	vst v63  }
0x6f9: {  	s4 =	sor.u32 $0x9700, s2;
	s6 =	sadd.s32 $0x508C, s3  }
0x6fa: {  	[spmem:s6] =	stream.linear.scatter [tilespmem:s4], [sflag:$0x9], $0x1, $0x38;
	[tilespmem:$0x18280] =	vst v63  }
0x6fb: {  	s4 =	sor.u32 $0x9780, s2;
	s6 =	sadd.s32 $0x510C, s3  }
0x6fc: {  	[spmem:s6] =	stream.linear.scatter [tilespmem:s4], [sflag:$0x9], $0x1, $0x38;
	[tilespmem:$0x18280] =	vst v63  }
0x6fd: {  	s4 =	sor.u32 $0x9800, s2;
	s6 =	sadd.s32 $0x518C, s3  }
0x6fe: {  	[spmem:s6] =	stream.linear.scatter [tilespmem:s4], [sflag:$0x9], $0x1, $0x38;
	[tilespmem:$0x18280] =	vst v63  }
0x6ff: {  	s4 =	sor.u32 $0x9880, s2;
	s6 =	sadd.s32 $0x520C, s3  }
0x700: {  	[spmem:s6] =	stream.linear.scatter [tilespmem:s4], [sflag:$0x9], $0x1, $0x38;
	[tilespmem:$0x18280] =	vst v63  }
0x701: {  	s4 =	sor.u32 $0x9900, s2;
	s6 =	sadd.s32 $0x528C, s3  }
0x702: {  	[spmem:s6] =	stream.linear.scatter [tilespmem:s4], [sflag:$0x9], $0x1, $0x38;
	[tilespmem:$0x18280] =	vst v63  }
0x703: {  	s4 =	sor.u32 $0x9980, s2;
	s6 =	sadd.s32 $0x530C, s3  }
0x704: {  	[spmem:s6] =	stream.linear.scatter [tilespmem:s4], [sflag:$0x9], $0x1, $0x38;
	[tilespmem:$0x18280] =	vst v63  }
0x705: {  	s4 =	sor.u32 $0x9A00, s2;
	s6 =	sadd.s32 $0x538C, s3  }
0x706: {  	[spmem:s6] =	stream.linear.scatter [tilespmem:s4], [sflag:$0x9], $0x1, $0x38;
	[tilespmem:$0x18280] =	vst v63  }
0x707: {  	s4 =	sor.u32 $0x9A80, s2;
	s6 =	sadd.s32 $0x600C, s3  }
0x708: {  	[spmem:s6] =	stream.linear.scatter [tilespmem:s4], [sflag:$0x9], $0x1, $0x38;
	[tilespmem:$0x18280] =	vst v63  }
0x709: {  	s4 =	sor.u32 $0x9B00, s2;
	s6 =	sadd.s32 $0x608C, s3  }
0x70a: {  	[spmem:s6] =	stream.linear.scatter [tilespmem:s4], [sflag:$0x9], $0x1, $0x38;
	[tilespmem:$0x18280] =	vst v63  }
0x70b: {  	s4 =	sor.u32 $0x9B80, s2;
	s6 =	sadd.s32 $0x610C, s3  }
0x70c: {  	[spmem:s6] =	stream.linear.scatter [tilespmem:s4], [sflag:$0x9], $0x1, $0x38;
	[tilespmem:$0x18280] =	vst v63  }
0x70d: {  	s4 =	sor.u32 $0x9C00, s2;
	s6 =	sadd.s32 $0x618C, s3  }
0x70e: {  	[spmem:s6] =	stream.linear.scatter [tilespmem:s4], [sflag:$0x9], $0x1, $0x38;
	[tilespmem:$0x18280] =	vst v63  }
0x70f: {  	s4 =	sor.u32 $0x9C80, s2;
	s6 =	sadd.s32 $0x620C, s3  }
0x710: {  	[spmem:s6] =	stream.linear.scatter [tilespmem:s4], [sflag:$0x9], $0x1, $0x38;
	[tilespmem:$0x18280] =	vst v63  }
0x711: {  	s4 =	sor.u32 $0x9D00, s2;
	s6 =	sadd.s32 $0x628C, s3  }
0x712: {  	[spmem:s6] =	stream.linear.scatter [tilespmem:s4], [sflag:$0x9], $0x1, $0x38;
	[tilespmem:$0x18280] =	vst v63  }
0x713: {  	s4 =	sor.u32 $0x9D80, s2;
	s6 =	sadd.s32 $0x630C, s3  }
0x714: {  	[spmem:s6] =	stream.linear.scatter [tilespmem:s4], [sflag:$0x9], $0x1, $0x38;
	[tilespmem:$0x18280] =	vst v63  }
0x715: {  	s4 =	sor.u32 $0x9E00, s2;
	s6 =	sadd.s32 $0x638C, s3  }
0x716: {  	[spmem:s6] =	stream.linear.scatter [tilespmem:s4], [sflag:$0x9], $0x1, $0x38;
	[tilespmem:$0x18280] =	vst v63  }
0x717: {  	s4 =	sor.u32 $0x9E80, s2;
	s6 =	sadd.s32 $0x700C, s3  }
0x718: {  	[spmem:s6] =	stream.linear.scatter [tilespmem:s4], [sflag:$0x9], $0x1, $0x38;
	[tilespmem:$0x18280] =	vst v63  }
0x719: {  	s4 =	sor.u32 $0x9F00, s2;
	s6 =	sadd.s32 $0x708C, s3  }
0x71a: {  	[spmem:s6] =	stream.linear.scatter [tilespmem:s4], [sflag:$0x9], $0x1, $0x38;
	[tilespmem:$0x18280] =	vst v63  }
0x71b: {  	s4 =	sor.u32 $0x9F80, s2;
	s6 =	sadd.s32 $0x710C, s3  }
0x71c: {  	[spmem:s6] =	stream.linear.scatter [tilespmem:s4], [sflag:$0x9], $0x1, $0x38;
	[tilespmem:$0x18280] =	vst v63  }
0x71d: {  	s4 =	sor.u32 $0xA000, s2;
	s6 =	sadd.s32 $0x718C, s3  }
0x71e: {  	[spmem:s6] =	stream.linear.scatter [tilespmem:s4], [sflag:$0x9], $0x1, $0x38;
	[tilespmem:$0x18280] =	vst v63  }
0x71f: {  	s4 =	sor.u32 $0xA080, s2;
	s6 =	sadd.s32 $0x720C, s3  }
0x720: {  	[spmem:s6] =	stream.linear.scatter [tilespmem:s4], [sflag:$0x9], $0x1, $0x38;
	[tilespmem:$0x18280] =	vst v63  }
0x721: {  	s4 =	sor.u32 $0xA100, s2;
	s6 =	sadd.s32 $0x728C, s3  }
0x722: {  	[spmem:s6] =	stream.linear.scatter [tilespmem:s4], [sflag:$0x9], $0x1, $0x38;
	[tilespmem:$0x18280] =	vst v63  }
0x723: {  	s4 =	sor.u32 $0xA180, s2;
	s6 =	sadd.s32 $0x730C, s3  }
0x724: {  	[spmem:s6] =	stream.linear.scatter [tilespmem:s4], [sflag:$0x9], $0x1, $0x38;
	[tilespmem:$0x18280] =	vst v63  }
0x725: {  	s2 =	sor.u32 $0xA200, s2;
	s6 =	sadd.s32 $0x738C, s3  }
0x726: {  	[spmem:s6] =	stream.linear.scatter [tilespmem:s2], [sflag:$0x9], $0x1, $0x38;
	[tilespmem:$0x18280] =	vst v63  }
0x727: {  	_ =	swait.ge [sflag:s20], $0x40  }
0x728: {  	(v2sf) =	vpush v1, $0x4;
	_ =	sdelay $0xe  }
0x729: {  	s4 =	spop (v2sf)  }
0x72a: {  	[sflag:s20] =	ssyncset.done $0x0;
	s2 =	sand.u32 $0xFFFFF80, s4  }
0x72b: {  	[sflag:s20] =	ssyncadd.s32 $0xFFFFFFC0;
	s2 =	sadd.s32 s1, s2  }
0x72c: {  	[tilespmem:s15], [sflag:$0x5] =	stream.strided.gather [hbm4b:s2+s9], $0x2000, s10, s9, $0x38;
	[tilespmem:$0x18280] =	vst v63  }
0x72d: {  	_ =	swait.ge [sflag:s25], $0x2000  }
0x72e: {  	(v2sf) =	vpush v2, $0xD;
	_ =	sdelay $0xe  }
0x72f: {  	[sflag:s25] =	ssyncset.done $0x0;
	s2 =	spop (v2sf)  }
0x730: {  	s4 =	sadd.s32 $0xD, s3;
	[sflag:s25] =	ssyncadd.s32 $0xFFFFE000;
	s6 =	sor.u32 $0xA280, s2  }
0x731: {  	[spmem:s4] =	stream.linear.scatter [tilespmem:s6], [sflag:$0x9], $0x1, $0x38;
	[tilespmem:$0x18280] =	vst v63  }
0x732: {  	s4 =	sor.u32 $0xA300, s2;
	s6 =	sadd.s32 $0x8D, s3  }
0x733: {  	[spmem:s6] =	stream.linear.scatter [tilespmem:s4], [sflag:$0x9], $0x1, $0x38;
	[tilespmem:$0x18280] =	vst v63  }
0x734: {  	s4 =	sor.u32 $0xA380, s2;
	s6 =	sadd.s32 $0x10D, s3  }
0x735: {  	[spmem:s6] =	stream.linear.scatter [tilespmem:s4], [sflag:$0x9], $0x1, $0x38;
	[tilespmem:$0x18280] =	vst v63  }
0x736: {  	s4 =	sor.u32 $0xA400, s2;
	s6 =	sadd.s32 $0x18D, s3  }
0x737: {  	[spmem:s6] =	stream.linear.scatter [tilespmem:s4], [sflag:$0x9], $0x1, $0x38;
	[tilespmem:$0x18280] =	vst v63  }
0x738: {  	s4 =	sor.u32 $0xA480, s2;
	s6 =	sadd.s32 $0x20D, s3  }
0x739: {  	[spmem:s6] =	stream.linear.scatter [tilespmem:s4], [sflag:$0x9], $0x1, $0x38;
	[tilespmem:$0x18280] =	vst v63  }
0x73a: {  	s4 =	sor.u32 $0xA500, s2;
	s6 =	sadd.s32 $0x28D, s3  }
0x73b: {  	[spmem:s6] =	stream.linear.scatter [tilespmem:s4], [sflag:$0x9], $0x1, $0x38;
	[tilespmem:$0x18280] =	vst v63  }
0x73c: {  	s4 =	sor.u32 $0xA580, s2;
	s6 =	sadd.s32 $0x30D, s3  }
0x73d: {  	[spmem:s6] =	stream.linear.scatter [tilespmem:s4], [sflag:$0x9], $0x1, $0x38;
	[tilespmem:$0x18280] =	vst v63  }
0x73e: {  	s4 =	sor.u32 $0xA600, s2;
	s6 =	sadd.s32 $0x38D, s3  }
0x73f: {  	[spmem:s6] =	stream.linear.scatter [tilespmem:s4], [sflag:$0x9], $0x1, $0x38;
	[tilespmem:$0x18280] =	vst v63  }
0x740: {  	s4 =	sor.u32 $0xA680, s2;
	s6 =	sadd.s32 $0x100D, s3  }
0x741: {  	[spmem:s6] =	stream.linear.scatter [tilespmem:s4], [sflag:$0x9], $0x1, $0x38;
	[tilespmem:$0x18280] =	vst v63  }
0x742: {  	s4 =	sor.u32 $0xA700, s2;
	s6 =	sadd.s32 $0x108D, s3  }
0x743: {  	[spmem:s6] =	stream.linear.scatter [tilespmem:s4], [sflag:$0x9], $0x1, $0x38;
	[tilespmem:$0x18280] =	vst v63  }
0x744: {  	s4 =	sor.u32 $0xA780, s2;
	s6 =	sadd.s32 $0x110D, s3  }
0x745: {  	[spmem:s6] =	stream.linear.scatter [tilespmem:s4], [sflag:$0x9], $0x1, $0x38;
	[tilespmem:$0x18280] =	vst v63  }
0x746: {  	s4 =	sor.u32 $0xA800, s2;
	s6 =	sadd.s32 $0x118D, s3  }
0x747: {  	[spmem:s6] =	stream.linear.scatter [tilespmem:s4], [sflag:$0x9], $0x1, $0x38;
	[tilespmem:$0x18280] =	vst v63  }
0x748: {  	s4 =	sor.u32 $0xA880, s2;
	s6 =	sadd.s32 $0x120D, s3  }
0x749: {  	[spmem:s6] =	stream.linear.scatter [tilespmem:s4], [sflag:$0x9], $0x1, $0x38;
	[tilespmem:$0x18280] =	vst v63  }
0x74a: {  	s4 =	sor.u32 $0xA900, s2;
	s6 =	sadd.s32 $0x128D, s3  }
0x74b: {  	[spmem:s6] =	stream.linear.scatter [tilespmem:s4], [sflag:$0x9], $0x1, $0x38;
	[tilespmem:$0x18280] =	vst v63  }
0x74c: {  	s4 =	sor.u32 $0xA980, s2;
	s6 =	sadd.s32 $0x130D, s3  }
0x74d: {  	[spmem:s6] =	stream.linear.scatter [tilespmem:s4], [sflag:$0x9], $0x1, $0x38;
	[tilespmem:$0x18280] =	vst v63  }
0x74e: {  	s4 =	sor.u32 $0xAA00, s2;
	s6 =	sadd.s32 $0x138D, s3  }
0x74f: {  	[spmem:s6] =	stream.linear.scatter [tilespmem:s4], [sflag:$0x9], $0x1, $0x38;
	[tilespmem:$0x18280] =	vst v63  }
0x750: {  	s4 =	sor.u32 $0xAA80, s2;
	s6 =	sadd.s32 $0x200D, s3  }
0x751: {  	[spmem:s6] =	stream.linear.scatter [tilespmem:s4], [sflag:$0x9], $0x1, $0x38;
	[tilespmem:$0x18280] =	vst v63  }
0x752: {  	s4 =	sor.u32 $0xAB00, s2;
	s6 =	sadd.s32 $0x208D, s3  }
0x753: {  	[spmem:s6] =	stream.linear.scatter [tilespmem:s4], [sflag:$0x9], $0x1, $0x38;
	[tilespmem:$0x18280] =	vst v63  }
0x754: {  	s4 =	sor.u32 $0xAB80, s2;
	s6 =	sadd.s32 $0x210D, s3  }
0x755: {  	[spmem:s6] =	stream.linear.scatter [tilespmem:s4], [sflag:$0x9], $0x1, $0x38;
	[tilespmem:$0x18280] =	vst v63  }
0x756: {  	s4 =	sor.u32 $0xAC00, s2;
	s6 =	sadd.s32 $0x218D, s3  }
0x757: {  	[spmem:s6] =	stream.linear.scatter [tilespmem:s4], [sflag:$0x9], $0x1, $0x38;
	[tilespmem:$0x18280] =	vst v63  }
0x758: {  	s4 =	sor.u32 $0xAC80, s2;
	s6 =	sadd.s32 $0x220D, s3  }
0x759: {  	[spmem:s6] =	stream.linear.scatter [tilespmem:s4], [sflag:$0x9], $0x1, $0x38;
	[tilespmem:$0x18280] =	vst v63  }
0x75a: {  	s4 =	sor.u32 $0xAD00, s2;
	s6 =	sadd.s32 $0x228D, s3  }
0x75b: {  	[spmem:s6] =	stream.linear.scatter [tilespmem:s4], [sflag:$0x9], $0x1, $0x38;
	[tilespmem:$0x18280] =	vst v63  }
0x75c: {  	s4 =	sor.u32 $0xAD80, s2;
	s6 =	sadd.s32 $0x230D, s3  }
0x75d: {  	[spmem:s6] =	stream.linear.scatter [tilespmem:s4], [sflag:$0x9], $0x1, $0x38;
	[tilespmem:$0x18280] =	vst v63  }
0x75e: {  	s4 =	sor.u32 $0xAE00, s2;
	s6 =	sadd.s32 $0x238D, s3  }
0x75f: {  	[spmem:s6] =	stream.linear.scatter [tilespmem:s4], [sflag:$0x9], $0x1, $0x38;
	[tilespmem:$0x18280] =	vst v63  }
0x760: {  	s4 =	sor.u32 $0xAE80, s2;
	s6 =	sadd.s32 $0x300D, s3  }
0x761: {  	[spmem:s6] =	stream.linear.scatter [tilespmem:s4], [sflag:$0x9], $0x1, $0x38;
	[tilespmem:$0x18280] =	vst v63  }
0x762: {  	s4 =	sor.u32 $0xAF00, s2;
	s6 =	sadd.s32 $0x308D, s3  }
0x763: {  	[spmem:s6] =	stream.linear.scatter [tilespmem:s4], [sflag:$0x9], $0x1, $0x38;
	[tilespmem:$0x18280] =	vst v63  }
0x764: {  	s4 =	sor.u32 $0xAF80, s2;
	s6 =	sadd.s32 $0x310D, s3  }
0x765: {  	[spmem:s6] =	stream.linear.scatter [tilespmem:s4], [sflag:$0x9], $0x1, $0x38;
	[tilespmem:$0x18280] =	vst v63  }
0x766: {  	s4 =	sor.u32 $0xB000, s2;
	s6 =	sadd.s32 $0x318D, s3  }
0x767: {  	[spmem:s6] =	stream.linear.scatter [tilespmem:s4], [sflag:$0x9], $0x1, $0x38;
	[tilespmem:$0x18280] =	vst v63  }
0x768: {  	s4 =	sor.u32 $0xB080, s2;
	s6 =	sadd.s32 $0x320D, s3  }
0x769: {  	[spmem:s6] =	stream.linear.scatter [tilespmem:s4], [sflag:$0x9], $0x1, $0x38;
	[tilespmem:$0x18280] =	vst v63  }
0x76a: {  	s4 =	sor.u32 $0xB100, s2;
	s6 =	sadd.s32 $0x328D, s3  }
0x76b: {  	[spmem:s6] =	stream.linear.scatter [tilespmem:s4], [sflag:$0x9], $0x1, $0x38;
	[tilespmem:$0x18280] =	vst v63  }
0x76c: {  	s4 =	sor.u32 $0xB180, s2;
	s6 =	sadd.s32 $0x330D, s3  }
0x76d: {  	[spmem:s6] =	stream.linear.scatter [tilespmem:s4], [sflag:$0x9], $0x1, $0x38;
	[tilespmem:$0x18280] =	vst v63  }
0x76e: {  	s4 =	sor.u32 $0xB200, s2;
	s6 =	sadd.s32 $0x338D, s3  }
0x76f: {  	[spmem:s6] =	stream.linear.scatter [tilespmem:s4], [sflag:$0x9], $0x1, $0x38;
	[tilespmem:$0x18280] =	vst v63  }
0x770: {  	s4 =	sor.u32 $0xB280, s2;
	s6 =	sadd.s32 $0x400D, s3  }
0x771: {  	[spmem:s6] =	stream.linear.scatter [tilespmem:s4], [sflag:$0x9], $0x1, $0x38;
	[tilespmem:$0x18280] =	vst v63  }
0x772: {  	s4 =	sor.u32 $0xB300, s2;
	s6 =	sadd.s32 $0x408D, s3  }
0x773: {  	[spmem:s6] =	stream.linear.scatter [tilespmem:s4], [sflag:$0x9], $0x1, $0x38;
	[tilespmem:$0x18280] =	vst v63  }
0x774: {  	s4 =	sor.u32 $0xB380, s2;
	s6 =	sadd.s32 $0x410D, s3  }
0x775: {  	[spmem:s6] =	stream.linear.scatter [tilespmem:s4], [sflag:$0x9], $0x1, $0x38;
	[tilespmem:$0x18280] =	vst v63  }
0x776: {  	s4 =	sor.u32 $0xB400, s2;
	s6 =	sadd.s32 $0x418D, s3  }
0x777: {  	[spmem:s6] =	stream.linear.scatter [tilespmem:s4], [sflag:$0x9], $0x1, $0x38;
	[tilespmem:$0x18280] =	vst v63  }
0x778: {  	s4 =	sor.u32 $0xB480, s2;
	s6 =	sadd.s32 $0x420D, s3  }
0x779: {  	[spmem:s6] =	stream.linear.scatter [tilespmem:s4], [sflag:$0x9], $0x1, $0x38;
	[tilespmem:$0x18280] =	vst v63  }
0x77a: {  	s4 =	sor.u32 $0xB500, s2;
	s6 =	sadd.s32 $0x428D, s3  }
0x77b: {  	[spmem:s6] =	stream.linear.scatter [tilespmem:s4], [sflag:$0x9], $0x1, $0x38;
	[tilespmem:$0x18280] =	vst v63  }
0x77c: {  	s4 =	sor.u32 $0xB580, s2;
	s6 =	sadd.s32 $0x430D, s3  }
0x77d: {  	[spmem:s6] =	stream.linear.scatter [tilespmem:s4], [sflag:$0x9], $0x1, $0x38;
	[tilespmem:$0x18280] =	vst v63  }
0x77e: {  	s4 =	sor.u32 $0xB600, s2;
	s6 =	sadd.s32 $0x438D, s3  }
0x77f: {  	[spmem:s6] =	stream.linear.scatter [tilespmem:s4], [sflag:$0x9], $0x1, $0x38;
	[tilespmem:$0x18280] =	vst v63  }
0x780: {  	s4 =	sor.u32 $0xB680, s2;
	s6 =	sadd.s32 $0x500D, s3  }
0x781: {  	[spmem:s6] =	stream.linear.scatter [tilespmem:s4], [sflag:$0x9], $0x1, $0x38;
	[tilespmem:$0x18280] =	vst v63  }
0x782: {  	s4 =	sor.u32 $0xB700, s2;
	s6 =	sadd.s32 $0x508D, s3  }
0x783: {  	[spmem:s6] =	stream.linear.scatter [tilespmem:s4], [sflag:$0x9], $0x1, $0x38;
	[tilespmem:$0x18280] =	vst v63  }
0x784: {  	s4 =	sor.u32 $0xB780, s2;
	s6 =	sadd.s32 $0x510D, s3  }
0x785: {  	[spmem:s6] =	stream.linear.scatter [tilespmem:s4], [sflag:$0x9], $0x1, $0x38;
	[tilespmem:$0x18280] =	vst v63  }
0x786: {  	s4 =	sor.u32 $0xB800, s2;
	s6 =	sadd.s32 $0x518D, s3  }
0x787: {  	[spmem:s6] =	stream.linear.scatter [tilespmem:s4], [sflag:$0x9], $0x1, $0x38;
	[tilespmem:$0x18280] =	vst v63  }
0x788: {  	s4 =	sor.u32 $0xB880, s2;
	s6 =	sadd.s32 $0x520D, s3  }
0x789: {  	[spmem:s6] =	stream.linear.scatter [tilespmem:s4], [sflag:$0x9], $0x1, $0x38;
	[tilespmem:$0x18280] =	vst v63  }
0x78a: {  	s4 =	sor.u32 $0xB900, s2;
	s6 =	sadd.s32 $0x528D, s3  }
0x78b: {  	[spmem:s6] =	stream.linear.scatter [tilespmem:s4], [sflag:$0x9], $0x1, $0x38;
	[tilespmem:$0x18280] =	vst v63  }
0x78c: {  	s4 =	sor.u32 $0xB980, s2;
	s6 =	sadd.s32 $0x530D, s3  }
0x78d: {  	[spmem:s6] =	stream.linear.scatter [tilespmem:s4], [sflag:$0x9], $0x1, $0x38;
	[tilespmem:$0x18280] =	vst v63  }
0x78e: {  	s4 =	sor.u32 $0xBA00, s2;
	s6 =	sadd.s32 $0x538D, s3  }
0x78f: {  	[spmem:s6] =	stream.linear.scatter [tilespmem:s4], [sflag:$0x9], $0x1, $0x38;
	[tilespmem:$0x18280] =	vst v63  }
0x790: {  	s4 =	sor.u32 $0xBA80, s2;
	s6 =	sadd.s32 $0x600D, s3  }
0x791: {  	[spmem:s6] =	stream.linear.scatter [tilespmem:s4], [sflag:$0x9], $0x1, $0x38;
	[tilespmem:$0x18280] =	vst v63  }
0x792: {  	s4 =	sor.u32 $0xBB00, s2;
	s6 =	sadd.s32 $0x608D, s3  }
0x793: {  	[spmem:s6] =	stream.linear.scatter [tilespmem:s4], [sflag:$0x9], $0x1, $0x38;
	[tilespmem:$0x18280] =	vst v63  }
0x794: {  	s4 =	sor.u32 $0xBB80, s2;
	s6 =	sadd.s32 $0x610D, s3  }
0x795: {  	[spmem:s6] =	stream.linear.scatter [tilespmem:s4], [sflag:$0x9], $0x1, $0x38;
	[tilespmem:$0x18280] =	vst v63  }
0x796: {  	s4 =	sor.u32 $0xBC00, s2;
	s6 =	sadd.s32 $0x618D, s3  }
0x797: {  	[spmem:s6] =	stream.linear.scatter [tilespmem:s4], [sflag:$0x9], $0x1, $0x38;
	[tilespmem:$0x18280] =	vst v63  }
0x798: {  	s4 =	sor.u32 $0xBC80, s2;
	s6 =	sadd.s32 $0x620D, s3  }
0x799: {  	[spmem:s6] =	stream.linear.scatter [tilespmem:s4], [sflag:$0x9], $0x1, $0x38;
	[tilespmem:$0x18280] =	vst v63  }
0x79a: {  	s4 =	sor.u32 $0xBD00, s2;
	s6 =	sadd.s32 $0x628D, s3  }
0x79b: {  	[spmem:s6] =	stream.linear.scatter [tilespmem:s4], [sflag:$0x9], $0x1, $0x38;
	[tilespmem:$0x18280] =	vst v63  }
0x79c: {  	s4 =	sor.u32 $0xBD80, s2;
	s6 =	sadd.s32 $0x630D, s3  }
0x79d: {  	[spmem:s6] =	stream.linear.scatter [tilespmem:s4], [sflag:$0x9], $0x1, $0x38;
	[tilespmem:$0x18280] =	vst v63  }
0x79e: {  	s4 =	sor.u32 $0xBE00, s2;
	s6 =	sadd.s32 $0x638D, s3  }
0x79f: {  	[spmem:s6] =	stream.linear.scatter [tilespmem:s4], [sflag:$0x9], $0x1, $0x38;
	[tilespmem:$0x18280] =	vst v63  }
0x7a0: {  	s4 =	sor.u32 $0xBE80, s2;
	s6 =	sadd.s32 $0x700D, s3  }
0x7a1: {  	[spmem:s6] =	stream.linear.scatter [tilespmem:s4], [sflag:$0x9], $0x1, $0x38;
	[tilespmem:$0x18280] =	vst v63  }
0x7a2: {  	s4 =	sor.u32 $0xBF00, s2;
	s6 =	sadd.s32 $0x708D, s3  }
0x7a3: {  	[spmem:s6] =	stream.linear.scatter [tilespmem:s4], [sflag:$0x9], $0x1, $0x38;
	[tilespmem:$0x18280] =	vst v63  }
0x7a4: {  	s4 =	sor.u32 $0xBF80, s2;
	s6 =	sadd.s32 $0x710D, s3  }
0x7a5: {  	[spmem:s6] =	stream.linear.scatter [tilespmem:s4], [sflag:$0x9], $0x1, $0x38;
	[tilespmem:$0x18280] =	vst v63  }
0x7a6: {  	s4 =	sor.u32 $0xC000, s2;
	s6 =	sadd.s32 $0x718D, s3  }
0x7a7: {  	[spmem:s6] =	stream.linear.scatter [tilespmem:s4], [sflag:$0x9], $0x1, $0x38;
	[tilespmem:$0x18280] =	vst v63  }
0x7a8: {  	s4 =	sor.u32 $0xC080, s2;
	s6 =	sadd.s32 $0x720D, s3  }
0x7a9: {  	[spmem:s6] =	stream.linear.scatter [tilespmem:s4], [sflag:$0x9], $0x1, $0x38;
	[tilespmem:$0x18280] =	vst v63  }
0x7aa: {  	s4 =	sor.u32 $0xC100, s2;
	s6 =	sadd.s32 $0x728D, s3  }
0x7ab: {  	[spmem:s6] =	stream.linear.scatter [tilespmem:s4], [sflag:$0x9], $0x1, $0x38;
	[tilespmem:$0x18280] =	vst v63  }
0x7ac: {  	s4 =	sor.u32 $0xC180, s2;
	s6 =	sadd.s32 $0x730D, s3  }
0x7ad: {  	[spmem:s6] =	stream.linear.scatter [tilespmem:s4], [sflag:$0x9], $0x1, $0x38;
	[tilespmem:$0x18280] =	vst v63  }
0x7ae: {  	s2 =	sor.u32 $0xC200, s2;
	s6 =	sadd.s32 $0x738D, s3  }
0x7af: {  	[spmem:s6] =	stream.linear.scatter [tilespmem:s2], [sflag:$0x9], $0x1, $0x38;
	[tilespmem:$0x18280] =	vst v63  }
0x7b0: {  	_ =	swait.ge [sflag:s20], $0x40  }
0x7b1: {  	(v2sf) =	vpush v1, $0x5;
	_ =	sdelay $0xe  }
0x7b2: {  	s4 =	spop (v2sf)  }
0x7b3: {  	[sflag:s20] =	ssyncset.done $0x0;
	s2 =	sand.u32 $0xFFFFF80, s4  }
0x7b4: {  	[sflag:s20] =	ssyncadd.s32 $0xFFFFFFC0;
	s2 =	sadd.s32 s1, s2  }
0x7b5: {  	[tilespmem:s16], [sflag:$0x6] =	stream.strided.gather [hbm4b:s2+s9], $0x2000, s10, s9, $0x38;
	[tilespmem:$0x18280] =	vst v63  }
0x7b6: {  	_ =	swait.ge [sflag:s26], $0x2000  }
0x7b7: {  	(v2sf) =	vpush v2, $0xE;
	_ =	sdelay $0xe  }
0x7b8: {  	[sflag:s26] =	ssyncset.done $0x0;
	s2 =	spop (v2sf)  }
0x7b9: {  	s4 =	sadd.s32 $0xE, s3;
	[sflag:s26] =	ssyncadd.s32 $0xFFFFE000;
	s6 =	sor.u32 $0xC280, s2  }
0x7ba: {  	[spmem:s4] =	stream.linear.scatter [tilespmem:s6], [sflag:$0x9], $0x1, $0x38;
	[tilespmem:$0x18280] =	vst v63  }
0x7bb: {  	s4 =	sor.u32 $0xC300, s2;
	s6 =	sadd.s32 $0x8E, s3  }
0x7bc: {  	[spmem:s6] =	stream.linear.scatter [tilespmem:s4], [sflag:$0x9], $0x1, $0x38;
	[tilespmem:$0x18280] =	vst v63  }
0x7bd: {  	s4 =	sor.u32 $0xC380, s2;
	s6 =	sadd.s32 $0x10E, s3  }
0x7be: {  	[spmem:s6] =	stream.linear.scatter [tilespmem:s4], [sflag:$0x9], $0x1, $0x38;
	[tilespmem:$0x18280] =	vst v63  }
0x7bf: {  	s4 =	sor.u32 $0xC400, s2;
	s6 =	sadd.s32 $0x18E, s3  }
0x7c0: {  	[spmem:s6] =	stream.linear.scatter [tilespmem:s4], [sflag:$0x9], $0x1, $0x38;
	[tilespmem:$0x18280] =	vst v63  }
0x7c1: {  	s4 =	sor.u32 $0xC480, s2;
	s6 =	sadd.s32 $0x20E, s3  }
0x7c2: {  	[spmem:s6] =	stream.linear.scatter [tilespmem:s4], [sflag:$0x9], $0x1, $0x38;
	[tilespmem:$0x18280] =	vst v63  }
0x7c3: {  	s4 =	sor.u32 $0xC500, s2;
	s6 =	sadd.s32 $0x28E, s3  }
0x7c4: {  	[spmem:s6] =	stream.linear.scatter [tilespmem:s4], [sflag:$0x9], $0x1, $0x38;
	[tilespmem:$0x18280] =	vst v63  }
0x7c5: {  	s4 =	sor.u32 $0xC580, s2;
	s6 =	sadd.s32 $0x30E, s3  }
0x7c6: {  	[spmem:s6] =	stream.linear.scatter [tilespmem:s4], [sflag:$0x9], $0x1, $0x38;
	[tilespmem:$0x18280] =	vst v63  }
0x7c7: {  	s4 =	sor.u32 $0xC600, s2;
	s6 =	sadd.s32 $0x38E, s3  }
0x7c8: {  	[spmem:s6] =	stream.linear.scatter [tilespmem:s4], [sflag:$0x9], $0x1, $0x38;
	[tilespmem:$0x18280] =	vst v63  }
0x7c9: {  	s4 =	sor.u32 $0xC680, s2;
	s6 =	sadd.s32 $0x100E, s3  }
0x7ca: {  	[spmem:s6] =	stream.linear.scatter [tilespmem:s4], [sflag:$0x9], $0x1, $0x38;
	[tilespmem:$0x18280] =	vst v63  }
0x7cb: {  	s4 =	sor.u32 $0xC700, s2;
	s6 =	sadd.s32 $0x108E, s3  }
0x7cc: {  	[spmem:s6] =	stream.linear.scatter [tilespmem:s4], [sflag:$0x9], $0x1, $0x38;
	[tilespmem:$0x18280] =	vst v63  }
0x7cd: {  	s4 =	sor.u32 $0xC780, s2;
	s6 =	sadd.s32 $0x110E, s3  }
0x7ce: {  	[spmem:s6] =	stream.linear.scatter [tilespmem:s4], [sflag:$0x9], $0x1, $0x38;
	[tilespmem:$0x18280] =	vst v63  }
0x7cf: {  	s4 =	sor.u32 $0xC800, s2;
	s6 =	sadd.s32 $0x118E, s3  }
0x7d0: {  	[spmem:s6] =	stream.linear.scatter [tilespmem:s4], [sflag:$0x9], $0x1, $0x38;
	[tilespmem:$0x18280] =	vst v63  }
0x7d1: {  	s4 =	sor.u32 $0xC880, s2;
	s6 =	sadd.s32 $0x120E, s3  }
0x7d2: {  	[spmem:s6] =	stream.linear.scatter [tilespmem:s4], [sflag:$0x9], $0x1, $0x38;
	[tilespmem:$0x18280] =	vst v63  }
0x7d3: {  	s4 =	sor.u32 $0xC900, s2;
	s6 =	sadd.s32 $0x128E, s3  }
0x7d4: {  	[spmem:s6] =	stream.linear.scatter [tilespmem:s4], [sflag:$0x9], $0x1, $0x38;
	[tilespmem:$0x18280] =	vst v63  }
0x7d5: {  	s4 =	sor.u32 $0xC980, s2;
	s6 =	sadd.s32 $0x130E, s3  }
0x7d6: {  	[spmem:s6] =	stream.linear.scatter [tilespmem:s4], [sflag:$0x9], $0x1, $0x38;
	[tilespmem:$0x18280] =	vst v63  }
0x7d7: {  	s4 =	sor.u32 $0xCA00, s2;
	s6 =	sadd.s32 $0x138E, s3  }
0x7d8: {  	[spmem:s6] =	stream.linear.scatter [tilespmem:s4], [sflag:$0x9], $0x1, $0x38;
	[tilespmem:$0x18280] =	vst v63  }
0x7d9: {  	s4 =	sor.u32 $0xCA80, s2;
	s6 =	sadd.s32 $0x200E, s3  }
0x7da: {  	[spmem:s6] =	stream.linear.scatter [tilespmem:s4], [sflag:$0x9], $0x1, $0x38;
	[tilespmem:$0x18280] =	vst v63  }
0x7db: {  	s4 =	sor.u32 $0xCB00, s2;
	s6 =	sadd.s32 $0x208E, s3  }
0x7dc: {  	[spmem:s6] =	stream.linear.scatter [tilespmem:s4], [sflag:$0x9], $0x1, $0x38;
	[tilespmem:$0x18280] =	vst v63  }
0x7dd: {  	s4 =	sor.u32 $0xCB80, s2;
	s6 =	sadd.s32 $0x210E, s3  }
0x7de: {  	[spmem:s6] =	stream.linear.scatter [tilespmem:s4], [sflag:$0x9], $0x1, $0x38;
	[tilespmem:$0x18280] =	vst v63  }
0x7df: {  	s4 =	sor.u32 $0xCC00, s2;
	s6 =	sadd.s32 $0x218E, s3  }
0x7e0: {  	[spmem:s6] =	stream.linear.scatter [tilespmem:s4], [sflag:$0x9], $0x1, $0x38;
	[tilespmem:$0x18280] =	vst v63  }
0x7e1: {  	s4 =	sor.u32 $0xCC80, s2;
	s6 =	sadd.s32 $0x220E, s3  }
0x7e2: {  	[spmem:s6] =	stream.linear.scatter [tilespmem:s4], [sflag:$0x9], $0x1, $0x38;
	[tilespmem:$0x18280] =	vst v63  }
0x7e3: {  	s4 =	sor.u32 $0xCD00, s2;
	s6 =	sadd.s32 $0x228E, s3  }
0x7e4: {  	[spmem:s6] =	stream.linear.scatter [tilespmem:s4], [sflag:$0x9], $0x1, $0x38;
	[tilespmem:$0x18280] =	vst v63  }
0x7e5: {  	s4 =	sor.u32 $0xCD80, s2;
	s6 =	sadd.s32 $0x230E, s3  }
0x7e6: {  	[spmem:s6] =	stream.linear.scatter [tilespmem:s4], [sflag:$0x9], $0x1, $0x38;
	[tilespmem:$0x18280] =	vst v63  }
0x7e7: {  	s4 =	sor.u32 $0xCE00, s2;
	s6 =	sadd.s32 $0x238E, s3  }
0x7e8: {  	[spmem:s6] =	stream.linear.scatter [tilespmem:s4], [sflag:$0x9], $0x1, $0x38;
	[tilespmem:$0x18280] =	vst v63  }
0x7e9: {  	s4 =	sor.u32 $0xCE80, s2;
	s6 =	sadd.s32 $0x300E, s3  }
0x7ea: {  	[spmem:s6] =	stream.linear.scatter [tilespmem:s4], [sflag:$0x9], $0x1, $0x38;
	[tilespmem:$0x18280] =	vst v63  }
0x7eb: {  	s4 =	sor.u32 $0xCF00, s2;
	s6 =	sadd.s32 $0x308E, s3  }
0x7ec: {  	[spmem:s6] =	stream.linear.scatter [tilespmem:s4], [sflag:$0x9], $0x1, $0x38;
	[tilespmem:$0x18280] =	vst v63  }
0x7ed: {  	s4 =	sor.u32 $0xCF80, s2;
	s6 =	sadd.s32 $0x310E, s3  }
0x7ee: {  	[spmem:s6] =	stream.linear.scatter [tilespmem:s4], [sflag:$0x9], $0x1, $0x38;
	[tilespmem:$0x18280] =	vst v63  }
0x7ef: {  	s4 =	sor.u32 $0xD000, s2;
	s6 =	sadd.s32 $0x318E, s3  }
0x7f0: {  	[spmem:s6] =	stream.linear.scatter [tilespmem:s4], [sflag:$0x9], $0x1, $0x38;
	[tilespmem:$0x18280] =	vst v63  }
0x7f1: {  	s4 =	sor.u32 $0xD080, s2;
	s6 =	sadd.s32 $0x320E, s3  }
0x7f2: {  	[spmem:s6] =	stream.linear.scatter [tilespmem:s4], [sflag:$0x9], $0x1, $0x38;
	[tilespmem:$0x18280] =	vst v63  }
0x7f3: {  	s4 =	sor.u32 $0xD100, s2;
	s6 =	sadd.s32 $0x328E, s3  }
0x7f4: {  	[spmem:s6] =	stream.linear.scatter [tilespmem:s4], [sflag:$0x9], $0x1, $0x38;
	[tilespmem:$0x18280] =	vst v63  }
0x7f5: {  	s4 =	sor.u32 $0xD180, s2;
	s6 =	sadd.s32 $0x330E, s3  }
0x7f6: {  	[spmem:s6] =	stream.linear.scatter [tilespmem:s4], [sflag:$0x9], $0x1, $0x38;
	[tilespmem:$0x18280] =	vst v63  }
0x7f7: {  	s4 =	sor.u32 $0xD200, s2;
	s6 =	sadd.s32 $0x338E, s3  }
0x7f8: {  	[spmem:s6] =	stream.linear.scatter [tilespmem:s4], [sflag:$0x9], $0x1, $0x38;
	[tilespmem:$0x18280] =	vst v63  }
0x7f9: {  	s4 =	sor.u32 $0xD280, s2;
	s6 =	sadd.s32 $0x400E, s3  }
0x7fa: {  	[spmem:s6] =	stream.linear.scatter [tilespmem:s4], [sflag:$0x9], $0x1, $0x38;
	[tilespmem:$0x18280] =	vst v63  }
0x7fb: {  	s4 =	sor.u32 $0xD300, s2;
	s6 =	sadd.s32 $0x408E, s3  }
0x7fc: {  	[spmem:s6] =	stream.linear.scatter [tilespmem:s4], [sflag:$0x9], $0x1, $0x38;
	[tilespmem:$0x18280] =	vst v63  }
0x7fd: {  	s4 =	sor.u32 $0xD380, s2;
	s6 =	sadd.s32 $0x410E, s3  }
0x7fe: {  	[spmem:s6] =	stream.linear.scatter [tilespmem:s4], [sflag:$0x9], $0x1, $0x38;
	[tilespmem:$0x18280] =	vst v63  }
0x7ff: {  	s4 =	sor.u32 $0xD400, s2;
	s6 =	sadd.s32 $0x418E, s3  }
0x800: {  	[spmem:s6] =	stream.linear.scatter [tilespmem:s4], [sflag:$0x9], $0x1, $0x38;
	[tilespmem:$0x18280] =	vst v63  }
0x801: {  	s4 =	sor.u32 $0xD480, s2;
	s6 =	sadd.s32 $0x420E, s3  }
0x802: {  	[spmem:s6] =	stream.linear.scatter [tilespmem:s4], [sflag:$0x9], $0x1, $0x38;
	[tilespmem:$0x18280] =	vst v63  }
0x803: {  	s4 =	sor.u32 $0xD500, s2;
	s6 =	sadd.s32 $0x428E, s3  }
0x804: {  	[spmem:s6] =	stream.linear.scatter [tilespmem:s4], [sflag:$0x9], $0x1, $0x38;
	[tilespmem:$0x18280] =	vst v63  }
0x805: {  	s4 =	sor.u32 $0xD580, s2;
	s6 =	sadd.s32 $0x430E, s3  }
0x806: {  	[spmem:s6] =	stream.linear.scatter [tilespmem:s4], [sflag:$0x9], $0x1, $0x38;
	[tilespmem:$0x18280] =	vst v63  }
0x807: {  	s4 =	sor.u32 $0xD600, s2;
	s6 =	sadd.s32 $0x438E, s3  }
0x808: {  	[spmem:s6] =	stream.linear.scatter [tilespmem:s4], [sflag:$0x9], $0x1, $0x38;
	[tilespmem:$0x18280] =	vst v63  }
0x809: {  	s4 =	sor.u32 $0xD680, s2;
	s6 =	sadd.s32 $0x500E, s3  }
0x80a: {  	[spmem:s6] =	stream.linear.scatter [tilespmem:s4], [sflag:$0x9], $0x1, $0x38;
	[tilespmem:$0x18280] =	vst v63  }
0x80b: {  	s4 =	sor.u32 $0xD700, s2;
	s6 =	sadd.s32 $0x508E, s3  }
0x80c: {  	[spmem:s6] =	stream.linear.scatter [tilespmem:s4], [sflag:$0x9], $0x1, $0x38;
	[tilespmem:$0x18280] =	vst v63  }
0x80d: {  	s4 =	sor.u32 $0xD780, s2;
	s6 =	sadd.s32 $0x510E, s3  }
0x80e: {  	[spmem:s6] =	stream.linear.scatter [tilespmem:s4], [sflag:$0x9], $0x1, $0x38;
	[tilespmem:$0x18280] =	vst v63  }
0x80f: {  	s4 =	sor.u32 $0xD800, s2;
	s6 =	sadd.s32 $0x518E, s3  }
0x810: {  	[spmem:s6] =	stream.linear.scatter [tilespmem:s4], [sflag:$0x9], $0x1, $0x38;
	[tilespmem:$0x18280] =	vst v63  }
0x811: {  	s4 =	sor.u32 $0xD880, s2;
	s6 =	sadd.s32 $0x520E, s3  }
0x812: {  	[spmem:s6] =	stream.linear.scatter [tilespmem:s4], [sflag:$0x9], $0x1, $0x38;
	[tilespmem:$0x18280] =	vst v63  }
0x813: {  	s4 =	sor.u32 $0xD900, s2;
	s6 =	sadd.s32 $0x528E, s3  }
0x814: {  	[spmem:s6] =	stream.linear.scatter [tilespmem:s4], [sflag:$0x9], $0x1, $0x38;
	[tilespmem:$0x18280] =	vst v63  }
0x815: {  	s4 =	sor.u32 $0xD980, s2;
	s6 =	sadd.s32 $0x530E, s3  }
0x816: {  	[spmem:s6] =	stream.linear.scatter [tilespmem:s4], [sflag:$0x9], $0x1, $0x38;
	[tilespmem:$0x18280] =	vst v63  }
0x817: {  	s4 =	sor.u32 $0xDA00, s2;
	s6 =	sadd.s32 $0x538E, s3  }
0x818: {  	[spmem:s6] =	stream.linear.scatter [tilespmem:s4], [sflag:$0x9], $0x1, $0x38;
	[tilespmem:$0x18280] =	vst v63  }
0x819: {  	s4 =	sor.u32 $0xDA80, s2;
	s6 =	sadd.s32 $0x600E, s3  }
0x81a: {  	[spmem:s6] =	stream.linear.scatter [tilespmem:s4], [sflag:$0x9], $0x1, $0x38;
	[tilespmem:$0x18280] =	vst v63  }
0x81b: {  	s4 =	sor.u32 $0xDB00, s2;
	s6 =	sadd.s32 $0x608E, s3  }
0x81c: {  	[spmem:s6] =	stream.linear.scatter [tilespmem:s4], [sflag:$0x9], $0x1, $0x38;
	[tilespmem:$0x18280] =	vst v63  }
0x81d: {  	s4 =	sor.u32 $0xDB80, s2;
	s6 =	sadd.s32 $0x610E, s3  }
0x81e: {  	[spmem:s6] =	stream.linear.scatter [tilespmem:s4], [sflag:$0x9], $0x1, $0x38;
	[tilespmem:$0x18280] =	vst v63  }
0x81f: {  	s4 =	sor.u32 $0xDC00, s2;
	s6 =	sadd.s32 $0x618E, s3  }
0x820: {  	[spmem:s6] =	stream.linear.scatter [tilespmem:s4], [sflag:$0x9], $0x1, $0x38;
	[tilespmem:$0x18280] =	vst v63  }
0x821: {  	s4 =	sor.u32 $0xDC80, s2;
	s6 =	sadd.s32 $0x620E, s3  }
0x822: {  	[spmem:s6] =	stream.linear.scatter [tilespmem:s4], [sflag:$0x9], $0x1, $0x38;
	[tilespmem:$0x18280] =	vst v63  }
0x823: {  	s4 =	sor.u32 $0xDD00, s2;
	s6 =	sadd.s32 $0x628E, s3  }
0x824: {  	[spmem:s6] =	stream.linear.scatter [tilespmem:s4], [sflag:$0x9], $0x1, $0x38;
	[tilespmem:$0x18280] =	vst v63  }
0x825: {  	s4 =	sor.u32 $0xDD80, s2;
	s6 =	sadd.s32 $0x630E, s3  }
0x826: {  	[spmem:s6] =	stream.linear.scatter [tilespmem:s4], [sflag:$0x9], $0x1, $0x38;
	[tilespmem:$0x18280] =	vst v63  }
0x827: {  	s4 =	sor.u32 $0xDE00, s2;
	s6 =	sadd.s32 $0x638E, s3  }
0x828: {  	[spmem:s6] =	stream.linear.scatter [tilespmem:s4], [sflag:$0x9], $0x1, $0x38;
	[tilespmem:$0x18280] =	vst v63  }
0x829: {  	s4 =	sor.u32 $0xDE80, s2;
	s6 =	sadd.s32 $0x700E, s3  }
0x82a: {  	[spmem:s6] =	stream.linear.scatter [tilespmem:s4], [sflag:$0x9], $0x1, $0x38;
	[tilespmem:$0x18280] =	vst v63  }
0x82b: {  	s4 =	sor.u32 $0xDF00, s2;
	s6 =	sadd.s32 $0x708E, s3  }
0x82c: {  	[spmem:s6] =	stream.linear.scatter [tilespmem:s4], [sflag:$0x9], $0x1, $0x38;
	[tilespmem:$0x18280] =	vst v63  }
0x82d: {  	s4 =	sor.u32 $0xDF80, s2;
	s6 =	sadd.s32 $0x710E, s3  }
0x82e: {  	[spmem:s6] =	stream.linear.scatter [tilespmem:s4], [sflag:$0x9], $0x1, $0x38;
	[tilespmem:$0x18280] =	vst v63  }
0x82f: {  	s4 =	sor.u32 $0xE000, s2;
	s6 =	sadd.s32 $0x718E, s3  }
0x830: {  	[spmem:s6] =	stream.linear.scatter [tilespmem:s4], [sflag:$0x9], $0x1, $0x38;
	[tilespmem:$0x18280] =	vst v63  }
0x831: {  	s4 =	sor.u32 $0xE080, s2;
	s6 =	sadd.s32 $0x720E, s3  }
0x832: {  	[spmem:s6] =	stream.linear.scatter [tilespmem:s4], [sflag:$0x9], $0x1, $0x38;
	[tilespmem:$0x18280] =	vst v63  }
0x833: {  	s4 =	sor.u32 $0xE100, s2;
	s6 =	sadd.s32 $0x728E, s3  }
0x834: {  	[spmem:s6] =	stream.linear.scatter [tilespmem:s4], [sflag:$0x9], $0x1, $0x38;
	[tilespmem:$0x18280] =	vst v63  }
0x835: {  	s4 =	sor.u32 $0xE180, s2;
	s6 =	sadd.s32 $0x730E, s3  }
0x836: {  	[spmem:s6] =	stream.linear.scatter [tilespmem:s4], [sflag:$0x9], $0x1, $0x38;
	[tilespmem:$0x18280] =	vst v63  }
0x837: {  	s2 =	sor.u32 $0xE200, s2;
	s6 =	sadd.s32 $0x738E, s3  }
0x838: {  	[spmem:s6] =	stream.linear.scatter [tilespmem:s2], [sflag:$0x9], $0x1, $0x38;
	[tilespmem:$0x18280] =	vst v63  }
0x839: {  	_ =	swait.ge [sflag:s20], $0x40  }
0x83a: {  	(v2sf) =	vpush v1, $0x6;
	_ =	sdelay $0xe  }
0x83b: {  	s4 =	spop (v2sf)  }
0x83c: {  	[sflag:s20] =	ssyncset.done $0x0;
	s2 =	sand.u32 $0xFFFFF80, s4  }
0x83d: {  	[sflag:s20] =	ssyncadd.s32 $0xFFFFFFC0;
	s2 =	sadd.s32 s1, s2  }
0x83e: {  	[tilespmem:s17], [sflag:$0x7] =	stream.strided.gather [hbm4b:s2+s9], $0x2000, s10, s9, $0x38;
	[tilespmem:$0x18280] =	vst v63  }
0x83f: {  	_ =	swait.ge [sflag:s28], $0x2000  }
0x840: {  	(v2sf) =	vpush v2, $0xF;
	_ =	sdelay $0xe  }
0x841: {  	[sflag:s28] =	ssyncset.done $0x0;
	s2 =	spop (v2sf)  }
0x842: {  	s4 =	sadd.s32 $0xF, s3;
	[sflag:s28] =	ssyncadd.s32 $0xFFFFE000;
	s6 =	sor.u32 $0xE280, s2  }
0x843: {  	[spmem:s4] =	stream.linear.scatter [tilespmem:s6], [sflag:$0x9], $0x1, $0x38;
	[tilespmem:$0x18280] =	vst v63  }
0x844: {  	s4 =	sor.u32 $0xE300, s2;
	s6 =	sadd.s32 $0x8F, s3  }
0x845: {  	[spmem:s6] =	stream.linear.scatter [tilespmem:s4], [sflag:$0x9], $0x1, $0x38;
	[tilespmem:$0x18280] =	vst v63  }
0x846: {  	s4 =	sor.u32 $0xE380, s2;
	s6 =	sadd.s32 $0x10F, s3  }
0x847: {  	[spmem:s6] =	stream.linear.scatter [tilespmem:s4], [sflag:$0x9], $0x1, $0x38;
	[tilespmem:$0x18280] =	vst v63  }
0x848: {  	s4 =	sor.u32 $0xE400, s2;
	s6 =	sadd.s32 $0x18F, s3  }
0x849: {  	[spmem:s6] =	stream.linear.scatter [tilespmem:s4], [sflag:$0x9], $0x1, $0x38;
	[tilespmem:$0x18280] =	vst v63  }
0x84a: {  	s4 =	sor.u32 $0xE480, s2;
	s6 =	sadd.s32 $0x20F, s3  }
0x84b: {  	[spmem:s6] =	stream.linear.scatter [tilespmem:s4], [sflag:$0x9], $0x1, $0x38;
	[tilespmem:$0x18280] =	vst v63  }
0x84c: {  	s4 =	sor.u32 $0xE500, s2;
	s6 =	sadd.s32 $0x28F, s3  }
0x84d: {  	[spmem:s6] =	stream.linear.scatter [tilespmem:s4], [sflag:$0x9], $0x1, $0x38;
	[tilespmem:$0x18280] =	vst v63  }
0x84e: {  	s4 =	sor.u32 $0xE580, s2;
	s6 =	sadd.s32 $0x30F, s3  }
0x84f: {  	[spmem:s6] =	stream.linear.scatter [tilespmem:s4], [sflag:$0x9], $0x1, $0x38;
	[tilespmem:$0x18280] =	vst v63  }
0x850: {  	s4 =	sor.u32 $0xE600, s2;
	s6 =	sadd.s32 $0x38F, s3  }
0x851: {  	[spmem:s6] =	stream.linear.scatter [tilespmem:s4], [sflag:$0x9], $0x1, $0x38;
	[tilespmem:$0x18280] =	vst v63  }
0x852: {  	s4 =	sor.u32 $0xE680, s2;
	s6 =	sadd.s32 $0x100F, s3  }
0x853: {  	[spmem:s6] =	stream.linear.scatter [tilespmem:s4], [sflag:$0x9], $0x1, $0x38;
	[tilespmem:$0x18280] =	vst v63  }
0x854: {  	s4 =	sor.u32 $0xE700, s2;
	s6 =	sadd.s32 $0x108F, s3  }
0x855: {  	[spmem:s6] =	stream.linear.scatter [tilespmem:s4], [sflag:$0x9], $0x1, $0x38;
	[tilespmem:$0x18280] =	vst v63  }
0x856: {  	s4 =	sor.u32 $0xE780, s2;
	s6 =	sadd.s32 $0x110F, s3  }
0x857: {  	[spmem:s6] =	stream.linear.scatter [tilespmem:s4], [sflag:$0x9], $0x1, $0x38;
	[tilespmem:$0x18280] =	vst v63  }
0x858: {  	s4 =	sor.u32 $0xE800, s2;
	s6 =	sadd.s32 $0x118F, s3  }
0x859: {  	[spmem:s6] =	stream.linear.scatter [tilespmem:s4], [sflag:$0x9], $0x1, $0x38;
	[tilespmem:$0x18280] =	vst v63  }
0x85a: {  	s4 =	sor.u32 $0xE880, s2;
	s6 =	sadd.s32 $0x120F, s3  }
0x85b: {  	[spmem:s6] =	stream.linear.scatter [tilespmem:s4], [sflag:$0x9], $0x1, $0x38;
	[tilespmem:$0x18280] =	vst v63  }
0x85c: {  	s4 =	sor.u32 $0xE900, s2;
	s6 =	sadd.s32 $0x128F, s3  }
0x85d: {  	[spmem:s6] =	stream.linear.scatter [tilespmem:s4], [sflag:$0x9], $0x1, $0x38;
	[tilespmem:$0x18280] =	vst v63  }
0x85e: {  	s4 =	sor.u32 $0xE980, s2;
	s6 =	sadd.s32 $0x130F, s3  }
0x85f: {  	[spmem:s6] =	stream.linear.scatter [tilespmem:s4], [sflag:$0x9], $0x1, $0x38;
	[tilespmem:$0x18280] =	vst v63  }
0x860: {  	s4 =	sor.u32 $0xEA00, s2;
	s6 =	sadd.s32 $0x138F, s3  }
0x861: {  	[spmem:s6] =	stream.linear.scatter [tilespmem:s4], [sflag:$0x9], $0x1, $0x38;
	[tilespmem:$0x18280] =	vst v63  }
0x862: {  	s4 =	sor.u32 $0xEA80, s2;
	s6 =	sadd.s32 $0x200F, s3  }
0x863: {  	[spmem:s6] =	stream.linear.scatter [tilespmem:s4], [sflag:$0x9], $0x1, $0x38;
	[tilespmem:$0x18280] =	vst v63  }
0x864: {  	s4 =	sor.u32 $0xEB00, s2;
	s6 =	sadd.s32 $0x208F, s3  }
0x865: {  	[spmem:s6] =	stream.linear.scatter [tilespmem:s4], [sflag:$0x9], $0x1, $0x38;
	[tilespmem:$0x18280] =	vst v63  }
0x866: {  	s4 =	sor.u32 $0xEB80, s2;
	s6 =	sadd.s32 $0x210F, s3  }
0x867: {  	[spmem:s6] =	stream.linear.scatter [tilespmem:s4], [sflag:$0x9], $0x1, $0x38;
	[tilespmem:$0x18280] =	vst v63  }
0x868: {  	s4 =	sor.u32 $0xEC00, s2;
	s6 =	sadd.s32 $0x218F, s3  }
0x869: {  	[spmem:s6] =	stream.linear.scatter [tilespmem:s4], [sflag:$0x9], $0x1, $0x38;
	[tilespmem:$0x18280] =	vst v63  }
0x86a: {  	s4 =	sor.u32 $0xEC80, s2;
	s6 =	sadd.s32 $0x220F, s3  }
0x86b: {  	[spmem:s6] =	stream.linear.scatter [tilespmem:s4], [sflag:$0x9], $0x1, $0x38;
	[tilespmem:$0x18280] =	vst v63  }
0x86c: {  	s4 =	sor.u32 $0xED00, s2;
	s6 =	sadd.s32 $0x228F, s3  }
0x86d: {  	[spmem:s6] =	stream.linear.scatter [tilespmem:s4], [sflag:$0x9], $0x1, $0x38;
	[tilespmem:$0x18280] =	vst v63  }
0x86e: {  	s4 =	sor.u32 $0xED80, s2;
	s6 =	sadd.s32 $0x230F, s3  }
0x86f: {  	[spmem:s6] =	stream.linear.scatter [tilespmem:s4], [sflag:$0x9], $0x1, $0x38;
	[tilespmem:$0x18280] =	vst v63  }
0x870: {  	s4 =	sor.u32 $0xEE00, s2;
	s6 =	sadd.s32 $0x238F, s3  }
0x871: {  	[spmem:s6] =	stream.linear.scatter [tilespmem:s4], [sflag:$0x9], $0x1, $0x38;
	[tilespmem:$0x18280] =	vst v63  }
0x872: {  	s4 =	sor.u32 $0xEE80, s2;
	s6 =	sadd.s32 $0x300F, s3  }
0x873: {  	[spmem:s6] =	stream.linear.scatter [tilespmem:s4], [sflag:$0x9], $0x1, $0x38;
	[tilespmem:$0x18280] =	vst v63  }
0x874: {  	s4 =	sor.u32 $0xEF00, s2;
	s6 =	sadd.s32 $0x308F, s3  }
0x875: {  	[spmem:s6] =	stream.linear.scatter [tilespmem:s4], [sflag:$0x9], $0x1, $0x38;
	[tilespmem:$0x18280] =	vst v63  }
0x876: {  	s4 =	sor.u32 $0xEF80, s2;
	s6 =	sadd.s32 $0x310F, s3  }
0x877: {  	[spmem:s6] =	stream.linear.scatter [tilespmem:s4], [sflag:$0x9], $0x1, $0x38;
	[tilespmem:$0x18280] =	vst v63  }
0x878: {  	s4 =	sor.u32 $0xF000, s2;
	s6 =	sadd.s32 $0x318F, s3  }
0x879: {  	[spmem:s6] =	stream.linear.scatter [tilespmem:s4], [sflag:$0x9], $0x1, $0x38;
	[tilespmem:$0x18280] =	vst v63  }
0x87a: {  	s4 =	sor.u32 $0xF080, s2;
	s6 =	sadd.s32 $0x320F, s3  }
0x87b: {  	[spmem:s6] =	stream.linear.scatter [tilespmem:s4], [sflag:$0x9], $0x1, $0x38;
	[tilespmem:$0x18280] =	vst v63  }
0x87c: {  	s4 =	sor.u32 $0xF100, s2;
	s6 =	sadd.s32 $0x328F, s3  }
0x87d: {  	[spmem:s6] =	stream.linear.scatter [tilespmem:s4], [sflag:$0x9], $0x1, $0x38;
	[tilespmem:$0x18280] =	vst v63  }
0x87e: {  	s4 =	sor.u32 $0xF180, s2;
	s6 =	sadd.s32 $0x330F, s3  }
0x87f: {  	[spmem:s6] =	stream.linear.scatter [tilespmem:s4], [sflag:$0x9], $0x1, $0x38;
	[tilespmem:$0x18280] =	vst v63  }
0x880: {  	s4 =	sor.u32 $0xF200, s2;
	s6 =	sadd.s32 $0x338F, s3  }
0x881: {  	[spmem:s6] =	stream.linear.scatter [tilespmem:s4], [sflag:$0x9], $0x1, $0x38;
	[tilespmem:$0x18280] =	vst v63  }
0x882: {  	s4 =	sor.u32 $0xF280, s2;
	s6 =	sadd.s32 $0x400F, s3  }
0x883: {  	[spmem:s6] =	stream.linear.scatter [tilespmem:s4], [sflag:$0x9], $0x1, $0x38;
	[tilespmem:$0x18280] =	vst v63  }
0x884: {  	s4 =	sor.u32 $0xF300, s2;
	s6 =	sadd.s32 $0x408F, s3  }
0x885: {  	[spmem:s6] =	stream.linear.scatter [tilespmem:s4], [sflag:$0x9], $0x1, $0x38;
	[tilespmem:$0x18280] =	vst v63  }
0x886: {  	s4 =	sor.u32 $0xF380, s2;
	s6 =	sadd.s32 $0x410F, s3  }
0x887: {  	[spmem:s6] =	stream.linear.scatter [tilespmem:s4], [sflag:$0x9], $0x1, $0x38;
	[tilespmem:$0x18280] =	vst v63  }
0x888: {  	s4 =	sor.u32 $0xF400, s2;
	s6 =	sadd.s32 $0x418F, s3  }
0x889: {  	[spmem:s6] =	stream.linear.scatter [tilespmem:s4], [sflag:$0x9], $0x1, $0x38;
	[tilespmem:$0x18280] =	vst v63  }
0x88a: {  	s4 =	sor.u32 $0xF480, s2;
	s6 =	sadd.s32 $0x420F, s3  }
0x88b: {  	[spmem:s6] =	stream.linear.scatter [tilespmem:s4], [sflag:$0x9], $0x1, $0x38;
	[tilespmem:$0x18280] =	vst v63  }
0x88c: {  	s4 =	sor.u32 $0xF500, s2;
	s6 =	sadd.s32 $0x428F, s3  }
0x88d: {  	[spmem:s6] =	stream.linear.scatter [tilespmem:s4], [sflag:$0x9], $0x1, $0x38;
	[tilespmem:$0x18280] =	vst v63  }
0x88e: {  	s4 =	sor.u32 $0xF580, s2;
	s6 =	sadd.s32 $0x430F, s3  }
0x88f: {  	[spmem:s6] =	stream.linear.scatter [tilespmem:s4], [sflag:$0x9], $0x1, $0x38;
	[tilespmem:$0x18280] =	vst v63  }
0x890: {  	s4 =	sor.u32 $0xF600, s2;
	s6 =	sadd.s32 $0x438F, s3  }
0x891: {  	[spmem:s6] =	stream.linear.scatter [tilespmem:s4], [sflag:$0x9], $0x1, $0x38;
	[tilespmem:$0x18280] =	vst v63  }
0x892: {  	s4 =	sor.u32 $0xF680, s2;
	s6 =	sadd.s32 $0x500F, s3  }
0x893: {  	[spmem:s6] =	stream.linear.scatter [tilespmem:s4], [sflag:$0x9], $0x1, $0x38;
	[tilespmem:$0x18280] =	vst v63  }
0x894: {  	s4 =	sor.u32 $0xF700, s2;
	s6 =	sadd.s32 $0x508F, s3  }
0x895: {  	[spmem:s6] =	stream.linear.scatter [tilespmem:s4], [sflag:$0x9], $0x1, $0x38;
	[tilespmem:$0x18280] =	vst v63  }
0x896: {  	s4 =	sor.u32 $0xF780, s2;
	s6 =	sadd.s32 $0x510F, s3  }
0x897: {  	[spmem:s6] =	stream.linear.scatter [tilespmem:s4], [sflag:$0x9], $0x1, $0x38;
	[tilespmem:$0x18280] =	vst v63  }
0x898: {  	s4 =	sor.u32 $0xF800, s2;
	s6 =	sadd.s32 $0x518F, s3  }
0x899: {  	[spmem:s6] =	stream.linear.scatter [tilespmem:s4], [sflag:$0x9], $0x1, $0x38;
	[tilespmem:$0x18280] =	vst v63  }
0x89a: {  	s4 =	sor.u32 $0xF880, s2;
	s6 =	sadd.s32 $0x520F, s3  }
0x89b: {  	[spmem:s6] =	stream.linear.scatter [tilespmem:s4], [sflag:$0x9], $0x1, $0x38;
	[tilespmem:$0x18280] =	vst v63  }
0x89c: {  	s4 =	sor.u32 $0xF900, s2;
	s6 =	sadd.s32 $0x528F, s3  }
0x89d: {  	[spmem:s6] =	stream.linear.scatter [tilespmem:s4], [sflag:$0x9], $0x1, $0x38;
	[tilespmem:$0x18280] =	vst v63  }
0x89e: {  	s4 =	sor.u32 $0xF980, s2;
	s6 =	sadd.s32 $0x530F, s3  }
0x89f: {  	[spmem:s6] =	stream.linear.scatter [tilespmem:s4], [sflag:$0x9], $0x1, $0x38;
	[tilespmem:$0x18280] =	vst v63  }
0x8a0: {  	s4 =	sor.u32 $0xFA00, s2;
	s6 =	sadd.s32 $0x538F, s3  }
0x8a1: {  	[spmem:s6] =	stream.linear.scatter [tilespmem:s4], [sflag:$0x9], $0x1, $0x38;
	[tilespmem:$0x18280] =	vst v63  }
0x8a2: {  	s4 =	sor.u32 $0xFA80, s2;
	s6 =	sadd.s32 $0x600F, s3  }
0x8a3: {  	[spmem:s6] =	stream.linear.scatter [tilespmem:s4], [sflag:$0x9], $0x1, $0x38;
	[tilespmem:$0x18280] =	vst v63  }
0x8a4: {  	s4 =	sor.u32 $0xFB00, s2;
	s6 =	sadd.s32 $0x608F, s3  }
0x8a5: {  	[spmem:s6] =	stream.linear.scatter [tilespmem:s4], [sflag:$0x9], $0x1, $0x38;
	[tilespmem:$0x18280] =	vst v63  }
0x8a6: {  	s4 =	sor.u32 $0xFB80, s2;
	s6 =	sadd.s32 $0x610F, s3  }
0x8a7: {  	[spmem:s6] =	stream.linear.scatter [tilespmem:s4], [sflag:$0x9], $0x1, $0x38;
	[tilespmem:$0x18280] =	vst v63  }
0x8a8: {  	s4 =	sor.u32 $0xFC00, s2;
	s6 =	sadd.s32 $0x618F, s3  }
0x8a9: {  	[spmem:s6] =	stream.linear.scatter [tilespmem:s4], [sflag:$0x9], $0x1, $0x38;
	[tilespmem:$0x18280] =	vst v63  }
0x8aa: {  	s4 =	sor.u32 $0xFC80, s2;
	s6 =	sadd.s32 $0x620F, s3  }
0x8ab: {  	[spmem:s6] =	stream.linear.scatter [tilespmem:s4], [sflag:$0x9], $0x1, $0x38;
	[tilespmem:$0x18280] =	vst v63  }
0x8ac: {  	s4 =	sor.u32 $0xFD00, s2;
	s6 =	sadd.s32 $0x628F, s3  }
0x8ad: {  	[spmem:s6] =	stream.linear.scatter [tilespmem:s4], [sflag:$0x9], $0x1, $0x38;
	[tilespmem:$0x18280] =	vst v63  }
0x8ae: {  	s4 =	sor.u32 $0xFD80, s2;
	s6 =	sadd.s32 $0x630F, s3  }
0x8af: {  	[spmem:s6] =	stream.linear.scatter [tilespmem:s4], [sflag:$0x9], $0x1, $0x38;
	[tilespmem:$0x18280] =	vst v63  }
0x8b0: {  	s4 =	sor.u32 $0xFE00, s2;
	s6 =	sadd.s32 $0x638F, s3  }
0x8b1: {  	[spmem:s6] =	stream.linear.scatter [tilespmem:s4], [sflag:$0x9], $0x1, $0x38;
	[tilespmem:$0x18280] =	vst v63  }
0x8b2: {  	s4 =	sor.u32 $0xFE80, s2;
	s6 =	sadd.s32 $0x700F, s3  }
0x8b3: {  	[spmem:s6] =	stream.linear.scatter [tilespmem:s4], [sflag:$0x9], $0x1, $0x38;
	[tilespmem:$0x18280] =	vst v63  }
0x8b4: {  	s4 =	sor.u32 $0xFF00, s2;
	s6 =	sadd.s32 $0x708F, s3  }
0x8b5: {  	[spmem:s6] =	stream.linear.scatter [tilespmem:s4], [sflag:$0x9], $0x1, $0x38;
	[tilespmem:$0x18280] =	vst v63  }
0x8b6: {  	s4 =	sor.u32 $0xFF80, s2;
	s6 =	sadd.s32 $0x710F, s3  }
0x8b7: {  	[spmem:s6] =	stream.linear.scatter [tilespmem:s4], [sflag:$0x9], $0x1, $0x38;
	[tilespmem:$0x18280] =	vst v63  }
0x8b8: {  	s4 =	sor.u32 $0x10000, s2;
	s6 =	sadd.s32 $0x718F, s3  }
0x8b9: {  	[spmem:s6] =	stream.linear.scatter [tilespmem:s4], [sflag:$0x9], $0x1, $0x38;
	[tilespmem:$0x18280] =	vst v63  }
0x8ba: {  	s4 =	sor.u32 $0x10080, s2;
	s6 =	sadd.s32 $0x720F, s3  }
0x8bb: {  	[spmem:s6] =	stream.linear.scatter [tilespmem:s4], [sflag:$0x9], $0x1, $0x38;
	[tilespmem:$0x18280] =	vst v63  }
0x8bc: {  	s4 =	sor.u32 $0x10100, s2;
	s6 =	sadd.s32 $0x728F, s3  }
0x8bd: {  	[spmem:s6] =	stream.linear.scatter [tilespmem:s4], [sflag:$0x9], $0x1, $0x38;
	[tilespmem:$0x18280] =	vst v63  }
0x8be: {  	s4 =	sor.u32 $0x10180, s2;
	s6 =	sadd.s32 $0x730F, s3  }
0x8bf: {  	[spmem:s6] =	stream.linear.scatter [tilespmem:s4], [sflag:$0x9], $0x1, $0x38;
	[tilespmem:$0x18280] =	vst v63  }
0x8c0: {  	s2 =	sor.u32 $0x10200, s2;
	s3 =	sadd.s32 $0x738F, s3  }
0x8c1: {  	[spmem:s3] =	stream.linear.scatter [tilespmem:s2], [sflag:$0x9], $0x1, $0x38;
	[tilespmem:$0x18280] =	vst v63  }
0x8c2: {  	_ =	swait.ge [sflag:s20], $0x40  }
0x8c3: {  	(v2sf) =	vpush v1, $0x7;
	_ =	sdelay $0xc  }
0x8c4: {  	p0 =	sne.s32 s31, $0x1F0  }
.Ltmp0:
0x8c5: {  	_ = 	snop;
	(pc) =	sbr.rel @p0 .LBB2_2-.Ltmp0, $4  }
0x8c6: {  	s30 =	sadd.s32 $0x80, s30;
	s6 =	spop (v2sf)  }
0x8c7: {  	s29 =	sadd.s32 $0x10, s29;
	[sflag:s20] =	ssyncset.done $0x0;
	s2 =	sand.u32 $0xFFFFF80, s6  }
0x8c8: {  	s31 =	sadd.s32 $0x10, s31;
	[sflag:s20] =	ssyncadd.s32 $0xFFFFFFC0;
	s2 =	sadd.s32 s1, s2  }
0x8c9: {  	[tilespmem:s18], [sflag:$0x8] =	stream.strided.gather [hbm4b:s2+s9], $0x2000, s10, s9, $0x38;
	[tilespmem:$0x18280] =	vst v63  }
0x8ca: {  	_ =	swait.ge [sflag:s19], $0x2000  }
0x8cb: {  	[sflag:s19] =	ssyncset.done $0x0  }
0x8cc: {  	[sflag:s19] =	ssyncadd.s32 $0xFFFFE000  }
0x8cd: {  	_ =	swait.ge [sflag:s21], $0x2000  }
0x8ce: {  	[sflag:s21] =	ssyncset.done $0x0  }
0x8cf: {  	[sflag:s21] =	ssyncadd.s32 $0xFFFFE000  }
0x8d0: {  	_ =	swait.ge [sflag:s22], $0x2000  }
0x8d1: {  	[sflag:s22] =	ssyncset.done $0x0  }
0x8d2: {  	[sflag:s22] =	ssyncadd.s32 $0xFFFFE000  }
0x8d3: {  	_ =	swait.ge [sflag:s23], $0x2000  }
0x8d4: {  	[sflag:s23] =	ssyncset.done $0x0  }
0x8d5: {  	[sflag:s23] =	ssyncadd.s32 $0xFFFFE000  }
0x8d6: {  	_ =	swait.ge [sflag:s24], $0x2000  }
0x8d7: {  	[sflag:s24] =	ssyncset.done $0x0  }
0x8d8: {  	[sflag:s24] =	ssyncadd.s32 $0xFFFFE000  }
0x8d9: {  	_ =	swait.ge [sflag:s25], $0x2000  }
0x8da: {  	[sflag:s25] =	ssyncset.done $0x0  }
0x8db: {  	[sflag:s25] =	ssyncadd.s32 $0xFFFFE000  }
0x8dc: {  	s2 =	stileid.u32;
	_ =	swait.ge [sflag:s26], $0x2000  }
0x8dd: {  	s3 =	sshrl.u32 s5, $0x3;
	s6 =	simm.s32 $0x20;
	[sflag:s26] =	ssyncset.done $0x0  }
0x8de: {  	s29 =	simm.s32 $0x4000;
	s30 =	simm.s32 $0x200;
	[sflag:s26] =	ssyncadd.s32 $0xFFFFE000  }
0x8df: {  	s0 =	sadd.s32 $0x1, s0;
	s2 =	sshll.u32 s2, $0x6;
	_ =	swait.ge [sflag:s28], $0x2000  }
0x8e0: {  	p0 =	sne.s32 s0, s7;
	s2 =	sor.u32 $0x1C0A, s2;
	[sflag:s28] =	ssyncset.done $0x0  }
.Ltmp1:
0x8e1: {  	s4 =	rddreg [dreg:$0x6];
	[sflag:s28] =	ssyncadd.s32 $0xFFFFE000;
	(pc) =	sbr.rel @p0 .LBB2_1-.Ltmp1, $4  }
0x8e2: {  	[hbm:s4@s29], [sflag:s2] =	dma.strided [spmem:s3@s30], $0x1000, s6, $0x10   }
0x8e3: {  	_ =	swait.ge [sflag:s8], $0x1000  }
0x8e4: {  	[sflag:s8] =	ssyncset.done $0x0  }
0x8e5: {  	[sflag:s8] =	ssyncadd.s32 $0xFFFFF000  }
0x8e6: {  	_ =	sfence.sel $0x180000  }
0x8e7: {  	[bflag:$0x0] =	sbarrier.arrive $0xFFFF  }
0x8e8: {  	_ =	strace $0x90000047  }
0x8e9: {  	s0 =	stileid.u32;
	[bflag:$0x2] =	sbarrier.arrive $0xFFFF  }
0x8ea: {  	p0 =	sne.s32 s0, $0x0;
	s0 =	rddreg [dreg:$0x4]  }
0x8eb: {  	s0 =	sadd.s32 @!p0 $0x100000, s0  }
0x8ec: {  	[sflag:s0] =	ssyncadd.tile.s32 @!p0 $0x1;
	_ =	shalt  }
.Lfunc_end2:
_tile_overlayer_lowered:
.L_overlay_start_2:
0x8ed: {  	(tag) =	ssettag $0x2  }
0x8ee: {  	s0 =	rddreg [dreg:$0x0];
	s2 =	stileid.u32  }
0x8ef: {  	s1 =	rddreg [dreg:$0x1];
	p0 =	sne.s32 s2, $0x0  }
0x8f0: {  	s3 =	rddreg [dreg:$0x2];
	[bflag:$0x3] =	sbarrier.arrive $0xFFFF;
	s2 =	simm.s32 @!p0 $0x1C0A  }
0x8f1: {  	[timem:s3], [sflag:s2] =	dma.local @!p0 [hbm:s0], s1  }
0x8f2: {  	s0 =	simm.s32 @!p0 $0xA  }
0x8f3: {  	_ =	swait.ge @!p0 [sflag:s0], s1  }
0x8f4: {  	s1 =	ssub.s32 @!p0 $0x0, s1;
	[sflag:s0] =	ssyncset.done @!p0 $0x0  }
0x8f5: {  	[sflag:s0] =	ssyncadd.s32 @!p0 s1  }
0x8f6: {  	[bflag:$0x3] =	sbarrier.arrive $0xFFFF  }
0x8f7: {  	_ =	shalt  }

</sc_bundles>
